<compile_context>
chip_gen: v7x
topology: tpu7x:2x2x1
jax: 0.10.2.dev20260603
libtpu: 0.0.44.dev20260713+nightly
codegen_flags: <defaults>
</compile_context>

<pallas_src>
import functools

import jax
import jax.numpy as jnp
from jax import lax
from jax.experimental import pallas as pl
from jax.experimental.pallas import tpu as pltpu
from jax.experimental.pallas import tpu_sc as plsc

N = 10000
E = 320000
NC = 2
NS = 16
NW = NC * NS
CH = 200
EPW = E // NW
NCHUNK = EPW // CH
RING = 5
NPAD = 10240
RPW = NPAD // NS
DEGW = 16


@functools.cache
def _mesh():
    return plsc.VectorSubcoreMesh(
        core_axis_name="c", subcore_axis_name="s", num_cores=NC, num_subcores=NS)


@functools.cache
def _make_deg():
    @functools.partial(
        pl.kernel,
        out_type=jax.ShapeDtypeStruct((NC, NPAD, DEGW), jnp.float32),
        mesh=_mesh(),
        scratch_types=[
            pltpu.VMEM((NCHUNK, CH), jnp.int32),
            pltpu.VMEM((CH, DEGW), jnp.float32),
            pltpu.VMEM_SHARED((NPAD, DEGW), jnp.float32),
            pltpu.SemaphoreType.DMA,
        ],
        compiler_params=pltpu.CompilerParams(use_tc_tiling_on_sc=False),
    )
    def _deg_kernel(dst_hbm, ones_hbm, zeros_hbm, out_hbm, dst_v, ones_v, acc,
                    sem):
        cid = lax.axis_index("c")
        sid = lax.axis_index("s")
        wid = sid * NC + cid
        rows = pl.ds(sid * RPW, RPW)
        pltpu.sync_copy(zeros_hbm.at[rows], acc.at[rows])
        pltpu.sync_copy(dst_hbm.at[wid], dst_v)
        pltpu.sync_copy(ones_hbm, ones_v)
        plsc.subcore_barrier()

        def fire(j, carry):
            pltpu.async_copy(ones_v, acc.at[dst_v.at[j]], sem, add=True)
            return carry

        lax.fori_loop(0, NCHUNK, fire, 0)

        def drain(j, carry):
            pltpu.make_async_copy(ones_v, acc.at[dst_v.at[j]], sem).wait()
            return carry

        lax.fori_loop(0, NCHUNK, drain, 0)
        plsc.subcore_barrier()
        pltpu.sync_copy(acc.at[rows], out_hbm.at[cid, rows])

    return _deg_kernel


@functools.cache
def _make_agg(d, ch):
    nchunk = EPW // ch
    assert EPW % ch == 0 and ch % 8 == 0 and nchunk % RING == 0

    @functools.partial(
        pl.kernel,
        out_type=jax.ShapeDtypeStruct((NC, NPAD, d), jnp.float32),
        mesh=_mesh(),
        scratch_types=[
            pltpu.VMEM((nchunk, ch), jnp.int32),
            pltpu.VMEM((nchunk, ch), jnp.int32),
            pltpu.VMEM((RING, ch, d), jnp.float32),
            pltpu.VMEM_SHARED((NPAD, d), jnp.float32),
            [pltpu.SemaphoreType.DMA] * RING,
            [pltpu.SemaphoreType.DMA] * RING,
        ],
        compiler_params=pltpu.CompilerParams(use_tc_tiling_on_sc=False),
    )
    def k(m_hbm, src_hbm, dst_hbm, zeros_hbm, out_hbm, src_v, dst_v, gbuf, acc,
          gs, ss):
        cid = lax.axis_index("c")
        sid = lax.axis_index("s")
        wid = sid * NC + cid
        rows = pl.ds(sid * RPW, RPW)
        pltpu.sync_copy(zeros_hbm.at[rows], acc.at[rows])
        pltpu.sync_copy(src_hbm.at[wid], src_v)
        pltpu.sync_copy(dst_hbm.at[wid], dst_v)
        plsc.subcore_barrier()

        for k_ in range(RING):
            pltpu.async_copy(m_hbm.at[src_v.at[k_]], gbuf.at[k_], gs[k_])

        def body(g, carry):
            j0 = RING * g
            for k_ in range(RING):
                j = j0 + k_
                pltpu.make_async_copy(m_hbm.at[src_v.at[j]], gbuf.at[k_],
                                      gs[k_]).wait()
                pltpu.async_copy(gbuf.at[k_], acc.at[dst_v.at[j]], ss[k_],
                                 add=True)
            for k_ in range(RING):
                j = j0 + k_
                j2 = j + RING

                @pl.when(j2 < nchunk)
                def _(k_=k_, j=j, j2=j2):
                    pltpu.make_async_copy(gbuf.at[k_], acc.at[dst_v.at[j]],
                                          ss[k_]).wait()
                    pltpu.async_copy(m_hbm.at[src_v.at[j2]], gbuf.at[k_],
                                     gs[k_])

            return carry

        lax.fori_loop(0, nchunk // RING, body, 0)
        for k_ in range(RING):
            j = nchunk - RING + k_
            pltpu.make_async_copy(gbuf.at[k_], acc.at[dst_v.at[j]],
                                  ss[k_]).wait()
        plsc.subcore_barrier()
        pltpu.sync_copy(acc.at[rows], out_hbm.at[cid, rows])

    return k



def _pre_body(x_ref, w_ref, degp_ref, m_ref, dinv_ref):
    deg = degp_ref[0][0:N, 0:1] + degp_ref[1][0:N, 0:1] + 1.0
    dinv = lax.rsqrt(deg)
    dinv_ref[...] = dinv
    m_ref[...] = jnp.dot(x_ref[...], w_ref[...],
                         preferred_element_type=jnp.float32) * dinv


_pre = pl.pallas_call(
    _pre_body,
    out_shape=[jax.ShapeDtypeStruct((N, 64), jnp.float32),
               jax.ShapeDtypeStruct((N, 1), jnp.float32)],
)


def _mid_body(a_ref, m_ref, dinv_ref, b_ref, g_ref, bt_ref, w_ref, o_ref):
    dinv = dinv_ref[...]
    t = (a_ref[0][0:N] + a_ref[1][0:N] + m_ref[...]) * dinv + b_ref[...]
    mu = jnp.mean(t, axis=0, keepdims=True)
    var = jnp.mean(jnp.square(t - mu), axis=0, keepdims=True)
    t = (t - mu) * lax.rsqrt(var + 1e-5) * g_ref[...] + bt_ref[...]
    t = jnp.maximum(t, 0.0)
    o_ref[...] = jnp.dot(t, w_ref[...], preferred_element_type=jnp.float32) * dinv


def _mid_nomat_body(a_ref, m_ref, dinv_ref, b_ref, g_ref, bt_ref, o_ref):
    dinv = dinv_ref[...]
    t = (a_ref[0][0:N] + a_ref[1][0:N] + m_ref[...]) * dinv + b_ref[...]
    mu = jnp.mean(t, axis=0, keepdims=True)
    var = jnp.mean(jnp.square(t - mu), axis=0, keepdims=True)
    t = (t - mu) * lax.rsqrt(var + 1e-5) * g_ref[...] + bt_ref[...]
    t = jnp.maximum(t, 0.0)
    o_ref[...] = t * dinv


def _fin_body(a_ref, m_ref, dinv_ref, w_ref, b_ref, o_ref):
    t = (a_ref[0][0:N] + a_ref[1][0:N] + m_ref[...]) * dinv_ref[...]
    h = jnp.dot(t, w_ref[...], preferred_element_type=jnp.float32) + b_ref[...]
    mx = jnp.max(h, axis=1, keepdims=True)
    lse = jnp.log(jnp.sum(jnp.exp(h - mx), axis=1, keepdims=True)) + mx
    o_ref[...] = h - lse


def _make_mid(dout):
    return pl.pallas_call(
        _mid_body, out_shape=jax.ShapeDtypeStruct((N, dout), jnp.float32))


_mid12 = _make_mid(32)
_mid23 = _make_mid(16)
_mid34 = pl.pallas_call(
    _mid_nomat_body, out_shape=jax.ShapeDtypeStruct((N, 16), jnp.float32))
_fin = pl.pallas_call(
    _fin_body, out_shape=jax.ShapeDtypeStruct((N, 40), jnp.float32))



def kernel(x, W1, b1, g1, bt1, W2, b2, g2, bt2, W3, b3, g3, bt3, W4, b4,
           edge_index):
    srcf = edge_index[0].reshape(NW, EPW)
    dstf = edge_index[1].reshape(NW, EPW)

    def shaped(ch):
        return (srcf.reshape(NW, EPW // ch, ch), dstf.reshape(NW, EPW // ch, ch))

    src_d, dst_d = shaped(CH)
    s64, d64 = shaped(200)
    s32, d32 = shaped(400)
    s16, d16 = shaped(1000)
    ones = jnp.ones((CH, DEGW), jnp.float32)
    z_deg = jnp.zeros((NPAD, DEGW), jnp.float32)
    z64 = jnp.zeros((NPAD, 64), jnp.float32)
    z32 = jnp.zeros((NPAD, 32), jnp.float32)
    z16 = jnp.zeros((NPAD, 16), jnp.float32)

    degp = _make_deg()(dst_d, ones, z_deg)
    m1, dinv = _pre(x, W1, degp)
    a1 = _make_agg(64, 200)(m1, s64, d64, z64)
    m2 = _mid12(a1, m1, dinv, b1.reshape(1, -1), g1.reshape(1, -1),
                bt1.reshape(1, -1), W2)
    a2 = _make_agg(32, 400)(m2, s32, d32, z32)
    m3 = _mid23(a2, m2, dinv, b2.reshape(1, -1), g2.reshape(1, -1),
                bt2.reshape(1, -1), W3)
    a3 = _make_agg(16, 1000)(m3, s16, d16, z16)
    m4 = _mid34(a3, m3, dinv, b3.reshape(1, -1), g3.reshape(1, -1),
                bt3.reshape(1, -1))
    a4 = _make_agg(16, 1000)(m4, s16, d16, z16)
    return _fin(a4, m4, dinv, W4, b4.reshape(1, -1))

# --- scband reference (transcript-rebuilt; emitter-appended) ---
"""Pipeline reference for scband-gnn-3874060501837 (READ-ONLY COPY).

The authoritative reference and input builder live on the scoring server;
editing this copy changes nothing except your own understanding.
"""

import jax, jax.numpy as jnp
import numpy as np

N = 10000
E = 320000
D_IN = 128
D_OUT = 40


def setup_inputs(seed: int = 0) -> dict:
    key = jax.random.key(seed)
    ks = jax.random.split(key, 16)
    x = jax.random.normal(ks[0], (N, D_IN), dtype=jnp.float32)
    edge_index = jax.random.randint(ks[1], (2, E), 0, N, dtype=jnp.int32)
    W1 = jax.random.normal(ks[2], (D_IN, 64), dtype=jnp.float32) * jnp.sqrt(2.0 / D_IN)
    b1 = jnp.zeros((64,), dtype=jnp.float32)
    g1 = jnp.ones((64,), dtype=jnp.float32)
    bt1 = jnp.zeros((64,), dtype=jnp.float32)
    W2 = jax.random.normal(ks[3], (64, 32), dtype=jnp.float32) * jnp.sqrt(2.0 / 64)
    b2 = jnp.zeros((32,), dtype=jnp.float32)
    g2 = jnp.ones((32,), dtype=jnp.float32)
    bt2 = jnp.zeros((32,), dtype=jnp.float32)
    W3 = jax.random.normal(ks[4], (32, 16), dtype=jnp.float32) * jnp.sqrt(2.0 / 32)
    b3 = jnp.zeros((16,), dtype=jnp.float32)
    g3 = jnp.ones((16,), dtype=jnp.float32)
    bt3 = jnp.zeros((16,), dtype=jnp.float32)
    W4 = jax.random.normal(ks[5], (16, D_OUT), dtype=jnp.float32) * jnp.sqrt(2.0 / 16)
    b4 = jnp.zeros((D_OUT,), dtype=jnp.float32)
    return {"x": x, "W1": W1, "b1": b1, "g1": g1, "bt1": bt1,
            "W2": W2, "b2": b2, "g2": g2, "bt2": bt2,
            "W3": W3, "b3": b3, "g3": g3, "bt3": bt3,
            "W4": W4, "b4": b4, "edge_index": edge_index}


def gcn_conv(x, edge_index, W, b):
    n = x.shape[0]
    loop = jnp.arange(n, dtype=edge_index.dtype)
    src = jnp.concatenate([edge_index[0], loop])
    dst = jnp.concatenate([edge_index[1], loop])
    deg = jnp.zeros((n,), x.dtype).at[dst].add(1.0)
    dinv = jnp.where(deg > 0, jax.lax.rsqrt(deg), 0.0)
    norm = dinv[src] * dinv[dst]
    h = x @ W
    msg = h[src] * norm[:, None]
    out = jnp.zeros((n, h.shape[1]), x.dtype).at[dst].add(msg)
    return out + b


def batch_norm(x, gamma, beta, eps=1e-5):
    mean = jnp.mean(x, axis=0)
    var = jnp.var(x, axis=0)
    return (x - mean) * jax.lax.rsqrt(var + eps) * gamma + beta


def reference(x, W1, b1, g1, bt1, W2, b2, g2, bt2, W3, b3, g3, bt3, W4, b4, edge_index):
    h = gcn_conv(x, edge_index, W1, b1)
    h = jax.nn.relu(batch_norm(h, g1, bt1))
    h = gcn_conv(h, edge_index, W2, b2)
    h = jax.nn.relu(batch_norm(h, g2, bt2))
    h = gcn_conv(h, edge_index, W3, b3)
    h = jax.nn.relu(batch_norm(h, g3, bt3))
    h = gcn_conv(h, edge_index, W4, b4)
    return jax.nn.log_softmax(h, axis=1)

if __name__ == "__main__":
    import jax
    _d = setup_inputs()
    print(jax.jit(kernel)(*tuple(_d.values())))

</pallas_src>

<mosaic_0001>
#map = affine_map<(d0, d1) -> (0, 0, 0)>
#map1 = affine_map<(d0, d1) -> (0, 0)>
module attributes {stable_mosaic.version = 14 : i64} {
  func.func @_deg_kernel(%arg0: i32, %arg1: i32, %arg2: memref<32x50x200xi32, #tpu.memory_space<hbm>>, %arg3: memref<200x16xf32, #tpu.memory_space<hbm>>, %arg4: memref<10240x16xf32, #tpu.memory_space<hbm>>, %arg5: memref<2x10240x16xf32, #tpu.memory_space<hbm>>, %arg6: memref<50x200xi32, #tpu.memory_space<vmem>>, %arg7: memref<200x16xf32, #tpu.memory_space<vmem>>, %arg8: memref<10240x16xf32, #tpu.memory_space<vmem_shared>>, %arg9: memref<!tpu.dma_semaphore, #tpu.memory_space<semaphore_mem>>) attributes {dimension_semantics = [#tpu.dimension_semantics<core_parallel>, #tpu.dimension_semantics<subcore_parallel>], iteration_bounds = array<i64: 2, 16>, scalar_prefetch = 0 : i64, scratch_operands = 4 : i64, tpu.core_type = #tpu.core_type<sc_vector_subcore>, window_params = [{transform_indices = #map}, {transform_indices = #map1}, {transform_indices = #map1}, {transform_indices = #map}]} {
    %mul3A = arith.constant 2 : i32
    %mul3A_0 = arith.muli %arg1, %mul3A : i32
    %add3A = arith.addi %mul3A_0, %arg0 : i32
    %mul3A_1 = arith.constant 640 : i32
    %mul3A_2 = arith.muli %arg1, %mul3A_1 : i32
    "tpu.region"() ({
      %run_scoped3A = tpu.sem_alloc : memref<!tpu.dma_semaphore, #tpu.memory_space<semaphore_mem>>
      %dma_start3A = arith.constant 0 : i32
      %dma_start3A_15 = tpu.memref_slice %arg8[%mul3A_2, %dma_start3A] : memref<10240x16xf32, #tpu.memory_space<vmem_shared>> -> memref<640x16xf32, #tpu.memory_space<vmem_shared>>
      %dma_start3A_16 = arith.constant 0 : i32
      %dma_start3A_17 = tpu.memref_slice %arg4[%mul3A_2, %dma_start3A_16] : memref<10240x16xf32, #tpu.memory_space<hbm>> -> memref<640x16xf32, #tpu.memory_space<hbm>>
      tpu.enqueue_dma source(%dma_start3A_17 : memref<640x16xf32, #tpu.memory_space<hbm>>) target(%dma_start3A_15 : memref<640x16xf32, #tpu.memory_space<vmem_shared>>) target_semaphore(%run_scoped3A : memref<!tpu.dma_semaphore, #tpu.memory_space<semaphore_mem>>)
      %dma_wait3A = arith.constant 0 : i32
      %dma_wait3A_18 = tpu.memref_slice %arg8[%mul3A_2, %dma_wait3A] : memref<10240x16xf32, #tpu.memory_space<vmem_shared>> -> memref<640x16xf32, #tpu.memory_space<vmem_shared>>
      %dma_wait3A_19 = arith.constant 0 : i32
      %dma_wait3A_20 = tpu.memref_slice %arg4[%mul3A_2, %dma_wait3A_19] : memref<10240x16xf32, #tpu.memory_space<hbm>> -> memref<640x16xf32, #tpu.memory_space<hbm>>
      tpu.wait_dma2 semaphore(%run_scoped3A : memref<!tpu.dma_semaphore, #tpu.memory_space<semaphore_mem>>) src(%dma_wait3A_20 : memref<640x16xf32, #tpu.memory_space<hbm>>) dst(%dma_wait3A_18 : memref<640x16xf32, #tpu.memory_space<vmem_shared>>)
      tpu.yield
    }) : () -> ()
    "tpu.region"() ({
      %run_scoped3A = tpu.sem_alloc : memref<!tpu.dma_semaphore, #tpu.memory_space<semaphore_mem>>
      %dma_start3A = arith.constant 0 : i32
      %dma_start3A_15 = arith.constant 0 : i32
      %dma_start3A_16 = tpu.memref_slice %arg2[%add3A, %dma_start3A, %dma_start3A_15] : memref<32x50x200xi32, #tpu.memory_space<hbm>> -> memref<1x50x200xi32, #tpu.memory_space<hbm>>
      %dma_start3A_17 = tpu.memref_squeeze %dma_start3A_16 : memref<1x50x200xi32, #tpu.memory_space<hbm>> -> memref<50x200xi32, #tpu.memory_space<hbm>>
      %dma_start3A_18 = arith.constant 0 : i32
      %dma_start3A_19 = arith.constant 0 : i32
      %dma_start3A_20 = tpu.memref_slice %arg2[%add3A, %dma_start3A_18, %dma_start3A_19] : memref<32x50x200xi32, #tpu.memory_space<hbm>> -> memref<1x50x200xi32, #tpu.memory_space<hbm>>
      %dma_start3A_21 = tpu.memref_squeeze %dma_start3A_20 : memref<1x50x200xi32, #tpu.memory_space<hbm>> -> memref<50x200xi32, #tpu.memory_space<hbm>>
      tpu.enqueue_dma source(%dma_start3A_21 : memref<50x200xi32, #tpu.memory_space<hbm>>) target(%arg6 : memref<50x200xi32, #tpu.memory_space<vmem>>) target_semaphore(%run_scoped3A : memref<!tpu.dma_semaphore, #tpu.memory_space<semaphore_mem>>)
      %dma_wait3A = arith.constant 0 : i32
      %dma_wait3A_22 = arith.constant 0 : i32
      %dma_wait3A_23 = tpu.memref_slice %arg2[%add3A, %dma_wait3A, %dma_wait3A_22] : memref<32x50x200xi32, #tpu.memory_space<hbm>> -> memref<1x50x200xi32, #tpu.memory_space<hbm>>
      %dma_wait3A_24 = tpu.memref_squeeze %dma_wait3A_23 : memref<1x50x200xi32, #tpu.memory_space<hbm>> -> memref<50x200xi32, #tpu.memory_space<hbm>>
      %dma_wait3A_25 = arith.constant 0 : i32
      %dma_wait3A_26 = arith.constant 0 : i32
      %dma_wait3A_27 = tpu.memref_slice %arg2[%add3A, %dma_wait3A_25, %dma_wait3A_26] : memref<32x50x200xi32, #tpu.memory_space<hbm>> -> memref<1x50x200xi32, #tpu.memory_space<hbm>>
      %dma_wait3A_28 = tpu.memref_squeeze %dma_wait3A_27 : memref<1x50x200xi32, #tpu.memory_space<hbm>> -> memref<50x200xi32, #tpu.memory_space<hbm>>
      tpu.wait_dma2 semaphore(%run_scoped3A : memref<!tpu.dma_semaphore, #tpu.memory_space<semaphore_mem>>) src(%dma_wait3A_28 : memref<50x200xi32, #tpu.memory_space<hbm>>) dst(%arg6 : memref<50x200xi32, #tpu.memory_space<vmem>>)
      tpu.yield
    }) : () -> ()
    "tpu.region"() ({
      %run_scoped3A = tpu.sem_alloc : memref<!tpu.dma_semaphore, #tpu.memory_space<semaphore_mem>>
      tpu.enqueue_dma source(%arg3 : memref<200x16xf32, #tpu.memory_space<hbm>>) target(%arg7 : memref<200x16xf32, #tpu.memory_space<vmem>>) target_semaphore(%run_scoped3A : memref<!tpu.dma_semaphore, #tpu.memory_space<semaphore_mem>>)
      tpu.wait_dma2 semaphore(%run_scoped3A : memref<!tpu.dma_semaphore, #tpu.memory_space<semaphore_mem>>) src(%arg3 : memref<200x16xf32, #tpu.memory_space<hbm>>) dst(%arg7 : memref<200x16xf32, #tpu.memory_space<vmem>>)
      tpu.yield
    }) : () -> ()
    %barrier3A = arith.constant 0 : index
    tpu.barrier barrier_id(%barrier3A)
    %scan3A = arith.constant 0 : i32
    %scan3A_3 = arith.constant 0 : i32
    %scan3A_4 = arith.constant 50 : i32
    %scan3A_5 = arith.addi %scan3A_3, %scan3A_4 : i32
    %scan3A_6 = arith.constant 1 : i32
    scf.for %scan3A_15 = %scan3A_3 to %scan3A_5 step %scan3A_6  : i32 {
      %dma_start3A = arith.constant 0 : i32
      %dma_start3A_16 = tpu.memref_slice %arg6[%scan3A_15, %dma_start3A] : memref<50x200xi32, #tpu.memory_space<vmem>> -> memref<1x200xi32, #tpu.memory_space<vmem>>
      %dma_start3A_17 = tpu.memref_squeeze %dma_start3A_16 : memref<1x200xi32, #tpu.memory_space<vmem>> -> memref<200xi32, #tpu.memory_space<vmem>>
      %dma_start3A_18 = arith.constant 0 : i32
      %dma_start3A_19 = arith.constant 0 : i32
      %dma_start3A_20 = tpu.memref_slice %arg8[%dma_start3A_18, %dma_start3A_19] : memref<10240x16xf32, #tpu.memory_space<vmem_shared>> -> memref<10240x16xf32, #tpu.memory_space<vmem_shared>>
      tpu.enqueue_indirect_dma source(%arg7 : memref<200x16xf32, #tpu.memory_space<vmem>>) target(%dma_start3A_20 : memref<10240x16xf32, #tpu.memory_space<vmem_shared>>) offsets(%dma_start3A_17 : memref<200xi32, #tpu.memory_space<vmem>>) semaphore(%arg9 : memref<!tpu.dma_semaphore, #tpu.memory_space<semaphore_mem>>) {add = true}
    }
    %scan3A_7 = arith.constant 50 : i32
    %scan3A_8 = arith.constant 0 : i32
    %scan3A_9 = arith.constant 0 : i32
    %scan3A_10 = arith.constant 50 : i32
    %scan3A_11 = arith.addi %scan3A_9, %scan3A_10 : i32
    %scan3A_12 = arith.constant 1 : i32
    scf.for %scan3A_15 = %scan3A_9 to %scan3A_11 step %scan3A_12  : i32 {
      %dma_wait3A = arith.constant 0 : i32
      %dma_wait3A_16 = tpu.memref_slice %arg6[%scan3A_15, %dma_wait3A] : memref<50x200xi32, #tpu.memory_space<vmem>> -> memref<1x200xi32, #tpu.memory_space<vmem>>
      %dma_wait3A_17 = tpu.memref_squeeze %dma_wait3A_16 : memref<1x200xi32, #tpu.memory_space<vmem>> -> memref<200xi32, #tpu.memory_space<vmem>>
      %dma_wait3A_18 = arith.constant 0 : i32
      %dma_wait3A_19 = arith.constant 0 : i32
      %dma_wait3A_20 = tpu.memref_slice %arg8[%dma_wait3A_18, %dma_wait3A_19] : memref<10240x16xf32, #tpu.memory_space<vmem_shared>> -> memref<10240x16xf32, #tpu.memory_space<vmem_shared>>
      tpu.wait_indirect_dma semaphore(%arg9 : memref<!tpu.dma_semaphore, #tpu.memory_space<semaphore_mem>>) src(%arg7 : memref<200x16xf32, #tpu.memory_space<vmem>>) dst(%dma_wait3A_20 : memref<10240x16xf32, #tpu.memory_space<vmem_shared>>)
    }
    %scan3A_13 = arith.constant 50 : i32
    %barrier3A_14 = arith.constant 0 : index
    tpu.barrier barrier_id(%barrier3A_14)
    "tpu.region"() ({
      %run_scoped3A = tpu.sem_alloc : memref<!tpu.dma_semaphore, #tpu.memory_space<semaphore_mem>>
      %dma_start3A = arith.constant 0 : i32
      %dma_start3A_15 = tpu.memref_slice %arg5[%arg0, %mul3A_2, %dma_start3A] : memref<2x10240x16xf32, #tpu.memory_space<hbm>> -> memref<1x640x16xf32, #tpu.memory_space<hbm>>
      %dma_start3A_16 = tpu.memref_squeeze %dma_start3A_15 : memref<1x640x16xf32, #tpu.memory_space<hbm>> -> memref<640x16xf32, #tpu.memory_space<hbm>>
      %dma_start3A_17 = arith.constant 0 : i32
      %dma_start3A_18 = tpu.memref_slice %arg8[%mul3A_2, %dma_start3A_17] : memref<10240x16xf32, #tpu.memory_space<vmem_shared>> -> memref<640x16xf32, #tpu.memory_space<vmem_shared>>
      tpu.enqueue_dma source(%dma_start3A_18 : memref<640x16xf32, #tpu.memory_space<vmem_shared>>) target(%dma_start3A_16 : memref<640x16xf32, #tpu.memory_space<hbm>>) target_semaphore(%run_scoped3A : memref<!tpu.dma_semaphore, #tpu.memory_space<semaphore_mem>>)
      %dma_wait3A = arith.constant 0 : i32
      %dma_wait3A_19 = tpu.memref_slice %arg5[%arg0, %mul3A_2, %dma_wait3A] : memref<2x10240x16xf32, #tpu.memory_space<hbm>> -> memref<1x640x16xf32, #tpu.memory_space<hbm>>
      %dma_wait3A_20 = tpu.memref_squeeze %dma_wait3A_19 : memref<1x640x16xf32, #tpu.memory_space<hbm>> -> memref<640x16xf32, #tpu.memory_space<hbm>>
      %dma_wait3A_21 = arith.constant 0 : i32
      %dma_wait3A_22 = tpu.memref_slice %arg8[%mul3A_2, %dma_wait3A_21] : memref<10240x16xf32, #tpu.memory_space<vmem_shared>> -> memref<640x16xf32, #tpu.memory_space<vmem_shared>>
      tpu.wait_dma2 semaphore(%run_scoped3A : memref<!tpu.dma_semaphore, #tpu.memory_space<semaphore_mem>>) src(%dma_wait3A_22 : memref<640x16xf32, #tpu.memory_space<vmem_shared>>) dst(%dma_wait3A_20 : memref<640x16xf32, #tpu.memory_space<hbm>>)
      tpu.yield
    }) : () -> ()
    return
  }
}

#map = affine_map<(d0, d1) -> (0, 0)>
#map1 = affine_map<(d0, d1) -> (0, 0, 0)>
module attributes {stable_mosaic.version = 14 : i64} {
  func.func @k(%arg0: i32, %arg1: i32, %arg2: memref<10000x16xf32, #tpu.memory_space<hbm>>, %arg3: memref<32x10x1000xi32, #tpu.memory_space<hbm>>, %arg4: memref<32x10x1000xi32, #tpu.memory_space<hbm>>, %arg5: memref<10240x16xf32, #tpu.memory_space<hbm>>, %arg6: memref<2x10240x16xf32, #tpu.memory_space<hbm>>, %arg7: memref<10x1000xi32, #tpu.memory_space<vmem>>, %arg8: memref<10x1000xi32, #tpu.memory_space<vmem>>, %arg9: memref<5x1000x16xf32, #tpu.memory_space<vmem>>, %arg10: memref<10240x16xf32, #tpu.memory_space<vmem_shared>>, %arg11: memref<!tpu.dma_semaphore, #tpu.memory_space<semaphore_mem>>, %arg12: memref<!tpu.dma_semaphore, #tpu.memory_space<semaphore_mem>>, %arg13: memref<!tpu.dma_semaphore, #tpu.memory_space<semaphore_mem>>, %arg14: memref<!tpu.dma_semaphore, #tpu.memory_space<semaphore_mem>>, %arg15: memref<!tpu.dma_semaphore, #tpu.memory_space<semaphore_mem>>, %arg16: memref<!tpu.dma_semaphore, #tpu.memory_space<semaphore_mem>>, %arg17: memref<!tpu.dma_semaphore, #tpu.memory_space<semaphore_mem>>, %arg18: memref<!tpu.dma_semaphore, #tpu.memory_space<semaphore_mem>>, %arg19: memref<!tpu.dma_semaphore, #tpu.memory_space<semaphore_mem>>, %arg20: memref<!tpu.dma_semaphore, #tpu.memory_space<semaphore_mem>>) attributes {dimension_semantics = [#tpu.dimension_semantics<core_parallel>, #tpu.dimension_semantics<subcore_parallel>], iteration_bounds = array<i64: 2, 16>, scalar_prefetch = 0 : i64, scratch_operands = 14 : i64, tpu.core_type = #tpu.core_type<sc_vector_subcore>, window_params = [{transform_indices = #map}, {transform_indices = #map1}, {transform_indices = #map1}, {transform_indices = #map}, {transform_indices = #map1}]} {
    %mul3A = arith.constant 2 : i32
    %mul3A_0 = arith.muli %arg1, %mul3A : i32
    %add3A = arith.addi %mul3A_0, %arg0 : i32
    %mul3A_1 = arith.constant 640 : i32
    %mul3A_2 = arith.muli %arg1, %mul3A_1 : i32
    "tpu.region"() ({
      %run_scoped3A = tpu.sem_alloc : memref<!tpu.dma_semaphore, #tpu.memory_space<semaphore_mem>>
      %dma_start3A_127 = arith.constant 0 : i32
      %dma_start3A_128 = tpu.memref_slice %arg10[%mul3A_2, %dma_start3A_127] : memref<10240x16xf32, #tpu.memory_space<vmem_shared>> -> memref<640x16xf32, #tpu.memory_space<vmem_shared>>
      %dma_start3A_129 = arith.constant 0 : i32
      %dma_start3A_130 = tpu.memref_slice %arg5[%mul3A_2, %dma_start3A_129] : memref<10240x16xf32, #tpu.memory_space<hbm>> -> memref<640x16xf32, #tpu.memory_space<hbm>>
      tpu.enqueue_dma source(%dma_start3A_130 : memref<640x16xf32, #tpu.memory_space<hbm>>) target(%dma_start3A_128 : memref<640x16xf32, #tpu.memory_space<vmem_shared>>) target_semaphore(%run_scoped3A : memref<!tpu.dma_semaphore, #tpu.memory_space<semaphore_mem>>)
      %dma_wait3A_131 = arith.constant 0 : i32
      %dma_wait3A_132 = tpu.memref_slice %arg10[%mul3A_2, %dma_wait3A_131] : memref<10240x16xf32, #tpu.memory_space<vmem_shared>> -> memref<640x16xf32, #tpu.memory_space<vmem_shared>>
      %dma_wait3A_133 = arith.constant 0 : i32
      %dma_wait3A_134 = tpu.memref_slice %arg5[%mul3A_2, %dma_wait3A_133] : memref<10240x16xf32, #tpu.memory_space<hbm>> -> memref<640x16xf32, #tpu.memory_space<hbm>>
      tpu.wait_dma2 semaphore(%run_scoped3A : memref<!tpu.dma_semaphore, #tpu.memory_space<semaphore_mem>>) src(%dma_wait3A_134 : memref<640x16xf32, #tpu.memory_space<hbm>>) dst(%dma_wait3A_132 : memref<640x16xf32, #tpu.memory_space<vmem_shared>>)
      tpu.yield
    }) : () -> ()
    "tpu.region"() ({
      %run_scoped3A = tpu.sem_alloc : memref<!tpu.dma_semaphore, #tpu.memory_space<semaphore_mem>>
      %dma_start3A_127 = arith.constant 0 : i32
      %dma_start3A_128 = arith.constant 0 : i32
      %dma_start3A_129 = tpu.memref_slice %arg3[%add3A, %dma_start3A_127, %dma_start3A_128] : memref<32x10x1000xi32, #tpu.memory_space<hbm>> -> memref<1x10x1000xi32, #tpu.memory_space<hbm>>
      %dma_start3A_130 = tpu.memref_squeeze %dma_start3A_129 : memref<1x10x1000xi32, #tpu.memory_space<hbm>> -> memref<10x1000xi32, #tpu.memory_space<hbm>>
      %dma_start3A_131 = arith.constant 0 : i32
      %dma_start3A_132 = arith.constant 0 : i32
      %dma_start3A_133 = tpu.memref_slice %arg3[%add3A, %dma_start3A_131, %dma_start3A_132] : memref<32x10x1000xi32, #tpu.memory_space<hbm>> -> memref<1x10x1000xi32, #tpu.memory_space<hbm>>
      %dma_start3A_134 = tpu.memref_squeeze %dma_start3A_133 : memref<1x10x1000xi32, #tpu.memory_space<hbm>> -> memref<10x1000xi32, #tpu.memory_space<hbm>>
      tpu.enqueue_dma source(%dma_start3A_134 : memref<10x1000xi32, #tpu.memory_space<hbm>>) target(%arg7 : memref<10x1000xi32, #tpu.memory_space<vmem>>) target_semaphore(%run_scoped3A : memref<!tpu.dma_semaphore, #tpu.memory_space<semaphore_mem>>)
      %dma_wait3A_135 = arith.constant 0 : i32
      %dma_wait3A_136 = arith.constant 0 : i32
      %dma_wait3A_137 = tpu.memref_slice %arg3[%add3A, %dma_wait3A_135, %dma_wait3A_136] : memref<32x10x1000xi32, #tpu.memory_space<hbm>> -> memref<1x10x1000xi32, #tpu.memory_space<hbm>>
      %dma_wait3A_138 = tpu.memref_squeeze %dma_wait3A_137 : memref<1x10x1000xi32, #tpu.memory_space<hbm>> -> memref<10x1000xi32, #tpu.memory_space<hbm>>
      %dma_wait3A_139 = arith.constant 0 : i32
      %dma_wait3A_140 = arith.constant 0 : i32
      %dma_wait3A_141 = tpu.memref_slice %arg3[%add3A, %dma_wait3A_139, %dma_wait3A_140] : memref<32x10x1000xi32, #tpu.memory_space<hbm>> -> memref<1x10x1000xi32, #tpu.memory_space<hbm>>
      %dma_wait3A_142 = tpu.memref_squeeze %dma_wait3A_141 : memref<1x10x1000xi32, #tpu.memory_space<hbm>> -> memref<10x1000xi32, #tpu.memory_space<hbm>>
      tpu.wait_dma2 semaphore(%run_scoped3A : memref<!tpu.dma_semaphore, #tpu.memory_space<semaphore_mem>>) src(%dma_wait3A_142 : memref<10x1000xi32, #tpu.memory_space<hbm>>) dst(%arg7 : memref<10x1000xi32, #tpu.memory_space<vmem>>)
      tpu.yield
    }) : () -> ()
    "tpu.region"() ({
      %run_scoped3A = tpu.sem_alloc : memref<!tpu.dma_semaphore, #tpu.memory_space<semaphore_mem>>
      %dma_start3A_127 = arith.constant 0 : i32
      %dma_start3A_128 = arith.constant 0 : i32
      %dma_start3A_129 = tpu.memref_slice %arg4[%add3A, %dma_start3A_127, %dma_start3A_128] : memref<32x10x1000xi32, #tpu.memory_space<hbm>> -> memref<1x10x1000xi32, #tpu.memory_space<hbm>>
      %dma_start3A_130 = tpu.memref_squeeze %dma_start3A_129 : memref<1x10x1000xi32, #tpu.memory_space<hbm>> -> memref<10x1000xi32, #tpu.memory_space<hbm>>
      %dma_start3A_131 = arith.constant 0 : i32
      %dma_start3A_132 = arith.constant 0 : i32
      %dma_start3A_133 = tpu.memref_slice %arg4[%add3A, %dma_start3A_131, %dma_start3A_132] : memref<32x10x1000xi32, #tpu.memory_space<hbm>> -> memref<1x10x1000xi32, #tpu.memory_space<hbm>>
      %dma_start3A_134 = tpu.memref_squeeze %dma_start3A_133 : memref<1x10x1000xi32, #tpu.memory_space<hbm>> -> memref<10x1000xi32, #tpu.memory_space<hbm>>
      tpu.enqueue_dma source(%dma_start3A_134 : memref<10x1000xi32, #tpu.memory_space<hbm>>) target(%arg8 : memref<10x1000xi32, #tpu.memory_space<vmem>>) target_semaphore(%run_scoped3A : memref<!tpu.dma_semaphore, #tpu.memory_space<semaphore_mem>>)
      %dma_wait3A_135 = arith.constant 0 : i32
      %dma_wait3A_136 = arith.constant 0 : i32
      %dma_wait3A_137 = tpu.memref_slice %arg4[%add3A, %dma_wait3A_135, %dma_wait3A_136] : memref<32x10x1000xi32, #tpu.memory_space<hbm>> -> memref<1x10x1000xi32, #tpu.memory_space<hbm>>
      %dma_wait3A_138 = tpu.memref_squeeze %dma_wait3A_137 : memref<1x10x1000xi32, #tpu.memory_space<hbm>> -> memref<10x1000xi32, #tpu.memory_space<hbm>>
      %dma_wait3A_139 = arith.constant 0 : i32
      %dma_wait3A_140 = arith.constant 0 : i32
      %dma_wait3A_141 = tpu.memref_slice %arg4[%add3A, %dma_wait3A_139, %dma_wait3A_140] : memref<32x10x1000xi32, #tpu.memory_space<hbm>> -> memref<1x10x1000xi32, #tpu.memory_space<hbm>>
      %dma_wait3A_142 = tpu.memref_squeeze %dma_wait3A_141 : memref<1x10x1000xi32, #tpu.memory_space<hbm>> -> memref<10x1000xi32, #tpu.memory_space<hbm>>
      tpu.wait_dma2 semaphore(%run_scoped3A : memref<!tpu.dma_semaphore, #tpu.memory_space<semaphore_mem>>) src(%dma_wait3A_142 : memref<10x1000xi32, #tpu.memory_space<hbm>>) dst(%arg8 : memref<10x1000xi32, #tpu.memory_space<vmem>>)
      tpu.yield
    }) : () -> ()
    %barrier3A = arith.constant 0 : index
    tpu.barrier barrier_id(%barrier3A)
    %dma_start3A = arith.constant 0 : i32
    %dma_start3A_3 = arith.constant 0 : i32
    %dma_start3A_4 = arith.constant 0 : i32
    %dma_start3A_5 = arith.constant 0 : i32
    %dma_start3A_6 = tpu.memref_slice %arg9[%dma_start3A_3, %dma_start3A_4, %dma_start3A_5] : memref<5x1000x16xf32, #tpu.memory_space<vmem>> -> memref<1x1000x16xf32, #tpu.memory_space<vmem>>
    %dma_start3A_7 = tpu.memref_squeeze %dma_start3A_6 : memref<1x1000x16xf32, #tpu.memory_space<vmem>> -> memref<1000x16xf32, #tpu.memory_space<vmem>>
    %dma_start3A_8 = arith.constant 0 : i32
    %dma_start3A_9 = tpu.memref_slice %arg7[%dma_start3A, %dma_start3A_8] : memref<10x1000xi32, #tpu.memory_space<vmem>> -> memref<1x1000xi32, #tpu.memory_space<vmem>>
    %dma_start3A_10 = tpu.memref_squeeze %dma_start3A_9 : memref<1x1000xi32, #tpu.memory_space<vmem>> -> memref<1000xi32, #tpu.memory_space<vmem>>
    %dma_start3A_11 = arith.constant 0 : i32
    %dma_start3A_12 = arith.constant 0 : i32
    %dma_start3A_13 = tpu.memref_slice %arg2[%dma_start3A_11, %dma_start3A_12] : memref<10000x16xf32, #tpu.memory_space<hbm>> -> memref<10000x16xf32, #tpu.memory_space<hbm>>
    tpu.enqueue_indirect_dma source(%dma_start3A_13 : memref<10000x16xf32, #tpu.memory_space<hbm>>) target(%dma_start3A_7 : memref<1000x16xf32, #tpu.memory_space<vmem>>) offsets(%dma_start3A_10 : memref<1000xi32, #tpu.memory_space<vmem>>) semaphore(%arg11 : memref<!tpu.dma_semaphore, #tpu.memory_space<semaphore_mem>>)
    %dma_start3A_14 = arith.constant 1 : i32
    %dma_start3A_15 = arith.constant 1 : i32
    %dma_start3A_16 = arith.constant 0 : i32
    %dma_start3A_17 = arith.constant 0 : i32
    %dma_start3A_18 = tpu.memref_slice %arg9[%dma_start3A_15, %dma_start3A_16, %dma_start3A_17] : memref<5x1000x16xf32, #tpu.memory_space<vmem>> -> memref<1x1000x16xf32, #tpu.memory_space<vmem>>
    %dma_start3A_19 = tpu.memref_squeeze %dma_start3A_18 : memref<1x1000x16xf32, #tpu.memory_space<vmem>> -> memref<1000x16xf32, #tpu.memory_space<vmem>>
    %dma_start3A_20 = arith.constant 0 : i32
    %dma_start3A_21 = tpu.memref_slice %arg7[%dma_start3A_14, %dma_start3A_20] : memref<10x1000xi32, #tpu.memory_space<vmem>> -> memref<1x1000xi32, #tpu.memory_space<vmem>>
    %dma_start3A_22 = tpu.memref_squeeze %dma_start3A_21 : memref<1x1000xi32, #tpu.memory_space<vmem>> -> memref<1000xi32, #tpu.memory_space<vmem>>
    %dma_start3A_23 = arith.constant 0 : i32
    %dma_start3A_24 = arith.constant 0 : i32
    %dma_start3A_25 = tpu.memref_slice %arg2[%dma_start3A_23, %dma_start3A_24] : memref<10000x16xf32, #tpu.memory_space<hbm>> -> memref<10000x16xf32, #tpu.memory_space<hbm>>
    tpu.enqueue_indirect_dma source(%dma_start3A_25 : memref<10000x16xf32, #tpu.memory_space<hbm>>) target(%dma_start3A_19 : memref<1000x16xf32, #tpu.memory_space<vmem>>) offsets(%dma_start3A_22 : memref<1000xi32, #tpu.memory_space<vmem>>) semaphore(%arg12 : memref<!tpu.dma_semaphore, #tpu.memory_space<semaphore_mem>>)
    %dma_start3A_26 = arith.constant 2 : i32
    %dma_start3A_27 = arith.constant 2 : i32
    %dma_start3A_28 = arith.constant 0 : i32
    %dma_start3A_29 = arith.constant 0 : i32
    %dma_start3A_30 = tpu.memref_slice %arg9[%dma_start3A_27, %dma_start3A_28, %dma_start3A_29] : memref<5x1000x16xf32, #tpu.memory_space<vmem>> -> memref<1x1000x16xf32, #tpu.memory_space<vmem>>
    %dma_start3A_31 = tpu.memref_squeeze %dma_start3A_30 : memref<1x1000x16xf32, #tpu.memory_space<vmem>> -> memref<1000x16xf32, #tpu.memory_space<vmem>>
    %dma_start3A_32 = arith.constant 0 : i32
    %dma_start3A_33 = tpu.memref_slice %arg7[%dma_start3A_26, %dma_start3A_32] : memref<10x1000xi32, #tpu.memory_space<vmem>> -> memref<1x1000xi32, #tpu.memory_space<vmem>>
    %dma_start3A_34 = tpu.memref_squeeze %dma_start3A_33 : memref<1x1000xi32, #tpu.memory_space<vmem>> -> memref<1000xi32, #tpu.memory_space<vmem>>
    %dma_start3A_35 = arith.constant 0 : i32
    %dma_start3A_36 = arith.constant 0 : i32
    %dma_start3A_37 = tpu.memref_slice %arg2[%dma_start3A_35, %dma_start3A_36] : memref<10000x16xf32, #tpu.memory_space<hbm>> -> memref<10000x16xf32, #tpu.memory_space<hbm>>
    tpu.enqueue_indirect_dma source(%dma_start3A_37 : memref<10000x16xf32, #tpu.memory_space<hbm>>) target(%dma_start3A_31 : memref<1000x16xf32, #tpu.memory_space<vmem>>) offsets(%dma_start3A_34 : memref<1000xi32, #tpu.memory_space<vmem>>) semaphore(%arg13 : memref<!tpu.dma_semaphore, #tpu.memory_space<semaphore_mem>>)
    %dma_start3A_38 = arith.constant 3 : i32
    %dma_start3A_39 = arith.constant 3 : i32
    %dma_start3A_40 = arith.constant 0 : i32
    %dma_start3A_41 = arith.constant 0 : i32
    %dma_start3A_42 = tpu.memref_slice %arg9[%dma_start3A_39, %dma_start3A_40, %dma_start3A_41] : memref<5x1000x16xf32, #tpu.memory_space<vmem>> -> memref<1x1000x16xf32, #tpu.memory_space<vmem>>
    %dma_start3A_43 = tpu.memref_squeeze %dma_start3A_42 : memref<1x1000x16xf32, #tpu.memory_space<vmem>> -> memref<1000x16xf32, #tpu.memory_space<vmem>>
    %dma_start3A_44 = arith.constant 0 : i32
    %dma_start3A_45 = tpu.memref_slice %arg7[%dma_start3A_38, %dma_start3A_44] : memref<10x1000xi32, #tpu.memory_space<vmem>> -> memref<1x1000xi32, #tpu.memory_space<vmem>>
    %dma_start3A_46 = tpu.memref_squeeze %dma_start3A_45 : memref<1x1000xi32, #tpu.memory_space<vmem>> -> memref<1000xi32, #tpu.memory_space<vmem>>
    %dma_start3A_47 = arith.constant 0 : i32
    %dma_start3A_48 = arith.constant 0 : i32
    %dma_start3A_49 = tpu.memref_slice %arg2[%dma_start3A_47, %dma_start3A_48] : memref<10000x16xf32, #tpu.memory_space<hbm>> -> memref<10000x16xf32, #tpu.memory_space<hbm>>
    tpu.enqueue_indirect_dma source(%dma_start3A_49 : memref<10000x16xf32, #tpu.memory_space<hbm>>) target(%dma_start3A_43 : memref<1000x16xf32, #tpu.memory_space<vmem>>) offsets(%dma_start3A_46 : memref<1000xi32, #tpu.memory_space<vmem>>) semaphore(%arg14 : memref<!tpu.dma_semaphore, #tpu.memory_space<semaphore_mem>>)
    %dma_start3A_50 = arith.constant 4 : i32
    %dma_start3A_51 = arith.constant 4 : i32
    %dma_start3A_52 = arith.constant 0 : i32
    %dma_start3A_53 = arith.constant 0 : i32
    %dma_start3A_54 = tpu.memref_slice %arg9[%dma_start3A_51, %dma_start3A_52, %dma_start3A_53] : memref<5x1000x16xf32, #tpu.memory_space<vmem>> -> memref<1x1000x16xf32, #tpu.memory_space<vmem>>
    %dma_start3A_55 = tpu.memref_squeeze %dma_start3A_54 : memref<1x1000x16xf32, #tpu.memory_space<vmem>> -> memref<1000x16xf32, #tpu.memory_space<vmem>>
    %dma_start3A_56 = arith.constant 0 : i32
    %dma_start3A_57 = tpu.memref_slice %arg7[%dma_start3A_50, %dma_start3A_56] : memref<10x1000xi32, #tpu.memory_space<vmem>> -> memref<1x1000xi32, #tpu.memory_space<vmem>>
    %dma_start3A_58 = tpu.memref_squeeze %dma_start3A_57 : memref<1x1000xi32, #tpu.memory_space<vmem>> -> memref<1000xi32, #tpu.memory_space<vmem>>
    %dma_start3A_59 = arith.constant 0 : i32
    %dma_start3A_60 = arith.constant 0 : i32
    %dma_start3A_61 = tpu.memref_slice %arg2[%dma_start3A_59, %dma_start3A_60] : memref<10000x16xf32, #tpu.memory_space<hbm>> -> memref<10000x16xf32, #tpu.memory_space<hbm>>
    tpu.enqueue_indirect_dma source(%dma_start3A_61 : memref<10000x16xf32, #tpu.memory_space<hbm>>) target(%dma_start3A_55 : memref<1000x16xf32, #tpu.memory_space<vmem>>) offsets(%dma_start3A_58 : memref<1000xi32, #tpu.memory_space<vmem>>) semaphore(%arg15 : memref<!tpu.dma_semaphore, #tpu.memory_space<semaphore_mem>>)
    %scan3A = arith.constant 0 : i32
    %scan3A_62 = arith.constant 0 : i32
    %scan3A_63 = arith.constant 2 : i32
    %scan3A_64 = arith.addi %scan3A_62, %scan3A_63 : i32
    %scan3A_65 = arith.constant 1 : i32
    scf.for %scan3A_127 = %scan3A_62 to %scan3A_64 step %scan3A_65  : i32 {
      %mul3A_128 = arith.constant 5 : i32
      %mul3A_129 = arith.muli %mul3A_128, %scan3A_127 : i32
      %add3A_130 = arith.constant 0 : i32
      %add3A_131 = arith.addi %mul3A_129, %add3A_130 : i32
      %dma_wait3A_132 = arith.constant 0 : i32
      %dma_wait3A_133 = arith.constant 0 : i32
      %dma_wait3A_134 = arith.constant 0 : i32
      %dma_wait3A_135 = tpu.memref_slice %arg9[%dma_wait3A_132, %dma_wait3A_133, %dma_wait3A_134] : memref<5x1000x16xf32, #tpu.memory_space<vmem>> -> memref<1x1000x16xf32, #tpu.memory_space<vmem>>
      %dma_wait3A_136 = tpu.memref_squeeze %dma_wait3A_135 : memref<1x1000x16xf32, #tpu.memory_space<vmem>> -> memref<1000x16xf32, #tpu.memory_space<vmem>>
      %dma_wait3A_137 = arith.constant 0 : i32
      %dma_wait3A_138 = tpu.memref_slice %arg7[%add3A_131, %dma_wait3A_137] : memref<10x1000xi32, #tpu.memory_space<vmem>> -> memref<1x1000xi32, #tpu.memory_space<vmem>>
      %dma_wait3A_139 = tpu.memref_squeeze %dma_wait3A_138 : memref<1x1000xi32, #tpu.memory_space<vmem>> -> memref<1000xi32, #tpu.memory_space<vmem>>
      %dma_wait3A_140 = arith.constant 0 : i32
      %dma_wait3A_141 = arith.constant 0 : i32
      %dma_wait3A_142 = tpu.memref_slice %arg2[%dma_wait3A_140, %dma_wait3A_141] : memref<10000x16xf32, #tpu.memory_space<hbm>> -> memref<10000x16xf32, #tpu.memory_space<hbm>>
      tpu.wait_indirect_dma semaphore(%arg11 : memref<!tpu.dma_semaphore, #tpu.memory_space<semaphore_mem>>) src(%dma_wait3A_142 : memref<10000x16xf32, #tpu.memory_space<hbm>>) dst(%dma_wait3A_136 : memref<1000x16xf32, #tpu.memory_space<vmem>>)
      %dma_start3A_143 = arith.constant 0 : i32
      %dma_start3A_144 = arith.constant 0 : i32
      %dma_start3A_145 = arith.constant 0 : i32
      %dma_start3A_146 = tpu.memref_slice %arg9[%dma_start3A_143, %dma_start3A_144, %dma_start3A_145] : memref<5x1000x16xf32, #tpu.memory_space<vmem>> -> memref<1x1000x16xf32, #tpu.memory_space<vmem>>
      %dma_start3A_147 = tpu.memref_squeeze %dma_start3A_146 : memref<1x1000x16xf32, #tpu.memory_space<vmem>> -> memref<1000x16xf32, #tpu.memory_space<vmem>>
      %dma_start3A_148 = arith.constant 0 : i32
      %dma_start3A_149 = tpu.memref_slice %arg8[%add3A_131, %dma_start3A_148] : memref<10x1000xi32, #tpu.memory_space<vmem>> -> memref<1x1000xi32, #tpu.memory_space<vmem>>
      %dma_start3A_150 = tpu.memref_squeeze %dma_start3A_149 : memref<1x1000xi32, #tpu.memory_space<vmem>> -> memref<1000xi32, #tpu.memory_space<vmem>>
      %dma_start3A_151 = arith.constant 0 : i32
      %dma_start3A_152 = arith.constant 0 : i32
      %dma_start3A_153 = tpu.memref_slice %arg10[%dma_start3A_151, %dma_start3A_152] : memref<10240x16xf32, #tpu.memory_space<vmem_shared>> -> memref<10240x16xf32, #tpu.memory_space<vmem_shared>>
      tpu.enqueue_indirect_dma source(%dma_start3A_147 : memref<1000x16xf32, #tpu.memory_space<vmem>>) target(%dma_start3A_153 : memref<10240x16xf32, #tpu.memory_space<vmem_shared>>) offsets(%dma_start3A_150 : memref<1000xi32, #tpu.memory_space<vmem>>) semaphore(%arg16 : memref<!tpu.dma_semaphore, #tpu.memory_space<semaphore_mem>>) {add = true}
      %add3A_154 = arith.constant 1 : i32
      %add3A_155 = arith.addi %mul3A_129, %add3A_154 : i32
      %dma_wait3A_156 = arith.constant 1 : i32
      %dma_wait3A_157 = arith.constant 0 : i32
      %dma_wait3A_158 = arith.constant 0 : i32
      %dma_wait3A_159 = tpu.memref_slice %arg9[%dma_wait3A_156, %dma_wait3A_157, %dma_wait3A_158] : memref<5x1000x16xf32, #tpu.memory_space<vmem>> -> memref<1x1000x16xf32, #tpu.memory_space<vmem>>
      %dma_wait3A_160 = tpu.memref_squeeze %dma_wait3A_159 : memref<1x1000x16xf32, #tpu.memory_space<vmem>> -> memref<1000x16xf32, #tpu.memory_space<vmem>>
      %dma_wait3A_161 = arith.constant 0 : i32
      %dma_wait3A_162 = tpu.memref_slice %arg7[%add3A_155, %dma_wait3A_161] : memref<10x1000xi32, #tpu.memory_space<vmem>> -> memref<1x1000xi32, #tpu.memory_space<vmem>>
      %dma_wait3A_163 = tpu.memref_squeeze %dma_wait3A_162 : memref<1x1000xi32, #tpu.memory_space<vmem>> -> memref<1000xi32, #tpu.memory_space<vmem>>
      %dma_wait3A_164 = arith.constant 0 : i32
      %dma_wait3A_165 = arith.constant 0 : i32
      %dma_wait3A_166 = tpu.memref_slice %arg2[%dma_wait3A_164, %dma_wait3A_165] : memref<10000x16xf32, #tpu.memory_space<hbm>> -> memref<10000x16xf32, #tpu.memory_space<hbm>>
      tpu.wait_indirect_dma semaphore(%arg12 : memref<!tpu.dma_semaphore, #tpu.memory_space<semaphore_mem>>) src(%dma_wait3A_166 : memref<10000x16xf32, #tpu.memory_space<hbm>>) dst(%dma_wait3A_160 : memref<1000x16xf32, #tpu.memory_space<vmem>>)
      %dma_start3A_167 = arith.constant 1 : i32
      %dma_start3A_168 = arith.constant 0 : i32
      %dma_start3A_169 = arith.constant 0 : i32
      %dma_start3A_170 = tpu.memref_slice %arg9[%dma_start3A_167, %dma_start3A_168, %dma_start3A_169] : memref<5x1000x16xf32, #tpu.memory_space<vmem>> -> memref<1x1000x16xf32, #tpu.memory_space<vmem>>
      %dma_start3A_171 = tpu.memref_squeeze %dma_start3A_170 : memref<1x1000x16xf32, #tpu.memory_space<vmem>> -> memref<1000x16xf32, #tpu.memory_space<vmem>>
      %dma_start3A_172 = arith.constant 0 : i32
      %dma_start3A_173 = tpu.memref_slice %arg8[%add3A_155, %dma_start3A_172] : memref<10x1000xi32, #tpu.memory_space<vmem>> -> memref<1x1000xi32, #tpu.memory_space<vmem>>
      %dma_start3A_174 = tpu.memref_squeeze %dma_start3A_173 : memref<1x1000xi32, #tpu.memory_space<vmem>> -> memref<1000xi32, #tpu.memory_space<vmem>>
      %dma_start3A_175 = arith.constant 0 : i32
      %dma_start3A_176 = arith.constant 0 : i32
      %dma_start3A_177 = tpu.memref_slice %arg10[%dma_start3A_175, %dma_start3A_176] : memref<10240x16xf32, #tpu.memory_space<vmem_shared>> -> memref<10240x16xf32, #tpu.memory_space<vmem_shared>>
      tpu.enqueue_indirect_dma source(%dma_start3A_171 : memref<1000x16xf32, #tpu.memory_space<vmem>>) target(%dma_start3A_177 : memref<10240x16xf32, #tpu.memory_space<vmem_shared>>) offsets(%dma_start3A_174 : memref<1000xi32, #tpu.memory_space<vmem>>) semaphore(%arg17 : memref<!tpu.dma_semaphore, #tpu.memory_space<semaphore_mem>>) {add = true}
      %add3A_178 = arith.constant 2 : i32
      %add3A_179 = arith.addi %mul3A_129, %add3A_178 : i32
      %dma_wait3A_180 = arith.constant 2 : i32
      %dma_wait3A_181 = arith.constant 0 : i32
      %dma_wait3A_182 = arith.constant 0 : i32
      %dma_wait3A_183 = tpu.memref_slice %arg9[%dma_wait3A_180, %dma_wait3A_181, %dma_wait3A_182] : memref<5x1000x16xf32, #tpu.memory_space<vmem>> -> memref<1x1000x16xf32, #tpu.memory_space<vmem>>
      %dma_wait3A_184 = tpu.memref_squeeze %dma_wait3A_183 : memref<1x1000x16xf32, #tpu.memory_space<vmem>> -> memref<1000x16xf32, #tpu.memory_space<vmem>>
      %dma_wait3A_185 = arith.constant 0 : i32
      %dma_wait3A_186 = tpu.memref_slice %arg7[%add3A_179, %dma_wait3A_185] : memref<10x1000xi32, #tpu.memory_space<vmem>> -> memref<1x1000xi32, #tpu.memory_space<vmem>>
      %dma_wait3A_187 = tpu.memref_squeeze %dma_wait3A_186 : memref<1x1000xi32, #tpu.memory_space<vmem>> -> memref<1000xi32, #tpu.memory_space<vmem>>
      %dma_wait3A_188 = arith.constant 0 : i32
      %dma_wait3A_189 = arith.constant 0 : i32
      %dma_wait3A_190 = tpu.memref_slice %arg2[%dma_wait3A_188, %dma_wait3A_189] : memref<10000x16xf32, #tpu.memory_space<hbm>> -> memref<10000x16xf32, #tpu.memory_space<hbm>>
      tpu.wait_indirect_dma semaphore(%arg13 : memref<!tpu.dma_semaphore, #tpu.memory_space<semaphore_mem>>) src(%dma_wait3A_190 : memref<10000x16xf32, #tpu.memory_space<hbm>>) dst(%dma_wait3A_184 : memref<1000x16xf32, #tpu.memory_space<vmem>>)
      %dma_start3A_191 = arith.constant 2 : i32
      %dma_start3A_192 = arith.constant 0 : i32
      %dma_start3A_193 = arith.constant 0 : i32
      %dma_start3A_194 = tpu.memref_slice %arg9[%dma_start3A_191, %dma_start3A_192, %dma_start3A_193] : memref<5x1000x16xf32, #tpu.memory_space<vmem>> -> memref<1x1000x16xf32, #tpu.memory_space<vmem>>
      %dma_start3A_195 = tpu.memref_squeeze %dma_start3A_194 : memref<1x1000x16xf32, #tpu.memory_space<vmem>> -> memref<1000x16xf32, #tpu.memory_space<vmem>>
      %dma_start3A_196 = arith.constant 0 : i32
      %dma_start3A_197 = tpu.memref_slice %arg8[%add3A_179, %dma_start3A_196] : memref<10x1000xi32, #tpu.memory_space<vmem>> -> memref<1x1000xi32, #tpu.memory_space<vmem>>
      %dma_start3A_198 = tpu.memref_squeeze %dma_start3A_197 : memref<1x1000xi32, #tpu.memory_space<vmem>> -> memref<1000xi32, #tpu.memory_space<vmem>>
      %dma_start3A_199 = arith.constant 0 : i32
      %dma_start3A_200 = arith.constant 0 : i32
      %dma_start3A_201 = tpu.memref_slice %arg10[%dma_start3A_199, %dma_start3A_200] : memref<10240x16xf32, #tpu.memory_space<vmem_shared>> -> memref<10240x16xf32, #tpu.memory_space<vmem_shared>>
      tpu.enqueue_indirect_dma source(%dma_start3A_195 : memref<1000x16xf32, #tpu.memory_space<vmem>>) target(%dma_start3A_201 : memref<10240x16xf32, #tpu.memory_space<vmem_shared>>) offsets(%dma_start3A_198 : memref<1000xi32, #tpu.memory_space<vmem>>) semaphore(%arg18 : memref<!tpu.dma_semaphore, #tpu.memory_space<semaphore_mem>>) {add = true}
      %add3A_202 = arith.constant 3 : i32
      %add3A_203 = arith.addi %mul3A_129, %add3A_202 : i32
      %dma_wait3A_204 = arith.constant 3 : i32
      %dma_wait3A_205 = arith.constant 0 : i32
      %dma_wait3A_206 = arith.constant 0 : i32
      %dma_wait3A_207 = tpu.memref_slice %arg9[%dma_wait3A_204, %dma_wait3A_205, %dma_wait3A_206] : memref<5x1000x16xf32, #tpu.memory_space<vmem>> -> memref<1x1000x16xf32, #tpu.memory_space<vmem>>
      %dma_wait3A_208 = tpu.memref_squeeze %dma_wait3A_207 : memref<1x1000x16xf32, #tpu.memory_space<vmem>> -> memref<1000x16xf32, #tpu.memory_space<vmem>>
      %dma_wait3A_209 = arith.constant 0 : i32
      %dma_wait3A_210 = tpu.memref_slice %arg7[%add3A_203, %dma_wait3A_209] : memref<10x1000xi32, #tpu.memory_space<vmem>> -> memref<1x1000xi32, #tpu.memory_space<vmem>>
      %dma_wait3A_211 = tpu.memref_squeeze %dma_wait3A_210 : memref<1x1000xi32, #tpu.memory_space<vmem>> -> memref<1000xi32, #tpu.memory_space<vmem>>
      %dma_wait3A_212 = arith.constant 0 : i32
      %dma_wait3A_213 = arith.constant 0 : i32
      %dma_wait3A_214 = tpu.memref_slice %arg2[%dma_wait3A_212, %dma_wait3A_213] : memref<10000x16xf32, #tpu.memory_space<hbm>> -> memref<10000x16xf32, #tpu.memory_space<hbm>>
      tpu.wait_indirect_dma semaphore(%arg14 : memref<!tpu.dma_semaphore, #tpu.memory_space<semaphore_mem>>) src(%dma_wait3A_214 : memref<10000x16xf32, #tpu.memory_space<hbm>>) dst(%dma_wait3A_208 : memref<1000x16xf32, #tpu.memory_space<vmem>>)
      %dma_start3A_215 = arith.constant 3 : i32
      %dma_start3A_216 = arith.constant 0 : i32
      %dma_start3A_217 = arith.constant 0 : i32
      %dma_start3A_218 = tpu.memref_slice %arg9[%dma_start3A_215, %dma_start3A_216, %dma_start3A_217] : memref<5x1000x16xf32, #tpu.memory_space<vmem>> -> memref<1x1000x16xf32, #tpu.memory_space<vmem>>
      %dma_start3A_219 = tpu.memref_squeeze %dma_start3A_218 : memref<1x1000x16xf32, #tpu.memory_space<vmem>> -> memref<1000x16xf32, #tpu.memory_space<vmem>>
      %dma_start3A_220 = arith.constant 0 : i32
      %dma_start3A_221 = tpu.memref_slice %arg8[%add3A_203, %dma_start3A_220] : memref<10x1000xi32, #tpu.memory_space<vmem>> -> memref<1x1000xi32, #tpu.memory_space<vmem>>
      %dma_start3A_222 = tpu.memref_squeeze %dma_start3A_221 : memref<1x1000xi32, #tpu.memory_space<vmem>> -> memref<1000xi32, #tpu.memory_space<vmem>>
      %dma_start3A_223 = arith.constant 0 : i32
      %dma_start3A_224 = arith.constant 0 : i32
      %dma_start3A_225 = tpu.memref_slice %arg10[%dma_start3A_223, %dma_start3A_224] : memref<10240x16xf32, #tpu.memory_space<vmem_shared>> -> memref<10240x16xf32, #tpu.memory_space<vmem_shared>>
      tpu.enqueue_indirect_dma source(%dma_start3A_219 : memref<1000x16xf32, #tpu.memory_space<vmem>>) target(%dma_start3A_225 : memref<10240x16xf32, #tpu.memory_space<vmem_shared>>) offsets(%dma_start3A_222 : memref<1000xi32, #tpu.memory_space<vmem>>) semaphore(%arg19 : memref<!tpu.dma_semaphore, #tpu.memory_space<semaphore_mem>>) {add = true}
      %add3A_226 = arith.constant 4 : i32
      %add3A_227 = arith.addi %mul3A_129, %add3A_226 : i32
      %dma_wait3A_228 = arith.constant 4 : i32
      %dma_wait3A_229 = arith.constant 0 : i32
      %dma_wait3A_230 = arith.constant 0 : i32
      %dma_wait3A_231 = tpu.memref_slice %arg9[%dma_wait3A_228, %dma_wait3A_229, %dma_wait3A_230] : memref<5x1000x16xf32, #tpu.memory_space<vmem>> -> memref<1x1000x16xf32, #tpu.memory_space<vmem>>
      %dma_wait3A_232 = tpu.memref_squeeze %dma_wait3A_231 : memref<1x1000x16xf32, #tpu.memory_space<vmem>> -> memref<1000x16xf32, #tpu.memory_space<vmem>>
      %dma_wait3A_233 = arith.constant 0 : i32
      %dma_wait3A_234 = tpu.memref_slice %arg7[%add3A_227, %dma_wait3A_233] : memref<10x1000xi32, #tpu.memory_space<vmem>> -> memref<1x1000xi32, #tpu.memory_space<vmem>>
      %dma_wait3A_235 = tpu.memref_squeeze %dma_wait3A_234 : memref<1x1000xi32, #tpu.memory_space<vmem>> -> memref<1000xi32, #tpu.memory_space<vmem>>
      %dma_wait3A_236 = arith.constant 0 : i32
      %dma_wait3A_237 = arith.constant 0 : i32
      %dma_wait3A_238 = tpu.memref_slice %arg2[%dma_wait3A_236, %dma_wait3A_237] : memref<10000x16xf32, #tpu.memory_space<hbm>> -> memref<10000x16xf32, #tpu.memory_space<hbm>>
      tpu.wait_indirect_dma semaphore(%arg15 : memref<!tpu.dma_semaphore, #tpu.memory_space<semaphore_mem>>) src(%dma_wait3A_238 : memref<10000x16xf32, #tpu.memory_space<hbm>>) dst(%dma_wait3A_232 : memref<1000x16xf32, #tpu.memory_space<vmem>>)
      %dma_start3A_239 = arith.constant 4 : i32
      %dma_start3A_240 = arith.constant 0 : i32
      %dma_start3A_241 = arith.constant 0 : i32
      %dma_start3A_242 = tpu.memref_slice %arg9[%dma_start3A_239, %dma_start3A_240, %dma_start3A_241] : memref<5x1000x16xf32, #tpu.memory_space<vmem>> -> memref<1x1000x16xf32, #tpu.memory_space<vmem>>
      %dma_start3A_243 = tpu.memref_squeeze %dma_start3A_242 : memref<1x1000x16xf32, #tpu.memory_space<vmem>> -> memref<1000x16xf32, #tpu.memory_space<vmem>>
      %dma_start3A_244 = arith.constant 0 : i32
      %dma_start3A_245 = tpu.memref_slice %arg8[%add3A_227, %dma_start3A_244] : memref<10x1000xi32, #tpu.memory_space<vmem>> -> memref<1x1000xi32, #tpu.memory_space<vmem>>
      %dma_start3A_246 = tpu.memref_squeeze %dma_start3A_245 : memref<1x1000xi32, #tpu.memory_space<vmem>> -> memref<1000xi32, #tpu.memory_space<vmem>>
      %dma_start3A_247 = arith.constant 0 : i32
      %dma_start3A_248 = arith.constant 0 : i32
      %dma_start3A_249 = tpu.memref_slice %arg10[%dma_start3A_247, %dma_start3A_248] : memref<10240x16xf32, #tpu.memory_space<vmem_shared>> -> memref<10240x16xf32, #tpu.memory_space<vmem_shared>>
      tpu.enqueue_indirect_dma source(%dma_start3A_243 : memref<1000x16xf32, #tpu.memory_space<vmem>>) target(%dma_start3A_249 : memref<10240x16xf32, #tpu.memory_space<vmem_shared>>) offsets(%dma_start3A_246 : memref<1000xi32, #tpu.memory_space<vmem>>) semaphore(%arg20 : memref<!tpu.dma_semaphore, #tpu.memory_space<semaphore_mem>>) {add = true}
      %add3A_250 = arith.constant 0 : i32
      %add3A_251 = arith.addi %mul3A_129, %add3A_250 : i32
      %add3A_252 = arith.constant 5 : i32
      %add3A_253 = arith.addi %add3A_251, %add3A_252 : i32
      %lt3A = arith.constant 10 : i32
      %lt3A_254 = arith.cmpi slt, %add3A_253, %lt3A : i32
      %convert_element_type3A = arith.extui %lt3A_254 : i1 to i32
      %cond3A = arith.constant 0 : i32
      %cond3A_255 = arith.cmpi ne, %convert_element_type3A, %cond3A : i32
      scf.if %cond3A_255 {
        %dma_wait3A_292 = arith.constant 0 : i32
        %dma_wait3A_293 = arith.constant 0 : i32
        %dma_wait3A_294 = arith.constant 0 : i32
        %dma_wait3A_295 = tpu.memref_slice %arg9[%dma_wait3A_292, %dma_wait3A_293, %dma_wait3A_294] : memref<5x1000x16xf32, #tpu.memory_space<vmem>> -> memref<1x1000x16xf32, #tpu.memory_space<vmem>>
        %dma_wait3A_296 = tpu.memref_squeeze %dma_wait3A_295 : memref<1x1000x16xf32, #tpu.memory_space<vmem>> -> memref<1000x16xf32, #tpu.memory_space<vmem>>
        %dma_wait3A_297 = arith.constant 0 : i32
        %dma_wait3A_298 = tpu.memref_slice %arg8[%add3A_251, %dma_wait3A_297] : memref<10x1000xi32, #tpu.memory_space<vmem>> -> memref<1x1000xi32, #tpu.memory_space<vmem>>
        %dma_wait3A_299 = tpu.memref_squeeze %dma_wait3A_298 : memref<1x1000xi32, #tpu.memory_space<vmem>> -> memref<1000xi32, #tpu.memory_space<vmem>>
        %dma_wait3A_300 = arith.constant 0 : i32
        %dma_wait3A_301 = arith.constant 0 : i32
        %dma_wait3A_302 = tpu.memref_slice %arg10[%dma_wait3A_300, %dma_wait3A_301] : memref<10240x16xf32, #tpu.memory_space<vmem_shared>> -> memref<10240x16xf32, #tpu.memory_space<vmem_shared>>
        tpu.wait_indirect_dma semaphore(%arg16 : memref<!tpu.dma_semaphore, #tpu.memory_space<semaphore_mem>>) src(%dma_wait3A_296 : memref<1000x16xf32, #tpu.memory_space<vmem>>) dst(%dma_wait3A_302 : memref<10240x16xf32, #tpu.memory_space<vmem_shared>>)
        %dma_start3A_303 = arith.constant 0 : i32
        %dma_start3A_304 = arith.constant 0 : i32
        %dma_start3A_305 = arith.constant 0 : i32
        %dma_start3A_306 = tpu.memref_slice %arg9[%dma_start3A_303, %dma_start3A_304, %dma_start3A_305] : memref<5x1000x16xf32, #tpu.memory_space<vmem>> -> memref<1x1000x16xf32, #tpu.memory_space<vmem>>
        %dma_start3A_307 = tpu.memref_squeeze %dma_start3A_306 : memref<1x1000x16xf32, #tpu.memory_space<vmem>> -> memref<1000x16xf32, #tpu.memory_space<vmem>>
        %dma_start3A_308 = arith.constant 0 : i32
        %dma_start3A_309 = tpu.memref_slice %arg7[%add3A_253, %dma_start3A_308] : memref<10x1000xi32, #tpu.memory_space<vmem>> -> memref<1x1000xi32, #tpu.memory_space<vmem>>
        %dma_start3A_310 = tpu.memref_squeeze %dma_start3A_309 : memref<1x1000xi32, #tpu.memory_space<vmem>> -> memref<1000xi32, #tpu.memory_space<vmem>>
        %dma_start3A_311 = arith.constant 0 : i32
        %dma_start3A_312 = arith.constant 0 : i32
        %dma_start3A_313 = tpu.memref_slice %arg2[%dma_start3A_311, %dma_start3A_312] : memref<10000x16xf32, #tpu.memory_space<hbm>> -> memref<10000x16xf32, #tpu.memory_space<hbm>>
        tpu.enqueue_indirect_dma source(%dma_start3A_313 : memref<10000x16xf32, #tpu.memory_space<hbm>>) target(%dma_start3A_307 : memref<1000x16xf32, #tpu.memory_space<vmem>>) offsets(%dma_start3A_310 : memref<1000xi32, #tpu.memory_space<vmem>>) semaphore(%arg11 : memref<!tpu.dma_semaphore, #tpu.memory_space<semaphore_mem>>)
      } else {
      }
      %add3A_256 = arith.constant 1 : i32
      %add3A_257 = arith.addi %mul3A_129, %add3A_256 : i32
      %add3A_258 = arith.constant 5 : i32
      %add3A_259 = arith.addi %add3A_257, %add3A_258 : i32
      %lt3A_260 = arith.constant 10 : i32
      %lt3A_261 = arith.cmpi slt, %add3A_259, %lt3A_260 : i32
      %convert_element_type3A_262 = arith.extui %lt3A_261 : i1 to i32
      %cond3A_263 = arith.constant 0 : i32
      %cond3A_264 = arith.cmpi ne, %convert_element_type3A_262, %cond3A_263 : i32
      scf.if %cond3A_264 {
        %dma_wait3A_292 = arith.constant 1 : i32
        %dma_wait3A_293 = arith.constant 0 : i32
        %dma_wait3A_294 = arith.constant 0 : i32
        %dma_wait3A_295 = tpu.memref_slice %arg9[%dma_wait3A_292, %dma_wait3A_293, %dma_wait3A_294] : memref<5x1000x16xf32, #tpu.memory_space<vmem>> -> memref<1x1000x16xf32, #tpu.memory_space<vmem>>
        %dma_wait3A_296 = tpu.memref_squeeze %dma_wait3A_295 : memref<1x1000x16xf32, #tpu.memory_space<vmem>> -> memref<1000x16xf32, #tpu.memory_space<vmem>>
        %dma_wait3A_297 = arith.constant 0 : i32
        %dma_wait3A_298 = tpu.memref_slice %arg8[%add3A_257, %dma_wait3A_297] : memref<10x1000xi32, #tpu.memory_space<vmem>> -> memref<1x1000xi32, #tpu.memory_space<vmem>>
        %dma_wait3A_299 = tpu.memref_squeeze %dma_wait3A_298 : memref<1x1000xi32, #tpu.memory_space<vmem>> -> memref<1000xi32, #tpu.memory_space<vmem>>
        %dma_wait3A_300 = arith.constant 0 : i32
        %dma_wait3A_301 = arith.constant 0 : i32
        %dma_wait3A_302 = tpu.memref_slice %arg10[%dma_wait3A_300, %dma_wait3A_301] : memref<10240x16xf32, #tpu.memory_space<vmem_shared>> -> memref<10240x16xf32, #tpu.memory_space<vmem_shared>>
        tpu.wait_indirect_dma semaphore(%arg17 : memref<!tpu.dma_semaphore, #tpu.memory_space<semaphore_mem>>) src(%dma_wait3A_296 : memref<1000x16xf32, #tpu.memory_space<vmem>>) dst(%dma_wait3A_302 : memref<10240x16xf32, #tpu.memory_space<vmem_shared>>)
        %dma_start3A_303 = arith.constant 1 : i32
        %dma_start3A_304 = arith.constant 0 : i32
        %dma_start3A_305 = arith.constant 0 : i32
        %dma_start3A_306 = tpu.memref_slice %arg9[%dma_start3A_303, %dma_start3A_304, %dma_start3A_305] : memref<5x1000x16xf32, #tpu.memory_space<vmem>> -> memref<1x1000x16xf32, #tpu.memory_space<vmem>>
        %dma_start3A_307 = tpu.memref_squeeze %dma_start3A_306 : memref<1x1000x16xf32, #tpu.memory_space<vmem>> -> memref<1000x16xf32, #tpu.memory_space<vmem>>
        %dma_start3A_308 = arith.constant 0 : i32
        %dma_start3A_309 = tpu.memref_slice %arg7[%add3A_259, %dma_start3A_308] : memref<10x1000xi32, #tpu.memory_space<vmem>> -> memref<1x1000xi32, #tpu.memory_space<vmem>>
        %dma_start3A_310 = tpu.memref_squeeze %dma_start3A_309 : memref<1x1000xi32, #tpu.memory_space<vmem>> -> memref<1000xi32, #tpu.memory_space<vmem>>
        %dma_start3A_311 = arith.constant 0 : i32
        %dma_start3A_312 = arith.constant 0 : i32
        %dma_start3A_313 = tpu.memref_slice %arg2[%dma_start3A_311, %dma_start3A_312] : memref<10000x16xf32, #tpu.memory_space<hbm>> -> memref<10000x16xf32, #tpu.memory_space<hbm>>
        tpu.enqueue_indirect_dma source(%dma_start3A_313 : memref<10000x16xf32, #tpu.memory_space<hbm>>) target(%dma_start3A_307 : memref<1000x16xf32, #tpu.memory_space<vmem>>) offsets(%dma_start3A_310 : memref<1000xi32, #tpu.memory_space<vmem>>) semaphore(%arg12 : memref<!tpu.dma_semaphore, #tpu.memory_space<semaphore_mem>>)
      } else {
      }
      %add3A_265 = arith.constant 2 : i32
      %add3A_266 = arith.addi %mul3A_129, %add3A_265 : i32
      %add3A_267 = arith.constant 5 : i32
      %add3A_268 = arith.addi %add3A_266, %add3A_267 : i32
      %lt3A_269 = arith.constant 10 : i32
      %lt3A_270 = arith.cmpi slt, %add3A_268, %lt3A_269 : i32
      %convert_element_type3A_271 = arith.extui %lt3A_270 : i1 to i32
      %cond3A_272 = arith.constant 0 : i32
      %cond3A_273 = arith.cmpi ne, %convert_element_type3A_271, %cond3A_272 : i32
      scf.if %cond3A_273 {
        %dma_wait3A_292 = arith.constant 2 : i32
        %dma_wait3A_293 = arith.constant 0 : i32
        %dma_wait3A_294 = arith.constant 0 : i32
        %dma_wait3A_295 = tpu.memref_slice %arg9[%dma_wait3A_292, %dma_wait3A_293, %dma_wait3A_294] : memref<5x1000x16xf32, #tpu.memory_space<vmem>> -> memref<1x1000x16xf32, #tpu.memory_space<vmem>>
        %dma_wait3A_296 = tpu.memref_squeeze %dma_wait3A_295 : memref<1x1000x16xf32, #tpu.memory_space<vmem>> -> memref<1000x16xf32, #tpu.memory_space<vmem>>
        %dma_wait3A_297 = arith.constant 0 : i32
        %dma_wait3A_298 = tpu.memref_slice %arg8[%add3A_266, %dma_wait3A_297] : memref<10x1000xi32, #tpu.memory_space<vmem>> -> memref<1x1000xi32, #tpu.memory_space<vmem>>
        %dma_wait3A_299 = tpu.memref_squeeze %dma_wait3A_298 : memref<1x1000xi32, #tpu.memory_space<vmem>> -> memref<1000xi32, #tpu.memory_space<vmem>>
        %dma_wait3A_300 = arith.constant 0 : i32
        %dma_wait3A_301 = arith.constant 0 : i32
        %dma_wait3A_302 = tpu.memref_slice %arg10[%dma_wait3A_300, %dma_wait3A_301] : memref<10240x16xf32, #tpu.memory_space<vmem_shared>> -> memref<10240x16xf32, #tpu.memory_space<vmem_shared>>
        tpu.wait_indirect_dma semaphore(%arg18 : memref<!tpu.dma_semaphore, #tpu.memory_space<semaphore_mem>>) src(%dma_wait3A_296 : memref<1000x16xf32, #tpu.memory_space<vmem>>) dst(%dma_wait3A_302 : memref<10240x16xf32, #tpu.memory_space<vmem_shared>>)
        %dma_start3A_303 = arith.constant 2 : i32
        %dma_start3A_304 = arith.constant 0 : i32
        %dma_start3A_305 = arith.constant 0 : i32
        %dma_start3A_306 = tpu.memref_slice %arg9[%dma_start3A_303, %dma_start3A_304, %dma_start3A_305] : memref<5x1000x16xf32, #tpu.memory_space<vmem>> -> memref<1x1000x16xf32, #tpu.memory_space<vmem>>
        %dma_start3A_307 = tpu.memref_squeeze %dma_start3A_306 : memref<1x1000x16xf32, #tpu.memory_space<vmem>> -> memref<1000x16xf32, #tpu.memory_space<vmem>>
        %dma_start3A_308 = arith.constant 0 : i32
        %dma_start3A_309 = tpu.memref_slice %arg7[%add3A_268, %dma_start3A_308] : memref<10x1000xi32, #tpu.memory_space<vmem>> -> memref<1x1000xi32, #tpu.memory_space<vmem>>
        %dma_start3A_310 = tpu.memref_squeeze %dma_start3A_309 : memref<1x1000xi32, #tpu.memory_space<vmem>> -> memref<1000xi32, #tpu.memory_space<vmem>>
        %dma_start3A_311 = arith.constant 0 : i32
        %dma_start3A_312 = arith.constant 0 : i32
        %dma_start3A_313 = tpu.memref_slice %arg2[%dma_start3A_311, %dma_start3A_312] : memref<10000x16xf32, #tpu.memory_space<hbm>> -> memref<10000x16xf32, #tpu.memory_space<hbm>>
        tpu.enqueue_indirect_dma source(%dma_start3A_313 : memref<10000x16xf32, #tpu.memory_space<hbm>>) target(%dma_start3A_307 : memref<1000x16xf32, #tpu.memory_space<vmem>>) offsets(%dma_start3A_310 : memref<1000xi32, #tpu.memory_space<vmem>>) semaphore(%arg13 : memref<!tpu.dma_semaphore, #tpu.memory_space<semaphore_mem>>)
      } else {
      }
      %add3A_274 = arith.constant 3 : i32
      %add3A_275 = arith.addi %mul3A_129, %add3A_274 : i32
      %add3A_276 = arith.constant 5 : i32
      %add3A_277 = arith.addi %add3A_275, %add3A_276 : i32
      %lt3A_278 = arith.constant 10 : i32
      %lt3A_279 = arith.cmpi slt, %add3A_277, %lt3A_278 : i32
      %convert_element_type3A_280 = arith.extui %lt3A_279 : i1 to i32
      %cond3A_281 = arith.constant 0 : i32
      %cond3A_282 = arith.cmpi ne, %convert_element_type3A_280, %cond3A_281 : i32
      scf.if %cond3A_282 {
        %dma_wait3A_292 = arith.constant 3 : i32
        %dma_wait3A_293 = arith.constant 0 : i32
        %dma_wait3A_294 = arith.constant 0 : i32
        %dma_wait3A_295 = tpu.memref_slice %arg9[%dma_wait3A_292, %dma_wait3A_293, %dma_wait3A_294] : memref<5x1000x16xf32, #tpu.memory_space<vmem>> -> memref<1x1000x16xf32, #tpu.memory_space<vmem>>
        %dma_wait3A_296 = tpu.memref_squeeze %dma_wait3A_295 : memref<1x1000x16xf32, #tpu.memory_space<vmem>> -> memref<1000x16xf32, #tpu.memory_space<vmem>>
        %dma_wait3A_297 = arith.constant 0 : i32
        %dma_wait3A_298 = tpu.memref_slice %arg8[%add3A_275, %dma_wait3A_297] : memref<10x1000xi32, #tpu.memory_space<vmem>> -> memref<1x1000xi32, #tpu.memory_space<vmem>>
        %dma_wait3A_299 = tpu.memref_squeeze %dma_wait3A_298 : memref<1x1000xi32, #tpu.memory_space<vmem>> -> memref<1000xi32, #tpu.memory_space<vmem>>
        %dma_wait3A_300 = arith.constant 0 : i32
        %dma_wait3A_301 = arith.constant 0 : i32
        %dma_wait3A_302 = tpu.memref_slice %arg10[%dma_wait3A_300, %dma_wait3A_301] : memref<10240x16xf32, #tpu.memory_space<vmem_shared>> -> memref<10240x16xf32, #tpu.memory_space<vmem_shared>>
        tpu.wait_indirect_dma semaphore(%arg19 : memref<!tpu.dma_semaphore, #tpu.memory_space<semaphore_mem>>) src(%dma_wait3A_296 : memref<1000x16xf32, #tpu.memory_space<vmem>>) dst(%dma_wait3A_302 : memref<10240x16xf32, #tpu.memory_space<vmem_shared>>)
        %dma_start3A_303 = arith.constant 3 : i32
        %dma_start3A_304 = arith.constant 0 : i32
        %dma_start3A_305 = arith.constant 0 : i32
        %dma_start3A_306 = tpu.memref_slice %arg9[%dma_start3A_303, %dma_start3A_304, %dma_start3A_305] : memref<5x1000x16xf32, #tpu.memory_space<vmem>> -> memref<1x1000x16xf32, #tpu.memory_space<vmem>>
        %dma_start3A_307 = tpu.memref_squeeze %dma_start3A_306 : memref<1x1000x16xf32, #tpu.memory_space<vmem>> -> memref<1000x16xf32, #tpu.memory_space<vmem>>
        %dma_start3A_308 = arith.constant 0 : i32
        %dma_start3A_309 = tpu.memref_slice %arg7[%add3A_277, %dma_start3A_308] : memref<10x1000xi32, #tpu.memory_space<vmem>> -> memref<1x1000xi32, #tpu.memory_space<vmem>>
        %dma_start3A_310 = tpu.memref_squeeze %dma_start3A_309 : memref<1x1000xi32, #tpu.memory_space<vmem>> -> memref<1000xi32, #tpu.memory_space<vmem>>
        %dma_start3A_311 = arith.constant 0 : i32
        %dma_start3A_312 = arith.constant 0 : i32
        %dma_start3A_313 = tpu.memref_slice %arg2[%dma_start3A_311, %dma_start3A_312] : memref<10000x16xf32, #tpu.memory_space<hbm>> -> memref<10000x16xf32, #tpu.memory_space<hbm>>
        tpu.enqueue_indirect_dma source(%dma_start3A_313 : memref<10000x16xf32, #tpu.memory_space<hbm>>) target(%dma_start3A_307 : memref<1000x16xf32, #tpu.memory_space<vmem>>) offsets(%dma_start3A_310 : memref<1000xi32, #tpu.memory_space<vmem>>) semaphore(%arg14 : memref<!tpu.dma_semaphore, #tpu.memory_space<semaphore_mem>>)
      } else {
      }
      %add3A_283 = arith.constant 4 : i32
      %add3A_284 = arith.addi %mul3A_129, %add3A_283 : i32
      %add3A_285 = arith.constant 5 : i32
      %add3A_286 = arith.addi %add3A_284, %add3A_285 : i32
      %lt3A_287 = arith.constant 10 : i32
      %lt3A_288 = arith.cmpi slt, %add3A_286, %lt3A_287 : i32
      %convert_element_type3A_289 = arith.extui %lt3A_288 : i1 to i32
      %cond3A_290 = arith.constant 0 : i32
      %cond3A_291 = arith.cmpi ne, %convert_element_type3A_289, %cond3A_290 : i32
      scf.if %cond3A_291 {
        %dma_wait3A_292 = arith.constant 4 : i32
        %dma_wait3A_293 = arith.constant 0 : i32
        %dma_wait3A_294 = arith.constant 0 : i32
        %dma_wait3A_295 = tpu.memref_slice %arg9[%dma_wait3A_292, %dma_wait3A_293, %dma_wait3A_294] : memref<5x1000x16xf32, #tpu.memory_space<vmem>> -> memref<1x1000x16xf32, #tpu.memory_space<vmem>>
        %dma_wait3A_296 = tpu.memref_squeeze %dma_wait3A_295 : memref<1x1000x16xf32, #tpu.memory_space<vmem>> -> memref<1000x16xf32, #tpu.memory_space<vmem>>
        %dma_wait3A_297 = arith.constant 0 : i32
        %dma_wait3A_298 = tpu.memref_slice %arg8[%add3A_284, %dma_wait3A_297] : memref<10x1000xi32, #tpu.memory_space<vmem>> -> memref<1x1000xi32, #tpu.memory_space<vmem>>
        %dma_wait3A_299 = tpu.memref_squeeze %dma_wait3A_298 : memref<1x1000xi32, #tpu.memory_space<vmem>> -> memref<1000xi32, #tpu.memory_space<vmem>>
        %dma_wait3A_300 = arith.constant 0 : i32
        %dma_wait3A_301 = arith.constant 0 : i32
        %dma_wait3A_302 = tpu.memref_slice %arg10[%dma_wait3A_300, %dma_wait3A_301] : memref<10240x16xf32, #tpu.memory_space<vmem_shared>> -> memref<10240x16xf32, #tpu.memory_space<vmem_shared>>
        tpu.wait_indirect_dma semaphore(%arg20 : memref<!tpu.dma_semaphore, #tpu.memory_space<semaphore_mem>>) src(%dma_wait3A_296 : memref<1000x16xf32, #tpu.memory_space<vmem>>) dst(%dma_wait3A_302 : memref<10240x16xf32, #tpu.memory_space<vmem_shared>>)
        %dma_start3A_303 = arith.constant 4 : i32
        %dma_start3A_304 = arith.constant 0 : i32
        %dma_start3A_305 = arith.constant 0 : i32
        %dma_start3A_306 = tpu.memref_slice %arg9[%dma_start3A_303, %dma_start3A_304, %dma_start3A_305] : memref<5x1000x16xf32, #tpu.memory_space<vmem>> -> memref<1x1000x16xf32, #tpu.memory_space<vmem>>
        %dma_start3A_307 = tpu.memref_squeeze %dma_start3A_306 : memref<1x1000x16xf32, #tpu.memory_space<vmem>> -> memref<1000x16xf32, #tpu.memory_space<vmem>>
        %dma_start3A_308 = arith.constant 0 : i32
        %dma_start3A_309 = tpu.memref_slice %arg7[%add3A_286, %dma_start3A_308] : memref<10x1000xi32, #tpu.memory_space<vmem>> -> memref<1x1000xi32, #tpu.memory_space<vmem>>
        %dma_start3A_310 = tpu.memref_squeeze %dma_start3A_309 : memref<1x1000xi32, #tpu.memory_space<vmem>> -> memref<1000xi32, #tpu.memory_space<vmem>>
        %dma_start3A_311 = arith.constant 0 : i32
        %dma_start3A_312 = arith.constant 0 : i32
        %dma_start3A_313 = tpu.memref_slice %arg2[%dma_start3A_311, %dma_start3A_312] : memref<10000x16xf32, #tpu.memory_space<hbm>> -> memref<10000x16xf32, #tpu.memory_space<hbm>>
        tpu.enqueue_indirect_dma source(%dma_start3A_313 : memref<10000x16xf32, #tpu.memory_space<hbm>>) target(%dma_start3A_307 : memref<1000x16xf32, #tpu.memory_space<vmem>>) offsets(%dma_start3A_310 : memref<1000xi32, #tpu.memory_space<vmem>>) semaphore(%arg15 : memref<!tpu.dma_semaphore, #tpu.memory_space<semaphore_mem>>)
      } else {
      }
    }
    %scan3A_66 = arith.constant 2 : i32
    %dma_wait3A = arith.constant 0 : i32
    %dma_wait3A_67 = arith.constant 5 : i32
    %dma_wait3A_68 = arith.constant 0 : i32
    %dma_wait3A_69 = arith.constant 0 : i32
    %dma_wait3A_70 = tpu.memref_slice %arg9[%dma_wait3A, %dma_wait3A_68, %dma_wait3A_69] : memref<5x1000x16xf32, #tpu.memory_space<vmem>> -> memref<1x1000x16xf32, #tpu.memory_space<vmem>>
    %dma_wait3A_71 = tpu.memref_squeeze %dma_wait3A_70 : memref<1x1000x16xf32, #tpu.memory_space<vmem>> -> memref<1000x16xf32, #tpu.memory_space<vmem>>
    %dma_wait3A_72 = arith.constant 0 : i32
    %dma_wait3A_73 = tpu.memref_slice %arg8[%dma_wait3A_67, %dma_wait3A_72] : memref<10x1000xi32, #tpu.memory_space<vmem>> -> memref<1x1000xi32, #tpu.memory_space<vmem>>
    %dma_wait3A_74 = tpu.memref_squeeze %dma_wait3A_73 : memref<1x1000xi32, #tpu.memory_space<vmem>> -> memref<1000xi32, #tpu.memory_space<vmem>>
    %dma_wait3A_75 = arith.constant 0 : i32
    %dma_wait3A_76 = arith.constant 0 : i32
    %dma_wait3A_77 = tpu.memref_slice %arg10[%dma_wait3A_75, %dma_wait3A_76] : memref<10240x16xf32, #tpu.memory_space<vmem_shared>> -> memref<10240x16xf32, #tpu.memory_space<vmem_shared>>
    tpu.wait_indirect_dma semaphore(%arg16 : memref<!tpu.dma_semaphore, #tpu.memory_space<semaphore_mem>>) src(%dma_wait3A_71 : memref<1000x16xf32, #tpu.memory_space<vmem>>) dst(%dma_wait3A_77 : memref<10240x16xf32, #tpu.memory_space<vmem_shared>>)
    %dma_wait3A_78 = arith.constant 1 : i32
    %dma_wait3A_79 = arith.constant 6 : i32
    %dma_wait3A_80 = arith.constant 0 : i32
    %dma_wait3A_81 = arith.constant 0 : i32
    %dma_wait3A_82 = tpu.memref_slice %arg9[%dma_wait3A_78, %dma_wait3A_80, %dma_wait3A_81] : memref<5x1000x16xf32, #tpu.memory_space<vmem>> -> memref<1x1000x16xf32, #tpu.memory_space<vmem>>
    %dma_wait3A_83 = tpu.memref_squeeze %dma_wait3A_82 : memref<1x1000x16xf32, #tpu.memory_space<vmem>> -> memref<1000x16xf32, #tpu.memory_space<vmem>>
    %dma_wait3A_84 = arith.constant 0 : i32
    %dma_wait3A_85 = tpu.memref_slice %arg8[%dma_wait3A_79, %dma_wait3A_84] : memref<10x1000xi32, #tpu.memory_space<vmem>> -> memref<1x1000xi32, #tpu.memory_space<vmem>>
    %dma_wait3A_86 = tpu.memref_squeeze %dma_wait3A_85 : memref<1x1000xi32, #tpu.memory_space<vmem>> -> memref<1000xi32, #tpu.memory_space<vmem>>
    %dma_wait3A_87 = arith.constant 0 : i32
    %dma_wait3A_88 = arith.constant 0 : i32
    %dma_wait3A_89 = tpu.memref_slice %arg10[%dma_wait3A_87, %dma_wait3A_88] : memref<10240x16xf32, #tpu.memory_space<vmem_shared>> -> memref<10240x16xf32, #tpu.memory_space<vmem_shared>>
    tpu.wait_indirect_dma semaphore(%arg17 : memref<!tpu.dma_semaphore, #tpu.memory_space<semaphore_mem>>) src(%dma_wait3A_83 : memref<1000x16xf32, #tpu.memory_space<vmem>>) dst(%dma_wait3A_89 : memref<10240x16xf32, #tpu.memory_space<vmem_shared>>)
    %dma_wait3A_90 = arith.constant 2 : i32
    %dma_wait3A_91 = arith.constant 7 : i32
    %dma_wait3A_92 = arith.constant 0 : i32
    %dma_wait3A_93 = arith.constant 0 : i32
    %dma_wait3A_94 = tpu.memref_slice %arg9[%dma_wait3A_90, %dma_wait3A_92, %dma_wait3A_93] : memref<5x1000x16xf32, #tpu.memory_space<vmem>> -> memref<1x1000x16xf32, #tpu.memory_space<vmem>>
    %dma_wait3A_95 = tpu.memref_squeeze %dma_wait3A_94 : memref<1x1000x16xf32, #tpu.memory_space<vmem>> -> memref<1000x16xf32, #tpu.memory_space<vmem>>
    %dma_wait3A_96 = arith.constant 0 : i32
    %dma_wait3A_97 = tpu.memref_slice %arg8[%dma_wait3A_91, %dma_wait3A_96] : memref<10x1000xi32, #tpu.memory_space<vmem>> -> memref<1x1000xi32, #tpu.memory_space<vmem>>
    %dma_wait3A_98 = tpu.memref_squeeze %dma_wait3A_97 : memref<1x1000xi32, #tpu.memory_space<vmem>> -> memref<1000xi32, #tpu.memory_space<vmem>>
    %dma_wait3A_99 = arith.constant 0 : i32
    %dma_wait3A_100 = arith.constant 0 : i32
    %dma_wait3A_101 = tpu.memref_slice %arg10[%dma_wait3A_99, %dma_wait3A_100] : memref<10240x16xf32, #tpu.memory_space<vmem_shared>> -> memref<10240x16xf32, #tpu.memory_space<vmem_shared>>
    tpu.wait_indirect_dma semaphore(%arg18 : memref<!tpu.dma_semaphore, #tpu.memory_space<semaphore_mem>>) src(%dma_wait3A_95 : memref<1000x16xf32, #tpu.memory_space<vmem>>) dst(%dma_wait3A_101 : memref<10240x16xf32, #tpu.memory_space<vmem_shared>>)
    %dma_wait3A_102 = arith.constant 3 : i32
    %dma_wait3A_103 = arith.constant 8 : i32
    %dma_wait3A_104 = arith.constant 0 : i32
    %dma_wait3A_105 = arith.constant 0 : i32
    %dma_wait3A_106 = tpu.memref_slice %arg9[%dma_wait3A_102, %dma_wait3A_104, %dma_wait3A_105] : memref<5x1000x16xf32, #tpu.memory_space<vmem>> -> memref<1x1000x16xf32, #tpu.memory_space<vmem>>
    %dma_wait3A_107 = tpu.memref_squeeze %dma_wait3A_106 : memref<1x1000x16xf32, #tpu.memory_space<vmem>> -> memref<1000x16xf32, #tpu.memory_space<vmem>>
    %dma_wait3A_108 = arith.constant 0 : i32
    %dma_wait3A_109 = tpu.memref_slice %arg8[%dma_wait3A_103, %dma_wait3A_108] : memref<10x1000xi32, #tpu.memory_space<vmem>> -> memref<1x1000xi32, #tpu.memory_space<vmem>>
    %dma_wait3A_110 = tpu.memref_squeeze %dma_wait3A_109 : memref<1x1000xi32, #tpu.memory_space<vmem>> -> memref<1000xi32, #tpu.memory_space<vmem>>
    %dma_wait3A_111 = arith.constant 0 : i32
    %dma_wait3A_112 = arith.constant 0 : i32
    %dma_wait3A_113 = tpu.memref_slice %arg10[%dma_wait3A_111, %dma_wait3A_112] : memref<10240x16xf32, #tpu.memory_space<vmem_shared>> -> memref<10240x16xf32, #tpu.memory_space<vmem_shared>>
    tpu.wait_indirect_dma semaphore(%arg19 : memref<!tpu.dma_semaphore, #tpu.memory_space<semaphore_mem>>) src(%dma_wait3A_107 : memref<1000x16xf32, #tpu.memory_space<vmem>>) dst(%dma_wait3A_113 : memref<10240x16xf32, #tpu.memory_space<vmem_shared>>)
    %dma_wait3A_114 = arith.constant 4 : i32
    %dma_wait3A_115 = arith.constant 9 : i32
    %dma_wait3A_116 = arith.constant 0 : i32
    %dma_wait3A_117 = arith.constant 0 : i32
    %dma_wait3A_118 = tpu.memref_slice %arg9[%dma_wait3A_114, %dma_wait3A_116, %dma_wait3A_117] : memref<5x1000x16xf32, #tpu.memory_space<vmem>> -> memref<1x1000x16xf32, #tpu.memory_space<vmem>>
    %dma_wait3A_119 = tpu.memref_squeeze %dma_wait3A_118 : memref<1x1000x16xf32, #tpu.memory_space<vmem>> -> memref<1000x16xf32, #tpu.memory_space<vmem>>
    %dma_wait3A_120 = arith.constant 0 : i32
    %dma_wait3A_121 = tpu.memref_slice %arg8[%dma_wait3A_115, %dma_wait3A_120] : memref<10x1000xi32, #tpu.memory_space<vmem>> -> memref<1x1000xi32, #tpu.memory_space<vmem>>
    %dma_wait3A_122 = tpu.memref_squeeze %dma_wait3A_121 : memref<1x1000xi32, #tpu.memory_space<vmem>> -> memref<1000xi32, #tpu.memory_space<vmem>>
    %dma_wait3A_123 = arith.constant 0 : i32
    %dma_wait3A_124 = arith.constant 0 : i32
    %dma_wait3A_125 = tpu.memref_slice %arg10[%dma_wait3A_123, %dma_wait3A_124] : memref<10240x16xf32, #tpu.memory_space<vmem_shared>> -> memref<10240x16xf32, #tpu.memory_space<vmem_shared>>
    tpu.wait_indirect_dma semaphore(%arg20 : memref<!tpu.dma_semaphore, #tpu.memory_space<semaphore_mem>>) src(%dma_wait3A_119 : memref<1000x16xf32, #tpu.memory_space<vmem>>) dst(%dma_wait3A_125 : memref<10240x16xf32, #tpu.memory_space<vmem_shared>>)
    %barrier3A_126 = arith.constant 0 : index
    tpu.barrier barrier_id(%barrier3A_126)
    "tpu.region"() ({
      %run_scoped3A = tpu.sem_alloc : memref<!tpu.dma_semaphore, #tpu.memory_space<semaphore_mem>>
      %dma_start3A_127 = arith.constant 0 : i32
      %dma_start3A_128 = tpu.memref_slice %arg6[%arg0, %mul3A_2, %dma_start3A_127] : memref<2x10240x16xf32, #tpu.memory_space<hbm>> -> memref<1x640x16xf32, #tpu.memory_space<hbm>>
      %dma_start3A_129 = tpu.memref_squeeze %dma_start3A_128 : memref<1x640x16xf32, #tpu.memory_space<hbm>> -> memref<640x16xf32, #tpu.memory_space<hbm>>
      %dma_start3A_130 = arith.constant 0 : i32
      %dma_start3A_131 = tpu.memref_slice %arg10[%mul3A_2, %dma_start3A_130] : memref<10240x16xf32, #tpu.memory_space<vmem_shared>> -> memref<640x16xf32, #tpu.memory_space<vmem_shared>>
      tpu.enqueue_dma source(%dma_start3A_131 : memref<640x16xf32, #tpu.memory_space<vmem_shared>>) target(%dma_start3A_129 : memref<640x16xf32, #tpu.memory_space<hbm>>) target_semaphore(%run_scoped3A : memref<!tpu.dma_semaphore, #tpu.memory_space<semaphore_mem>>)
      %dma_wait3A_132 = arith.constant 0 : i32
      %dma_wait3A_133 = tpu.memref_slice %arg6[%arg0, %mul3A_2, %dma_wait3A_132] : memref<2x10240x16xf32, #tpu.memory_space<hbm>> -> memref<1x640x16xf32, #tpu.memory_space<hbm>>
      %dma_wait3A_134 = tpu.memref_squeeze %dma_wait3A_133 : memref<1x640x16xf32, #tpu.memory_space<hbm>> -> memref<640x16xf32, #tpu.memory_space<hbm>>
      %dma_wait3A_135 = arith.constant 0 : i32
      %dma_wait3A_136 = tpu.memref_slice %arg10[%mul3A_2, %dma_wait3A_135] : memref<10240x16xf32, #tpu.memory_space<vmem_shared>> -> memref<640x16xf32, #tpu.memory_space<vmem_shared>>
      tpu.wait_dma2 semaphore(%run_scoped3A : memref<!tpu.dma_semaphore, #tpu.memory_space<semaphore_mem>>) src(%dma_wait3A_136 : memref<640x16xf32, #tpu.memory_space<vmem_shared>>) dst(%dma_wait3A_134 : memref<640x16xf32, #tpu.memory_space<hbm>>)
      tpu.yield
    }) : () -> ()
    return
  }
}

#map = affine_map<(d0, d1) -> (0, 0)>
#map1 = affine_map<(d0, d1) -> (0, 0, 0)>
module attributes {stable_mosaic.version = 14 : i64} {
  func.func @k(%arg0: i32, %arg1: i32, %arg2: memref<10000x32xf32, #tpu.memory_space<hbm>>, %arg3: memref<32x25x400xi32, #tpu.memory_space<hbm>>, %arg4: memref<32x25x400xi32, #tpu.memory_space<hbm>>, %arg5: memref<10240x32xf32, #tpu.memory_space<hbm>>, %arg6: memref<2x10240x32xf32, #tpu.memory_space<hbm>>, %arg7: memref<25x400xi32, #tpu.memory_space<vmem>>, %arg8: memref<25x400xi32, #tpu.memory_space<vmem>>, %arg9: memref<5x400x32xf32, #tpu.memory_space<vmem>>, %arg10: memref<10240x32xf32, #tpu.memory_space<vmem_shared>>, %arg11: memref<!tpu.dma_semaphore, #tpu.memory_space<semaphore_mem>>, %arg12: memref<!tpu.dma_semaphore, #tpu.memory_space<semaphore_mem>>, %arg13: memref<!tpu.dma_semaphore, #tpu.memory_space<semaphore_mem>>, %arg14: memref<!tpu.dma_semaphore, #tpu.memory_space<semaphore_mem>>, %arg15: memref<!tpu.dma_semaphore, #tpu.memory_space<semaphore_mem>>, %arg16: memref<!tpu.dma_semaphore, #tpu.memory_space<semaphore_mem>>, %arg17: memref<!tpu.dma_semaphore, #tpu.memory_space<semaphore_mem>>, %arg18: memref<!tpu.dma_semaphore, #tpu.memory_space<semaphore_mem>>, %arg19: memref<!tpu.dma_semaphore, #tpu.memory_space<semaphore_mem>>, %arg20: memref<!tpu.dma_semaphore, #tpu.memory_space<semaphore_mem>>) attributes {dimension_semantics = [#tpu.dimension_semantics<core_parallel>, #tpu.dimension_semantics<subcore_parallel>], iteration_bounds = array<i64: 2, 16>, scalar_prefetch = 0 : i64, scratch_operands = 14 : i64, tpu.core_type = #tpu.core_type<sc_vector_subcore>, window_params = [{transform_indices = #map}, {transform_indices = #map1}, {transform_indices = #map1}, {transform_indices = #map}, {transform_indices = #map1}]} {
    %mul3A = arith.constant 2 : i32
    %mul3A_0 = arith.muli %arg1, %mul3A : i32
    %add3A = arith.addi %mul3A_0, %arg0 : i32
    %mul3A_1 = arith.constant 640 : i32
    %mul3A_2 = arith.muli %arg1, %mul3A_1 : i32
    "tpu.region"() ({
      %run_scoped3A = tpu.sem_alloc : memref<!tpu.dma_semaphore, #tpu.memory_space<semaphore_mem>>
      %dma_start3A_127 = arith.constant 0 : i32
      %dma_start3A_128 = tpu.memref_slice %arg10[%mul3A_2, %dma_start3A_127] : memref<10240x32xf32, #tpu.memory_space<vmem_shared>> -> memref<640x32xf32, #tpu.memory_space<vmem_shared>>
      %dma_start3A_129 = arith.constant 0 : i32
      %dma_start3A_130 = tpu.memref_slice %arg5[%mul3A_2, %dma_start3A_129] : memref<10240x32xf32, #tpu.memory_space<hbm>> -> memref<640x32xf32, #tpu.memory_space<hbm>>
      tpu.enqueue_dma source(%dma_start3A_130 : memref<640x32xf32, #tpu.memory_space<hbm>>) target(%dma_start3A_128 : memref<640x32xf32, #tpu.memory_space<vmem_shared>>) target_semaphore(%run_scoped3A : memref<!tpu.dma_semaphore, #tpu.memory_space<semaphore_mem>>)
      %dma_wait3A_131 = arith.constant 0 : i32
      %dma_wait3A_132 = tpu.memref_slice %arg10[%mul3A_2, %dma_wait3A_131] : memref<10240x32xf32, #tpu.memory_space<vmem_shared>> -> memref<640x32xf32, #tpu.memory_space<vmem_shared>>
      %dma_wait3A_133 = arith.constant 0 : i32
      %dma_wait3A_134 = tpu.memref_slice %arg5[%mul3A_2, %dma_wait3A_133] : memref<10240x32xf32, #tpu.memory_space<hbm>> -> memref<640x32xf32, #tpu.memory_space<hbm>>
      tpu.wait_dma2 semaphore(%run_scoped3A : memref<!tpu.dma_semaphore, #tpu.memory_space<semaphore_mem>>) src(%dma_wait3A_134 : memref<640x32xf32, #tpu.memory_space<hbm>>) dst(%dma_wait3A_132 : memref<640x32xf32, #tpu.memory_space<vmem_shared>>)
      tpu.yield
    }) : () -> ()
    "tpu.region"() ({
      %run_scoped3A = tpu.sem_alloc : memref<!tpu.dma_semaphore, #tpu.memory_space<semaphore_mem>>
      %dma_start3A_127 = arith.constant 0 : i32
      %dma_start3A_128 = arith.constant 0 : i32
      %dma_start3A_129 = tpu.memref_slice %arg3[%add3A, %dma_start3A_127, %dma_start3A_128] : memref<32x25x400xi32, #tpu.memory_space<hbm>> -> memref<1x25x400xi32, #tpu.memory_space<hbm>>
      %dma_start3A_130 = tpu.memref_squeeze %dma_start3A_129 : memref<1x25x400xi32, #tpu.memory_space<hbm>> -> memref<25x400xi32, #tpu.memory_space<hbm>>
      %dma_start3A_131 = arith.constant 0 : i32
      %dma_start3A_132 = arith.constant 0 : i32
      %dma_start3A_133 = tpu.memref_slice %arg3[%add3A, %dma_start3A_131, %dma_start3A_132] : memref<32x25x400xi32, #tpu.memory_space<hbm>> -> memref<1x25x400xi32, #tpu.memory_space<hbm>>
      %dma_start3A_134 = tpu.memref_squeeze %dma_start3A_133 : memref<1x25x400xi32, #tpu.memory_space<hbm>> -> memref<25x400xi32, #tpu.memory_space<hbm>>
      tpu.enqueue_dma source(%dma_start3A_134 : memref<25x400xi32, #tpu.memory_space<hbm>>) target(%arg7 : memref<25x400xi32, #tpu.memory_space<vmem>>) target_semaphore(%run_scoped3A : memref<!tpu.dma_semaphore, #tpu.memory_space<semaphore_mem>>)
      %dma_wait3A_135 = arith.constant 0 : i32
      %dma_wait3A_136 = arith.constant 0 : i32
      %dma_wait3A_137 = tpu.memref_slice %arg3[%add3A, %dma_wait3A_135, %dma_wait3A_136] : memref<32x25x400xi32, #tpu.memory_space<hbm>> -> memref<1x25x400xi32, #tpu.memory_space<hbm>>
      %dma_wait3A_138 = tpu.memref_squeeze %dma_wait3A_137 : memref<1x25x400xi32, #tpu.memory_space<hbm>> -> memref<25x400xi32, #tpu.memory_space<hbm>>
      %dma_wait3A_139 = arith.constant 0 : i32
      %dma_wait3A_140 = arith.constant 0 : i32
      %dma_wait3A_141 = tpu.memref_slice %arg3[%add3A, %dma_wait3A_139, %dma_wait3A_140] : memref<32x25x400xi32, #tpu.memory_space<hbm>> -> memref<1x25x400xi32, #tpu.memory_space<hbm>>
      %dma_wait3A_142 = tpu.memref_squeeze %dma_wait3A_141 : memref<1x25x400xi32, #tpu.memory_space<hbm>> -> memref<25x400xi32, #tpu.memory_space<hbm>>
      tpu.wait_dma2 semaphore(%run_scoped3A : memref<!tpu.dma_semaphore, #tpu.memory_space<semaphore_mem>>) src(%dma_wait3A_142 : memref<25x400xi32, #tpu.memory_space<hbm>>) dst(%arg7 : memref<25x400xi32, #tpu.memory_space<vmem>>)
      tpu.yield
    }) : () -> ()
    "tpu.region"() ({
      %run_scoped3A = tpu.sem_alloc : memref<!tpu.dma_semaphore, #tpu.memory_space<semaphore_mem>>
      %dma_start3A_127 = arith.constant 0 : i32
      %dma_start3A_128 = arith.constant 0 : i32
      %dma_start3A_129 = tpu.memref_slice %arg4[%add3A, %dma_start3A_127, %dma_start3A_128] : memref<32x25x400xi32, #tpu.memory_space<hbm>> -> memref<1x25x400xi32, #tpu.memory_space<hbm>>
      %dma_start3A_130 = tpu.memref_squeeze %dma_start3A_129 : memref<1x25x400xi32, #tpu.memory_space<hbm>> -> memref<25x400xi32, #tpu.memory_space<hbm>>
      %dma_start3A_131 = arith.constant 0 : i32
      %dma_start3A_132 = arith.constant 0 : i32
      %dma_start3A_133 = tpu.memref_slice %arg4[%add3A, %dma_start3A_131, %dma_start3A_132] : memref<32x25x400xi32, #tpu.memory_space<hbm>> -> memref<1x25x400xi32, #tpu.memory_space<hbm>>
      %dma_start3A_134 = tpu.memref_squeeze %dma_start3A_133 : memref<1x25x400xi32, #tpu.memory_space<hbm>> -> memref<25x400xi32, #tpu.memory_space<hbm>>
      tpu.enqueue_dma source(%dma_start3A_134 : memref<25x400xi32, #tpu.memory_space<hbm>>) target(%arg8 : memref<25x400xi32, #tpu.memory_space<vmem>>) target_semaphore(%run_scoped3A : memref<!tpu.dma_semaphore, #tpu.memory_space<semaphore_mem>>)
      %dma_wait3A_135 = arith.constant 0 : i32
      %dma_wait3A_136 = arith.constant 0 : i32
      %dma_wait3A_137 = tpu.memref_slice %arg4[%add3A, %dma_wait3A_135, %dma_wait3A_136] : memref<32x25x400xi32, #tpu.memory_space<hbm>> -> memref<1x25x400xi32, #tpu.memory_space<hbm>>
      %dma_wait3A_138 = tpu.memref_squeeze %dma_wait3A_137 : memref<1x25x400xi32, #tpu.memory_space<hbm>> -> memref<25x400xi32, #tpu.memory_space<hbm>>
      %dma_wait3A_139 = arith.constant 0 : i32
      %dma_wait3A_140 = arith.constant 0 : i32
      %dma_wait3A_141 = tpu.memref_slice %arg4[%add3A, %dma_wait3A_139, %dma_wait3A_140] : memref<32x25x400xi32, #tpu.memory_space<hbm>> -> memref<1x25x400xi32, #tpu.memory_space<hbm>>
      %dma_wait3A_142 = tpu.memref_squeeze %dma_wait3A_141 : memref<1x25x400xi32, #tpu.memory_space<hbm>> -> memref<25x400xi32, #tpu.memory_space<hbm>>
      tpu.wait_dma2 semaphore(%run_scoped3A : memref<!tpu.dma_semaphore, #tpu.memory_space<semaphore_mem>>) src(%dma_wait3A_142 : memref<25x400xi32, #tpu.memory_space<hbm>>) dst(%arg8 : memref<25x400xi32, #tpu.memory_space<vmem>>)
      tpu.yield
    }) : () -> ()
    %barrier3A = arith.constant 0 : index
    tpu.barrier barrier_id(%barrier3A)
    %dma_start3A = arith.constant 0 : i32
    %dma_start3A_3 = arith.constant 0 : i32
    %dma_start3A_4 = arith.constant 0 : i32
    %dma_start3A_5 = arith.constant 0 : i32
    %dma_start3A_6 = tpu.memref_slice %arg9[%dma_start3A_3, %dma_start3A_4, %dma_start3A_5] : memref<5x400x32xf32, #tpu.memory_space<vmem>> -> memref<1x400x32xf32, #tpu.memory_space<vmem>>
    %dma_start3A_7 = tpu.memref_squeeze %dma_start3A_6 : memref<1x400x32xf32, #tpu.memory_space<vmem>> -> memref<400x32xf32, #tpu.memory_space<vmem>>
    %dma_start3A_8 = arith.constant 0 : i32
    %dma_start3A_9 = tpu.memref_slice %arg7[%dma_start3A, %dma_start3A_8] : memref<25x400xi32, #tpu.memory_space<vmem>> -> memref<1x400xi32, #tpu.memory_space<vmem>>
    %dma_start3A_10 = tpu.memref_squeeze %dma_start3A_9 : memref<1x400xi32, #tpu.memory_space<vmem>> -> memref<400xi32, #tpu.memory_space<vmem>>
    %dma_start3A_11 = arith.constant 0 : i32
    %dma_start3A_12 = arith.constant 0 : i32
    %dma_start3A_13 = tpu.memref_slice %arg2[%dma_start3A_11, %dma_start3A_12] : memref<10000x32xf32, #tpu.memory_space<hbm>> -> memref<10000x32xf32, #tpu.memory_space<hbm>>
    tpu.enqueue_indirect_dma source(%dma_start3A_13 : memref<10000x32xf32, #tpu.memory_space<hbm>>) target(%dma_start3A_7 : memref<400x32xf32, #tpu.memory_space<vmem>>) offsets(%dma_start3A_10 : memref<400xi32, #tpu.memory_space<vmem>>) semaphore(%arg11 : memref<!tpu.dma_semaphore, #tpu.memory_space<semaphore_mem>>)
    %dma_start3A_14 = arith.constant 1 : i32
    %dma_start3A_15 = arith.constant 1 : i32
    %dma_start3A_16 = arith.constant 0 : i32
    %dma_start3A_17 = arith.constant 0 : i32
    %dma_start3A_18 = tpu.memref_slice %arg9[%dma_start3A_15, %dma_start3A_16, %dma_start3A_17] : memref<5x400x32xf32, #tpu.memory_space<vmem>> -> memref<1x400x32xf32, #tpu.memory_space<vmem>>
    %dma_start3A_19 = tpu.memref_squeeze %dma_start3A_18 : memref<1x400x32xf32, #tpu.memory_space<vmem>> -> memref<400x32xf32, #tpu.memory_space<vmem>>
    %dma_start3A_20 = arith.constant 0 : i32
    %dma_start3A_21 = tpu.memref_slice %arg7[%dma_start3A_14, %dma_start3A_20] : memref<25x400xi32, #tpu.memory_space<vmem>> -> memref<1x400xi32, #tpu.memory_space<vmem>>
    %dma_start3A_22 = tpu.memref_squeeze %dma_start3A_21 : memref<1x400xi32, #tpu.memory_space<vmem>> -> memref<400xi32, #tpu.memory_space<vmem>>
    %dma_start3A_23 = arith.constant 0 : i32
    %dma_start3A_24 = arith.constant 0 : i32
    %dma_start3A_25 = tpu.memref_slice %arg2[%dma_start3A_23, %dma_start3A_24] : memref<10000x32xf32, #tpu.memory_space<hbm>> -> memref<10000x32xf32, #tpu.memory_space<hbm>>
    tpu.enqueue_indirect_dma source(%dma_start3A_25 : memref<10000x32xf32, #tpu.memory_space<hbm>>) target(%dma_start3A_19 : memref<400x32xf32, #tpu.memory_space<vmem>>) offsets(%dma_start3A_22 : memref<400xi32, #tpu.memory_space<vmem>>) semaphore(%arg12 : memref<!tpu.dma_semaphore, #tpu.memory_space<semaphore_mem>>)
    %dma_start3A_26 = arith.constant 2 : i32
    %dma_start3A_27 = arith.constant 2 : i32
    %dma_start3A_28 = arith.constant 0 : i32
    %dma_start3A_29 = arith.constant 0 : i32
    %dma_start3A_30 = tpu.memref_slice %arg9[%dma_start3A_27, %dma_start3A_28, %dma_start3A_29] : memref<5x400x32xf32, #tpu.memory_space<vmem>> -> memref<1x400x32xf32, #tpu.memory_space<vmem>>
    %dma_start3A_31 = tpu.memref_squeeze %dma_start3A_30 : memref<1x400x32xf32, #tpu.memory_space<vmem>> -> memref<400x32xf32, #tpu.memory_space<vmem>>
    %dma_start3A_32 = arith.constant 0 : i32
    %dma_start3A_33 = tpu.memref_slice %arg7[%dma_start3A_26, %dma_start3A_32] : memref<25x400xi32, #tpu.memory_space<vmem>> -> memref<1x400xi32, #tpu.memory_space<vmem>>
    %dma_start3A_34 = tpu.memref_squeeze %dma_start3A_33 : memref<1x400xi32, #tpu.memory_space<vmem>> -> memref<400xi32, #tpu.memory_space<vmem>>
    %dma_start3A_35 = arith.constant 0 : i32
    %dma_start3A_36 = arith.constant 0 : i32
    %dma_start3A_37 = tpu.memref_slice %arg2[%dma_start3A_35, %dma_start3A_36] : memref<10000x32xf32, #tpu.memory_space<hbm>> -> memref<10000x32xf32, #tpu.memory_space<hbm>>
    tpu.enqueue_indirect_dma source(%dma_start3A_37 : memref<10000x32xf32, #tpu.memory_space<hbm>>) target(%dma_start3A_31 : memref<400x32xf32, #tpu.memory_space<vmem>>) offsets(%dma_start3A_34 : memref<400xi32, #tpu.memory_space<vmem>>) semaphore(%arg13 : memref<!tpu.dma_semaphore, #tpu.memory_space<semaphore_mem>>)
    %dma_start3A_38 = arith.constant 3 : i32
    %dma_start3A_39 = arith.constant 3 : i32
    %dma_start3A_40 = arith.constant 0 : i32
    %dma_start3A_41 = arith.constant 0 : i32
    %dma_start3A_42 = tpu.memref_slice %arg9[%dma_start3A_39, %dma_start3A_40, %dma_start3A_41] : memref<5x400x32xf32, #tpu.memory_space<vmem>> -> memref<1x400x32xf32, #tpu.memory_space<vmem>>
    %dma_start3A_43 = tpu.memref_squeeze %dma_start3A_42 : memref<1x400x32xf32, #tpu.memory_space<vmem>> -> memref<400x32xf32, #tpu.memory_space<vmem>>
    %dma_start3A_44 = arith.constant 0 : i32
    %dma_start3A_45 = tpu.memref_slice %arg7[%dma_start3A_38, %dma_start3A_44] : memref<25x400xi32, #tpu.memory_space<vmem>> -> memref<1x400xi32, #tpu.memory_space<vmem>>
    %dma_start3A_46 = tpu.memref_squeeze %dma_start3A_45 : memref<1x400xi32, #tpu.memory_space<vmem>> -> memref<400xi32, #tpu.memory_space<vmem>>
    %dma_start3A_47 = arith.constant 0 : i32
    %dma_start3A_48 = arith.constant 0 : i32
    %dma_start3A_49 = tpu.memref_slice %arg2[%dma_start3A_47, %dma_start3A_48] : memref<10000x32xf32, #tpu.memory_space<hbm>> -> memref<10000x32xf32, #tpu.memory_space<hbm>>
    tpu.enqueue_indirect_dma source(%dma_start3A_49 : memref<10000x32xf32, #tpu.memory_space<hbm>>) target(%dma_start3A_43 : memref<400x32xf32, #tpu.memory_space<vmem>>) offsets(%dma_start3A_46 : memref<400xi32, #tpu.memory_space<vmem>>) semaphore(%arg14 : memref<!tpu.dma_semaphore, #tpu.memory_space<semaphore_mem>>)
    %dma_start3A_50 = arith.constant 4 : i32
    %dma_start3A_51 = arith.constant 4 : i32
    %dma_start3A_52 = arith.constant 0 : i32
    %dma_start3A_53 = arith.constant 0 : i32
    %dma_start3A_54 = tpu.memref_slice %arg9[%dma_start3A_51, %dma_start3A_52, %dma_start3A_53] : memref<5x400x32xf32, #tpu.memory_space<vmem>> -> memref<1x400x32xf32, #tpu.memory_space<vmem>>
    %dma_start3A_55 = tpu.memref_squeeze %dma_start3A_54 : memref<1x400x32xf32, #tpu.memory_space<vmem>> -> memref<400x32xf32, #tpu.memory_space<vmem>>
    %dma_start3A_56 = arith.constant 0 : i32
    %dma_start3A_57 = tpu.memref_slice %arg7[%dma_start3A_50, %dma_start3A_56] : memref<25x400xi32, #tpu.memory_space<vmem>> -> memref<1x400xi32, #tpu.memory_space<vmem>>
    %dma_start3A_58 = tpu.memref_squeeze %dma_start3A_57 : memref<1x400xi32, #tpu.memory_space<vmem>> -> memref<400xi32, #tpu.memory_space<vmem>>
    %dma_start3A_59 = arith.constant 0 : i32
    %dma_start3A_60 = arith.constant 0 : i32
    %dma_start3A_61 = tpu.memref_slice %arg2[%dma_start3A_59, %dma_start3A_60] : memref<10000x32xf32, #tpu.memory_space<hbm>> -> memref<10000x32xf32, #tpu.memory_space<hbm>>
    tpu.enqueue_indirect_dma source(%dma_start3A_61 : memref<10000x32xf32, #tpu.memory_space<hbm>>) target(%dma_start3A_55 : memref<400x32xf32, #tpu.memory_space<vmem>>) offsets(%dma_start3A_58 : memref<400xi32, #tpu.memory_space<vmem>>) semaphore(%arg15 : memref<!tpu.dma_semaphore, #tpu.memory_space<semaphore_mem>>)
    %scan3A = arith.constant 0 : i32
    %scan3A_62 = arith.constant 0 : i32
    %scan3A_63 = arith.constant 5 : i32
    %scan3A_64 = arith.addi %scan3A_62, %scan3A_63 : i32
    %scan3A_65 = arith.constant 1 : i32
    scf.for %scan3A_127 = %scan3A_62 to %scan3A_64 step %scan3A_65  : i32 {
      %mul3A_128 = arith.constant 5 : i32
      %mul3A_129 = arith.muli %mul3A_128, %scan3A_127 : i32
      %add3A_130 = arith.constant 0 : i32
      %add3A_131 = arith.addi %mul3A_129, %add3A_130 : i32
      %dma_wait3A_132 = arith.constant 0 : i32
      %dma_wait3A_133 = arith.constant 0 : i32
      %dma_wait3A_134 = arith.constant 0 : i32
      %dma_wait3A_135 = tpu.memref_slice %arg9[%dma_wait3A_132, %dma_wait3A_133, %dma_wait3A_134] : memref<5x400x32xf32, #tpu.memory_space<vmem>> -> memref<1x400x32xf32, #tpu.memory_space<vmem>>
      %dma_wait3A_136 = tpu.memref_squeeze %dma_wait3A_135 : memref<1x400x32xf32, #tpu.memory_space<vmem>> -> memref<400x32xf32, #tpu.memory_space<vmem>>
      %dma_wait3A_137 = arith.constant 0 : i32
      %dma_wait3A_138 = tpu.memref_slice %arg7[%add3A_131, %dma_wait3A_137] : memref<25x400xi32, #tpu.memory_space<vmem>> -> memref<1x400xi32, #tpu.memory_space<vmem>>
      %dma_wait3A_139 = tpu.memref_squeeze %dma_wait3A_138 : memref<1x400xi32, #tpu.memory_space<vmem>> -> memref<400xi32, #tpu.memory_space<vmem>>
      %dma_wait3A_140 = arith.constant 0 : i32
      %dma_wait3A_141 = arith.constant 0 : i32
      %dma_wait3A_142 = tpu.memref_slice %arg2[%dma_wait3A_140, %dma_wait3A_141] : memref<10000x32xf32, #tpu.memory_space<hbm>> -> memref<10000x32xf32, #tpu.memory_space<hbm>>
      tpu.wait_indirect_dma semaphore(%arg11 : memref<!tpu.dma_semaphore, #tpu.memory_space<semaphore_mem>>) src(%dma_wait3A_142 : memref<10000x32xf32, #tpu.memory_space<hbm>>) dst(%dma_wait3A_136 : memref<400x32xf32, #tpu.memory_space<vmem>>)
      %dma_start3A_143 = arith.constant 0 : i32
      %dma_start3A_144 = arith.constant 0 : i32
      %dma_start3A_145 = arith.constant 0 : i32
      %dma_start3A_146 = tpu.memref_slice %arg9[%dma_start3A_143, %dma_start3A_144, %dma_start3A_145] : memref<5x400x32xf32, #tpu.memory_space<vmem>> -> memref<1x400x32xf32, #tpu.memory_space<vmem>>
      %dma_start3A_147 = tpu.memref_squeeze %dma_start3A_146 : memref<1x400x32xf32, #tpu.memory_space<vmem>> -> memref<400x32xf32, #tpu.memory_space<vmem>>
      %dma_start3A_148 = arith.constant 0 : i32
      %dma_start3A_149 = tpu.memref_slice %arg8[%add3A_131, %dma_start3A_148] : memref<25x400xi32, #tpu.memory_space<vmem>> -> memref<1x400xi32, #tpu.memory_space<vmem>>
      %dma_start3A_150 = tpu.memref_squeeze %dma_start3A_149 : memref<1x400xi32, #tpu.memory_space<vmem>> -> memref<400xi32, #tpu.memory_space<vmem>>
      %dma_start3A_151 = arith.constant 0 : i32
      %dma_start3A_152 = arith.constant 0 : i32
      %dma_start3A_153 = tpu.memref_slice %arg10[%dma_start3A_151, %dma_start3A_152] : memref<10240x32xf32, #tpu.memory_space<vmem_shared>> -> memref<10240x32xf32, #tpu.memory_space<vmem_shared>>
      tpu.enqueue_indirect_dma source(%dma_start3A_147 : memref<400x32xf32, #tpu.memory_space<vmem>>) target(%dma_start3A_153 : memref<10240x32xf32, #tpu.memory_space<vmem_shared>>) offsets(%dma_start3A_150 : memref<400xi32, #tpu.memory_space<vmem>>) semaphore(%arg16 : memref<!tpu.dma_semaphore, #tpu.memory_space<semaphore_mem>>) {add = true}
      %add3A_154 = arith.constant 1 : i32
      %add3A_155 = arith.addi %mul3A_129, %add3A_154 : i32
      %dma_wait3A_156 = arith.constant 1 : i32
      %dma_wait3A_157 = arith.constant 0 : i32
      %dma_wait3A_158 = arith.constant 0 : i32
      %dma_wait3A_159 = tpu.memref_slice %arg9[%dma_wait3A_156, %dma_wait3A_157, %dma_wait3A_158] : memref<5x400x32xf32, #tpu.memory_space<vmem>> -> memref<1x400x32xf32, #tpu.memory_space<vmem>>
      %dma_wait3A_160 = tpu.memref_squeeze %dma_wait3A_159 : memref<1x400x32xf32, #tpu.memory_space<vmem>> -> memref<400x32xf32, #tpu.memory_space<vmem>>
      %dma_wait3A_161 = arith.constant 0 : i32
      %dma_wait3A_162 = tpu.memref_slice %arg7[%add3A_155, %dma_wait3A_161] : memref<25x400xi32, #tpu.memory_space<vmem>> -> memref<1x400xi32, #tpu.memory_space<vmem>>
      %dma_wait3A_163 = tpu.memref_squeeze %dma_wait3A_162 : memref<1x400xi32, #tpu.memory_space<vmem>> -> memref<400xi32, #tpu.memory_space<vmem>>
      %dma_wait3A_164 = arith.constant 0 : i32
      %dma_wait3A_165 = arith.constant 0 : i32
      %dma_wait3A_166 = tpu.memref_slice %arg2[%dma_wait3A_164, %dma_wait3A_165] : memref<10000x32xf32, #tpu.memory_space<hbm>> -> memref<10000x32xf32, #tpu.memory_space<hbm>>
      tpu.wait_indirect_dma semaphore(%arg12 : memref<!tpu.dma_semaphore, #tpu.memory_space<semaphore_mem>>) src(%dma_wait3A_166 : memref<10000x32xf32, #tpu.memory_space<hbm>>) dst(%dma_wait3A_160 : memref<400x32xf32, #tpu.memory_space<vmem>>)
      %dma_start3A_167 = arith.constant 1 : i32
      %dma_start3A_168 = arith.constant 0 : i32
      %dma_start3A_169 = arith.constant 0 : i32
      %dma_start3A_170 = tpu.memref_slice %arg9[%dma_start3A_167, %dma_start3A_168, %dma_start3A_169] : memref<5x400x32xf32, #tpu.memory_space<vmem>> -> memref<1x400x32xf32, #tpu.memory_space<vmem>>
      %dma_start3A_171 = tpu.memref_squeeze %dma_start3A_170 : memref<1x400x32xf32, #tpu.memory_space<vmem>> -> memref<400x32xf32, #tpu.memory_space<vmem>>
      %dma_start3A_172 = arith.constant 0 : i32
      %dma_start3A_173 = tpu.memref_slice %arg8[%add3A_155, %dma_start3A_172] : memref<25x400xi32, #tpu.memory_space<vmem>> -> memref<1x400xi32, #tpu.memory_space<vmem>>
      %dma_start3A_174 = tpu.memref_squeeze %dma_start3A_173 : memref<1x400xi32, #tpu.memory_space<vmem>> -> memref<400xi32, #tpu.memory_space<vmem>>
      %dma_start3A_175 = arith.constant 0 : i32
      %dma_start3A_176 = arith.constant 0 : i32
      %dma_start3A_177 = tpu.memref_slice %arg10[%dma_start3A_175, %dma_start3A_176] : memref<10240x32xf32, #tpu.memory_space<vmem_shared>> -> memref<10240x32xf32, #tpu.memory_space<vmem_shared>>
      tpu.enqueue_indirect_dma source(%dma_start3A_171 : memref<400x32xf32, #tpu.memory_space<vmem>>) target(%dma_start3A_177 : memref<10240x32xf32, #tpu.memory_space<vmem_shared>>) offsets(%dma_start3A_174 : memref<400xi32, #tpu.memory_space<vmem>>) semaphore(%arg17 : memref<!tpu.dma_semaphore, #tpu.memory_space<semaphore_mem>>) {add = true}
      %add3A_178 = arith.constant 2 : i32
      %add3A_179 = arith.addi %mul3A_129, %add3A_178 : i32
      %dma_wait3A_180 = arith.constant 2 : i32
      %dma_wait3A_181 = arith.constant 0 : i32
      %dma_wait3A_182 = arith.constant 0 : i32
      %dma_wait3A_183 = tpu.memref_slice %arg9[%dma_wait3A_180, %dma_wait3A_181, %dma_wait3A_182] : memref<5x400x32xf32, #tpu.memory_space<vmem>> -> memref<1x400x32xf32, #tpu.memory_space<vmem>>
      %dma_wait3A_184 = tpu.memref_squeeze %dma_wait3A_183 : memref<1x400x32xf32, #tpu.memory_space<vmem>> -> memref<400x32xf32, #tpu.memory_space<vmem>>
      %dma_wait3A_185 = arith.constant 0 : i32
      %dma_wait3A_186 = tpu.memref_slice %arg7[%add3A_179, %dma_wait3A_185] : memref<25x400xi32, #tpu.memory_space<vmem>> -> memref<1x400xi32, #tpu.memory_space<vmem>>
      %dma_wait3A_187 = tpu.memref_squeeze %dma_wait3A_186 : memref<1x400xi32, #tpu.memory_space<vmem>> -> memref<400xi32, #tpu.memory_space<vmem>>
      %dma_wait3A_188 = arith.constant 0 : i32
      %dma_wait3A_189 = arith.constant 0 : i32
      %dma_wait3A_190 = tpu.memref_slice %arg2[%dma_wait3A_188, %dma_wait3A_189] : memref<10000x32xf32, #tpu.memory_space<hbm>> -> memref<10000x32xf32, #tpu.memory_space<hbm>>
      tpu.wait_indirect_dma semaphore(%arg13 : memref<!tpu.dma_semaphore, #tpu.memory_space<semaphore_mem>>) src(%dma_wait3A_190 : memref<10000x32xf32, #tpu.memory_space<hbm>>) dst(%dma_wait3A_184 : memref<400x32xf32, #tpu.memory_space<vmem>>)
      %dma_start3A_191 = arith.constant 2 : i32
      %dma_start3A_192 = arith.constant 0 : i32
      %dma_start3A_193 = arith.constant 0 : i32
      %dma_start3A_194 = tpu.memref_slice %arg9[%dma_start3A_191, %dma_start3A_192, %dma_start3A_193] : memref<5x400x32xf32, #tpu.memory_space<vmem>> -> memref<1x400x32xf32, #tpu.memory_space<vmem>>
      %dma_start3A_195 = tpu.memref_squeeze %dma_start3A_194 : memref<1x400x32xf32, #tpu.memory_space<vmem>> -> memref<400x32xf32, #tpu.memory_space<vmem>>
      %dma_start3A_196 = arith.constant 0 : i32
      %dma_start3A_197 = tpu.memref_slice %arg8[%add3A_179, %dma_start3A_196] : memref<25x400xi32, #tpu.memory_space<vmem>> -> memref<1x400xi32, #tpu.memory_space<vmem>>
      %dma_start3A_198 = tpu.memref_squeeze %dma_start3A_197 : memref<1x400xi32, #tpu.memory_space<vmem>> -> memref<400xi32, #tpu.memory_space<vmem>>
      %dma_start3A_199 = arith.constant 0 : i32
      %dma_start3A_200 = arith.constant 0 : i32
      %dma_start3A_201 = tpu.memref_slice %arg10[%dma_start3A_199, %dma_start3A_200] : memref<10240x32xf32, #tpu.memory_space<vmem_shared>> -> memref<10240x32xf32, #tpu.memory_space<vmem_shared>>
      tpu.enqueue_indirect_dma source(%dma_start3A_195 : memref<400x32xf32, #tpu.memory_space<vmem>>) target(%dma_start3A_201 : memref<10240x32xf32, #tpu.memory_space<vmem_shared>>) offsets(%dma_start3A_198 : memref<400xi32, #tpu.memory_space<vmem>>) semaphore(%arg18 : memref<!tpu.dma_semaphore, #tpu.memory_space<semaphore_mem>>) {add = true}
      %add3A_202 = arith.constant 3 : i32
      %add3A_203 = arith.addi %mul3A_129, %add3A_202 : i32
      %dma_wait3A_204 = arith.constant 3 : i32
      %dma_wait3A_205 = arith.constant 0 : i32
      %dma_wait3A_206 = arith.constant 0 : i32
      %dma_wait3A_207 = tpu.memref_slice %arg9[%dma_wait3A_204, %dma_wait3A_205, %dma_wait3A_206] : memref<5x400x32xf32, #tpu.memory_space<vmem>> -> memref<1x400x32xf32, #tpu.memory_space<vmem>>
      %dma_wait3A_208 = tpu.memref_squeeze %dma_wait3A_207 : memref<1x400x32xf32, #tpu.memory_space<vmem>> -> memref<400x32xf32, #tpu.memory_space<vmem>>
      %dma_wait3A_209 = arith.constant 0 : i32
      %dma_wait3A_210 = tpu.memref_slice %arg7[%add3A_203, %dma_wait3A_209] : memref<25x400xi32, #tpu.memory_space<vmem>> -> memref<1x400xi32, #tpu.memory_space<vmem>>
      %dma_wait3A_211 = tpu.memref_squeeze %dma_wait3A_210 : memref<1x400xi32, #tpu.memory_space<vmem>> -> memref<400xi32, #tpu.memory_space<vmem>>
      %dma_wait3A_212 = arith.constant 0 : i32
      %dma_wait3A_213 = arith.constant 0 : i32
      %dma_wait3A_214 = tpu.memref_slice %arg2[%dma_wait3A_212, %dma_wait3A_213] : memref<10000x32xf32, #tpu.memory_space<hbm>> -> memref<10000x32xf32, #tpu.memory_space<hbm>>
      tpu.wait_indirect_dma semaphore(%arg14 : memref<!tpu.dma_semaphore, #tpu.memory_space<semaphore_mem>>) src(%dma_wait3A_214 : memref<10000x32xf32, #tpu.memory_space<hbm>>) dst(%dma_wait3A_208 : memref<400x32xf32, #tpu.memory_space<vmem>>)
      %dma_start3A_215 = arith.constant 3 : i32
      %dma_start3A_216 = arith.constant 0 : i32
      %dma_start3A_217 = arith.constant 0 : i32
      %dma_start3A_218 = tpu.memref_slice %arg9[%dma_start3A_215, %dma_start3A_216, %dma_start3A_217] : memref<5x400x32xf32, #tpu.memory_space<vmem>> -> memref<1x400x32xf32, #tpu.memory_space<vmem>>
      %dma_start3A_219 = tpu.memref_squeeze %dma_start3A_218 : memref<1x400x32xf32, #tpu.memory_space<vmem>> -> memref<400x32xf32, #tpu.memory_space<vmem>>
      %dma_start3A_220 = arith.constant 0 : i32
      %dma_start3A_221 = tpu.memref_slice %arg8[%add3A_203, %dma_start3A_220] : memref<25x400xi32, #tpu.memory_space<vmem>> -> memref<1x400xi32, #tpu.memory_space<vmem>>
      %dma_start3A_222 = tpu.memref_squeeze %dma_start3A_221 : memref<1x400xi32, #tpu.memory_space<vmem>> -> memref<400xi32, #tpu.memory_space<vmem>>
      %dma_start3A_223 = arith.constant 0 : i32
      %dma_start3A_224 = arith.constant 0 : i32
      %dma_start3A_225 = tpu.memref_slice %arg10[%dma_start3A_223, %dma_start3A_224] : memref<10240x32xf32, #tpu.memory_space<vmem_shared>> -> memref<10240x32xf32, #tpu.memory_space<vmem_shared>>
      tpu.enqueue_indirect_dma source(%dma_start3A_219 : memref<400x32xf32, #tpu.memory_space<vmem>>) target(%dma_start3A_225 : memref<10240x32xf32, #tpu.memory_space<vmem_shared>>) offsets(%dma_start3A_222 : memref<400xi32, #tpu.memory_space<vmem>>) semaphore(%arg19 : memref<!tpu.dma_semaphore, #tpu.memory_space<semaphore_mem>>) {add = true}
      %add3A_226 = arith.constant 4 : i32
      %add3A_227 = arith.addi %mul3A_129, %add3A_226 : i32
      %dma_wait3A_228 = arith.constant 4 : i32
      %dma_wait3A_229 = arith.constant 0 : i32
      %dma_wait3A_230 = arith.constant 0 : i32
      %dma_wait3A_231 = tpu.memref_slice %arg9[%dma_wait3A_228, %dma_wait3A_229, %dma_wait3A_230] : memref<5x400x32xf32, #tpu.memory_space<vmem>> -> memref<1x400x32xf32, #tpu.memory_space<vmem>>
      %dma_wait3A_232 = tpu.memref_squeeze %dma_wait3A_231 : memref<1x400x32xf32, #tpu.memory_space<vmem>> -> memref<400x32xf32, #tpu.memory_space<vmem>>
      %dma_wait3A_233 = arith.constant 0 : i32
      %dma_wait3A_234 = tpu.memref_slice %arg7[%add3A_227, %dma_wait3A_233] : memref<25x400xi32, #tpu.memory_space<vmem>> -> memref<1x400xi32, #tpu.memory_space<vmem>>
      %dma_wait3A_235 = tpu.memref_squeeze %dma_wait3A_234 : memref<1x400xi32, #tpu.memory_space<vmem>> -> memref<400xi32, #tpu.memory_space<vmem>>
      %dma_wait3A_236 = arith.constant 0 : i32
      %dma_wait3A_237 = arith.constant 0 : i32
      %dma_wait3A_238 = tpu.memref_slice %arg2[%dma_wait3A_236, %dma_wait3A_237] : memref<10000x32xf32, #tpu.memory_space<hbm>> -> memref<10000x32xf32, #tpu.memory_space<hbm>>
      tpu.wait_indirect_dma semaphore(%arg15 : memref<!tpu.dma_semaphore, #tpu.memory_space<semaphore_mem>>) src(%dma_wait3A_238 : memref<10000x32xf32, #tpu.memory_space<hbm>>) dst(%dma_wait3A_232 : memref<400x32xf32, #tpu.memory_space<vmem>>)
      %dma_start3A_239 = arith.constant 4 : i32
      %dma_start3A_240 = arith.constant 0 : i32
      %dma_start3A_241 = arith.constant 0 : i32
      %dma_start3A_242 = tpu.memref_slice %arg9[%dma_start3A_239, %dma_start3A_240, %dma_start3A_241] : memref<5x400x32xf32, #tpu.memory_space<vmem>> -> memref<1x400x32xf32, #tpu.memory_space<vmem>>
      %dma_start3A_243 = tpu.memref_squeeze %dma_start3A_242 : memref<1x400x32xf32, #tpu.memory_space<vmem>> -> memref<400x32xf32, #tpu.memory_space<vmem>>
      %dma_start3A_244 = arith.constant 0 : i32
      %dma_start3A_245 = tpu.memref_slice %arg8[%add3A_227, %dma_start3A_244] : memref<25x400xi32, #tpu.memory_space<vmem>> -> memref<1x400xi32, #tpu.memory_space<vmem>>
      %dma_start3A_246 = tpu.memref_squeeze %dma_start3A_245 : memref<1x400xi32, #tpu.memory_space<vmem>> -> memref<400xi32, #tpu.memory_space<vmem>>
      %dma_start3A_247 = arith.constant 0 : i32
      %dma_start3A_248 = arith.constant 0 : i32
      %dma_start3A_249 = tpu.memref_slice %arg10[%dma_start3A_247, %dma_start3A_248] : memref<10240x32xf32, #tpu.memory_space<vmem_shared>> -> memref<10240x32xf32, #tpu.memory_space<vmem_shared>>
      tpu.enqueue_indirect_dma source(%dma_start3A_243 : memref<400x32xf32, #tpu.memory_space<vmem>>) target(%dma_start3A_249 : memref<10240x32xf32, #tpu.memory_space<vmem_shared>>) offsets(%dma_start3A_246 : memref<400xi32, #tpu.memory_space<vmem>>) semaphore(%arg20 : memref<!tpu.dma_semaphore, #tpu.memory_space<semaphore_mem>>) {add = true}
      %add3A_250 = arith.constant 0 : i32
      %add3A_251 = arith.addi %mul3A_129, %add3A_250 : i32
      %add3A_252 = arith.constant 5 : i32
      %add3A_253 = arith.addi %add3A_251, %add3A_252 : i32
      %lt3A = arith.constant 25 : i32
      %lt3A_254 = arith.cmpi slt, %add3A_253, %lt3A : i32
      %convert_element_type3A = arith.extui %lt3A_254 : i1 to i32
      %cond3A = arith.constant 0 : i32
      %cond3A_255 = arith.cmpi ne, %convert_element_type3A, %cond3A : i32
      scf.if %cond3A_255 {
        %dma_wait3A_292 = arith.constant 0 : i32
        %dma_wait3A_293 = arith.constant 0 : i32
        %dma_wait3A_294 = arith.constant 0 : i32
        %dma_wait3A_295 = tpu.memref_slice %arg9[%dma_wait3A_292, %dma_wait3A_293, %dma_wait3A_294] : memref<5x400x32xf32, #tpu.memory_space<vmem>> -> memref<1x400x32xf32, #tpu.memory_space<vmem>>
        %dma_wait3A_296 = tpu.memref_squeeze %dma_wait3A_295 : memref<1x400x32xf32, #tpu.memory_space<vmem>> -> memref<400x32xf32, #tpu.memory_space<vmem>>
        %dma_wait3A_297 = arith.constant 0 : i32
        %dma_wait3A_298 = tpu.memref_slice %arg8[%add3A_251, %dma_wait3A_297] : memref<25x400xi32, #tpu.memory_space<vmem>> -> memref<1x400xi32, #tpu.memory_space<vmem>>
        %dma_wait3A_299 = tpu.memref_squeeze %dma_wait3A_298 : memref<1x400xi32, #tpu.memory_space<vmem>> -> memref<400xi32, #tpu.memory_space<vmem>>
        %dma_wait3A_300 = arith.constant 0 : i32
        %dma_wait3A_301 = arith.constant 0 : i32
        %dma_wait3A_302 = tpu.memref_slice %arg10[%dma_wait3A_300, %dma_wait3A_301] : memref<10240x32xf32, #tpu.memory_space<vmem_shared>> -> memref<10240x32xf32, #tpu.memory_space<vmem_shared>>
        tpu.wait_indirect_dma semaphore(%arg16 : memref<!tpu.dma_semaphore, #tpu.memory_space<semaphore_mem>>) src(%dma_wait3A_296 : memref<400x32xf32, #tpu.memory_space<vmem>>) dst(%dma_wait3A_302 : memref<10240x32xf32, #tpu.memory_space<vmem_shared>>)
        %dma_start3A_303 = arith.constant 0 : i32
        %dma_start3A_304 = arith.constant 0 : i32
        %dma_start3A_305 = arith.constant 0 : i32
        %dma_start3A_306 = tpu.memref_slice %arg9[%dma_start3A_303, %dma_start3A_304, %dma_start3A_305] : memref<5x400x32xf32, #tpu.memory_space<vmem>> -> memref<1x400x32xf32, #tpu.memory_space<vmem>>
        %dma_start3A_307 = tpu.memref_squeeze %dma_start3A_306 : memref<1x400x32xf32, #tpu.memory_space<vmem>> -> memref<400x32xf32, #tpu.memory_space<vmem>>
        %dma_start3A_308 = arith.constant 0 : i32
        %dma_start3A_309 = tpu.memref_slice %arg7[%add3A_253, %dma_start3A_308] : memref<25x400xi32, #tpu.memory_space<vmem>> -> memref<1x400xi32, #tpu.memory_space<vmem>>
        %dma_start3A_310 = tpu.memref_squeeze %dma_start3A_309 : memref<1x400xi32, #tpu.memory_space<vmem>> -> memref<400xi32, #tpu.memory_space<vmem>>
        %dma_start3A_311 = arith.constant 0 : i32
        %dma_start3A_312 = arith.constant 0 : i32
        %dma_start3A_313 = tpu.memref_slice %arg2[%dma_start3A_311, %dma_start3A_312] : memref<10000x32xf32, #tpu.memory_space<hbm>> -> memref<10000x32xf32, #tpu.memory_space<hbm>>
        tpu.enqueue_indirect_dma source(%dma_start3A_313 : memref<10000x32xf32, #tpu.memory_space<hbm>>) target(%dma_start3A_307 : memref<400x32xf32, #tpu.memory_space<vmem>>) offsets(%dma_start3A_310 : memref<400xi32, #tpu.memory_space<vmem>>) semaphore(%arg11 : memref<!tpu.dma_semaphore, #tpu.memory_space<semaphore_mem>>)
      } else {
      }
      %add3A_256 = arith.constant 1 : i32
      %add3A_257 = arith.addi %mul3A_129, %add3A_256 : i32
      %add3A_258 = arith.constant 5 : i32
      %add3A_259 = arith.addi %add3A_257, %add3A_258 : i32
      %lt3A_260 = arith.constant 25 : i32
      %lt3A_261 = arith.cmpi slt, %add3A_259, %lt3A_260 : i32
      %convert_element_type3A_262 = arith.extui %lt3A_261 : i1 to i32
      %cond3A_263 = arith.constant 0 : i32
      %cond3A_264 = arith.cmpi ne, %convert_element_type3A_262, %cond3A_263 : i32
      scf.if %cond3A_264 {
        %dma_wait3A_292 = arith.constant 1 : i32
        %dma_wait3A_293 = arith.constant 0 : i32
        %dma_wait3A_294 = arith.constant 0 : i32
        %dma_wait3A_295 = tpu.memref_slice %arg9[%dma_wait3A_292, %dma_wait3A_293, %dma_wait3A_294] : memref<5x400x32xf32, #tpu.memory_space<vmem>> -> memref<1x400x32xf32, #tpu.memory_space<vmem>>
        %dma_wait3A_296 = tpu.memref_squeeze %dma_wait3A_295 : memref<1x400x32xf32, #tpu.memory_space<vmem>> -> memref<400x32xf32, #tpu.memory_space<vmem>>
        %dma_wait3A_297 = arith.constant 0 : i32
        %dma_wait3A_298 = tpu.memref_slice %arg8[%add3A_257, %dma_wait3A_297] : memref<25x400xi32, #tpu.memory_space<vmem>> -> memref<1x400xi32, #tpu.memory_space<vmem>>
        %dma_wait3A_299 = tpu.memref_squeeze %dma_wait3A_298 : memref<1x400xi32, #tpu.memory_space<vmem>> -> memref<400xi32, #tpu.memory_space<vmem>>
        %dma_wait3A_300 = arith.constant 0 : i32
        %dma_wait3A_301 = arith.constant 0 : i32
        %dma_wait3A_302 = tpu.memref_slice %arg10[%dma_wait3A_300, %dma_wait3A_301] : memref<10240x32xf32, #tpu.memory_space<vmem_shared>> -> memref<10240x32xf32, #tpu.memory_space<vmem_shared>>
        tpu.wait_indirect_dma semaphore(%arg17 : memref<!tpu.dma_semaphore, #tpu.memory_space<semaphore_mem>>) src(%dma_wait3A_296 : memref<400x32xf32, #tpu.memory_space<vmem>>) dst(%dma_wait3A_302 : memref<10240x32xf32, #tpu.memory_space<vmem_shared>>)
        %dma_start3A_303 = arith.constant 1 : i32
        %dma_start3A_304 = arith.constant 0 : i32
        %dma_start3A_305 = arith.constant 0 : i32
        %dma_start3A_306 = tpu.memref_slice %arg9[%dma_start3A_303, %dma_start3A_304, %dma_start3A_305] : memref<5x400x32xf32, #tpu.memory_space<vmem>> -> memref<1x400x32xf32, #tpu.memory_space<vmem>>
        %dma_start3A_307 = tpu.memref_squeeze %dma_start3A_306 : memref<1x400x32xf32, #tpu.memory_space<vmem>> -> memref<400x32xf32, #tpu.memory_space<vmem>>
        %dma_start3A_308 = arith.constant 0 : i32
        %dma_start3A_309 = tpu.memref_slice %arg7[%add3A_259, %dma_start3A_308] : memref<25x400xi32, #tpu.memory_space<vmem>> -> memref<1x400xi32, #tpu.memory_space<vmem>>
        %dma_start3A_310 = tpu.memref_squeeze %dma_start3A_309 : memref<1x400xi32, #tpu.memory_space<vmem>> -> memref<400xi32, #tpu.memory_space<vmem>>
        %dma_start3A_311 = arith.constant 0 : i32
        %dma_start3A_312 = arith.constant 0 : i32
        %dma_start3A_313 = tpu.memref_slice %arg2[%dma_start3A_311, %dma_start3A_312] : memref<10000x32xf32, #tpu.memory_space<hbm>> -> memref<10000x32xf32, #tpu.memory_space<hbm>>
        tpu.enqueue_indirect_dma source(%dma_start3A_313 : memref<10000x32xf32, #tpu.memory_space<hbm>>) target(%dma_start3A_307 : memref<400x32xf32, #tpu.memory_space<vmem>>) offsets(%dma_start3A_310 : memref<400xi32, #tpu.memory_space<vmem>>) semaphore(%arg12 : memref<!tpu.dma_semaphore, #tpu.memory_space<semaphore_mem>>)
      } else {
      }
      %add3A_265 = arith.constant 2 : i32
      %add3A_266 = arith.addi %mul3A_129, %add3A_265 : i32
      %add3A_267 = arith.constant 5 : i32
      %add3A_268 = arith.addi %add3A_266, %add3A_267 : i32
      %lt3A_269 = arith.constant 25 : i32
      %lt3A_270 = arith.cmpi slt, %add3A_268, %lt3A_269 : i32
      %convert_element_type3A_271 = arith.extui %lt3A_270 : i1 to i32
      %cond3A_272 = arith.constant 0 : i32
      %cond3A_273 = arith.cmpi ne, %convert_element_type3A_271, %cond3A_272 : i32
      scf.if %cond3A_273 {
        %dma_wait3A_292 = arith.constant 2 : i32
        %dma_wait3A_293 = arith.constant 0 : i32
        %dma_wait3A_294 = arith.constant 0 : i32
        %dma_wait3A_295 = tpu.memref_slice %arg9[%dma_wait3A_292, %dma_wait3A_293, %dma_wait3A_294] : memref<5x400x32xf32, #tpu.memory_space<vmem>> -> memref<1x400x32xf32, #tpu.memory_space<vmem>>
        %dma_wait3A_296 = tpu.memref_squeeze %dma_wait3A_295 : memref<1x400x32xf32, #tpu.memory_space<vmem>> -> memref<400x32xf32, #tpu.memory_space<vmem>>
        %dma_wait3A_297 = arith.constant 0 : i32
        %dma_wait3A_298 = tpu.memref_slice %arg8[%add3A_266, %dma_wait3A_297] : memref<25x400xi32, #tpu.memory_space<vmem>> -> memref<1x400xi32, #tpu.memory_space<vmem>>
        %dma_wait3A_299 = tpu.memref_squeeze %dma_wait3A_298 : memref<1x400xi32, #tpu.memory_space<vmem>> -> memref<400xi32, #tpu.memory_space<vmem>>
        %dma_wait3A_300 = arith.constant 0 : i32
        %dma_wait3A_301 = arith.constant 0 : i32
        %dma_wait3A_302 = tpu.memref_slice %arg10[%dma_wait3A_300, %dma_wait3A_301] : memref<10240x32xf32, #tpu.memory_space<vmem_shared>> -> memref<10240x32xf32, #tpu.memory_space<vmem_shared>>
        tpu.wait_indirect_dma semaphore(%arg18 : memref<!tpu.dma_semaphore, #tpu.memory_space<semaphore_mem>>) src(%dma_wait3A_296 : memref<400x32xf32, #tpu.memory_space<vmem>>) dst(%dma_wait3A_302 : memref<10240x32xf32, #tpu.memory_space<vmem_shared>>)
        %dma_start3A_303 = arith.constant 2 : i32
        %dma_start3A_304 = arith.constant 0 : i32
        %dma_start3A_305 = arith.constant 0 : i32
        %dma_start3A_306 = tpu.memref_slice %arg9[%dma_start3A_303, %dma_start3A_304, %dma_start3A_305] : memref<5x400x32xf32, #tpu.memory_space<vmem>> -> memref<1x400x32xf32, #tpu.memory_space<vmem>>
        %dma_start3A_307 = tpu.memref_squeeze %dma_start3A_306 : memref<1x400x32xf32, #tpu.memory_space<vmem>> -> memref<400x32xf32, #tpu.memory_space<vmem>>
        %dma_start3A_308 = arith.constant 0 : i32
        %dma_start3A_309 = tpu.memref_slice %arg7[%add3A_268, %dma_start3A_308] : memref<25x400xi32, #tpu.memory_space<vmem>> -> memref<1x400xi32, #tpu.memory_space<vmem>>
        %dma_start3A_310 = tpu.memref_squeeze %dma_start3A_309 : memref<1x400xi32, #tpu.memory_space<vmem>> -> memref<400xi32, #tpu.memory_space<vmem>>
        %dma_start3A_311 = arith.constant 0 : i32
        %dma_start3A_312 = arith.constant 0 : i32
        %dma_start3A_313 = tpu.memref_slice %arg2[%dma_start3A_311, %dma_start3A_312] : memref<10000x32xf32, #tpu.memory_space<hbm>> -> memref<10000x32xf32, #tpu.memory_space<hbm>>
        tpu.enqueue_indirect_dma source(%dma_start3A_313 : memref<10000x32xf32, #tpu.memory_space<hbm>>) target(%dma_start3A_307 : memref<400x32xf32, #tpu.memory_space<vmem>>) offsets(%dma_start3A_310 : memref<400xi32, #tpu.memory_space<vmem>>) semaphore(%arg13 : memref<!tpu.dma_semaphore, #tpu.memory_space<semaphore_mem>>)
      } else {
      }
      %add3A_274 = arith.constant 3 : i32
      %add3A_275 = arith.addi %mul3A_129, %add3A_274 : i32
      %add3A_276 = arith.constant 5 : i32
      %add3A_277 = arith.addi %add3A_275, %add3A_276 : i32
      %lt3A_278 = arith.constant 25 : i32
      %lt3A_279 = arith.cmpi slt, %add3A_277, %lt3A_278 : i32
      %convert_element_type3A_280 = arith.extui %lt3A_279 : i1 to i32
      %cond3A_281 = arith.constant 0 : i32
      %cond3A_282 = arith.cmpi ne, %convert_element_type3A_280, %cond3A_281 : i32
      scf.if %cond3A_282 {
        %dma_wait3A_292 = arith.constant 3 : i32
        %dma_wait3A_293 = arith.constant 0 : i32
        %dma_wait3A_294 = arith.constant 0 : i32
        %dma_wait3A_295 = tpu.memref_slice %arg9[%dma_wait3A_292, %dma_wait3A_293, %dma_wait3A_294] : memref<5x400x32xf32, #tpu.memory_space<vmem>> -> memref<1x400x32xf32, #tpu.memory_space<vmem>>
        %dma_wait3A_296 = tpu.memref_squeeze %dma_wait3A_295 : memref<1x400x32xf32, #tpu.memory_space<vmem>> -> memref<400x32xf32, #tpu.memory_space<vmem>>
        %dma_wait3A_297 = arith.constant 0 : i32
        %dma_wait3A_298 = tpu.memref_slice %arg8[%add3A_275, %dma_wait3A_297] : memref<25x400xi32, #tpu.memory_space<vmem>> -> memref<1x400xi32, #tpu.memory_space<vmem>>
        %dma_wait3A_299 = tpu.memref_squeeze %dma_wait3A_298 : memref<1x400xi32, #tpu.memory_space<vmem>> -> memref<400xi32, #tpu.memory_space<vmem>>
        %dma_wait3A_300 = arith.constant 0 : i32
        %dma_wait3A_301 = arith.constant 0 : i32
        %dma_wait3A_302 = tpu.memref_slice %arg10[%dma_wait3A_300, %dma_wait3A_301] : memref<10240x32xf32, #tpu.memory_space<vmem_shared>> -> memref<10240x32xf32, #tpu.memory_space<vmem_shared>>
        tpu.wait_indirect_dma semaphore(%arg19 : memref<!tpu.dma_semaphore, #tpu.memory_space<semaphore_mem>>) src(%dma_wait3A_296 : memref<400x32xf32, #tpu.memory_space<vmem>>) dst(%dma_wait3A_302 : memref<10240x32xf32, #tpu.memory_space<vmem_shared>>)
        %dma_start3A_303 = arith.constant 3 : i32
        %dma_start3A_304 = arith.constant 0 : i32
        %dma_start3A_305 = arith.constant 0 : i32
        %dma_start3A_306 = tpu.memref_slice %arg9[%dma_start3A_303, %dma_start3A_304, %dma_start3A_305] : memref<5x400x32xf32, #tpu.memory_space<vmem>> -> memref<1x400x32xf32, #tpu.memory_space<vmem>>
        %dma_start3A_307 = tpu.memref_squeeze %dma_start3A_306 : memref<1x400x32xf32, #tpu.memory_space<vmem>> -> memref<400x32xf32, #tpu.memory_space<vmem>>
        %dma_start3A_308 = arith.constant 0 : i32
        %dma_start3A_309 = tpu.memref_slice %arg7[%add3A_277, %dma_start3A_308] : memref<25x400xi32, #tpu.memory_space<vmem>> -> memref<1x400xi32, #tpu.memory_space<vmem>>
        %dma_start3A_310 = tpu.memref_squeeze %dma_start3A_309 : memref<1x400xi32, #tpu.memory_space<vmem>> -> memref<400xi32, #tpu.memory_space<vmem>>
        %dma_start3A_311 = arith.constant 0 : i32
        %dma_start3A_312 = arith.constant 0 : i32
        %dma_start3A_313 = tpu.memref_slice %arg2[%dma_start3A_311, %dma_start3A_312] : memref<10000x32xf32, #tpu.memory_space<hbm>> -> memref<10000x32xf32, #tpu.memory_space<hbm>>
        tpu.enqueue_indirect_dma source(%dma_start3A_313 : memref<10000x32xf32, #tpu.memory_space<hbm>>) target(%dma_start3A_307 : memref<400x32xf32, #tpu.memory_space<vmem>>) offsets(%dma_start3A_310 : memref<400xi32, #tpu.memory_space<vmem>>) semaphore(%arg14 : memref<!tpu.dma_semaphore, #tpu.memory_space<semaphore_mem>>)
      } else {
      }
      %add3A_283 = arith.constant 4 : i32
      %add3A_284 = arith.addi %mul3A_129, %add3A_283 : i32
      %add3A_285 = arith.constant 5 : i32
      %add3A_286 = arith.addi %add3A_284, %add3A_285 : i32
      %lt3A_287 = arith.constant 25 : i32
      %lt3A_288 = arith.cmpi slt, %add3A_286, %lt3A_287 : i32
      %convert_element_type3A_289 = arith.extui %lt3A_288 : i1 to i32
      %cond3A_290 = arith.constant 0 : i32
      %cond3A_291 = arith.cmpi ne, %convert_element_type3A_289, %cond3A_290 : i32
      scf.if %cond3A_291 {
        %dma_wait3A_292 = arith.constant 4 : i32
        %dma_wait3A_293 = arith.constant 0 : i32
        %dma_wait3A_294 = arith.constant 0 : i32
        %dma_wait3A_295 = tpu.memref_slice %arg9[%dma_wait3A_292, %dma_wait3A_293, %dma_wait3A_294] : memref<5x400x32xf32, #tpu.memory_space<vmem>> -> memref<1x400x32xf32, #tpu.memory_space<vmem>>
        %dma_wait3A_296 = tpu.memref_squeeze %dma_wait3A_295 : memref<1x400x32xf32, #tpu.memory_space<vmem>> -> memref<400x32xf32, #tpu.memory_space<vmem>>
        %dma_wait3A_297 = arith.constant 0 : i32
        %dma_wait3A_298 = tpu.memref_slice %arg8[%add3A_284, %dma_wait3A_297] : memref<25x400xi32, #tpu.memory_space<vmem>> -> memref<1x400xi32, #tpu.memory_space<vmem>>
        %dma_wait3A_299 = tpu.memref_squeeze %dma_wait3A_298 : memref<1x400xi32, #tpu.memory_space<vmem>> -> memref<400xi32, #tpu.memory_space<vmem>>
        %dma_wait3A_300 = arith.constant 0 : i32
        %dma_wait3A_301 = arith.constant 0 : i32
        %dma_wait3A_302 = tpu.memref_slice %arg10[%dma_wait3A_300, %dma_wait3A_301] : memref<10240x32xf32, #tpu.memory_space<vmem_shared>> -> memref<10240x32xf32, #tpu.memory_space<vmem_shared>>
        tpu.wait_indirect_dma semaphore(%arg20 : memref<!tpu.dma_semaphore, #tpu.memory_space<semaphore_mem>>) src(%dma_wait3A_296 : memref<400x32xf32, #tpu.memory_space<vmem>>) dst(%dma_wait3A_302 : memref<10240x32xf32, #tpu.memory_space<vmem_shared>>)
        %dma_start3A_303 = arith.constant 4 : i32
        %dma_start3A_304 = arith.constant 0 : i32
        %dma_start3A_305 = arith.constant 0 : i32
        %dma_start3A_306 = tpu.memref_slice %arg9[%dma_start3A_303, %dma_start3A_304, %dma_start3A_305] : memref<5x400x32xf32, #tpu.memory_space<vmem>> -> memref<1x400x32xf32, #tpu.memory_space<vmem>>
        %dma_start3A_307 = tpu.memref_squeeze %dma_start3A_306 : memref<1x400x32xf32, #tpu.memory_space<vmem>> -> memref<400x32xf32, #tpu.memory_space<vmem>>
        %dma_start3A_308 = arith.constant 0 : i32
        %dma_start3A_309 = tpu.memref_slice %arg7[%add3A_286, %dma_start3A_308] : memref<25x400xi32, #tpu.memory_space<vmem>> -> memref<1x400xi32, #tpu.memory_space<vmem>>
        %dma_start3A_310 = tpu.memref_squeeze %dma_start3A_309 : memref<1x400xi32, #tpu.memory_space<vmem>> -> memref<400xi32, #tpu.memory_space<vmem>>
        %dma_start3A_311 = arith.constant 0 : i32
        %dma_start3A_312 = arith.constant 0 : i32
        %dma_start3A_313 = tpu.memref_slice %arg2[%dma_start3A_311, %dma_start3A_312] : memref<10000x32xf32, #tpu.memory_space<hbm>> -> memref<10000x32xf32, #tpu.memory_space<hbm>>
        tpu.enqueue_indirect_dma source(%dma_start3A_313 : memref<10000x32xf32, #tpu.memory_space<hbm>>) target(%dma_start3A_307 : memref<400x32xf32, #tpu.memory_space<vmem>>) offsets(%dma_start3A_310 : memref<400xi32, #tpu.memory_space<vmem>>) semaphore(%arg15 : memref<!tpu.dma_semaphore, #tpu.memory_space<semaphore_mem>>)
      } else {
      }
    }
    %scan3A_66 = arith.constant 5 : i32
    %dma_wait3A = arith.constant 0 : i32
    %dma_wait3A_67 = arith.constant 20 : i32
    %dma_wait3A_68 = arith.constant 0 : i32
    %dma_wait3A_69 = arith.constant 0 : i32
    %dma_wait3A_70 = tpu.memref_slice %arg9[%dma_wait3A, %dma_wait3A_68, %dma_wait3A_69] : memref<5x400x32xf32, #tpu.memory_space<vmem>> -> memref<1x400x32xf32, #tpu.memory_space<vmem>>
    %dma_wait3A_71 = tpu.memref_squeeze %dma_wait3A_70 : memref<1x400x32xf32, #tpu.memory_space<vmem>> -> memref<400x32xf32, #tpu.memory_space<vmem>>
    %dma_wait3A_72 = arith.constant 0 : i32
    %dma_wait3A_73 = tpu.memref_slice %arg8[%dma_wait3A_67, %dma_wait3A_72] : memref<25x400xi32, #tpu.memory_space<vmem>> -> memref<1x400xi32, #tpu.memory_space<vmem>>
    %dma_wait3A_74 = tpu.memref_squeeze %dma_wait3A_73 : memref<1x400xi32, #tpu.memory_space<vmem>> -> memref<400xi32, #tpu.memory_space<vmem>>
    %dma_wait3A_75 = arith.constant 0 : i32
    %dma_wait3A_76 = arith.constant 0 : i32
    %dma_wait3A_77 = tpu.memref_slice %arg10[%dma_wait3A_75, %dma_wait3A_76] : memref<10240x32xf32, #tpu.memory_space<vmem_shared>> -> memref<10240x32xf32, #tpu.memory_space<vmem_shared>>
    tpu.wait_indirect_dma semaphore(%arg16 : memref<!tpu.dma_semaphore, #tpu.memory_space<semaphore_mem>>) src(%dma_wait3A_71 : memref<400x32xf32, #tpu.memory_space<vmem>>) dst(%dma_wait3A_77 : memref<10240x32xf32, #tpu.memory_space<vmem_shared>>)
    %dma_wait3A_78 = arith.constant 1 : i32
    %dma_wait3A_79 = arith.constant 21 : i32
    %dma_wait3A_80 = arith.constant 0 : i32
    %dma_wait3A_81 = arith.constant 0 : i32
    %dma_wait3A_82 = tpu.memref_slice %arg9[%dma_wait3A_78, %dma_wait3A_80, %dma_wait3A_81] : memref<5x400x32xf32, #tpu.memory_space<vmem>> -> memref<1x400x32xf32, #tpu.memory_space<vmem>>
    %dma_wait3A_83 = tpu.memref_squeeze %dma_wait3A_82 : memref<1x400x32xf32, #tpu.memory_space<vmem>> -> memref<400x32xf32, #tpu.memory_space<vmem>>
    %dma_wait3A_84 = arith.constant 0 : i32
    %dma_wait3A_85 = tpu.memref_slice %arg8[%dma_wait3A_79, %dma_wait3A_84] : memref<25x400xi32, #tpu.memory_space<vmem>> -> memref<1x400xi32, #tpu.memory_space<vmem>>
    %dma_wait3A_86 = tpu.memref_squeeze %dma_wait3A_85 : memref<1x400xi32, #tpu.memory_space<vmem>> -> memref<400xi32, #tpu.memory_space<vmem>>
    %dma_wait3A_87 = arith.constant 0 : i32
    %dma_wait3A_88 = arith.constant 0 : i32
    %dma_wait3A_89 = tpu.memref_slice %arg10[%dma_wait3A_87, %dma_wait3A_88] : memref<10240x32xf32, #tpu.memory_space<vmem_shared>> -> memref<10240x32xf32, #tpu.memory_space<vmem_shared>>
    tpu.wait_indirect_dma semaphore(%arg17 : memref<!tpu.dma_semaphore, #tpu.memory_space<semaphore_mem>>) src(%dma_wait3A_83 : memref<400x32xf32, #tpu.memory_space<vmem>>) dst(%dma_wait3A_89 : memref<10240x32xf32, #tpu.memory_space<vmem_shared>>)
    %dma_wait3A_90 = arith.constant 2 : i32
    %dma_wait3A_91 = arith.constant 22 : i32
    %dma_wait3A_92 = arith.constant 0 : i32
    %dma_wait3A_93 = arith.constant 0 : i32
    %dma_wait3A_94 = tpu.memref_slice %arg9[%dma_wait3A_90, %dma_wait3A_92, %dma_wait3A_93] : memref<5x400x32xf32, #tpu.memory_space<vmem>> -> memref<1x400x32xf32, #tpu.memory_space<vmem>>
    %dma_wait3A_95 = tpu.memref_squeeze %dma_wait3A_94 : memref<1x400x32xf32, #tpu.memory_space<vmem>> -> memref<400x32xf32, #tpu.memory_space<vmem>>
    %dma_wait3A_96 = arith.constant 0 : i32
    %dma_wait3A_97 = tpu.memref_slice %arg8[%dma_wait3A_91, %dma_wait3A_96] : memref<25x400xi32, #tpu.memory_space<vmem>> -> memref<1x400xi32, #tpu.memory_space<vmem>>
    %dma_wait3A_98 = tpu.memref_squeeze %dma_wait3A_97 : memref<1x400xi32, #tpu.memory_space<vmem>> -> memref<400xi32, #tpu.memory_space<vmem>>
    %dma_wait3A_99 = arith.constant 0 : i32
    %dma_wait3A_100 = arith.constant 0 : i32
    %dma_wait3A_101 = tpu.memref_slice %arg10[%dma_wait3A_99, %dma_wait3A_100] : memref<10240x32xf32, #tpu.memory_space<vmem_shared>> -> memref<10240x32xf32, #tpu.memory_space<vmem_shared>>
    tpu.wait_indirect_dma semaphore(%arg18 : memref<!tpu.dma_semaphore, #tpu.memory_space<semaphore_mem>>) src(%dma_wait3A_95 : memref<400x32xf32, #tpu.memory_space<vmem>>) dst(%dma_wait3A_101 : memref<10240x32xf32, #tpu.memory_space<vmem_shared>>)
    %dma_wait3A_102 = arith.constant 3 : i32
    %dma_wait3A_103 = arith.constant 23 : i32
    %dma_wait3A_104 = arith.constant 0 : i32
    %dma_wait3A_105 = arith.constant 0 : i32
    %dma_wait3A_106 = tpu.memref_slice %arg9[%dma_wait3A_102, %dma_wait3A_104, %dma_wait3A_105] : memref<5x400x32xf32, #tpu.memory_space<vmem>> -> memref<1x400x32xf32, #tpu.memory_space<vmem>>
    %dma_wait3A_107 = tpu.memref_squeeze %dma_wait3A_106 : memref<1x400x32xf32, #tpu.memory_space<vmem>> -> memref<400x32xf32, #tpu.memory_space<vmem>>
    %dma_wait3A_108 = arith.constant 0 : i32
    %dma_wait3A_109 = tpu.memref_slice %arg8[%dma_wait3A_103, %dma_wait3A_108] : memref<25x400xi32, #tpu.memory_space<vmem>> -> memref<1x400xi32, #tpu.memory_space<vmem>>
    %dma_wait3A_110 = tpu.memref_squeeze %dma_wait3A_109 : memref<1x400xi32, #tpu.memory_space<vmem>> -> memref<400xi32, #tpu.memory_space<vmem>>
    %dma_wait3A_111 = arith.constant 0 : i32
    %dma_wait3A_112 = arith.constant 0 : i32
    %dma_wait3A_113 = tpu.memref_slice %arg10[%dma_wait3A_111, %dma_wait3A_112] : memref<10240x32xf32, #tpu.memory_space<vmem_shared>> -> memref<10240x32xf32, #tpu.memory_space<vmem_shared>>
    tpu.wait_indirect_dma semaphore(%arg19 : memref<!tpu.dma_semaphore, #tpu.memory_space<semaphore_mem>>) src(%dma_wait3A_107 : memref<400x32xf32, #tpu.memory_space<vmem>>) dst(%dma_wait3A_113 : memref<10240x32xf32, #tpu.memory_space<vmem_shared>>)
    %dma_wait3A_114 = arith.constant 4 : i32
    %dma_wait3A_115 = arith.constant 24 : i32
    %dma_wait3A_116 = arith.constant 0 : i32
    %dma_wait3A_117 = arith.constant 0 : i32
    %dma_wait3A_118 = tpu.memref_slice %arg9[%dma_wait3A_114, %dma_wait3A_116, %dma_wait3A_117] : memref<5x400x32xf32, #tpu.memory_space<vmem>> -> memref<1x400x32xf32, #tpu.memory_space<vmem>>
    %dma_wait3A_119 = tpu.memref_squeeze %dma_wait3A_118 : memref<1x400x32xf32, #tpu.memory_space<vmem>> -> memref<400x32xf32, #tpu.memory_space<vmem>>
    %dma_wait3A_120 = arith.constant 0 : i32
    %dma_wait3A_121 = tpu.memref_slice %arg8[%dma_wait3A_115, %dma_wait3A_120] : memref<25x400xi32, #tpu.memory_space<vmem>> -> memref<1x400xi32, #tpu.memory_space<vmem>>
    %dma_wait3A_122 = tpu.memref_squeeze %dma_wait3A_121 : memref<1x400xi32, #tpu.memory_space<vmem>> -> memref<400xi32, #tpu.memory_space<vmem>>
    %dma_wait3A_123 = arith.constant 0 : i32
    %dma_wait3A_124 = arith.constant 0 : i32
    %dma_wait3A_125 = tpu.memref_slice %arg10[%dma_wait3A_123, %dma_wait3A_124] : memref<10240x32xf32, #tpu.memory_space<vmem_shared>> -> memref<10240x32xf32, #tpu.memory_space<vmem_shared>>
    tpu.wait_indirect_dma semaphore(%arg20 : memref<!tpu.dma_semaphore, #tpu.memory_space<semaphore_mem>>) src(%dma_wait3A_119 : memref<400x32xf32, #tpu.memory_space<vmem>>) dst(%dma_wait3A_125 : memref<10240x32xf32, #tpu.memory_space<vmem_shared>>)
    %barrier3A_126 = arith.constant 0 : index
    tpu.barrier barrier_id(%barrier3A_126)
    "tpu.region"() ({
      %run_scoped3A = tpu.sem_alloc : memref<!tpu.dma_semaphore, #tpu.memory_space<semaphore_mem>>
      %dma_start3A_127 = arith.constant 0 : i32
      %dma_start3A_128 = tpu.memref_slice %arg6[%arg0, %mul3A_2, %dma_start3A_127] : memref<2x10240x32xf32, #tpu.memory_space<hbm>> -> memref<1x640x32xf32, #tpu.memory_space<hbm>>
      %dma_start3A_129 = tpu.memref_squeeze %dma_start3A_128 : memref<1x640x32xf32, #tpu.memory_space<hbm>> -> memref<640x32xf32, #tpu.memory_space<hbm>>
      %dma_start3A_130 = arith.constant 0 : i32
      %dma_start3A_131 = tpu.memref_slice %arg10[%mul3A_2, %dma_start3A_130] : memref<10240x32xf32, #tpu.memory_space<vmem_shared>> -> memref<640x32xf32, #tpu.memory_space<vmem_shared>>
      tpu.enqueue_dma source(%dma_start3A_131 : memref<640x32xf32, #tpu.memory_space<vmem_shared>>) target(%dma_start3A_129 : memref<640x32xf32, #tpu.memory_space<hbm>>) target_semaphore(%run_scoped3A : memref<!tpu.dma_semaphore, #tpu.memory_space<semaphore_mem>>)
      %dma_wait3A_132 = arith.constant 0 : i32
      %dma_wait3A_133 = tpu.memref_slice %arg6[%arg0, %mul3A_2, %dma_wait3A_132] : memref<2x10240x32xf32, #tpu.memory_space<hbm>> -> memref<1x640x32xf32, #tpu.memory_space<hbm>>
      %dma_wait3A_134 = tpu.memref_squeeze %dma_wait3A_133 : memref<1x640x32xf32, #tpu.memory_space<hbm>> -> memref<640x32xf32, #tpu.memory_space<hbm>>
      %dma_wait3A_135 = arith.constant 0 : i32
      %dma_wait3A_136 = tpu.memref_slice %arg10[%mul3A_2, %dma_wait3A_135] : memref<10240x32xf32, #tpu.memory_space<vmem_shared>> -> memref<640x32xf32, #tpu.memory_space<vmem_shared>>
      tpu.wait_dma2 semaphore(%run_scoped3A : memref<!tpu.dma_semaphore, #tpu.memory_space<semaphore_mem>>) src(%dma_wait3A_136 : memref<640x32xf32, #tpu.memory_space<vmem_shared>>) dst(%dma_wait3A_134 : memref<640x32xf32, #tpu.memory_space<hbm>>)
      tpu.yield
    }) : () -> ()
    return
  }
}

#map = affine_map<(d0, d1) -> (0, 0)>
#map1 = affine_map<(d0, d1) -> (0, 0, 0)>
module attributes {stable_mosaic.version = 14 : i64} {
  func.func @k(%arg0: i32, %arg1: i32, %arg2: memref<10000x64xf32, #tpu.memory_space<hbm>>, %arg3: memref<32x50x200xi32, #tpu.memory_space<hbm>>, %arg4: memref<32x50x200xi32, #tpu.memory_space<hbm>>, %arg5: memref<10240x64xf32, #tpu.memory_space<hbm>>, %arg6: memref<2x10240x64xf32, #tpu.memory_space<hbm>>, %arg7: memref<50x200xi32, #tpu.memory_space<vmem>>, %arg8: memref<50x200xi32, #tpu.memory_space<vmem>>, %arg9: memref<5x200x64xf32, #tpu.memory_space<vmem>>, %arg10: memref<10240x64xf32, #tpu.memory_space<vmem_shared>>, %arg11: memref<!tpu.dma_semaphore, #tpu.memory_space<semaphore_mem>>, %arg12: memref<!tpu.dma_semaphore, #tpu.memory_space<semaphore_mem>>, %arg13: memref<!tpu.dma_semaphore, #tpu.memory_space<semaphore_mem>>, %arg14: memref<!tpu.dma_semaphore, #tpu.memory_space<semaphore_mem>>, %arg15: memref<!tpu.dma_semaphore, #tpu.memory_space<semaphore_mem>>, %arg16: memref<!tpu.dma_semaphore, #tpu.memory_space<semaphore_mem>>, %arg17: memref<!tpu.dma_semaphore, #tpu.memory_space<semaphore_mem>>, %arg18: memref<!tpu.dma_semaphore, #tpu.memory_space<semaphore_mem>>, %arg19: memref<!tpu.dma_semaphore, #tpu.memory_space<semaphore_mem>>, %arg20: memref<!tpu.dma_semaphore, #tpu.memory_space<semaphore_mem>>) attributes {dimension_semantics = [#tpu.dimension_semantics<core_parallel>, #tpu.dimension_semantics<subcore_parallel>], iteration_bounds = array<i64: 2, 16>, scalar_prefetch = 0 : i64, scratch_operands = 14 : i64, tpu.core_type = #tpu.core_type<sc_vector_subcore>, window_params = [{transform_indices = #map}, {transform_indices = #map1}, {transform_indices = #map1}, {transform_indices = #map}, {transform_indices = #map1}]} {
    %mul3A = arith.constant 2 : i32
    %mul3A_0 = arith.muli %arg1, %mul3A : i32
    %add3A = arith.addi %mul3A_0, %arg0 : i32
    %mul3A_1 = arith.constant 640 : i32
    %mul3A_2 = arith.muli %arg1, %mul3A_1 : i32
    "tpu.region"() ({
      %run_scoped3A = tpu.sem_alloc : memref<!tpu.dma_semaphore, #tpu.memory_space<semaphore_mem>>
      %dma_start3A_127 = arith.constant 0 : i32
      %dma_start3A_128 = tpu.memref_slice %arg10[%mul3A_2, %dma_start3A_127] : memref<10240x64xf32, #tpu.memory_space<vmem_shared>> -> memref<640x64xf32, #tpu.memory_space<vmem_shared>>
      %dma_start3A_129 = arith.constant 0 : i32
      %dma_start3A_130 = tpu.memref_slice %arg5[%mul3A_2, %dma_start3A_129] : memref<10240x64xf32, #tpu.memory_space<hbm>> -> memref<640x64xf32, #tpu.memory_space<hbm>>
      tpu.enqueue_dma source(%dma_start3A_130 : memref<640x64xf32, #tpu.memory_space<hbm>>) target(%dma_start3A_128 : memref<640x64xf32, #tpu.memory_space<vmem_shared>>) target_semaphore(%run_scoped3A : memref<!tpu.dma_semaphore, #tpu.memory_space<semaphore_mem>>)
      %dma_wait3A_131 = arith.constant 0 : i32
      %dma_wait3A_132 = tpu.memref_slice %arg10[%mul3A_2, %dma_wait3A_131] : memref<10240x64xf32, #tpu.memory_space<vmem_shared>> -> memref<640x64xf32, #tpu.memory_space<vmem_shared>>
      %dma_wait3A_133 = arith.constant 0 : i32
      %dma_wait3A_134 = tpu.memref_slice %arg5[%mul3A_2, %dma_wait3A_133] : memref<10240x64xf32, #tpu.memory_space<hbm>> -> memref<640x64xf32, #tpu.memory_space<hbm>>
      tpu.wait_dma2 semaphore(%run_scoped3A : memref<!tpu.dma_semaphore, #tpu.memory_space<semaphore_mem>>) src(%dma_wait3A_134 : memref<640x64xf32, #tpu.memory_space<hbm>>) dst(%dma_wait3A_132 : memref<640x64xf32, #tpu.memory_space<vmem_shared>>)
      tpu.yield
    }) : () -> ()
    "tpu.region"() ({
      %run_scoped3A = tpu.sem_alloc : memref<!tpu.dma_semaphore, #tpu.memory_space<semaphore_mem>>
      %dma_start3A_127 = arith.constant 0 : i32
      %dma_start3A_128 = arith.constant 0 : i32
      %dma_start3A_129 = tpu.memref_slice %arg3[%add3A, %dma_start3A_127, %dma_start3A_128] : memref<32x50x200xi32, #tpu.memory_space<hbm>> -> memref<1x50x200xi32, #tpu.memory_space<hbm>>
      %dma_start3A_130 = tpu.memref_squeeze %dma_start3A_129 : memref<1x50x200xi32, #tpu.memory_space<hbm>> -> memref<50x200xi32, #tpu.memory_space<hbm>>
      %dma_start3A_131 = arith.constant 0 : i32
      %dma_start3A_132 = arith.constant 0 : i32
      %dma_start3A_133 = tpu.memref_slice %arg3[%add3A, %dma_start3A_131, %dma_start3A_132] : memref<32x50x200xi32, #tpu.memory_space<hbm>> -> memref<1x50x200xi32, #tpu.memory_space<hbm>>
      %dma_start3A_134 = tpu.memref_squeeze %dma_start3A_133 : memref<1x50x200xi32, #tpu.memory_space<hbm>> -> memref<50x200xi32, #tpu.memory_space<hbm>>
      tpu.enqueue_dma source(%dma_start3A_134 : memref<50x200xi32, #tpu.memory_space<hbm>>) target(%arg7 : memref<50x200xi32, #tpu.memory_space<vmem>>) target_semaphore(%run_scoped3A : memref<!tpu.dma_semaphore, #tpu.memory_space<semaphore_mem>>)
      %dma_wait3A_135 = arith.constant 0 : i32
      %dma_wait3A_136 = arith.constant 0 : i32
      %dma_wait3A_137 = tpu.memref_slice %arg3[%add3A, %dma_wait3A_135, %dma_wait3A_136] : memref<32x50x200xi32, #tpu.memory_space<hbm>> -> memref<1x50x200xi32, #tpu.memory_space<hbm>>
      %dma_wait3A_138 = tpu.memref_squeeze %dma_wait3A_137 : memref<1x50x200xi32, #tpu.memory_space<hbm>> -> memref<50x200xi32, #tpu.memory_space<hbm>>
      %dma_wait3A_139 = arith.constant 0 : i32
      %dma_wait3A_140 = arith.constant 0 : i32
      %dma_wait3A_141 = tpu.memref_slice %arg3[%add3A, %dma_wait3A_139, %dma_wait3A_140] : memref<32x50x200xi32, #tpu.memory_space<hbm>> -> memref<1x50x200xi32, #tpu.memory_space<hbm>>
      %dma_wait3A_142 = tpu.memref_squeeze %dma_wait3A_141 : memref<1x50x200xi32, #tpu.memory_space<hbm>> -> memref<50x200xi32, #tpu.memory_space<hbm>>
      tpu.wait_dma2 semaphore(%run_scoped3A : memref<!tpu.dma_semaphore, #tpu.memory_space<semaphore_mem>>) src(%dma_wait3A_142 : memref<50x200xi32, #tpu.memory_space<hbm>>) dst(%arg7 : memref<50x200xi32, #tpu.memory_space<vmem>>)
      tpu.yield
    }) : () -> ()
    "tpu.region"() ({
      %run_scoped3A = tpu.sem_alloc : memref<!tpu.dma_semaphore, #tpu.memory_space<semaphore_mem>>
      %dma_start3A_127 = arith.constant 0 : i32
      %dma_start3A_128 = arith.constant 0 : i32
      %dma_start3A_129 = tpu.memref_slice %arg4[%add3A, %dma_start3A_127, %dma_start3A_128] : memref<32x50x200xi32, #tpu.memory_space<hbm>> -> memref<1x50x200xi32, #tpu.memory_space<hbm>>
      %dma_start3A_130 = tpu.memref_squeeze %dma_start3A_129 : memref<1x50x200xi32, #tpu.memory_space<hbm>> -> memref<50x200xi32, #tpu.memory_space<hbm>>
      %dma_start3A_131 = arith.constant 0 : i32
      %dma_start3A_132 = arith.constant 0 : i32
      %dma_start3A_133 = tpu.memref_slice %arg4[%add3A, %dma_start3A_131, %dma_start3A_132] : memref<32x50x200xi32, #tpu.memory_space<hbm>> -> memref<1x50x200xi32, #tpu.memory_space<hbm>>
      %dma_start3A_134 = tpu.memref_squeeze %dma_start3A_133 : memref<1x50x200xi32, #tpu.memory_space<hbm>> -> memref<50x200xi32, #tpu.memory_space<hbm>>
      tpu.enqueue_dma source(%dma_start3A_134 : memref<50x200xi32, #tpu.memory_space<hbm>>) target(%arg8 : memref<50x200xi32, #tpu.memory_space<vmem>>) target_semaphore(%run_scoped3A : memref<!tpu.dma_semaphore, #tpu.memory_space<semaphore_mem>>)
      %dma_wait3A_135 = arith.constant 0 : i32
      %dma_wait3A_136 = arith.constant 0 : i32
      %dma_wait3A_137 = tpu.memref_slice %arg4[%add3A, %dma_wait3A_135, %dma_wait3A_136] : memref<32x50x200xi32, #tpu.memory_space<hbm>> -> memref<1x50x200xi32, #tpu.memory_space<hbm>>
      %dma_wait3A_138 = tpu.memref_squeeze %dma_wait3A_137 : memref<1x50x200xi32, #tpu.memory_space<hbm>> -> memref<50x200xi32, #tpu.memory_space<hbm>>
      %dma_wait3A_139 = arith.constant 0 : i32
      %dma_wait3A_140 = arith.constant 0 : i32
      %dma_wait3A_141 = tpu.memref_slice %arg4[%add3A, %dma_wait3A_139, %dma_wait3A_140] : memref<32x50x200xi32, #tpu.memory_space<hbm>> -> memref<1x50x200xi32, #tpu.memory_space<hbm>>
      %dma_wait3A_142 = tpu.memref_squeeze %dma_wait3A_141 : memref<1x50x200xi32, #tpu.memory_space<hbm>> -> memref<50x200xi32, #tpu.memory_space<hbm>>
      tpu.wait_dma2 semaphore(%run_scoped3A : memref<!tpu.dma_semaphore, #tpu.memory_space<semaphore_mem>>) src(%dma_wait3A_142 : memref<50x200xi32, #tpu.memory_space<hbm>>) dst(%arg8 : memref<50x200xi32, #tpu.memory_space<vmem>>)
      tpu.yield
    }) : () -> ()
    %barrier3A = arith.constant 0 : index
    tpu.barrier barrier_id(%barrier3A)
    %dma_start3A = arith.constant 0 : i32
    %dma_start3A_3 = arith.constant 0 : i32
    %dma_start3A_4 = arith.constant 0 : i32
    %dma_start3A_5 = arith.constant 0 : i32
    %dma_start3A_6 = tpu.memref_slice %arg9[%dma_start3A_3, %dma_start3A_4, %dma_start3A_5] : memref<5x200x64xf32, #tpu.memory_space<vmem>> -> memref<1x200x64xf32, #tpu.memory_space<vmem>>
    %dma_start3A_7 = tpu.memref_squeeze %dma_start3A_6 : memref<1x200x64xf32, #tpu.memory_space<vmem>> -> memref<200x64xf32, #tpu.memory_space<vmem>>
    %dma_start3A_8 = arith.constant 0 : i32
    %dma_start3A_9 = tpu.memref_slice %arg7[%dma_start3A, %dma_start3A_8] : memref<50x200xi32, #tpu.memory_space<vmem>> -> memref<1x200xi32, #tpu.memory_space<vmem>>
    %dma_start3A_10 = tpu.memref_squeeze %dma_start3A_9 : memref<1x200xi32, #tpu.memory_space<vmem>> -> memref<200xi32, #tpu.memory_space<vmem>>
    %dma_start3A_11 = arith.constant 0 : i32
    %dma_start3A_12 = arith.constant 0 : i32
    %dma_start3A_13 = tpu.memref_slice %arg2[%dma_start3A_11, %dma_start3A_12] : memref<10000x64xf32, #tpu.memory_space<hbm>> -> memref<10000x64xf32, #tpu.memory_space<hbm>>
    tpu.enqueue_indirect_dma source(%dma_start3A_13 : memref<10000x64xf32, #tpu.memory_space<hbm>>) target(%dma_start3A_7 : memref<200x64xf32, #tpu.memory_space<vmem>>) offsets(%dma_start3A_10 : memref<200xi32, #tpu.memory_space<vmem>>) semaphore(%arg11 : memref<!tpu.dma_semaphore, #tpu.memory_space<semaphore_mem>>)
    %dma_start3A_14 = arith.constant 1 : i32
    %dma_start3A_15 = arith.constant 1 : i32
    %dma_start3A_16 = arith.constant 0 : i32
    %dma_start3A_17 = arith.constant 0 : i32
    %dma_start3A_18 = tpu.memref_slice %arg9[%dma_start3A_15, %dma_start3A_16, %dma_start3A_17] : memref<5x200x64xf32, #tpu.memory_space<vmem>> -> memref<1x200x64xf32, #tpu.memory_space<vmem>>
    %dma_start3A_19 = tpu.memref_squeeze %dma_start3A_18 : memref<1x200x64xf32, #tpu.memory_space<vmem>> -> memref<200x64xf32, #tpu.memory_space<vmem>>
    %dma_start3A_20 = arith.constant 0 : i32
    %dma_start3A_21 = tpu.memref_slice %arg7[%dma_start3A_14, %dma_start3A_20] : memref<50x200xi32, #tpu.memory_space<vmem>> -> memref<1x200xi32, #tpu.memory_space<vmem>>
    %dma_start3A_22 = tpu.memref_squeeze %dma_start3A_21 : memref<1x200xi32, #tpu.memory_space<vmem>> -> memref<200xi32, #tpu.memory_space<vmem>>
    %dma_start3A_23 = arith.constant 0 : i32
    %dma_start3A_24 = arith.constant 0 : i32
    %dma_start3A_25 = tpu.memref_slice %arg2[%dma_start3A_23, %dma_start3A_24] : memref<10000x64xf32, #tpu.memory_space<hbm>> -> memref<10000x64xf32, #tpu.memory_space<hbm>>
    tpu.enqueue_indirect_dma source(%dma_start3A_25 : memref<10000x64xf32, #tpu.memory_space<hbm>>) target(%dma_start3A_19 : memref<200x64xf32, #tpu.memory_space<vmem>>) offsets(%dma_start3A_22 : memref<200xi32, #tpu.memory_space<vmem>>) semaphore(%arg12 : memref<!tpu.dma_semaphore, #tpu.memory_space<semaphore_mem>>)
    %dma_start3A_26 = arith.constant 2 : i32
    %dma_start3A_27 = arith.constant 2 : i32
    %dma_start3A_28 = arith.constant 0 : i32
    %dma_start3A_29 = arith.constant 0 : i32
    %dma_start3A_30 = tpu.memref_slice %arg9[%dma_start3A_27, %dma_start3A_28, %dma_start3A_29] : memref<5x200x64xf32, #tpu.memory_space<vmem>> -> memref<1x200x64xf32, #tpu.memory_space<vmem>>
    %dma_start3A_31 = tpu.memref_squeeze %dma_start3A_30 : memref<1x200x64xf32, #tpu.memory_space<vmem>> -> memref<200x64xf32, #tpu.memory_space<vmem>>
    %dma_start3A_32 = arith.constant 0 : i32
    %dma_start3A_33 = tpu.memref_slice %arg7[%dma_start3A_26, %dma_start3A_32] : memref<50x200xi32, #tpu.memory_space<vmem>> -> memref<1x200xi32, #tpu.memory_space<vmem>>
    %dma_start3A_34 = tpu.memref_squeeze %dma_start3A_33 : memref<1x200xi32, #tpu.memory_space<vmem>> -> memref<200xi32, #tpu.memory_space<vmem>>
    %dma_start3A_35 = arith.constant 0 : i32
    %dma_start3A_36 = arith.constant 0 : i32
    %dma_start3A_37 = tpu.memref_slice %arg2[%dma_start3A_35, %dma_start3A_36] : memref<10000x64xf32, #tpu.memory_space<hbm>> -> memref<10000x64xf32, #tpu.memory_space<hbm>>
    tpu.enqueue_indirect_dma source(%dma_start3A_37 : memref<10000x64xf32, #tpu.memory_space<hbm>>) target(%dma_start3A_31 : memref<200x64xf32, #tpu.memory_space<vmem>>) offsets(%dma_start3A_34 : memref<200xi32, #tpu.memory_space<vmem>>) semaphore(%arg13 : memref<!tpu.dma_semaphore, #tpu.memory_space<semaphore_mem>>)
    %dma_start3A_38 = arith.constant 3 : i32
    %dma_start3A_39 = arith.constant 3 : i32
    %dma_start3A_40 = arith.constant 0 : i32
    %dma_start3A_41 = arith.constant 0 : i32
    %dma_start3A_42 = tpu.memref_slice %arg9[%dma_start3A_39, %dma_start3A_40, %dma_start3A_41] : memref<5x200x64xf32, #tpu.memory_space<vmem>> -> memref<1x200x64xf32, #tpu.memory_space<vmem>>
    %dma_start3A_43 = tpu.memref_squeeze %dma_start3A_42 : memref<1x200x64xf32, #tpu.memory_space<vmem>> -> memref<200x64xf32, #tpu.memory_space<vmem>>
    %dma_start3A_44 = arith.constant 0 : i32
    %dma_start3A_45 = tpu.memref_slice %arg7[%dma_start3A_38, %dma_start3A_44] : memref<50x200xi32, #tpu.memory_space<vmem>> -> memref<1x200xi32, #tpu.memory_space<vmem>>
    %dma_start3A_46 = tpu.memref_squeeze %dma_start3A_45 : memref<1x200xi32, #tpu.memory_space<vmem>> -> memref<200xi32, #tpu.memory_space<vmem>>
    %dma_start3A_47 = arith.constant 0 : i32
    %dma_start3A_48 = arith.constant 0 : i32
    %dma_start3A_49 = tpu.memref_slice %arg2[%dma_start3A_47, %dma_start3A_48] : memref<10000x64xf32, #tpu.memory_space<hbm>> -> memref<10000x64xf32, #tpu.memory_space<hbm>>
    tpu.enqueue_indirect_dma source(%dma_start3A_49 : memref<10000x64xf32, #tpu.memory_space<hbm>>) target(%dma_start3A_43 : memref<200x64xf32, #tpu.memory_space<vmem>>) offsets(%dma_start3A_46 : memref<200xi32, #tpu.memory_space<vmem>>) semaphore(%arg14 : memref<!tpu.dma_semaphore, #tpu.memory_space<semaphore_mem>>)
    %dma_start3A_50 = arith.constant 4 : i32
    %dma_start3A_51 = arith.constant 4 : i32
    %dma_start3A_52 = arith.constant 0 : i32
    %dma_start3A_53 = arith.constant 0 : i32
    %dma_start3A_54 = tpu.memref_slice %arg9[%dma_start3A_51, %dma_start3A_52, %dma_start3A_53] : memref<5x200x64xf32, #tpu.memory_space<vmem>> -> memref<1x200x64xf32, #tpu.memory_space<vmem>>
    %dma_start3A_55 = tpu.memref_squeeze %dma_start3A_54 : memref<1x200x64xf32, #tpu.memory_space<vmem>> -> memref<200x64xf32, #tpu.memory_space<vmem>>
    %dma_start3A_56 = arith.constant 0 : i32
    %dma_start3A_57 = tpu.memref_slice %arg7[%dma_start3A_50, %dma_start3A_56] : memref<50x200xi32, #tpu.memory_space<vmem>> -> memref<1x200xi32, #tpu.memory_space<vmem>>
    %dma_start3A_58 = tpu.memref_squeeze %dma_start3A_57 : memref<1x200xi32, #tpu.memory_space<vmem>> -> memref<200xi32, #tpu.memory_space<vmem>>
    %dma_start3A_59 = arith.constant 0 : i32
    %dma_start3A_60 = arith.constant 0 : i32
    %dma_start3A_61 = tpu.memref_slice %arg2[%dma_start3A_59, %dma_start3A_60] : memref<10000x64xf32, #tpu.memory_space<hbm>> -> memref<10000x64xf32, #tpu.memory_space<hbm>>
    tpu.enqueue_indirect_dma source(%dma_start3A_61 : memref<10000x64xf32, #tpu.memory_space<hbm>>) target(%dma_start3A_55 : memref<200x64xf32, #tpu.memory_space<vmem>>) offsets(%dma_start3A_58 : memref<200xi32, #tpu.memory_space<vmem>>) semaphore(%arg15 : memref<!tpu.dma_semaphore, #tpu.memory_space<semaphore_mem>>)
    %scan3A = arith.constant 0 : i32
    %scan3A_62 = arith.constant 0 : i32
    %scan3A_63 = arith.constant 10 : i32
    %scan3A_64 = arith.addi %scan3A_62, %scan3A_63 : i32
    %scan3A_65 = arith.constant 1 : i32
    scf.for %scan3A_127 = %scan3A_62 to %scan3A_64 step %scan3A_65  : i32 {
      %mul3A_128 = arith.constant 5 : i32
      %mul3A_129 = arith.muli %mul3A_128, %scan3A_127 : i32
      %add3A_130 = arith.constant 0 : i32
      %add3A_131 = arith.addi %mul3A_129, %add3A_130 : i32
      %dma_wait3A_132 = arith.constant 0 : i32
      %dma_wait3A_133 = arith.constant 0 : i32
      %dma_wait3A_134 = arith.constant 0 : i32
      %dma_wait3A_135 = tpu.memref_slice %arg9[%dma_wait3A_132, %dma_wait3A_133, %dma_wait3A_134] : memref<5x200x64xf32, #tpu.memory_space<vmem>> -> memref<1x200x64xf32, #tpu.memory_space<vmem>>
      %dma_wait3A_136 = tpu.memref_squeeze %dma_wait3A_135 : memref<1x200x64xf32, #tpu.memory_space<vmem>> -> memref<200x64xf32, #tpu.memory_space<vmem>>
      %dma_wait3A_137 = arith.constant 0 : i32
      %dma_wait3A_138 = tpu.memref_slice %arg7[%add3A_131, %dma_wait3A_137] : memref<50x200xi32, #tpu.memory_space<vmem>> -> memref<1x200xi32, #tpu.memory_space<vmem>>
      %dma_wait3A_139 = tpu.memref_squeeze %dma_wait3A_138 : memref<1x200xi32, #tpu.memory_space<vmem>> -> memref<200xi32, #tpu.memory_space<vmem>>
      %dma_wait3A_140 = arith.constant 0 : i32
      %dma_wait3A_141 = arith.constant 0 : i32
      %dma_wait3A_142 = tpu.memref_slice %arg2[%dma_wait3A_140, %dma_wait3A_141] : memref<10000x64xf32, #tpu.memory_space<hbm>> -> memref<10000x64xf32, #tpu.memory_space<hbm>>
      tpu.wait_indirect_dma semaphore(%arg11 : memref<!tpu.dma_semaphore, #tpu.memory_space<semaphore_mem>>) src(%dma_wait3A_142 : memref<10000x64xf32, #tpu.memory_space<hbm>>) dst(%dma_wait3A_136 : memref<200x64xf32, #tpu.memory_space<vmem>>)
      %dma_start3A_143 = arith.constant 0 : i32
      %dma_start3A_144 = arith.constant 0 : i32
      %dma_start3A_145 = arith.constant 0 : i32
      %dma_start3A_146 = tpu.memref_slice %arg9[%dma_start3A_143, %dma_start3A_144, %dma_start3A_145] : memref<5x200x64xf32, #tpu.memory_space<vmem>> -> memref<1x200x64xf32, #tpu.memory_space<vmem>>
      %dma_start3A_147 = tpu.memref_squeeze %dma_start3A_146 : memref<1x200x64xf32, #tpu.memory_space<vmem>> -> memref<200x64xf32, #tpu.memory_space<vmem>>
      %dma_start3A_148 = arith.constant 0 : i32
      %dma_start3A_149 = tpu.memref_slice %arg8[%add3A_131, %dma_start3A_148] : memref<50x200xi32, #tpu.memory_space<vmem>> -> memref<1x200xi32, #tpu.memory_space<vmem>>
      %dma_start3A_150 = tpu.memref_squeeze %dma_start3A_149 : memref<1x200xi32, #tpu.memory_space<vmem>> -> memref<200xi32, #tpu.memory_space<vmem>>
      %dma_start3A_151 = arith.constant 0 : i32
      %dma_start3A_152 = arith.constant 0 : i32
      %dma_start3A_153 = tpu.memref_slice %arg10[%dma_start3A_151, %dma_start3A_152] : memref<10240x64xf32, #tpu.memory_space<vmem_shared>> -> memref<10240x64xf32, #tpu.memory_space<vmem_shared>>
      tpu.enqueue_indirect_dma source(%dma_start3A_147 : memref<200x64xf32, #tpu.memory_space<vmem>>) target(%dma_start3A_153 : memref<10240x64xf32, #tpu.memory_space<vmem_shared>>) offsets(%dma_start3A_150 : memref<200xi32, #tpu.memory_space<vmem>>) semaphore(%arg16 : memref<!tpu.dma_semaphore, #tpu.memory_space<semaphore_mem>>) {add = true}
      %add3A_154 = arith.constant 1 : i32
      %add3A_155 = arith.addi %mul3A_129, %add3A_154 : i32
      %dma_wait3A_156 = arith.constant 1 : i32
      %dma_wait3A_157 = arith.constant 0 : i32
      %dma_wait3A_158 = arith.constant 0 : i32
      %dma_wait3A_159 = tpu.memref_slice %arg9[%dma_wait3A_156, %dma_wait3A_157, %dma_wait3A_158] : memref<5x200x64xf32, #tpu.memory_space<vmem>> -> memref<1x200x64xf32, #tpu.memory_space<vmem>>
      %dma_wait3A_160 = tpu.memref_squeeze %dma_wait3A_159 : memref<1x200x64xf32, #tpu.memory_space<vmem>> -> memref<200x64xf32, #tpu.memory_space<vmem>>
      %dma_wait3A_161 = arith.constant 0 : i32
      %dma_wait3A_162 = tpu.memref_slice %arg7[%add3A_155, %dma_wait3A_161] : memref<50x200xi32, #tpu.memory_space<vmem>> -> memref<1x200xi32, #tpu.memory_space<vmem>>
      %dma_wait3A_163 = tpu.memref_squeeze %dma_wait3A_162 : memref<1x200xi32, #tpu.memory_space<vmem>> -> memref<200xi32, #tpu.memory_space<vmem>>
      %dma_wait3A_164 = arith.constant 0 : i32
      %dma_wait3A_165 = arith.constant 0 : i32
      %dma_wait3A_166 = tpu.memref_slice %arg2[%dma_wait3A_164, %dma_wait3A_165] : memref<10000x64xf32, #tpu.memory_space<hbm>> -> memref<10000x64xf32, #tpu.memory_space<hbm>>
      tpu.wait_indirect_dma semaphore(%arg12 : memref<!tpu.dma_semaphore, #tpu.memory_space<semaphore_mem>>) src(%dma_wait3A_166 : memref<10000x64xf32, #tpu.memory_space<hbm>>) dst(%dma_wait3A_160 : memref<200x64xf32, #tpu.memory_space<vmem>>)
      %dma_start3A_167 = arith.constant 1 : i32
      %dma_start3A_168 = arith.constant 0 : i32
      %dma_start3A_169 = arith.constant 0 : i32
      %dma_start3A_170 = tpu.memref_slice %arg9[%dma_start3A_167, %dma_start3A_168, %dma_start3A_169] : memref<5x200x64xf32, #tpu.memory_space<vmem>> -> memref<1x200x64xf32, #tpu.memory_space<vmem>>
      %dma_start3A_171 = tpu.memref_squeeze %dma_start3A_170 : memref<1x200x64xf32, #tpu.memory_space<vmem>> -> memref<200x64xf32, #tpu.memory_space<vmem>>
      %dma_start3A_172 = arith.constant 0 : i32
      %dma_start3A_173 = tpu.memref_slice %arg8[%add3A_155, %dma_start3A_172] : memref<50x200xi32, #tpu.memory_space<vmem>> -> memref<1x200xi32, #tpu.memory_space<vmem>>
      %dma_start3A_174 = tpu.memref_squeeze %dma_start3A_173 : memref<1x200xi32, #tpu.memory_space<vmem>> -> memref<200xi32, #tpu.memory_space<vmem>>
      %dma_start3A_175 = arith.constant 0 : i32
      %dma_start3A_176 = arith.constant 0 : i32
      %dma_start3A_177 = tpu.memref_slice %arg10[%dma_start3A_175, %dma_start3A_176] : memref<10240x64xf32, #tpu.memory_space<vmem_shared>> -> memref<10240x64xf32, #tpu.memory_space<vmem_shared>>
      tpu.enqueue_indirect_dma source(%dma_start3A_171 : memref<200x64xf32, #tpu.memory_space<vmem>>) target(%dma_start3A_177 : memref<10240x64xf32, #tpu.memory_space<vmem_shared>>) offsets(%dma_start3A_174 : memref<200xi32, #tpu.memory_space<vmem>>) semaphore(%arg17 : memref<!tpu.dma_semaphore, #tpu.memory_space<semaphore_mem>>) {add = true}
      %add3A_178 = arith.constant 2 : i32
      %add3A_179 = arith.addi %mul3A_129, %add3A_178 : i32
      %dma_wait3A_180 = arith.constant 2 : i32
      %dma_wait3A_181 = arith.constant 0 : i32
      %dma_wait3A_182 = arith.constant 0 : i32
      %dma_wait3A_183 = tpu.memref_slice %arg9[%dma_wait3A_180, %dma_wait3A_181, %dma_wait3A_182] : memref<5x200x64xf32, #tpu.memory_space<vmem>> -> memref<1x200x64xf32, #tpu.memory_space<vmem>>
      %dma_wait3A_184 = tpu.memref_squeeze %dma_wait3A_183 : memref<1x200x64xf32, #tpu.memory_space<vmem>> -> memref<200x64xf32, #tpu.memory_space<vmem>>
      %dma_wait3A_185 = arith.constant 0 : i32
      %dma_wait3A_186 = tpu.memref_slice %arg7[%add3A_179, %dma_wait3A_185] : memref<50x200xi32, #tpu.memory_space<vmem>> -> memref<1x200xi32, #tpu.memory_space<vmem>>
      %dma_wait3A_187 = tpu.memref_squeeze %dma_wait3A_186 : memref<1x200xi32, #tpu.memory_space<vmem>> -> memref<200xi32, #tpu.memory_space<vmem>>
      %dma_wait3A_188 = arith.constant 0 : i32
      %dma_wait3A_189 = arith.constant 0 : i32
      %dma_wait3A_190 = tpu.memref_slice %arg2[%dma_wait3A_188, %dma_wait3A_189] : memref<10000x64xf32, #tpu.memory_space<hbm>> -> memref<10000x64xf32, #tpu.memory_space<hbm>>
      tpu.wait_indirect_dma semaphore(%arg13 : memref<!tpu.dma_semaphore, #tpu.memory_space<semaphore_mem>>) src(%dma_wait3A_190 : memref<10000x64xf32, #tpu.memory_space<hbm>>) dst(%dma_wait3A_184 : memref<200x64xf32, #tpu.memory_space<vmem>>)
      %dma_start3A_191 = arith.constant 2 : i32
      %dma_start3A_192 = arith.constant 0 : i32
      %dma_start3A_193 = arith.constant 0 : i32
      %dma_start3A_194 = tpu.memref_slice %arg9[%dma_start3A_191, %dma_start3A_192, %dma_start3A_193] : memref<5x200x64xf32, #tpu.memory_space<vmem>> -> memref<1x200x64xf32, #tpu.memory_space<vmem>>
      %dma_start3A_195 = tpu.memref_squeeze %dma_start3A_194 : memref<1x200x64xf32, #tpu.memory_space<vmem>> -> memref<200x64xf32, #tpu.memory_space<vmem>>
      %dma_start3A_196 = arith.constant 0 : i32
      %dma_start3A_197 = tpu.memref_slice %arg8[%add3A_179, %dma_start3A_196] : memref<50x200xi32, #tpu.memory_space<vmem>> -> memref<1x200xi32, #tpu.memory_space<vmem>>
      %dma_start3A_198 = tpu.memref_squeeze %dma_start3A_197 : memref<1x200xi32, #tpu.memory_space<vmem>> -> memref<200xi32, #tpu.memory_space<vmem>>
      %dma_start3A_199 = arith.constant 0 : i32
      %dma_start3A_200 = arith.constant 0 : i32
      %dma_start3A_201 = tpu.memref_slice %arg10[%dma_start3A_199, %dma_start3A_200] : memref<10240x64xf32, #tpu.memory_space<vmem_shared>> -> memref<10240x64xf32, #tpu.memory_space<vmem_shared>>
      tpu.enqueue_indirect_dma source(%dma_start3A_195 : memref<200x64xf32, #tpu.memory_space<vmem>>) target(%dma_start3A_201 : memref<10240x64xf32, #tpu.memory_space<vmem_shared>>) offsets(%dma_start3A_198 : memref<200xi32, #tpu.memory_space<vmem>>) semaphore(%arg18 : memref<!tpu.dma_semaphore, #tpu.memory_space<semaphore_mem>>) {add = true}
      %add3A_202 = arith.constant 3 : i32
      %add3A_203 = arith.addi %mul3A_129, %add3A_202 : i32
      %dma_wait3A_204 = arith.constant 3 : i32
      %dma_wait3A_205 = arith.constant 0 : i32
      %dma_wait3A_206 = arith.constant 0 : i32
      %dma_wait3A_207 = tpu.memref_slice %arg9[%dma_wait3A_204, %dma_wait3A_205, %dma_wait3A_206] : memref<5x200x64xf32, #tpu.memory_space<vmem>> -> memref<1x200x64xf32, #tpu.memory_space<vmem>>
      %dma_wait3A_208 = tpu.memref_squeeze %dma_wait3A_207 : memref<1x200x64xf32, #tpu.memory_space<vmem>> -> memref<200x64xf32, #tpu.memory_space<vmem>>
      %dma_wait3A_209 = arith.constant 0 : i32
      %dma_wait3A_210 = tpu.memref_slice %arg7[%add3A_203, %dma_wait3A_209] : memref<50x200xi32, #tpu.memory_space<vmem>> -> memref<1x200xi32, #tpu.memory_space<vmem>>
      %dma_wait3A_211 = tpu.memref_squeeze %dma_wait3A_210 : memref<1x200xi32, #tpu.memory_space<vmem>> -> memref<200xi32, #tpu.memory_space<vmem>>
      %dma_wait3A_212 = arith.constant 0 : i32
      %dma_wait3A_213 = arith.constant 0 : i32
      %dma_wait3A_214 = tpu.memref_slice %arg2[%dma_wait3A_212, %dma_wait3A_213] : memref<10000x64xf32, #tpu.memory_space<hbm>> -> memref<10000x64xf32, #tpu.memory_space<hbm>>
      tpu.wait_indirect_dma semaphore(%arg14 : memref<!tpu.dma_semaphore, #tpu.memory_space<semaphore_mem>>) src(%dma_wait3A_214 : memref<10000x64xf32, #tpu.memory_space<hbm>>) dst(%dma_wait3A_208 : memref<200x64xf32, #tpu.memory_space<vmem>>)
      %dma_start3A_215 = arith.constant 3 : i32
      %dma_start3A_216 = arith.constant 0 : i32
      %dma_start3A_217 = arith.constant 0 : i32
      %dma_start3A_218 = tpu.memref_slice %arg9[%dma_start3A_215, %dma_start3A_216, %dma_start3A_217] : memref<5x200x64xf32, #tpu.memory_space<vmem>> -> memref<1x200x64xf32, #tpu.memory_space<vmem>>
      %dma_start3A_219 = tpu.memref_squeeze %dma_start3A_218 : memref<1x200x64xf32, #tpu.memory_space<vmem>> -> memref<200x64xf32, #tpu.memory_space<vmem>>
      %dma_start3A_220 = arith.constant 0 : i32
      %dma_start3A_221 = tpu.memref_slice %arg8[%add3A_203, %dma_start3A_220] : memref<50x200xi32, #tpu.memory_space<vmem>> -> memref<1x200xi32, #tpu.memory_space<vmem>>
      %dma_start3A_222 = tpu.memref_squeeze %dma_start3A_221 : memref<1x200xi32, #tpu.memory_space<vmem>> -> memref<200xi32, #tpu.memory_space<vmem>>
      %dma_start3A_223 = arith.constant 0 : i32
      %dma_start3A_224 = arith.constant 0 : i32
      %dma_start3A_225 = tpu.memref_slice %arg10[%dma_start3A_223, %dma_start3A_224] : memref<10240x64xf32, #tpu.memory_space<vmem_shared>> -> memref<10240x64xf32, #tpu.memory_space<vmem_shared>>
      tpu.enqueue_indirect_dma source(%dma_start3A_219 : memref<200x64xf32, #tpu.memory_space<vmem>>) target(%dma_start3A_225 : memref<10240x64xf32, #tpu.memory_space<vmem_shared>>) offsets(%dma_start3A_222 : memref<200xi32, #tpu.memory_space<vmem>>) semaphore(%arg19 : memref<!tpu.dma_semaphore, #tpu.memory_space<semaphore_mem>>) {add = true}
      %add3A_226 = arith.constant 4 : i32
      %add3A_227 = arith.addi %mul3A_129, %add3A_226 : i32
      %dma_wait3A_228 = arith.constant 4 : i32
      %dma_wait3A_229 = arith.constant 0 : i32
      %dma_wait3A_230 = arith.constant 0 : i32
      %dma_wait3A_231 = tpu.memref_slice %arg9[%dma_wait3A_228, %dma_wait3A_229, %dma_wait3A_230] : memref<5x200x64xf32, #tpu.memory_space<vmem>> -> memref<1x200x64xf32, #tpu.memory_space<vmem>>
      %dma_wait3A_232 = tpu.memref_squeeze %dma_wait3A_231 : memref<1x200x64xf32, #tpu.memory_space<vmem>> -> memref<200x64xf32, #tpu.memory_space<vmem>>
      %dma_wait3A_233 = arith.constant 0 : i32
      %dma_wait3A_234 = tpu.memref_slice %arg7[%add3A_227, %dma_wait3A_233] : memref<50x200xi32, #tpu.memory_space<vmem>> -> memref<1x200xi32, #tpu.memory_space<vmem>>
      %dma_wait3A_235 = tpu.memref_squeeze %dma_wait3A_234 : memref<1x200xi32, #tpu.memory_space<vmem>> -> memref<200xi32, #tpu.memory_space<vmem>>
      %dma_wait3A_236 = arith.constant 0 : i32
      %dma_wait3A_237 = arith.constant 0 : i32
      %dma_wait3A_238 = tpu.memref_slice %arg2[%dma_wait3A_236, %dma_wait3A_237] : memref<10000x64xf32, #tpu.memory_space<hbm>> -> memref<10000x64xf32, #tpu.memory_space<hbm>>
      tpu.wait_indirect_dma semaphore(%arg15 : memref<!tpu.dma_semaphore, #tpu.memory_space<semaphore_mem>>) src(%dma_wait3A_238 : memref<10000x64xf32, #tpu.memory_space<hbm>>) dst(%dma_wait3A_232 : memref<200x64xf32, #tpu.memory_space<vmem>>)
      %dma_start3A_239 = arith.constant 4 : i32
      %dma_start3A_240 = arith.constant 0 : i32
      %dma_start3A_241 = arith.constant 0 : i32
      %dma_start3A_242 = tpu.memref_slice %arg9[%dma_start3A_239, %dma_start3A_240, %dma_start3A_241] : memref<5x200x64xf32, #tpu.memory_space<vmem>> -> memref<1x200x64xf32, #tpu.memory_space<vmem>>
      %dma_start3A_243 = tpu.memref_squeeze %dma_start3A_242 : memref<1x200x64xf32, #tpu.memory_space<vmem>> -> memref<200x64xf32, #tpu.memory_space<vmem>>
      %dma_start3A_244 = arith.constant 0 : i32
      %dma_start3A_245 = tpu.memref_slice %arg8[%add3A_227, %dma_start3A_244] : memref<50x200xi32, #tpu.memory_space<vmem>> -> memref<1x200xi32, #tpu.memory_space<vmem>>
      %dma_start3A_246 = tpu.memref_squeeze %dma_start3A_245 : memref<1x200xi32, #tpu.memory_space<vmem>> -> memref<200xi32, #tpu.memory_space<vmem>>
      %dma_start3A_247 = arith.constant 0 : i32
      %dma_start3A_248 = arith.constant 0 : i32
      %dma_start3A_249 = tpu.memref_slice %arg10[%dma_start3A_247, %dma_start3A_248] : memref<10240x64xf32, #tpu.memory_space<vmem_shared>> -> memref<10240x64xf32, #tpu.memory_space<vmem_shared>>
      tpu.enqueue_indirect_dma source(%dma_start3A_243 : memref<200x64xf32, #tpu.memory_space<vmem>>) target(%dma_start3A_249 : memref<10240x64xf32, #tpu.memory_space<vmem_shared>>) offsets(%dma_start3A_246 : memref<200xi32, #tpu.memory_space<vmem>>) semaphore(%arg20 : memref<!tpu.dma_semaphore, #tpu.memory_space<semaphore_mem>>) {add = true}
      %add3A_250 = arith.constant 0 : i32
      %add3A_251 = arith.addi %mul3A_129, %add3A_250 : i32
      %add3A_252 = arith.constant 5 : i32
      %add3A_253 = arith.addi %add3A_251, %add3A_252 : i32
      %lt3A = arith.constant 50 : i32
      %lt3A_254 = arith.cmpi slt, %add3A_253, %lt3A : i32
      %convert_element_type3A = arith.extui %lt3A_254 : i1 to i32
      %cond3A = arith.constant 0 : i32
      %cond3A_255 = arith.cmpi ne, %convert_element_type3A, %cond3A : i32
      scf.if %cond3A_255 {
        %dma_wait3A_292 = arith.constant 0 : i32
        %dma_wait3A_293 = arith.constant 0 : i32
        %dma_wait3A_294 = arith.constant 0 : i32
        %dma_wait3A_295 = tpu.memref_slice %arg9[%dma_wait3A_292, %dma_wait3A_293, %dma_wait3A_294] : memref<5x200x64xf32, #tpu.memory_space<vmem>> -> memref<1x200x64xf32, #tpu.memory_space<vmem>>
        %dma_wait3A_296 = tpu.memref_squeeze %dma_wait3A_295 : memref<1x200x64xf32, #tpu.memory_space<vmem>> -> memref<200x64xf32, #tpu.memory_space<vmem>>
        %dma_wait3A_297 = arith.constant 0 : i32
        %dma_wait3A_298 = tpu.memref_slice %arg8[%add3A_251, %dma_wait3A_297] : memref<50x200xi32, #tpu.memory_space<vmem>> -> memref<1x200xi32, #tpu.memory_space<vmem>>
        %dma_wait3A_299 = tpu.memref_squeeze %dma_wait3A_298 : memref<1x200xi32, #tpu.memory_space<vmem>> -> memref<200xi32, #tpu.memory_space<vmem>>
        %dma_wait3A_300 = arith.constant 0 : i32
        %dma_wait3A_301 = arith.constant 0 : i32
        %dma_wait3A_302 = tpu.memref_slice %arg10[%dma_wait3A_300, %dma_wait3A_301] : memref<10240x64xf32, #tpu.memory_space<vmem_shared>> -> memref<10240x64xf32, #tpu.memory_space<vmem_shared>>
        tpu.wait_indirect_dma semaphore(%arg16 : memref<!tpu.dma_semaphore, #tpu.memory_space<semaphore_mem>>) src(%dma_wait3A_296 : memref<200x64xf32, #tpu.memory_space<vmem>>) dst(%dma_wait3A_302 : memref<10240x64xf32, #tpu.memory_space<vmem_shared>>)
        %dma_start3A_303 = arith.constant 0 : i32
        %dma_start3A_304 = arith.constant 0 : i32
        %dma_start3A_305 = arith.constant 0 : i32
        %dma_start3A_306 = tpu.memref_slice %arg9[%dma_start3A_303, %dma_start3A_304, %dma_start3A_305] : memref<5x200x64xf32, #tpu.memory_space<vmem>> -> memref<1x200x64xf32, #tpu.memory_space<vmem>>
        %dma_start3A_307 = tpu.memref_squeeze %dma_start3A_306 : memref<1x200x64xf32, #tpu.memory_space<vmem>> -> memref<200x64xf32, #tpu.memory_space<vmem>>
        %dma_start3A_308 = arith.constant 0 : i32
        %dma_start3A_309 = tpu.memref_slice %arg7[%add3A_253, %dma_start3A_308] : memref<50x200xi32, #tpu.memory_space<vmem>> -> memref<1x200xi32, #tpu.memory_space<vmem>>
        %dma_start3A_310 = tpu.memref_squeeze %dma_start3A_309 : memref<1x200xi32, #tpu.memory_space<vmem>> -> memref<200xi32, #tpu.memory_space<vmem>>
        %dma_start3A_311 = arith.constant 0 : i32
        %dma_start3A_312 = arith.constant 0 : i32
        %dma_start3A_313 = tpu.memref_slice %arg2[%dma_start3A_311, %dma_start3A_312] : memref<10000x64xf32, #tpu.memory_space<hbm>> -> memref<10000x64xf32, #tpu.memory_space<hbm>>
        tpu.enqueue_indirect_dma source(%dma_start3A_313 : memref<10000x64xf32, #tpu.memory_space<hbm>>) target(%dma_start3A_307 : memref<200x64xf32, #tpu.memory_space<vmem>>) offsets(%dma_start3A_310 : memref<200xi32, #tpu.memory_space<vmem>>) semaphore(%arg11 : memref<!tpu.dma_semaphore, #tpu.memory_space<semaphore_mem>>)
      } else {
      }
      %add3A_256 = arith.constant 1 : i32
      %add3A_257 = arith.addi %mul3A_129, %add3A_256 : i32
      %add3A_258 = arith.constant 5 : i32
      %add3A_259 = arith.addi %add3A_257, %add3A_258 : i32
      %lt3A_260 = arith.constant 50 : i32
      %lt3A_261 = arith.cmpi slt, %add3A_259, %lt3A_260 : i32
      %convert_element_type3A_262 = arith.extui %lt3A_261 : i1 to i32
      %cond3A_263 = arith.constant 0 : i32
      %cond3A_264 = arith.cmpi ne, %convert_element_type3A_262, %cond3A_263 : i32
      scf.if %cond3A_264 {
        %dma_wait3A_292 = arith.constant 1 : i32
        %dma_wait3A_293 = arith.constant 0 : i32
        %dma_wait3A_294 = arith.constant 0 : i32
        %dma_wait3A_295 = tpu.memref_slice %arg9[%dma_wait3A_292, %dma_wait3A_293, %dma_wait3A_294] : memref<5x200x64xf32, #tpu.memory_space<vmem>> -> memref<1x200x64xf32, #tpu.memory_space<vmem>>
        %dma_wait3A_296 = tpu.memref_squeeze %dma_wait3A_295 : memref<1x200x64xf32, #tpu.memory_space<vmem>> -> memref<200x64xf32, #tpu.memory_space<vmem>>
        %dma_wait3A_297 = arith.constant 0 : i32
        %dma_wait3A_298 = tpu.memref_slice %arg8[%add3A_257, %dma_wait3A_297] : memref<50x200xi32, #tpu.memory_space<vmem>> -> memref<1x200xi32, #tpu.memory_space<vmem>>
        %dma_wait3A_299 = tpu.memref_squeeze %dma_wait3A_298 : memref<1x200xi32, #tpu.memory_space<vmem>> -> memref<200xi32, #tpu.memory_space<vmem>>
        %dma_wait3A_300 = arith.constant 0 : i32
        %dma_wait3A_301 = arith.constant 0 : i32
        %dma_wait3A_302 = tpu.memref_slice %arg10[%dma_wait3A_300, %dma_wait3A_301] : memref<10240x64xf32, #tpu.memory_space<vmem_shared>> -> memref<10240x64xf32, #tpu.memory_space<vmem_shared>>
        tpu.wait_indirect_dma semaphore(%arg17 : memref<!tpu.dma_semaphore, #tpu.memory_space<semaphore_mem>>) src(%dma_wait3A_296 : memref<200x64xf32, #tpu.memory_space<vmem>>) dst(%dma_wait3A_302 : memref<10240x64xf32, #tpu.memory_space<vmem_shared>>)
        %dma_start3A_303 = arith.constant 1 : i32
        %dma_start3A_304 = arith.constant 0 : i32
        %dma_start3A_305 = arith.constant 0 : i32
        %dma_start3A_306 = tpu.memref_slice %arg9[%dma_start3A_303, %dma_start3A_304, %dma_start3A_305] : memref<5x200x64xf32, #tpu.memory_space<vmem>> -> memref<1x200x64xf32, #tpu.memory_space<vmem>>
        %dma_start3A_307 = tpu.memref_squeeze %dma_start3A_306 : memref<1x200x64xf32, #tpu.memory_space<vmem>> -> memref<200x64xf32, #tpu.memory_space<vmem>>
        %dma_start3A_308 = arith.constant 0 : i32
        %dma_start3A_309 = tpu.memref_slice %arg7[%add3A_259, %dma_start3A_308] : memref<50x200xi32, #tpu.memory_space<vmem>> -> memref<1x200xi32, #tpu.memory_space<vmem>>
        %dma_start3A_310 = tpu.memref_squeeze %dma_start3A_309 : memref<1x200xi32, #tpu.memory_space<vmem>> -> memref<200xi32, #tpu.memory_space<vmem>>
        %dma_start3A_311 = arith.constant 0 : i32
        %dma_start3A_312 = arith.constant 0 : i32
        %dma_start3A_313 = tpu.memref_slice %arg2[%dma_start3A_311, %dma_start3A_312] : memref<10000x64xf32, #tpu.memory_space<hbm>> -> memref<10000x64xf32, #tpu.memory_space<hbm>>
        tpu.enqueue_indirect_dma source(%dma_start3A_313 : memref<10000x64xf32, #tpu.memory_space<hbm>>) target(%dma_start3A_307 : memref<200x64xf32, #tpu.memory_space<vmem>>) offsets(%dma_start3A_310 : memref<200xi32, #tpu.memory_space<vmem>>) semaphore(%arg12 : memref<!tpu.dma_semaphore, #tpu.memory_space<semaphore_mem>>)
      } else {
      }
      %add3A_265 = arith.constant 2 : i32
      %add3A_266 = arith.addi %mul3A_129, %add3A_265 : i32
      %add3A_267 = arith.constant 5 : i32
      %add3A_268 = arith.addi %add3A_266, %add3A_267 : i32
      %lt3A_269 = arith.constant 50 : i32
      %lt3A_270 = arith.cmpi slt, %add3A_268, %lt3A_269 : i32
      %convert_element_type3A_271 = arith.extui %lt3A_270 : i1 to i32
      %cond3A_272 = arith.constant 0 : i32
      %cond3A_273 = arith.cmpi ne, %convert_element_type3A_271, %cond3A_272 : i32
      scf.if %cond3A_273 {
        %dma_wait3A_292 = arith.constant 2 : i32
        %dma_wait3A_293 = arith.constant 0 : i32
        %dma_wait3A_294 = arith.constant 0 : i32
        %dma_wait3A_295 = tpu.memref_slice %arg9[%dma_wait3A_292, %dma_wait3A_293, %dma_wait3A_294] : memref<5x200x64xf32, #tpu.memory_space<vmem>> -> memref<1x200x64xf32, #tpu.memory_space<vmem>>
        %dma_wait3A_296 = tpu.memref_squeeze %dma_wait3A_295 : memref<1x200x64xf32, #tpu.memory_space<vmem>> -> memref<200x64xf32, #tpu.memory_space<vmem>>
        %dma_wait3A_297 = arith.constant 0 : i32
        %dma_wait3A_298 = tpu.memref_slice %arg8[%add3A_266, %dma_wait3A_297] : memref<50x200xi32, #tpu.memory_space<vmem>> -> memref<1x200xi32, #tpu.memory_space<vmem>>
        %dma_wait3A_299 = tpu.memref_squeeze %dma_wait3A_298 : memref<1x200xi32, #tpu.memory_space<vmem>> -> memref<200xi32, #tpu.memory_space<vmem>>
        %dma_wait3A_300 = arith.constant 0 : i32
        %dma_wait3A_301 = arith.constant 0 : i32
        %dma_wait3A_302 = tpu.memref_slice %arg10[%dma_wait3A_300, %dma_wait3A_301] : memref<10240x64xf32, #tpu.memory_space<vmem_shared>> -> memref<10240x64xf32, #tpu.memory_space<vmem_shared>>
        tpu.wait_indirect_dma semaphore(%arg18 : memref<!tpu.dma_semaphore, #tpu.memory_space<semaphore_mem>>) src(%dma_wait3A_296 : memref<200x64xf32, #tpu.memory_space<vmem>>) dst(%dma_wait3A_302 : memref<10240x64xf32, #tpu.memory_space<vmem_shared>>)
        %dma_start3A_303 = arith.constant 2 : i32
        %dma_start3A_304 = arith.constant 0 : i32
        %dma_start3A_305 = arith.constant 0 : i32
        %dma_start3A_306 = tpu.memref_slice %arg9[%dma_start3A_303, %dma_start3A_304, %dma_start3A_305] : memref<5x200x64xf32, #tpu.memory_space<vmem>> -> memref<1x200x64xf32, #tpu.memory_space<vmem>>
        %dma_start3A_307 = tpu.memref_squeeze %dma_start3A_306 : memref<1x200x64xf32, #tpu.memory_space<vmem>> -> memref<200x64xf32, #tpu.memory_space<vmem>>
        %dma_start3A_308 = arith.constant 0 : i32
        %dma_start3A_309 = tpu.memref_slice %arg7[%add3A_268, %dma_start3A_308] : memref<50x200xi32, #tpu.memory_space<vmem>> -> memref<1x200xi32, #tpu.memory_space<vmem>>
        %dma_start3A_310 = tpu.memref_squeeze %dma_start3A_309 : memref<1x200xi32, #tpu.memory_space<vmem>> -> memref<200xi32, #tpu.memory_space<vmem>>
        %dma_start3A_311 = arith.constant 0 : i32
        %dma_start3A_312 = arith.constant 0 : i32
        %dma_start3A_313 = tpu.memref_slice %arg2[%dma_start3A_311, %dma_start3A_312] : memref<10000x64xf32, #tpu.memory_space<hbm>> -> memref<10000x64xf32, #tpu.memory_space<hbm>>
        tpu.enqueue_indirect_dma source(%dma_start3A_313 : memref<10000x64xf32, #tpu.memory_space<hbm>>) target(%dma_start3A_307 : memref<200x64xf32, #tpu.memory_space<vmem>>) offsets(%dma_start3A_310 : memref<200xi32, #tpu.memory_space<vmem>>) semaphore(%arg13 : memref<!tpu.dma_semaphore, #tpu.memory_space<semaphore_mem>>)
      } else {
      }
      %add3A_274 = arith.constant 3 : i32
      %add3A_275 = arith.addi %mul3A_129, %add3A_274 : i32
      %add3A_276 = arith.constant 5 : i32
      %add3A_277 = arith.addi %add3A_275, %add3A_276 : i32
      %lt3A_278 = arith.constant 50 : i32
      %lt3A_279 = arith.cmpi slt, %add3A_277, %lt3A_278 : i32
      %convert_element_type3A_280 = arith.extui %lt3A_279 : i1 to i32
      %cond3A_281 = arith.constant 0 : i32
      %cond3A_282 = arith.cmpi ne, %convert_element_type3A_280, %cond3A_281 : i32
      scf.if %cond3A_282 {
        %dma_wait3A_292 = arith.constant 3 : i32
        %dma_wait3A_293 = arith.constant 0 : i32
        %dma_wait3A_294 = arith.constant 0 : i32
        %dma_wait3A_295 = tpu.memref_slice %arg9[%dma_wait3A_292, %dma_wait3A_293, %dma_wait3A_294] : memref<5x200x64xf32, #tpu.memory_space<vmem>> -> memref<1x200x64xf32, #tpu.memory_space<vmem>>
        %dma_wait3A_296 = tpu.memref_squeeze %dma_wait3A_295 : memref<1x200x64xf32, #tpu.memory_space<vmem>> -> memref<200x64xf32, #tpu.memory_space<vmem>>
        %dma_wait3A_297 = arith.constant 0 : i32
        %dma_wait3A_298 = tpu.memref_slice %arg8[%add3A_275, %dma_wait3A_297] : memref<50x200xi32, #tpu.memory_space<vmem>> -> memref<1x200xi32, #tpu.memory_space<vmem>>
        %dma_wait3A_299 = tpu.memref_squeeze %dma_wait3A_298 : memref<1x200xi32, #tpu.memory_space<vmem>> -> memref<200xi32, #tpu.memory_space<vmem>>
        %dma_wait3A_300 = arith.constant 0 : i32
        %dma_wait3A_301 = arith.constant 0 : i32
        %dma_wait3A_302 = tpu.memref_slice %arg10[%dma_wait3A_300, %dma_wait3A_301] : memref<10240x64xf32, #tpu.memory_space<vmem_shared>> -> memref<10240x64xf32, #tpu.memory_space<vmem_shared>>
        tpu.wait_indirect_dma semaphore(%arg19 : memref<!tpu.dma_semaphore, #tpu.memory_space<semaphore_mem>>) src(%dma_wait3A_296 : memref<200x64xf32, #tpu.memory_space<vmem>>) dst(%dma_wait3A_302 : memref<10240x64xf32, #tpu.memory_space<vmem_shared>>)
        %dma_start3A_303 = arith.constant 3 : i32
        %dma_start3A_304 = arith.constant 0 : i32
        %dma_start3A_305 = arith.constant 0 : i32
        %dma_start3A_306 = tpu.memref_slice %arg9[%dma_start3A_303, %dma_start3A_304, %dma_start3A_305] : memref<5x200x64xf32, #tpu.memory_space<vmem>> -> memref<1x200x64xf32, #tpu.memory_space<vmem>>
        %dma_start3A_307 = tpu.memref_squeeze %dma_start3A_306 : memref<1x200x64xf32, #tpu.memory_space<vmem>> -> memref<200x64xf32, #tpu.memory_space<vmem>>
        %dma_start3A_308 = arith.constant 0 : i32
        %dma_start3A_309 = tpu.memref_slice %arg7[%add3A_277, %dma_start3A_308] : memref<50x200xi32, #tpu.memory_space<vmem>> -> memref<1x200xi32, #tpu.memory_space<vmem>>
        %dma_start3A_310 = tpu.memref_squeeze %dma_start3A_309 : memref<1x200xi32, #tpu.memory_space<vmem>> -> memref<200xi32, #tpu.memory_space<vmem>>
        %dma_start3A_311 = arith.constant 0 : i32
        %dma_start3A_312 = arith.constant 0 : i32
        %dma_start3A_313 = tpu.memref_slice %arg2[%dma_start3A_311, %dma_start3A_312] : memref<10000x64xf32, #tpu.memory_space<hbm>> -> memref<10000x64xf32, #tpu.memory_space<hbm>>
        tpu.enqueue_indirect_dma source(%dma_start3A_313 : memref<10000x64xf32, #tpu.memory_space<hbm>>) target(%dma_start3A_307 : memref<200x64xf32, #tpu.memory_space<vmem>>) offsets(%dma_start3A_310 : memref<200xi32, #tpu.memory_space<vmem>>) semaphore(%arg14 : memref<!tpu.dma_semaphore, #tpu.memory_space<semaphore_mem>>)
      } else {
      }
      %add3A_283 = arith.constant 4 : i32
      %add3A_284 = arith.addi %mul3A_129, %add3A_283 : i32
      %add3A_285 = arith.constant 5 : i32
      %add3A_286 = arith.addi %add3A_284, %add3A_285 : i32
      %lt3A_287 = arith.constant 50 : i32
      %lt3A_288 = arith.cmpi slt, %add3A_286, %lt3A_287 : i32
      %convert_element_type3A_289 = arith.extui %lt3A_288 : i1 to i32
      %cond3A_290 = arith.constant 0 : i32
      %cond3A_291 = arith.cmpi ne, %convert_element_type3A_289, %cond3A_290 : i32
      scf.if %cond3A_291 {
        %dma_wait3A_292 = arith.constant 4 : i32
        %dma_wait3A_293 = arith.constant 0 : i32
        %dma_wait3A_294 = arith.constant 0 : i32
        %dma_wait3A_295 = tpu.memref_slice %arg9[%dma_wait3A_292, %dma_wait3A_293, %dma_wait3A_294] : memref<5x200x64xf32, #tpu.memory_space<vmem>> -> memref<1x200x64xf32, #tpu.memory_space<vmem>>
        %dma_wait3A_296 = tpu.memref_squeeze %dma_wait3A_295 : memref<1x200x64xf32, #tpu.memory_space<vmem>> -> memref<200x64xf32, #tpu.memory_space<vmem>>
        %dma_wait3A_297 = arith.constant 0 : i32
        %dma_wait3A_298 = tpu.memref_slice %arg8[%add3A_284, %dma_wait3A_297] : memref<50x200xi32, #tpu.memory_space<vmem>> -> memref<1x200xi32, #tpu.memory_space<vmem>>
        %dma_wait3A_299 = tpu.memref_squeeze %dma_wait3A_298 : memref<1x200xi32, #tpu.memory_space<vmem>> -> memref<200xi32, #tpu.memory_space<vmem>>
        %dma_wait3A_300 = arith.constant 0 : i32
        %dma_wait3A_301 = arith.constant 0 : i32
        %dma_wait3A_302 = tpu.memref_slice %arg10[%dma_wait3A_300, %dma_wait3A_301] : memref<10240x64xf32, #tpu.memory_space<vmem_shared>> -> memref<10240x64xf32, #tpu.memory_space<vmem_shared>>
        tpu.wait_indirect_dma semaphore(%arg20 : memref<!tpu.dma_semaphore, #tpu.memory_space<semaphore_mem>>) src(%dma_wait3A_296 : memref<200x64xf32, #tpu.memory_space<vmem>>) dst(%dma_wait3A_302 : memref<10240x64xf32, #tpu.memory_space<vmem_shared>>)
        %dma_start3A_303 = arith.constant 4 : i32
        %dma_start3A_304 = arith.constant 0 : i32
        %dma_start3A_305 = arith.constant 0 : i32
        %dma_start3A_306 = tpu.memref_slice %arg9[%dma_start3A_303, %dma_start3A_304, %dma_start3A_305] : memref<5x200x64xf32, #tpu.memory_space<vmem>> -> memref<1x200x64xf32, #tpu.memory_space<vmem>>
        %dma_start3A_307 = tpu.memref_squeeze %dma_start3A_306 : memref<1x200x64xf32, #tpu.memory_space<vmem>> -> memref<200x64xf32, #tpu.memory_space<vmem>>
        %dma_start3A_308 = arith.constant 0 : i32
        %dma_start3A_309 = tpu.memref_slice %arg7[%add3A_286, %dma_start3A_308] : memref<50x200xi32, #tpu.memory_space<vmem>> -> memref<1x200xi32, #tpu.memory_space<vmem>>
        %dma_start3A_310 = tpu.memref_squeeze %dma_start3A_309 : memref<1x200xi32, #tpu.memory_space<vmem>> -> memref<200xi32, #tpu.memory_space<vmem>>
        %dma_start3A_311 = arith.constant 0 : i32
        %dma_start3A_312 = arith.constant 0 : i32
        %dma_start3A_313 = tpu.memref_slice %arg2[%dma_start3A_311, %dma_start3A_312] : memref<10000x64xf32, #tpu.memory_space<hbm>> -> memref<10000x64xf32, #tpu.memory_space<hbm>>
        tpu.enqueue_indirect_dma source(%dma_start3A_313 : memref<10000x64xf32, #tpu.memory_space<hbm>>) target(%dma_start3A_307 : memref<200x64xf32, #tpu.memory_space<vmem>>) offsets(%dma_start3A_310 : memref<200xi32, #tpu.memory_space<vmem>>) semaphore(%arg15 : memref<!tpu.dma_semaphore, #tpu.memory_space<semaphore_mem>>)
      } else {
      }
    }
    %scan3A_66 = arith.constant 10 : i32
    %dma_wait3A = arith.constant 0 : i32
    %dma_wait3A_67 = arith.constant 45 : i32
    %dma_wait3A_68 = arith.constant 0 : i32
    %dma_wait3A_69 = arith.constant 0 : i32
    %dma_wait3A_70 = tpu.memref_slice %arg9[%dma_wait3A, %dma_wait3A_68, %dma_wait3A_69] : memref<5x200x64xf32, #tpu.memory_space<vmem>> -> memref<1x200x64xf32, #tpu.memory_space<vmem>>
    %dma_wait3A_71 = tpu.memref_squeeze %dma_wait3A_70 : memref<1x200x64xf32, #tpu.memory_space<vmem>> -> memref<200x64xf32, #tpu.memory_space<vmem>>
    %dma_wait3A_72 = arith.constant 0 : i32
    %dma_wait3A_73 = tpu.memref_slice %arg8[%dma_wait3A_67, %dma_wait3A_72] : memref<50x200xi32, #tpu.memory_space<vmem>> -> memref<1x200xi32, #tpu.memory_space<vmem>>
    %dma_wait3A_74 = tpu.memref_squeeze %dma_wait3A_73 : memref<1x200xi32, #tpu.memory_space<vmem>> -> memref<200xi32, #tpu.memory_space<vmem>>
    %dma_wait3A_75 = arith.constant 0 : i32
    %dma_wait3A_76 = arith.constant 0 : i32
    %dma_wait3A_77 = tpu.memref_slice %arg10[%dma_wait3A_75, %dma_wait3A_76] : memref<10240x64xf32, #tpu.memory_space<vmem_shared>> -> memref<10240x64xf32, #tpu.memory_space<vmem_shared>>
    tpu.wait_indirect_dma semaphore(%arg16 : memref<!tpu.dma_semaphore, #tpu.memory_space<semaphore_mem>>) src(%dma_wait3A_71 : memref<200x64xf32, #tpu.memory_space<vmem>>) dst(%dma_wait3A_77 : memref<10240x64xf32, #tpu.memory_space<vmem_shared>>)
    %dma_wait3A_78 = arith.constant 1 : i32
    %dma_wait3A_79 = arith.constant 46 : i32
    %dma_wait3A_80 = arith.constant 0 : i32
    %dma_wait3A_81 = arith.constant 0 : i32
    %dma_wait3A_82 = tpu.memref_slice %arg9[%dma_wait3A_78, %dma_wait3A_80, %dma_wait3A_81] : memref<5x200x64xf32, #tpu.memory_space<vmem>> -> memref<1x200x64xf32, #tpu.memory_space<vmem>>
    %dma_wait3A_83 = tpu.memref_squeeze %dma_wait3A_82 : memref<1x200x64xf32, #tpu.memory_space<vmem>> -> memref<200x64xf32, #tpu.memory_space<vmem>>
    %dma_wait3A_84 = arith.constant 0 : i32
    %dma_wait3A_85 = tpu.memref_slice %arg8[%dma_wait3A_79, %dma_wait3A_84] : memref<50x200xi32, #tpu.memory_space<vmem>> -> memref<1x200xi32, #tpu.memory_space<vmem>>
    %dma_wait3A_86 = tpu.memref_squeeze %dma_wait3A_85 : memref<1x200xi32, #tpu.memory_space<vmem>> -> memref<200xi32, #tpu.memory_space<vmem>>
    %dma_wait3A_87 = arith.constant 0 : i32
    %dma_wait3A_88 = arith.constant 0 : i32
    %dma_wait3A_89 = tpu.memref_slice %arg10[%dma_wait3A_87, %dma_wait3A_88] : memref<10240x64xf32, #tpu.memory_space<vmem_shared>> -> memref<10240x64xf32, #tpu.memory_space<vmem_shared>>
    tpu.wait_indirect_dma semaphore(%arg17 : memref<!tpu.dma_semaphore, #tpu.memory_space<semaphore_mem>>) src(%dma_wait3A_83 : memref<200x64xf32, #tpu.memory_space<vmem>>) dst(%dma_wait3A_89 : memref<10240x64xf32, #tpu.memory_space<vmem_shared>>)
    %dma_wait3A_90 = arith.constant 2 : i32
    %dma_wait3A_91 = arith.constant 47 : i32
    %dma_wait3A_92 = arith.constant 0 : i32
    %dma_wait3A_93 = arith.constant 0 : i32
    %dma_wait3A_94 = tpu.memref_slice %arg9[%dma_wait3A_90, %dma_wait3A_92, %dma_wait3A_93] : memref<5x200x64xf32, #tpu.memory_space<vmem>> -> memref<1x200x64xf32, #tpu.memory_space<vmem>>
    %dma_wait3A_95 = tpu.memref_squeeze %dma_wait3A_94 : memref<1x200x64xf32, #tpu.memory_space<vmem>> -> memref<200x64xf32, #tpu.memory_space<vmem>>
    %dma_wait3A_96 = arith.constant 0 : i32
    %dma_wait3A_97 = tpu.memref_slice %arg8[%dma_wait3A_91, %dma_wait3A_96] : memref<50x200xi32, #tpu.memory_space<vmem>> -> memref<1x200xi32, #tpu.memory_space<vmem>>
    %dma_wait3A_98 = tpu.memref_squeeze %dma_wait3A_97 : memref<1x200xi32, #tpu.memory_space<vmem>> -> memref<200xi32, #tpu.memory_space<vmem>>
    %dma_wait3A_99 = arith.constant 0 : i32
    %dma_wait3A_100 = arith.constant 0 : i32
    %dma_wait3A_101 = tpu.memref_slice %arg10[%dma_wait3A_99, %dma_wait3A_100] : memref<10240x64xf32, #tpu.memory_space<vmem_shared>> -> memref<10240x64xf32, #tpu.memory_space<vmem_shared>>
    tpu.wait_indirect_dma semaphore(%arg18 : memref<!tpu.dma_semaphore, #tpu.memory_space<semaphore_mem>>) src(%dma_wait3A_95 : memref<200x64xf32, #tpu.memory_space<vmem>>) dst(%dma_wait3A_101 : memref<10240x64xf32, #tpu.memory_space<vmem_shared>>)
    %dma_wait3A_102 = arith.constant 3 : i32
    %dma_wait3A_103 = arith.constant 48 : i32
    %dma_wait3A_104 = arith.constant 0 : i32
    %dma_wait3A_105 = arith.constant 0 : i32
    %dma_wait3A_106 = tpu.memref_slice %arg9[%dma_wait3A_102, %dma_wait3A_104, %dma_wait3A_105] : memref<5x200x64xf32, #tpu.memory_space<vmem>> -> memref<1x200x64xf32, #tpu.memory_space<vmem>>
    %dma_wait3A_107 = tpu.memref_squeeze %dma_wait3A_106 : memref<1x200x64xf32, #tpu.memory_space<vmem>> -> memref<200x64xf32, #tpu.memory_space<vmem>>
    %dma_wait3A_108 = arith.constant 0 : i32
    %dma_wait3A_109 = tpu.memref_slice %arg8[%dma_wait3A_103, %dma_wait3A_108] : memref<50x200xi32, #tpu.memory_space<vmem>> -> memref<1x200xi32, #tpu.memory_space<vmem>>
    %dma_wait3A_110 = tpu.memref_squeeze %dma_wait3A_109 : memref<1x200xi32, #tpu.memory_space<vmem>> -> memref<200xi32, #tpu.memory_space<vmem>>
    %dma_wait3A_111 = arith.constant 0 : i32
    %dma_wait3A_112 = arith.constant 0 : i32
    %dma_wait3A_113 = tpu.memref_slice %arg10[%dma_wait3A_111, %dma_wait3A_112] : memref<10240x64xf32, #tpu.memory_space<vmem_shared>> -> memref<10240x64xf32, #tpu.memory_space<vmem_shared>>
    tpu.wait_indirect_dma semaphore(%arg19 : memref<!tpu.dma_semaphore, #tpu.memory_space<semaphore_mem>>) src(%dma_wait3A_107 : memref<200x64xf32, #tpu.memory_space<vmem>>) dst(%dma_wait3A_113 : memref<10240x64xf32, #tpu.memory_space<vmem_shared>>)
    %dma_wait3A_114 = arith.constant 4 : i32
    %dma_wait3A_115 = arith.constant 49 : i32
    %dma_wait3A_116 = arith.constant 0 : i32
    %dma_wait3A_117 = arith.constant 0 : i32
    %dma_wait3A_118 = tpu.memref_slice %arg9[%dma_wait3A_114, %dma_wait3A_116, %dma_wait3A_117] : memref<5x200x64xf32, #tpu.memory_space<vmem>> -> memref<1x200x64xf32, #tpu.memory_space<vmem>>
    %dma_wait3A_119 = tpu.memref_squeeze %dma_wait3A_118 : memref<1x200x64xf32, #tpu.memory_space<vmem>> -> memref<200x64xf32, #tpu.memory_space<vmem>>
    %dma_wait3A_120 = arith.constant 0 : i32
    %dma_wait3A_121 = tpu.memref_slice %arg8[%dma_wait3A_115, %dma_wait3A_120] : memref<50x200xi32, #tpu.memory_space<vmem>> -> memref<1x200xi32, #tpu.memory_space<vmem>>
    %dma_wait3A_122 = tpu.memref_squeeze %dma_wait3A_121 : memref<1x200xi32, #tpu.memory_space<vmem>> -> memref<200xi32, #tpu.memory_space<vmem>>
    %dma_wait3A_123 = arith.constant 0 : i32
    %dma_wait3A_124 = arith.constant 0 : i32
    %dma_wait3A_125 = tpu.memref_slice %arg10[%dma_wait3A_123, %dma_wait3A_124] : memref<10240x64xf32, #tpu.memory_space<vmem_shared>> -> memref<10240x64xf32, #tpu.memory_space<vmem_shared>>
    tpu.wait_indirect_dma semaphore(%arg20 : memref<!tpu.dma_semaphore, #tpu.memory_space<semaphore_mem>>) src(%dma_wait3A_119 : memref<200x64xf32, #tpu.memory_space<vmem>>) dst(%dma_wait3A_125 : memref<10240x64xf32, #tpu.memory_space<vmem_shared>>)
    %barrier3A_126 = arith.constant 0 : index
    tpu.barrier barrier_id(%barrier3A_126)
    "tpu.region"() ({
      %run_scoped3A = tpu.sem_alloc : memref<!tpu.dma_semaphore, #tpu.memory_space<semaphore_mem>>
      %dma_start3A_127 = arith.constant 0 : i32
      %dma_start3A_128 = tpu.memref_slice %arg6[%arg0, %mul3A_2, %dma_start3A_127] : memref<2x10240x64xf32, #tpu.memory_space<hbm>> -> memref<1x640x64xf32, #tpu.memory_space<hbm>>
      %dma_start3A_129 = tpu.memref_squeeze %dma_start3A_128 : memref<1x640x64xf32, #tpu.memory_space<hbm>> -> memref<640x64xf32, #tpu.memory_space<hbm>>
      %dma_start3A_130 = arith.constant 0 : i32
      %dma_start3A_131 = tpu.memref_slice %arg10[%mul3A_2, %dma_start3A_130] : memref<10240x64xf32, #tpu.memory_space<vmem_shared>> -> memref<640x64xf32, #tpu.memory_space<vmem_shared>>
      tpu.enqueue_dma source(%dma_start3A_131 : memref<640x64xf32, #tpu.memory_space<vmem_shared>>) target(%dma_start3A_129 : memref<640x64xf32, #tpu.memory_space<hbm>>) target_semaphore(%run_scoped3A : memref<!tpu.dma_semaphore, #tpu.memory_space<semaphore_mem>>)
      %dma_wait3A_132 = arith.constant 0 : i32
      %dma_wait3A_133 = tpu.memref_slice %arg6[%arg0, %mul3A_2, %dma_wait3A_132] : memref<2x10240x64xf32, #tpu.memory_space<hbm>> -> memref<1x640x64xf32, #tpu.memory_space<hbm>>
      %dma_wait3A_134 = tpu.memref_squeeze %dma_wait3A_133 : memref<1x640x64xf32, #tpu.memory_space<hbm>> -> memref<640x64xf32, #tpu.memory_space<hbm>>
      %dma_wait3A_135 = arith.constant 0 : i32
      %dma_wait3A_136 = tpu.memref_slice %arg10[%mul3A_2, %dma_wait3A_135] : memref<10240x64xf32, #tpu.memory_space<vmem_shared>> -> memref<640x64xf32, #tpu.memory_space<vmem_shared>>
      tpu.wait_dma2 semaphore(%run_scoped3A : memref<!tpu.dma_semaphore, #tpu.memory_space<semaphore_mem>>) src(%dma_wait3A_136 : memref<640x64xf32, #tpu.memory_space<vmem_shared>>) dst(%dma_wait3A_134 : memref<640x64xf32, #tpu.memory_space<hbm>>)
      tpu.yield
    }) : () -> ()
    return
  }
}

#map = affine_map<(d0, d1) -> (0, 0)>
#map1 = affine_map<(d0, d1) -> (0, 0, 0)>
module attributes {stable_mosaic.version = 14 : i64} {
  func.func @k(%arg0: i32, %arg1: i32, %arg2: memref<10000x16xf32, #tpu.memory_space<hbm>>, %arg3: memref<32x10x1000xi32, #tpu.memory_space<hbm>>, %arg4: memref<32x10x1000xi32, #tpu.memory_space<hbm>>, %arg5: memref<10240x16xf32, #tpu.memory_space<hbm>>, %arg6: memref<2x10240x16xf32, #tpu.memory_space<hbm>>, %arg7: memref<10x1000xi32, #tpu.memory_space<vmem>>, %arg8: memref<10x1000xi32, #tpu.memory_space<vmem>>, %arg9: memref<5x1000x16xf32, #tpu.memory_space<vmem>>, %arg10: memref<10240x16xf32, #tpu.memory_space<vmem_shared>>, %arg11: memref<!tpu.dma_semaphore, #tpu.memory_space<semaphore_mem>>, %arg12: memref<!tpu.dma_semaphore, #tpu.memory_space<semaphore_mem>>, %arg13: memref<!tpu.dma_semaphore, #tpu.memory_space<semaphore_mem>>, %arg14: memref<!tpu.dma_semaphore, #tpu.memory_space<semaphore_mem>>, %arg15: memref<!tpu.dma_semaphore, #tpu.memory_space<semaphore_mem>>, %arg16: memref<!tpu.dma_semaphore, #tpu.memory_space<semaphore_mem>>, %arg17: memref<!tpu.dma_semaphore, #tpu.memory_space<semaphore_mem>>, %arg18: memref<!tpu.dma_semaphore, #tpu.memory_space<semaphore_mem>>, %arg19: memref<!tpu.dma_semaphore, #tpu.memory_space<semaphore_mem>>, %arg20: memref<!tpu.dma_semaphore, #tpu.memory_space<semaphore_mem>>) attributes {dimension_semantics = [#tpu.dimension_semantics<core_parallel>, #tpu.dimension_semantics<subcore_parallel>], iteration_bounds = array<i64: 2, 16>, scalar_prefetch = 0 : i64, scratch_operands = 14 : i64, tpu.core_type = #tpu.core_type<sc_vector_subcore>, window_params = [{transform_indices = #map}, {transform_indices = #map1}, {transform_indices = #map1}, {transform_indices = #map}, {transform_indices = #map1}]} {
    %mul3A = arith.constant 2 : i32
    %mul3A_0 = arith.muli %arg1, %mul3A : i32
    %add3A = arith.addi %mul3A_0, %arg0 : i32
    %mul3A_1 = arith.constant 640 : i32
    %mul3A_2 = arith.muli %arg1, %mul3A_1 : i32
    "tpu.region"() ({
      %run_scoped3A = tpu.sem_alloc : memref<!tpu.dma_semaphore, #tpu.memory_space<semaphore_mem>>
      %dma_start3A_127 = arith.constant 0 : i32
      %dma_start3A_128 = tpu.memref_slice %arg10[%mul3A_2, %dma_start3A_127] : memref<10240x16xf32, #tpu.memory_space<vmem_shared>> -> memref<640x16xf32, #tpu.memory_space<vmem_shared>>
      %dma_start3A_129 = arith.constant 0 : i32
      %dma_start3A_130 = tpu.memref_slice %arg5[%mul3A_2, %dma_start3A_129] : memref<10240x16xf32, #tpu.memory_space<hbm>> -> memref<640x16xf32, #tpu.memory_space<hbm>>
      tpu.enqueue_dma source(%dma_start3A_130 : memref<640x16xf32, #tpu.memory_space<hbm>>) target(%dma_start3A_128 : memref<640x16xf32, #tpu.memory_space<vmem_shared>>) target_semaphore(%run_scoped3A : memref<!tpu.dma_semaphore, #tpu.memory_space<semaphore_mem>>)
      %dma_wait3A_131 = arith.constant 0 : i32
      %dma_wait3A_132 = tpu.memref_slice %arg10[%mul3A_2, %dma_wait3A_131] : memref<10240x16xf32, #tpu.memory_space<vmem_shared>> -> memref<640x16xf32, #tpu.memory_space<vmem_shared>>
      %dma_wait3A_133 = arith.constant 0 : i32
      %dma_wait3A_134 = tpu.memref_slice %arg5[%mul3A_2, %dma_wait3A_133] : memref<10240x16xf32, #tpu.memory_space<hbm>> -> memref<640x16xf32, #tpu.memory_space<hbm>>
      tpu.wait_dma2 semaphore(%run_scoped3A : memref<!tpu.dma_semaphore, #tpu.memory_space<semaphore_mem>>) src(%dma_wait3A_134 : memref<640x16xf32, #tpu.memory_space<hbm>>) dst(%dma_wait3A_132 : memref<640x16xf32, #tpu.memory_space<vmem_shared>>)
      tpu.yield
    }) : () -> ()
    "tpu.region"() ({
      %run_scoped3A = tpu.sem_alloc : memref<!tpu.dma_semaphore, #tpu.memory_space<semaphore_mem>>
      %dma_start3A_127 = arith.constant 0 : i32
      %dma_start3A_128 = arith.constant 0 : i32
      %dma_start3A_129 = tpu.memref_slice %arg3[%add3A, %dma_start3A_127, %dma_start3A_128] : memref<32x10x1000xi32, #tpu.memory_space<hbm>> -> memref<1x10x1000xi32, #tpu.memory_space<hbm>>
      %dma_start3A_130 = tpu.memref_squeeze %dma_start3A_129 : memref<1x10x1000xi32, #tpu.memory_space<hbm>> -> memref<10x1000xi32, #tpu.memory_space<hbm>>
      %dma_start3A_131 = arith.constant 0 : i32
      %dma_start3A_132 = arith.constant 0 : i32
      %dma_start3A_133 = tpu.memref_slice %arg3[%add3A, %dma_start3A_131, %dma_start3A_132] : memref<32x10x1000xi32, #tpu.memory_space<hbm>> -> memref<1x10x1000xi32, #tpu.memory_space<hbm>>
      %dma_start3A_134 = tpu.memref_squeeze %dma_start3A_133 : memref<1x10x1000xi32, #tpu.memory_space<hbm>> -> memref<10x1000xi32, #tpu.memory_space<hbm>>
      tpu.enqueue_dma source(%dma_start3A_134 : memref<10x1000xi32, #tpu.memory_space<hbm>>) target(%arg7 : memref<10x1000xi32, #tpu.memory_space<vmem>>) target_semaphore(%run_scoped3A : memref<!tpu.dma_semaphore, #tpu.memory_space<semaphore_mem>>)
      %dma_wait3A_135 = arith.constant 0 : i32
      %dma_wait3A_136 = arith.constant 0 : i32
      %dma_wait3A_137 = tpu.memref_slice %arg3[%add3A, %dma_wait3A_135, %dma_wait3A_136] : memref<32x10x1000xi32, #tpu.memory_space<hbm>> -> memref<1x10x1000xi32, #tpu.memory_space<hbm>>
      %dma_wait3A_138 = tpu.memref_squeeze %dma_wait3A_137 : memref<1x10x1000xi32, #tpu.memory_space<hbm>> -> memref<10x1000xi32, #tpu.memory_space<hbm>>
      %dma_wait3A_139 = arith.constant 0 : i32
      %dma_wait3A_140 = arith.constant 0 : i32
      %dma_wait3A_141 = tpu.memref_slice %arg3[%add3A, %dma_wait3A_139, %dma_wait3A_140] : memref<32x10x1000xi32, #tpu.memory_space<hbm>> -> memref<1x10x1000xi32, #tpu.memory_space<hbm>>
      %dma_wait3A_142 = tpu.memref_squeeze %dma_wait3A_141 : memref<1x10x1000xi32, #tpu.memory_space<hbm>> -> memref<10x1000xi32, #tpu.memory_space<hbm>>
      tpu.wait_dma2 semaphore(%run_scoped3A : memref<!tpu.dma_semaphore, #tpu.memory_space<semaphore_mem>>) src(%dma_wait3A_142 : memref<10x1000xi32, #tpu.memory_space<hbm>>) dst(%arg7 : memref<10x1000xi32, #tpu.memory_space<vmem>>)
      tpu.yield
    }) : () -> ()
    "tpu.region"() ({
      %run_scoped3A = tpu.sem_alloc : memref<!tpu.dma_semaphore, #tpu.memory_space<semaphore_mem>>
      %dma_start3A_127 = arith.constant 0 : i32
      %dma_start3A_128 = arith.constant 0 : i32
      %dma_start3A_129 = tpu.memref_slice %arg4[%add3A, %dma_start3A_127, %dma_start3A_128] : memref<32x10x1000xi32, #tpu.memory_space<hbm>> -> memref<1x10x1000xi32, #tpu.memory_space<hbm>>
      %dma_start3A_130 = tpu.memref_squeeze %dma_start3A_129 : memref<1x10x1000xi32, #tpu.memory_space<hbm>> -> memref<10x1000xi32, #tpu.memory_space<hbm>>
      %dma_start3A_131 = arith.constant 0 : i32
      %dma_start3A_132 = arith.constant 0 : i32
      %dma_start3A_133 = tpu.memref_slice %arg4[%add3A, %dma_start3A_131, %dma_start3A_132] : memref<32x10x1000xi32, #tpu.memory_space<hbm>> -> memref<1x10x1000xi32, #tpu.memory_space<hbm>>
      %dma_start3A_134 = tpu.memref_squeeze %dma_start3A_133 : memref<1x10x1000xi32, #tpu.memory_space<hbm>> -> memref<10x1000xi32, #tpu.memory_space<hbm>>
      tpu.enqueue_dma source(%dma_start3A_134 : memref<10x1000xi32, #tpu.memory_space<hbm>>) target(%arg8 : memref<10x1000xi32, #tpu.memory_space<vmem>>) target_semaphore(%run_scoped3A : memref<!tpu.dma_semaphore, #tpu.memory_space<semaphore_mem>>)
      %dma_wait3A_135 = arith.constant 0 : i32
      %dma_wait3A_136 = arith.constant 0 : i32
      %dma_wait3A_137 = tpu.memref_slice %arg4[%add3A, %dma_wait3A_135, %dma_wait3A_136] : memref<32x10x1000xi32, #tpu.memory_space<hbm>> -> memref<1x10x1000xi32, #tpu.memory_space<hbm>>
      %dma_wait3A_138 = tpu.memref_squeeze %dma_wait3A_137 : memref<1x10x1000xi32, #tpu.memory_space<hbm>> -> memref<10x1000xi32, #tpu.memory_space<hbm>>
      %dma_wait3A_139 = arith.constant 0 : i32
      %dma_wait3A_140 = arith.constant 0 : i32
      %dma_wait3A_141 = tpu.memref_slice %arg4[%add3A, %dma_wait3A_139, %dma_wait3A_140] : memref<32x10x1000xi32, #tpu.memory_space<hbm>> -> memref<1x10x1000xi32, #tpu.memory_space<hbm>>
      %dma_wait3A_142 = tpu.memref_squeeze %dma_wait3A_141 : memref<1x10x1000xi32, #tpu.memory_space<hbm>> -> memref<10x1000xi32, #tpu.memory_space<hbm>>
      tpu.wait_dma2 semaphore(%run_scoped3A : memref<!tpu.dma_semaphore, #tpu.memory_space<semaphore_mem>>) src(%dma_wait3A_142 : memref<10x1000xi32, #tpu.memory_space<hbm>>) dst(%arg8 : memref<10x1000xi32, #tpu.memory_space<vmem>>)
      tpu.yield
    }) : () -> ()
    %barrier3A = arith.constant 0 : index
    tpu.barrier barrier_id(%barrier3A)
    %dma_start3A = arith.constant 0 : i32
    %dma_start3A_3 = arith.constant 0 : i32
    %dma_start3A_4 = arith.constant 0 : i32
    %dma_start3A_5 = arith.constant 0 : i32
    %dma_start3A_6 = tpu.memref_slice %arg9[%dma_start3A_3, %dma_start3A_4, %dma_start3A_5] : memref<5x1000x16xf32, #tpu.memory_space<vmem>> -> memref<1x1000x16xf32, #tpu.memory_space<vmem>>
    %dma_start3A_7 = tpu.memref_squeeze %dma_start3A_6 : memref<1x1000x16xf32, #tpu.memory_space<vmem>> -> memref<1000x16xf32, #tpu.memory_space<vmem>>
    %dma_start3A_8 = arith.constant 0 : i32
    %dma_start3A_9 = tpu.memref_slice %arg7[%dma_start3A, %dma_start3A_8] : memref<10x1000xi32, #tpu.memory_space<vmem>> -> memref<1x1000xi32, #tpu.memory_space<vmem>>
    %dma_start3A_10 = tpu.memref_squeeze %dma_start3A_9 : memref<1x1000xi32, #tpu.memory_space<vmem>> -> memref<1000xi32, #tpu.memory_space<vmem>>
    %dma_start3A_11 = arith.constant 0 : i32
    %dma_start3A_12 = arith.constant 0 : i32
    %dma_start3A_13 = tpu.memref_slice %arg2[%dma_start3A_11, %dma_start3A_12] : memref<10000x16xf32, #tpu.memory_space<hbm>> -> memref<10000x16xf32, #tpu.memory_space<hbm>>
    tpu.enqueue_indirect_dma source(%dma_start3A_13 : memref<10000x16xf32, #tpu.memory_space<hbm>>) target(%dma_start3A_7 : memref<1000x16xf32, #tpu.memory_space<vmem>>) offsets(%dma_start3A_10 : memref<1000xi32, #tpu.memory_space<vmem>>) semaphore(%arg11 : memref<!tpu.dma_semaphore, #tpu.memory_space<semaphore_mem>>)
    %dma_start3A_14 = arith.constant 1 : i32
    %dma_start3A_15 = arith.constant 1 : i32
    %dma_start3A_16 = arith.constant 0 : i32
    %dma_start3A_17 = arith.constant 0 : i32
    %dma_start3A_18 = tpu.memref_slice %arg9[%dma_start3A_15, %dma_start3A_16, %dma_start3A_17] : memref<5x1000x16xf32, #tpu.memory_space<vmem>> -> memref<1x1000x16xf32, #tpu.memory_space<vmem>>
    %dma_start3A_19 = tpu.memref_squeeze %dma_start3A_18 : memref<1x1000x16xf32, #tpu.memory_space<vmem>> -> memref<1000x16xf32, #tpu.memory_space<vmem>>
    %dma_start3A_20 = arith.constant 0 : i32
    %dma_start3A_21 = tpu.memref_slice %arg7[%dma_start3A_14, %dma_start3A_20] : memref<10x1000xi32, #tpu.memory_space<vmem>> -> memref<1x1000xi32, #tpu.memory_space<vmem>>
    %dma_start3A_22 = tpu.memref_squeeze %dma_start3A_21 : memref<1x1000xi32, #tpu.memory_space<vmem>> -> memref<1000xi32, #tpu.memory_space<vmem>>
    %dma_start3A_23 = arith.constant 0 : i32
    %dma_start3A_24 = arith.constant 0 : i32
    %dma_start3A_25 = tpu.memref_slice %arg2[%dma_start3A_23, %dma_start3A_24] : memref<10000x16xf32, #tpu.memory_space<hbm>> -> memref<10000x16xf32, #tpu.memory_space<hbm>>
    tpu.enqueue_indirect_dma source(%dma_start3A_25 : memref<10000x16xf32, #tpu.memory_space<hbm>>) target(%dma_start3A_19 : memref<1000x16xf32, #tpu.memory_space<vmem>>) offsets(%dma_start3A_22 : memref<1000xi32, #tpu.memory_space<vmem>>) semaphore(%arg12 : memref<!tpu.dma_semaphore, #tpu.memory_space<semaphore_mem>>)
    %dma_start3A_26 = arith.constant 2 : i32
    %dma_start3A_27 = arith.constant 2 : i32
    %dma_start3A_28 = arith.constant 0 : i32
    %dma_start3A_29 = arith.constant 0 : i32
    %dma_start3A_30 = tpu.memref_slice %arg9[%dma_start3A_27, %dma_start3A_28, %dma_start3A_29] : memref<5x1000x16xf32, #tpu.memory_space<vmem>> -> memref<1x1000x16xf32, #tpu.memory_space<vmem>>
    %dma_start3A_31 = tpu.memref_squeeze %dma_start3A_30 : memref<1x1000x16xf32, #tpu.memory_space<vmem>> -> memref<1000x16xf32, #tpu.memory_space<vmem>>
    %dma_start3A_32 = arith.constant 0 : i32
    %dma_start3A_33 = tpu.memref_slice %arg7[%dma_start3A_26, %dma_start3A_32] : memref<10x1000xi32, #tpu.memory_space<vmem>> -> memref<1x1000xi32, #tpu.memory_space<vmem>>
    %dma_start3A_34 = tpu.memref_squeeze %dma_start3A_33 : memref<1x1000xi32, #tpu.memory_space<vmem>> -> memref<1000xi32, #tpu.memory_space<vmem>>
    %dma_start3A_35 = arith.constant 0 : i32
    %dma_start3A_36 = arith.constant 0 : i32
    %dma_start3A_37 = tpu.memref_slice %arg2[%dma_start3A_35, %dma_start3A_36] : memref<10000x16xf32, #tpu.memory_space<hbm>> -> memref<10000x16xf32, #tpu.memory_space<hbm>>
    tpu.enqueue_indirect_dma source(%dma_start3A_37 : memref<10000x16xf32, #tpu.memory_space<hbm>>) target(%dma_start3A_31 : memref<1000x16xf32, #tpu.memory_space<vmem>>) offsets(%dma_start3A_34 : memref<1000xi32, #tpu.memory_space<vmem>>) semaphore(%arg13 : memref<!tpu.dma_semaphore, #tpu.memory_space<semaphore_mem>>)
    %dma_start3A_38 = arith.constant 3 : i32
    %dma_start3A_39 = arith.constant 3 : i32
    %dma_start3A_40 = arith.constant 0 : i32
    %dma_start3A_41 = arith.constant 0 : i32
    %dma_start3A_42 = tpu.memref_slice %arg9[%dma_start3A_39, %dma_start3A_40, %dma_start3A_41] : memref<5x1000x16xf32, #tpu.memory_space<vmem>> -> memref<1x1000x16xf32, #tpu.memory_space<vmem>>
    %dma_start3A_43 = tpu.memref_squeeze %dma_start3A_42 : memref<1x1000x16xf32, #tpu.memory_space<vmem>> -> memref<1000x16xf32, #tpu.memory_space<vmem>>
    %dma_start3A_44 = arith.constant 0 : i32
    %dma_start3A_45 = tpu.memref_slice %arg7[%dma_start3A_38, %dma_start3A_44] : memref<10x1000xi32, #tpu.memory_space<vmem>> -> memref<1x1000xi32, #tpu.memory_space<vmem>>
    %dma_start3A_46 = tpu.memref_squeeze %dma_start3A_45 : memref<1x1000xi32, #tpu.memory_space<vmem>> -> memref<1000xi32, #tpu.memory_space<vmem>>
    %dma_start3A_47 = arith.constant 0 : i32
    %dma_start3A_48 = arith.constant 0 : i32
    %dma_start3A_49 = tpu.memref_slice %arg2[%dma_start3A_47, %dma_start3A_48] : memref<10000x16xf32, #tpu.memory_space<hbm>> -> memref<10000x16xf32, #tpu.memory_space<hbm>>
    tpu.enqueue_indirect_dma source(%dma_start3A_49 : memref<10000x16xf32, #tpu.memory_space<hbm>>) target(%dma_start3A_43 : memref<1000x16xf32, #tpu.memory_space<vmem>>) offsets(%dma_start3A_46 : memref<1000xi32, #tpu.memory_space<vmem>>) semaphore(%arg14 : memref<!tpu.dma_semaphore, #tpu.memory_space<semaphore_mem>>)
    %dma_start3A_50 = arith.constant 4 : i32
    %dma_start3A_51 = arith.constant 4 : i32
    %dma_start3A_52 = arith.constant 0 : i32
    %dma_start3A_53 = arith.constant 0 : i32
    %dma_start3A_54 = tpu.memref_slice %arg9[%dma_start3A_51, %dma_start3A_52, %dma_start3A_53] : memref<5x1000x16xf32, #tpu.memory_space<vmem>> -> memref<1x1000x16xf32, #tpu.memory_space<vmem>>
    %dma_start3A_55 = tpu.memref_squeeze %dma_start3A_54 : memref<1x1000x16xf32, #tpu.memory_space<vmem>> -> memref<1000x16xf32, #tpu.memory_space<vmem>>
    %dma_start3A_56 = arith.constant 0 : i32
    %dma_start3A_57 = tpu.memref_slice %arg7[%dma_start3A_50, %dma_start3A_56] : memref<10x1000xi32, #tpu.memory_space<vmem>> -> memref<1x1000xi32, #tpu.memory_space<vmem>>
    %dma_start3A_58 = tpu.memref_squeeze %dma_start3A_57 : memref<1x1000xi32, #tpu.memory_space<vmem>> -> memref<1000xi32, #tpu.memory_space<vmem>>
    %dma_start3A_59 = arith.constant 0 : i32
    %dma_start3A_60 = arith.constant 0 : i32
    %dma_start3A_61 = tpu.memref_slice %arg2[%dma_start3A_59, %dma_start3A_60] : memref<10000x16xf32, #tpu.memory_space<hbm>> -> memref<10000x16xf32, #tpu.memory_space<hbm>>
    tpu.enqueue_indirect_dma source(%dma_start3A_61 : memref<10000x16xf32, #tpu.memory_space<hbm>>) target(%dma_start3A_55 : memref<1000x16xf32, #tpu.memory_space<vmem>>) offsets(%dma_start3A_58 : memref<1000xi32, #tpu.memory_space<vmem>>) semaphore(%arg15 : memref<!tpu.dma_semaphore, #tpu.memory_space<semaphore_mem>>)
    %scan3A = arith.constant 0 : i32
    %scan3A_62 = arith.constant 0 : i32
    %scan3A_63 = arith.constant 2 : i32
    %scan3A_64 = arith.addi %scan3A_62, %scan3A_63 : i32
    %scan3A_65 = arith.constant 1 : i32
    scf.for %scan3A_127 = %scan3A_62 to %scan3A_64 step %scan3A_65  : i32 {
      %mul3A_128 = arith.constant 5 : i32
      %mul3A_129 = arith.muli %mul3A_128, %scan3A_127 : i32
      %add3A_130 = arith.constant 0 : i32
      %add3A_131 = arith.addi %mul3A_129, %add3A_130 : i32
      %dma_wait3A_132 = arith.constant 0 : i32
      %dma_wait3A_133 = arith.constant 0 : i32
      %dma_wait3A_134 = arith.constant 0 : i32
      %dma_wait3A_135 = tpu.memref_slice %arg9[%dma_wait3A_132, %dma_wait3A_133, %dma_wait3A_134] : memref<5x1000x16xf32, #tpu.memory_space<vmem>> -> memref<1x1000x16xf32, #tpu.memory_space<vmem>>
      %dma_wait3A_136 = tpu.memref_squeeze %dma_wait3A_135 : memref<1x1000x16xf32, #tpu.memory_space<vmem>> -> memref<1000x16xf32, #tpu.memory_space<vmem>>
      %dma_wait3A_137 = arith.constant 0 : i32
      %dma_wait3A_138 = tpu.memref_slice %arg7[%add3A_131, %dma_wait3A_137] : memref<10x1000xi32, #tpu.memory_space<vmem>> -> memref<1x1000xi32, #tpu.memory_space<vmem>>
      %dma_wait3A_139 = tpu.memref_squeeze %dma_wait3A_138 : memref<1x1000xi32, #tpu.memory_space<vmem>> -> memref<1000xi32, #tpu.memory_space<vmem>>
      %dma_wait3A_140 = arith.constant 0 : i32
      %dma_wait3A_141 = arith.constant 0 : i32
      %dma_wait3A_142 = tpu.memref_slice %arg2[%dma_wait3A_140, %dma_wait3A_141] : memref<10000x16xf32, #tpu.memory_space<hbm>> -> memref<10000x16xf32, #tpu.memory_space<hbm>>
      tpu.wait_indirect_dma semaphore(%arg11 : memref<!tpu.dma_semaphore, #tpu.memory_space<semaphore_mem>>) src(%dma_wait3A_142 : memref<10000x16xf32, #tpu.memory_space<hbm>>) dst(%dma_wait3A_136 : memref<1000x16xf32, #tpu.memory_space<vmem>>)
      %dma_start3A_143 = arith.constant 0 : i32
      %dma_start3A_144 = arith.constant 0 : i32
      %dma_start3A_145 = arith.constant 0 : i32
      %dma_start3A_146 = tpu.memref_slice %arg9[%dma_start3A_143, %dma_start3A_144, %dma_start3A_145] : memref<5x1000x16xf32, #tpu.memory_space<vmem>> -> memref<1x1000x16xf32, #tpu.memory_space<vmem>>
      %dma_start3A_147 = tpu.memref_squeeze %dma_start3A_146 : memref<1x1000x16xf32, #tpu.memory_space<vmem>> -> memref<1000x16xf32, #tpu.memory_space<vmem>>
      %dma_start3A_148 = arith.constant 0 : i32
      %dma_start3A_149 = tpu.memref_slice %arg8[%add3A_131, %dma_start3A_148] : memref<10x1000xi32, #tpu.memory_space<vmem>> -> memref<1x1000xi32, #tpu.memory_space<vmem>>
      %dma_start3A_150 = tpu.memref_squeeze %dma_start3A_149 : memref<1x1000xi32, #tpu.memory_space<vmem>> -> memref<1000xi32, #tpu.memory_space<vmem>>
      %dma_start3A_151 = arith.constant 0 : i32
      %dma_start3A_152 = arith.constant 0 : i32
      %dma_start3A_153 = tpu.memref_slice %arg10[%dma_start3A_151, %dma_start3A_152] : memref<10240x16xf32, #tpu.memory_space<vmem_shared>> -> memref<10240x16xf32, #tpu.memory_space<vmem_shared>>
      tpu.enqueue_indirect_dma source(%dma_start3A_147 : memref<1000x16xf32, #tpu.memory_space<vmem>>) target(%dma_start3A_153 : memref<10240x16xf32, #tpu.memory_space<vmem_shared>>) offsets(%dma_start3A_150 : memref<1000xi32, #tpu.memory_space<vmem>>) semaphore(%arg16 : memref<!tpu.dma_semaphore, #tpu.memory_space<semaphore_mem>>) {add = true}
      %add3A_154 = arith.constant 1 : i32
      %add3A_155 = arith.addi %mul3A_129, %add3A_154 : i32
      %dma_wait3A_156 = arith.constant 1 : i32
      %dma_wait3A_157 = arith.constant 0 : i32
      %dma_wait3A_158 = arith.constant 0 : i32
      %dma_wait3A_159 = tpu.memref_slice %arg9[%dma_wait3A_156, %dma_wait3A_157, %dma_wait3A_158] : memref<5x1000x16xf32, #tpu.memory_space<vmem>> -> memref<1x1000x16xf32, #tpu.memory_space<vmem>>
      %dma_wait3A_160 = tpu.memref_squeeze %dma_wait3A_159 : memref<1x1000x16xf32, #tpu.memory_space<vmem>> -> memref<1000x16xf32, #tpu.memory_space<vmem>>
      %dma_wait3A_161 = arith.constant 0 : i32
      %dma_wait3A_162 = tpu.memref_slice %arg7[%add3A_155, %dma_wait3A_161] : memref<10x1000xi32, #tpu.memory_space<vmem>> -> memref<1x1000xi32, #tpu.memory_space<vmem>>
      %dma_wait3A_163 = tpu.memref_squeeze %dma_wait3A_162 : memref<1x1000xi32, #tpu.memory_space<vmem>> -> memref<1000xi32, #tpu.memory_space<vmem>>
      %dma_wait3A_164 = arith.constant 0 : i32
      %dma_wait3A_165 = arith.constant 0 : i32
      %dma_wait3A_166 = tpu.memref_slice %arg2[%dma_wait3A_164, %dma_wait3A_165] : memref<10000x16xf32, #tpu.memory_space<hbm>> -> memref<10000x16xf32, #tpu.memory_space<hbm>>
      tpu.wait_indirect_dma semaphore(%arg12 : memref<!tpu.dma_semaphore, #tpu.memory_space<semaphore_mem>>) src(%dma_wait3A_166 : memref<10000x16xf32, #tpu.memory_space<hbm>>) dst(%dma_wait3A_160 : memref<1000x16xf32, #tpu.memory_space<vmem>>)
      %dma_start3A_167 = arith.constant 1 : i32
      %dma_start3A_168 = arith.constant 0 : i32
      %dma_start3A_169 = arith.constant 0 : i32
      %dma_start3A_170 = tpu.memref_slice %arg9[%dma_start3A_167, %dma_start3A_168, %dma_start3A_169] : memref<5x1000x16xf32, #tpu.memory_space<vmem>> -> memref<1x1000x16xf32, #tpu.memory_space<vmem>>
      %dma_start3A_171 = tpu.memref_squeeze %dma_start3A_170 : memref<1x1000x16xf32, #tpu.memory_space<vmem>> -> memref<1000x16xf32, #tpu.memory_space<vmem>>
      %dma_start3A_172 = arith.constant 0 : i32
      %dma_start3A_173 = tpu.memref_slice %arg8[%add3A_155, %dma_start3A_172] : memref<10x1000xi32, #tpu.memory_space<vmem>> -> memref<1x1000xi32, #tpu.memory_space<vmem>>
      %dma_start3A_174 = tpu.memref_squeeze %dma_start3A_173 : memref<1x1000xi32, #tpu.memory_space<vmem>> -> memref<1000xi32, #tpu.memory_space<vmem>>
      %dma_start3A_175 = arith.constant 0 : i32
      %dma_start3A_176 = arith.constant 0 : i32
      %dma_start3A_177 = tpu.memref_slice %arg10[%dma_start3A_175, %dma_start3A_176] : memref<10240x16xf32, #tpu.memory_space<vmem_shared>> -> memref<10240x16xf32, #tpu.memory_space<vmem_shared>>
      tpu.enqueue_indirect_dma source(%dma_start3A_171 : memref<1000x16xf32, #tpu.memory_space<vmem>>) target(%dma_start3A_177 : memref<10240x16xf32, #tpu.memory_space<vmem_shared>>) offsets(%dma_start3A_174 : memref<1000xi32, #tpu.memory_space<vmem>>) semaphore(%arg17 : memref<!tpu.dma_semaphore, #tpu.memory_space<semaphore_mem>>) {add = true}
      %add3A_178 = arith.constant 2 : i32
      %add3A_179 = arith.addi %mul3A_129, %add3A_178 : i32
      %dma_wait3A_180 = arith.constant 2 : i32
      %dma_wait3A_181 = arith.constant 0 : i32
      %dma_wait3A_182 = arith.constant 0 : i32
      %dma_wait3A_183 = tpu.memref_slice %arg9[%dma_wait3A_180, %dma_wait3A_181, %dma_wait3A_182] : memref<5x1000x16xf32, #tpu.memory_space<vmem>> -> memref<1x1000x16xf32, #tpu.memory_space<vmem>>
      %dma_wait3A_184 = tpu.memref_squeeze %dma_wait3A_183 : memref<1x1000x16xf32, #tpu.memory_space<vmem>> -> memref<1000x16xf32, #tpu.memory_space<vmem>>
      %dma_wait3A_185 = arith.constant 0 : i32
      %dma_wait3A_186 = tpu.memref_slice %arg7[%add3A_179, %dma_wait3A_185] : memref<10x1000xi32, #tpu.memory_space<vmem>> -> memref<1x1000xi32, #tpu.memory_space<vmem>>
      %dma_wait3A_187 = tpu.memref_squeeze %dma_wait3A_186 : memref<1x1000xi32, #tpu.memory_space<vmem>> -> memref<1000xi32, #tpu.memory_space<vmem>>
      %dma_wait3A_188 = arith.constant 0 : i32
      %dma_wait3A_189 = arith.constant 0 : i32
      %dma_wait3A_190 = tpu.memref_slice %arg2[%dma_wait3A_188, %dma_wait3A_189] : memref<10000x16xf32, #tpu.memory_space<hbm>> -> memref<10000x16xf32, #tpu.memory_space<hbm>>
      tpu.wait_indirect_dma semaphore(%arg13 : memref<!tpu.dma_semaphore, #tpu.memory_space<semaphore_mem>>) src(%dma_wait3A_190 : memref<10000x16xf32, #tpu.memory_space<hbm>>) dst(%dma_wait3A_184 : memref<1000x16xf32, #tpu.memory_space<vmem>>)
      %dma_start3A_191 = arith.constant 2 : i32
      %dma_start3A_192 = arith.constant 0 : i32
      %dma_start3A_193 = arith.constant 0 : i32
      %dma_start3A_194 = tpu.memref_slice %arg9[%dma_start3A_191, %dma_start3A_192, %dma_start3A_193] : memref<5x1000x16xf32, #tpu.memory_space<vmem>> -> memref<1x1000x16xf32, #tpu.memory_space<vmem>>
      %dma_start3A_195 = tpu.memref_squeeze %dma_start3A_194 : memref<1x1000x16xf32, #tpu.memory_space<vmem>> -> memref<1000x16xf32, #tpu.memory_space<vmem>>
      %dma_start3A_196 = arith.constant 0 : i32
      %dma_start3A_197 = tpu.memref_slice %arg8[%add3A_179, %dma_start3A_196] : memref<10x1000xi32, #tpu.memory_space<vmem>> -> memref<1x1000xi32, #tpu.memory_space<vmem>>
      %dma_start3A_198 = tpu.memref_squeeze %dma_start3A_197 : memref<1x1000xi32, #tpu.memory_space<vmem>> -> memref<1000xi32, #tpu.memory_space<vmem>>
      %dma_start3A_199 = arith.constant 0 : i32
      %dma_start3A_200 = arith.constant 0 : i32
      %dma_start3A_201 = tpu.memref_slice %arg10[%dma_start3A_199, %dma_start3A_200] : memref<10240x16xf32, #tpu.memory_space<vmem_shared>> -> memref<10240x16xf32, #tpu.memory_space<vmem_shared>>
      tpu.enqueue_indirect_dma source(%dma_start3A_195 : memref<1000x16xf32, #tpu.memory_space<vmem>>) target(%dma_start3A_201 : memref<10240x16xf32, #tpu.memory_space<vmem_shared>>) offsets(%dma_start3A_198 : memref<1000xi32, #tpu.memory_space<vmem>>) semaphore(%arg18 : memref<!tpu.dma_semaphore, #tpu.memory_space<semaphore_mem>>) {add = true}
      %add3A_202 = arith.constant 3 : i32
      %add3A_203 = arith.addi %mul3A_129, %add3A_202 : i32
      %dma_wait3A_204 = arith.constant 3 : i32
      %dma_wait3A_205 = arith.constant 0 : i32
      %dma_wait3A_206 = arith.constant 0 : i32
      %dma_wait3A_207 = tpu.memref_slice %arg9[%dma_wait3A_204, %dma_wait3A_205, %dma_wait3A_206] : memref<5x1000x16xf32, #tpu.memory_space<vmem>> -> memref<1x1000x16xf32, #tpu.memory_space<vmem>>
      %dma_wait3A_208 = tpu.memref_squeeze %dma_wait3A_207 : memref<1x1000x16xf32, #tpu.memory_space<vmem>> -> memref<1000x16xf32, #tpu.memory_space<vmem>>
      %dma_wait3A_209 = arith.constant 0 : i32
      %dma_wait3A_210 = tpu.memref_slice %arg7[%add3A_203, %dma_wait3A_209] : memref<10x1000xi32, #tpu.memory_space<vmem>> -> memref<1x1000xi32, #tpu.memory_space<vmem>>
      %dma_wait3A_211 = tpu.memref_squeeze %dma_wait3A_210 : memref<1x1000xi32, #tpu.memory_space<vmem>> -> memref<1000xi32, #tpu.memory_space<vmem>>
      %dma_wait3A_212 = arith.constant 0 : i32
      %dma_wait3A_213 = arith.constant 0 : i32
      %dma_wait3A_214 = tpu.memref_slice %arg2[%dma_wait3A_212, %dma_wait3A_213] : memref<10000x16xf32, #tpu.memory_space<hbm>> -> memref<10000x16xf32, #tpu.memory_space<hbm>>
      tpu.wait_indirect_dma semaphore(%arg14 : memref<!tpu.dma_semaphore, #tpu.memory_space<semaphore_mem>>) src(%dma_wait3A_214 : memref<10000x16xf32, #tpu.memory_space<hbm>>) dst(%dma_wait3A_208 : memref<1000x16xf32, #tpu.memory_space<vmem>>)
      %dma_start3A_215 = arith.constant 3 : i32
      %dma_start3A_216 = arith.constant 0 : i32
      %dma_start3A_217 = arith.constant 0 : i32
      %dma_start3A_218 = tpu.memref_slice %arg9[%dma_start3A_215, %dma_start3A_216, %dma_start3A_217] : memref<5x1000x16xf32, #tpu.memory_space<vmem>> -> memref<1x1000x16xf32, #tpu.memory_space<vmem>>
      %dma_start3A_219 = tpu.memref_squeeze %dma_start3A_218 : memref<1x1000x16xf32, #tpu.memory_space<vmem>> -> memref<1000x16xf32, #tpu.memory_space<vmem>>
      %dma_start3A_220 = arith.constant 0 : i32
      %dma_start3A_221 = tpu.memref_slice %arg8[%add3A_203, %dma_start3A_220] : memref<10x1000xi32, #tpu.memory_space<vmem>> -> memref<1x1000xi32, #tpu.memory_space<vmem>>
      %dma_start3A_222 = tpu.memref_squeeze %dma_start3A_221 : memref<1x1000xi32, #tpu.memory_space<vmem>> -> memref<1000xi32, #tpu.memory_space<vmem>>
      %dma_start3A_223 = arith.constant 0 : i32
      %dma_start3A_224 = arith.constant 0 : i32
      %dma_start3A_225 = tpu.memref_slice %arg10[%dma_start3A_223, %dma_start3A_224] : memref<10240x16xf32, #tpu.memory_space<vmem_shared>> -> memref<10240x16xf32, #tpu.memory_space<vmem_shared>>
      tpu.enqueue_indirect_dma source(%dma_start3A_219 : memref<1000x16xf32, #tpu.memory_space<vmem>>) target(%dma_start3A_225 : memref<10240x16xf32, #tpu.memory_space<vmem_shared>>) offsets(%dma_start3A_222 : memref<1000xi32, #tpu.memory_space<vmem>>) semaphore(%arg19 : memref<!tpu.dma_semaphore, #tpu.memory_space<semaphore_mem>>) {add = true}
      %add3A_226 = arith.constant 4 : i32
      %add3A_227 = arith.addi %mul3A_129, %add3A_226 : i32
      %dma_wait3A_228 = arith.constant 4 : i32
      %dma_wait3A_229 = arith.constant 0 : i32
      %dma_wait3A_230 = arith.constant 0 : i32
      %dma_wait3A_231 = tpu.memref_slice %arg9[%dma_wait3A_228, %dma_wait3A_229, %dma_wait3A_230] : memref<5x1000x16xf32, #tpu.memory_space<vmem>> -> memref<1x1000x16xf32, #tpu.memory_space<vmem>>
      %dma_wait3A_232 = tpu.memref_squeeze %dma_wait3A_231 : memref<1x1000x16xf32, #tpu.memory_space<vmem>> -> memref<1000x16xf32, #tpu.memory_space<vmem>>
      %dma_wait3A_233 = arith.constant 0 : i32
      %dma_wait3A_234 = tpu.memref_slice %arg7[%add3A_227, %dma_wait3A_233] : memref<10x1000xi32, #tpu.memory_space<vmem>> -> memref<1x1000xi32, #tpu.memory_space<vmem>>
      %dma_wait3A_235 = tpu.memref_squeeze %dma_wait3A_234 : memref<1x1000xi32, #tpu.memory_space<vmem>> -> memref<1000xi32, #tpu.memory_space<vmem>>
      %dma_wait3A_236 = arith.constant 0 : i32
      %dma_wait3A_237 = arith.constant 0 : i32
      %dma_wait3A_238 = tpu.memref_slice %arg2[%dma_wait3A_236, %dma_wait3A_237] : memref<10000x16xf32, #tpu.memory_space<hbm>> -> memref<10000x16xf32, #tpu.memory_space<hbm>>
      tpu.wait_indirect_dma semaphore(%arg15 : memref<!tpu.dma_semaphore, #tpu.memory_space<semaphore_mem>>) src(%dma_wait3A_238 : memref<10000x16xf32, #tpu.memory_space<hbm>>) dst(%dma_wait3A_232 : memref<1000x16xf32, #tpu.memory_space<vmem>>)
      %dma_start3A_239 = arith.constant 4 : i32
      %dma_start3A_240 = arith.constant 0 : i32
      %dma_start3A_241 = arith.constant 0 : i32
      %dma_start3A_242 = tpu.memref_slice %arg9[%dma_start3A_239, %dma_start3A_240, %dma_start3A_241] : memref<5x1000x16xf32, #tpu.memory_space<vmem>> -> memref<1x1000x16xf32, #tpu.memory_space<vmem>>
      %dma_start3A_243 = tpu.memref_squeeze %dma_start3A_242 : memref<1x1000x16xf32, #tpu.memory_space<vmem>> -> memref<1000x16xf32, #tpu.memory_space<vmem>>
      %dma_start3A_244 = arith.constant 0 : i32
      %dma_start3A_245 = tpu.memref_slice %arg8[%add3A_227, %dma_start3A_244] : memref<10x1000xi32, #tpu.memory_space<vmem>> -> memref<1x1000xi32, #tpu.memory_space<vmem>>
      %dma_start3A_246 = tpu.memref_squeeze %dma_start3A_245 : memref<1x1000xi32, #tpu.memory_space<vmem>> -> memref<1000xi32, #tpu.memory_space<vmem>>
      %dma_start3A_247 = arith.constant 0 : i32
      %dma_start3A_248 = arith.constant 0 : i32
      %dma_start3A_249 = tpu.memref_slice %arg10[%dma_start3A_247, %dma_start3A_248] : memref<10240x16xf32, #tpu.memory_space<vmem_shared>> -> memref<10240x16xf32, #tpu.memory_space<vmem_shared>>
      tpu.enqueue_indirect_dma source(%dma_start3A_243 : memref<1000x16xf32, #tpu.memory_space<vmem>>) target(%dma_start3A_249 : memref<10240x16xf32, #tpu.memory_space<vmem_shared>>) offsets(%dma_start3A_246 : memref<1000xi32, #tpu.memory_space<vmem>>) semaphore(%arg20 : memref<!tpu.dma_semaphore, #tpu.memory_space<semaphore_mem>>) {add = true}
      %add3A_250 = arith.constant 0 : i32
      %add3A_251 = arith.addi %mul3A_129, %add3A_250 : i32
      %add3A_252 = arith.constant 5 : i32
      %add3A_253 = arith.addi %add3A_251, %add3A_252 : i32
      %lt3A = arith.constant 10 : i32
      %lt3A_254 = arith.cmpi slt, %add3A_253, %lt3A : i32
      %convert_element_type3A = arith.extui %lt3A_254 : i1 to i32
      %cond3A = arith.constant 0 : i32
      %cond3A_255 = arith.cmpi ne, %convert_element_type3A, %cond3A : i32
      scf.if %cond3A_255 {
        %dma_wait3A_292 = arith.constant 0 : i32
        %dma_wait3A_293 = arith.constant 0 : i32
        %dma_wait3A_294 = arith.constant 0 : i32
        %dma_wait3A_295 = tpu.memref_slice %arg9[%dma_wait3A_292, %dma_wait3A_293, %dma_wait3A_294] : memref<5x1000x16xf32, #tpu.memory_space<vmem>> -> memref<1x1000x16xf32, #tpu.memory_space<vmem>>
        %dma_wait3A_296 = tpu.memref_squeeze %dma_wait3A_295 : memref<1x1000x16xf32, #tpu.memory_space<vmem>> -> memref<1000x16xf32, #tpu.memory_space<vmem>>
        %dma_wait3A_297 = arith.constant 0 : i32
        %dma_wait3A_298 = tpu.memref_slice %arg8[%add3A_251, %dma_wait3A_297] : memref<10x1000xi32, #tpu.memory_space<vmem>> -> memref<1x1000xi32, #tpu.memory_space<vmem>>
        %dma_wait3A_299 = tpu.memref_squeeze %dma_wait3A_298 : memref<1x1000xi32, #tpu.memory_space<vmem>> -> memref<1000xi32, #tpu.memory_space<vmem>>
        %dma_wait3A_300 = arith.constant 0 : i32
        %dma_wait3A_301 = arith.constant 0 : i32
        %dma_wait3A_302 = tpu.memref_slice %arg10[%dma_wait3A_300, %dma_wait3A_301] : memref<10240x16xf32, #tpu.memory_space<vmem_shared>> -> memref<10240x16xf32, #tpu.memory_space<vmem_shared>>
        tpu.wait_indirect_dma semaphore(%arg16 : memref<!tpu.dma_semaphore, #tpu.memory_space<semaphore_mem>>) src(%dma_wait3A_296 : memref<1000x16xf32, #tpu.memory_space<vmem>>) dst(%dma_wait3A_302 : memref<10240x16xf32, #tpu.memory_space<vmem_shared>>)
        %dma_start3A_303 = arith.constant 0 : i32
        %dma_start3A_304 = arith.constant 0 : i32
        %dma_start3A_305 = arith.constant 0 : i32
        %dma_start3A_306 = tpu.memref_slice %arg9[%dma_start3A_303, %dma_start3A_304, %dma_start3A_305] : memref<5x1000x16xf32, #tpu.memory_space<vmem>> -> memref<1x1000x16xf32, #tpu.memory_space<vmem>>
        %dma_start3A_307 = tpu.memref_squeeze %dma_start3A_306 : memref<1x1000x16xf32, #tpu.memory_space<vmem>> -> memref<1000x16xf32, #tpu.memory_space<vmem>>
        %dma_start3A_308 = arith.constant 0 : i32
        %dma_start3A_309 = tpu.memref_slice %arg7[%add3A_253, %dma_start3A_308] : memref<10x1000xi32, #tpu.memory_space<vmem>> -> memref<1x1000xi32, #tpu.memory_space<vmem>>
        %dma_start3A_310 = tpu.memref_squeeze %dma_start3A_309 : memref<1x1000xi32, #tpu.memory_space<vmem>> -> memref<1000xi32, #tpu.memory_space<vmem>>
        %dma_start3A_311 = arith.constant 0 : i32
        %dma_start3A_312 = arith.constant 0 : i32
        %dma_start3A_313 = tpu.memref_slice %arg2[%dma_start3A_311, %dma_start3A_312] : memref<10000x16xf32, #tpu.memory_space<hbm>> -> memref<10000x16xf32, #tpu.memory_space<hbm>>
        tpu.enqueue_indirect_dma source(%dma_start3A_313 : memref<10000x16xf32, #tpu.memory_space<hbm>>) target(%dma_start3A_307 : memref<1000x16xf32, #tpu.memory_space<vmem>>) offsets(%dma_start3A_310 : memref<1000xi32, #tpu.memory_space<vmem>>) semaphore(%arg11 : memref<!tpu.dma_semaphore, #tpu.memory_space<semaphore_mem>>)
      } else {
      }
      %add3A_256 = arith.constant 1 : i32
      %add3A_257 = arith.addi %mul3A_129, %add3A_256 : i32
      %add3A_258 = arith.constant 5 : i32
      %add3A_259 = arith.addi %add3A_257, %add3A_258 : i32
      %lt3A_260 = arith.constant 10 : i32
      %lt3A_261 = arith.cmpi slt, %add3A_259, %lt3A_260 : i32
      %convert_element_type3A_262 = arith.extui %lt3A_261 : i1 to i32
      %cond3A_263 = arith.constant 0 : i32
      %cond3A_264 = arith.cmpi ne, %convert_element_type3A_262, %cond3A_263 : i32
      scf.if %cond3A_264 {
        %dma_wait3A_292 = arith.constant 1 : i32
        %dma_wait3A_293 = arith.constant 0 : i32
        %dma_wait3A_294 = arith.constant 0 : i32
        %dma_wait3A_295 = tpu.memref_slice %arg9[%dma_wait3A_292, %dma_wait3A_293, %dma_wait3A_294] : memref<5x1000x16xf32, #tpu.memory_space<vmem>> -> memref<1x1000x16xf32, #tpu.memory_space<vmem>>
        %dma_wait3A_296 = tpu.memref_squeeze %dma_wait3A_295 : memref<1x1000x16xf32, #tpu.memory_space<vmem>> -> memref<1000x16xf32, #tpu.memory_space<vmem>>
        %dma_wait3A_297 = arith.constant 0 : i32
        %dma_wait3A_298 = tpu.memref_slice %arg8[%add3A_257, %dma_wait3A_297] : memref<10x1000xi32, #tpu.memory_space<vmem>> -> memref<1x1000xi32, #tpu.memory_space<vmem>>
        %dma_wait3A_299 = tpu.memref_squeeze %dma_wait3A_298 : memref<1x1000xi32, #tpu.memory_space<vmem>> -> memref<1000xi32, #tpu.memory_space<vmem>>
        %dma_wait3A_300 = arith.constant 0 : i32
        %dma_wait3A_301 = arith.constant 0 : i32
        %dma_wait3A_302 = tpu.memref_slice %arg10[%dma_wait3A_300, %dma_wait3A_301] : memref<10240x16xf32, #tpu.memory_space<vmem_shared>> -> memref<10240x16xf32, #tpu.memory_space<vmem_shared>>
        tpu.wait_indirect_dma semaphore(%arg17 : memref<!tpu.dma_semaphore, #tpu.memory_space<semaphore_mem>>) src(%dma_wait3A_296 : memref<1000x16xf32, #tpu.memory_space<vmem>>) dst(%dma_wait3A_302 : memref<10240x16xf32, #tpu.memory_space<vmem_shared>>)
        %dma_start3A_303 = arith.constant 1 : i32
        %dma_start3A_304 = arith.constant 0 : i32
        %dma_start3A_305 = arith.constant 0 : i32
        %dma_start3A_306 = tpu.memref_slice %arg9[%dma_start3A_303, %dma_start3A_304, %dma_start3A_305] : memref<5x1000x16xf32, #tpu.memory_space<vmem>> -> memref<1x1000x16xf32, #tpu.memory_space<vmem>>
        %dma_start3A_307 = tpu.memref_squeeze %dma_start3A_306 : memref<1x1000x16xf32, #tpu.memory_space<vmem>> -> memref<1000x16xf32, #tpu.memory_space<vmem>>
        %dma_start3A_308 = arith.constant 0 : i32
        %dma_start3A_309 = tpu.memref_slice %arg7[%add3A_259, %dma_start3A_308] : memref<10x1000xi32, #tpu.memory_space<vmem>> -> memref<1x1000xi32, #tpu.memory_space<vmem>>
        %dma_start3A_310 = tpu.memref_squeeze %dma_start3A_309 : memref<1x1000xi32, #tpu.memory_space<vmem>> -> memref<1000xi32, #tpu.memory_space<vmem>>
        %dma_start3A_311 = arith.constant 0 : i32
        %dma_start3A_312 = arith.constant 0 : i32
        %dma_start3A_313 = tpu.memref_slice %arg2[%dma_start3A_311, %dma_start3A_312] : memref<10000x16xf32, #tpu.memory_space<hbm>> -> memref<10000x16xf32, #tpu.memory_space<hbm>>
        tpu.enqueue_indirect_dma source(%dma_start3A_313 : memref<10000x16xf32, #tpu.memory_space<hbm>>) target(%dma_start3A_307 : memref<1000x16xf32, #tpu.memory_space<vmem>>) offsets(%dma_start3A_310 : memref<1000xi32, #tpu.memory_space<vmem>>) semaphore(%arg12 : memref<!tpu.dma_semaphore, #tpu.memory_space<semaphore_mem>>)
      } else {
      }
      %add3A_265 = arith.constant 2 : i32
      %add3A_266 = arith.addi %mul3A_129, %add3A_265 : i32
      %add3A_267 = arith.constant 5 : i32
      %add3A_268 = arith.addi %add3A_266, %add3A_267 : i32
      %lt3A_269 = arith.constant 10 : i32
      %lt3A_270 = arith.cmpi slt, %add3A_268, %lt3A_269 : i32
      %convert_element_type3A_271 = arith.extui %lt3A_270 : i1 to i32
      %cond3A_272 = arith.constant 0 : i32
      %cond3A_273 = arith.cmpi ne, %convert_element_type3A_271, %cond3A_272 : i32
      scf.if %cond3A_273 {
        %dma_wait3A_292 = arith.constant 2 : i32
        %dma_wait3A_293 = arith.constant 0 : i32
        %dma_wait3A_294 = arith.constant 0 : i32
        %dma_wait3A_295 = tpu.memref_slice %arg9[%dma_wait3A_292, %dma_wait3A_293, %dma_wait3A_294] : memref<5x1000x16xf32, #tpu.memory_space<vmem>> -> memref<1x1000x16xf32, #tpu.memory_space<vmem>>
        %dma_wait3A_296 = tpu.memref_squeeze %dma_wait3A_295 : memref<1x1000x16xf32, #tpu.memory_space<vmem>> -> memref<1000x16xf32, #tpu.memory_space<vmem>>
        %dma_wait3A_297 = arith.constant 0 : i32
        %dma_wait3A_298 = tpu.memref_slice %arg8[%add3A_266, %dma_wait3A_297] : memref<10x1000xi32, #tpu.memory_space<vmem>> -> memref<1x1000xi32, #tpu.memory_space<vmem>>
        %dma_wait3A_299 = tpu.memref_squeeze %dma_wait3A_298 : memref<1x1000xi32, #tpu.memory_space<vmem>> -> memref<1000xi32, #tpu.memory_space<vmem>>
        %dma_wait3A_300 = arith.constant 0 : i32
        %dma_wait3A_301 = arith.constant 0 : i32
        %dma_wait3A_302 = tpu.memref_slice %arg10[%dma_wait3A_300, %dma_wait3A_301] : memref<10240x16xf32, #tpu.memory_space<vmem_shared>> -> memref<10240x16xf32, #tpu.memory_space<vmem_shared>>
        tpu.wait_indirect_dma semaphore(%arg18 : memref<!tpu.dma_semaphore, #tpu.memory_space<semaphore_mem>>) src(%dma_wait3A_296 : memref<1000x16xf32, #tpu.memory_space<vmem>>) dst(%dma_wait3A_302 : memref<10240x16xf32, #tpu.memory_space<vmem_shared>>)
        %dma_start3A_303 = arith.constant 2 : i32
        %dma_start3A_304 = arith.constant 0 : i32
        %dma_start3A_305 = arith.constant 0 : i32
        %dma_start3A_306 = tpu.memref_slice %arg9[%dma_start3A_303, %dma_start3A_304, %dma_start3A_305] : memref<5x1000x16xf32, #tpu.memory_space<vmem>> -> memref<1x1000x16xf32, #tpu.memory_space<vmem>>
        %dma_start3A_307 = tpu.memref_squeeze %dma_start3A_306 : memref<1x1000x16xf32, #tpu.memory_space<vmem>> -> memref<1000x16xf32, #tpu.memory_space<vmem>>
        %dma_start3A_308 = arith.constant 0 : i32
        %dma_start3A_309 = tpu.memref_slice %arg7[%add3A_268, %dma_start3A_308] : memref<10x1000xi32, #tpu.memory_space<vmem>> -> memref<1x1000xi32, #tpu.memory_space<vmem>>
        %dma_start3A_310 = tpu.memref_squeeze %dma_start3A_309 : memref<1x1000xi32, #tpu.memory_space<vmem>> -> memref<1000xi32, #tpu.memory_space<vmem>>
        %dma_start3A_311 = arith.constant 0 : i32
        %dma_start3A_312 = arith.constant 0 : i32
        %dma_start3A_313 = tpu.memref_slice %arg2[%dma_start3A_311, %dma_start3A_312] : memref<10000x16xf32, #tpu.memory_space<hbm>> -> memref<10000x16xf32, #tpu.memory_space<hbm>>
        tpu.enqueue_indirect_dma source(%dma_start3A_313 : memref<10000x16xf32, #tpu.memory_space<hbm>>) target(%dma_start3A_307 : memref<1000x16xf32, #tpu.memory_space<vmem>>) offsets(%dma_start3A_310 : memref<1000xi32, #tpu.memory_space<vmem>>) semaphore(%arg13 : memref<!tpu.dma_semaphore, #tpu.memory_space<semaphore_mem>>)
      } else {
      }
      %add3A_274 = arith.constant 3 : i32
      %add3A_275 = arith.addi %mul3A_129, %add3A_274 : i32
      %add3A_276 = arith.constant 5 : i32
      %add3A_277 = arith.addi %add3A_275, %add3A_276 : i32
      %lt3A_278 = arith.constant 10 : i32
      %lt3A_279 = arith.cmpi slt, %add3A_277, %lt3A_278 : i32
      %convert_element_type3A_280 = arith.extui %lt3A_279 : i1 to i32
      %cond3A_281 = arith.constant 0 : i32
      %cond3A_282 = arith.cmpi ne, %convert_element_type3A_280, %cond3A_281 : i32
      scf.if %cond3A_282 {
        %dma_wait3A_292 = arith.constant 3 : i32
        %dma_wait3A_293 = arith.constant 0 : i32
        %dma_wait3A_294 = arith.constant 0 : i32
        %dma_wait3A_295 = tpu.memref_slice %arg9[%dma_wait3A_292, %dma_wait3A_293, %dma_wait3A_294] : memref<5x1000x16xf32, #tpu.memory_space<vmem>> -> memref<1x1000x16xf32, #tpu.memory_space<vmem>>
        %dma_wait3A_296 = tpu.memref_squeeze %dma_wait3A_295 : memref<1x1000x16xf32, #tpu.memory_space<vmem>> -> memref<1000x16xf32, #tpu.memory_space<vmem>>
        %dma_wait3A_297 = arith.constant 0 : i32
        %dma_wait3A_298 = tpu.memref_slice %arg8[%add3A_275, %dma_wait3A_297] : memref<10x1000xi32, #tpu.memory_space<vmem>> -> memref<1x1000xi32, #tpu.memory_space<vmem>>
        %dma_wait3A_299 = tpu.memref_squeeze %dma_wait3A_298 : memref<1x1000xi32, #tpu.memory_space<vmem>> -> memref<1000xi32, #tpu.memory_space<vmem>>
        %dma_wait3A_300 = arith.constant 0 : i32
        %dma_wait3A_301 = arith.constant 0 : i32
        %dma_wait3A_302 = tpu.memref_slice %arg10[%dma_wait3A_300, %dma_wait3A_301] : memref<10240x16xf32, #tpu.memory_space<vmem_shared>> -> memref<10240x16xf32, #tpu.memory_space<vmem_shared>>
        tpu.wait_indirect_dma semaphore(%arg19 : memref<!tpu.dma_semaphore, #tpu.memory_space<semaphore_mem>>) src(%dma_wait3A_296 : memref<1000x16xf32, #tpu.memory_space<vmem>>) dst(%dma_wait3A_302 : memref<10240x16xf32, #tpu.memory_space<vmem_shared>>)
        %dma_start3A_303 = arith.constant 3 : i32
        %dma_start3A_304 = arith.constant 0 : i32
        %dma_start3A_305 = arith.constant 0 : i32
        %dma_start3A_306 = tpu.memref_slice %arg9[%dma_start3A_303, %dma_start3A_304, %dma_start3A_305] : memref<5x1000x16xf32, #tpu.memory_space<vmem>> -> memref<1x1000x16xf32, #tpu.memory_space<vmem>>
        %dma_start3A_307 = tpu.memref_squeeze %dma_start3A_306 : memref<1x1000x16xf32, #tpu.memory_space<vmem>> -> memref<1000x16xf32, #tpu.memory_space<vmem>>
        %dma_start3A_308 = arith.constant 0 : i32
        %dma_start3A_309 = tpu.memref_slice %arg7[%add3A_277, %dma_start3A_308] : memref<10x1000xi32, #tpu.memory_space<vmem>> -> memref<1x1000xi32, #tpu.memory_space<vmem>>
        %dma_start3A_310 = tpu.memref_squeeze %dma_start3A_309 : memref<1x1000xi32, #tpu.memory_space<vmem>> -> memref<1000xi32, #tpu.memory_space<vmem>>
        %dma_start3A_311 = arith.constant 0 : i32
        %dma_start3A_312 = arith.constant 0 : i32
        %dma_start3A_313 = tpu.memref_slice %arg2[%dma_start3A_311, %dma_start3A_312] : memref<10000x16xf32, #tpu.memory_space<hbm>> -> memref<10000x16xf32, #tpu.memory_space<hbm>>
        tpu.enqueue_indirect_dma source(%dma_start3A_313 : memref<10000x16xf32, #tpu.memory_space<hbm>>) target(%dma_start3A_307 : memref<1000x16xf32, #tpu.memory_space<vmem>>) offsets(%dma_start3A_310 : memref<1000xi32, #tpu.memory_space<vmem>>) semaphore(%arg14 : memref<!tpu.dma_semaphore, #tpu.memory_space<semaphore_mem>>)
      } else {
      }
      %add3A_283 = arith.constant 4 : i32
      %add3A_284 = arith.addi %mul3A_129, %add3A_283 : i32
      %add3A_285 = arith.constant 5 : i32
      %add3A_286 = arith.addi %add3A_284, %add3A_285 : i32
      %lt3A_287 = arith.constant 10 : i32
      %lt3A_288 = arith.cmpi slt, %add3A_286, %lt3A_287 : i32
      %convert_element_type3A_289 = arith.extui %lt3A_288 : i1 to i32
      %cond3A_290 = arith.constant 0 : i32
      %cond3A_291 = arith.cmpi ne, %convert_element_type3A_289, %cond3A_290 : i32
      scf.if %cond3A_291 {
        %dma_wait3A_292 = arith.constant 4 : i32
        %dma_wait3A_293 = arith.constant 0 : i32
        %dma_wait3A_294 = arith.constant 0 : i32
        %dma_wait3A_295 = tpu.memref_slice %arg9[%dma_wait3A_292, %dma_wait3A_293, %dma_wait3A_294] : memref<5x1000x16xf32, #tpu.memory_space<vmem>> -> memref<1x1000x16xf32, #tpu.memory_space<vmem>>
        %dma_wait3A_296 = tpu.memref_squeeze %dma_wait3A_295 : memref<1x1000x16xf32, #tpu.memory_space<vmem>> -> memref<1000x16xf32, #tpu.memory_space<vmem>>
        %dma_wait3A_297 = arith.constant 0 : i32
        %dma_wait3A_298 = tpu.memref_slice %arg8[%add3A_284, %dma_wait3A_297] : memref<10x1000xi32, #tpu.memory_space<vmem>> -> memref<1x1000xi32, #tpu.memory_space<vmem>>
        %dma_wait3A_299 = tpu.memref_squeeze %dma_wait3A_298 : memref<1x1000xi32, #tpu.memory_space<vmem>> -> memref<1000xi32, #tpu.memory_space<vmem>>
        %dma_wait3A_300 = arith.constant 0 : i32
        %dma_wait3A_301 = arith.constant 0 : i32
        %dma_wait3A_302 = tpu.memref_slice %arg10[%dma_wait3A_300, %dma_wait3A_301] : memref<10240x16xf32, #tpu.memory_space<vmem_shared>> -> memref<10240x16xf32, #tpu.memory_space<vmem_shared>>
        tpu.wait_indirect_dma semaphore(%arg20 : memref<!tpu.dma_semaphore, #tpu.memory_space<semaphore_mem>>) src(%dma_wait3A_296 : memref<1000x16xf32, #tpu.memory_space<vmem>>) dst(%dma_wait3A_302 : memref<10240x16xf32, #tpu.memory_space<vmem_shared>>)
        %dma_start3A_303 = arith.constant 4 : i32
        %dma_start3A_304 = arith.constant 0 : i32
        %dma_start3A_305 = arith.constant 0 : i32
        %dma_start3A_306 = tpu.memref_slice %arg9[%dma_start3A_303, %dma_start3A_304, %dma_start3A_305] : memref<5x1000x16xf32, #tpu.memory_space<vmem>> -> memref<1x1000x16xf32, #tpu.memory_space<vmem>>
        %dma_start3A_307 = tpu.memref_squeeze %dma_start3A_306 : memref<1x1000x16xf32, #tpu.memory_space<vmem>> -> memref<1000x16xf32, #tpu.memory_space<vmem>>
        %dma_start3A_308 = arith.constant 0 : i32
        %dma_start3A_309 = tpu.memref_slice %arg7[%add3A_286, %dma_start3A_308] : memref<10x1000xi32, #tpu.memory_space<vmem>> -> memref<1x1000xi32, #tpu.memory_space<vmem>>
        %dma_start3A_310 = tpu.memref_squeeze %dma_start3A_309 : memref<1x1000xi32, #tpu.memory_space<vmem>> -> memref<1000xi32, #tpu.memory_space<vmem>>
        %dma_start3A_311 = arith.constant 0 : i32
        %dma_start3A_312 = arith.constant 0 : i32
        %dma_start3A_313 = tpu.memref_slice %arg2[%dma_start3A_311, %dma_start3A_312] : memref<10000x16xf32, #tpu.memory_space<hbm>> -> memref<10000x16xf32, #tpu.memory_space<hbm>>
        tpu.enqueue_indirect_dma source(%dma_start3A_313 : memref<10000x16xf32, #tpu.memory_space<hbm>>) target(%dma_start3A_307 : memref<1000x16xf32, #tpu.memory_space<vmem>>) offsets(%dma_start3A_310 : memref<1000xi32, #tpu.memory_space<vmem>>) semaphore(%arg15 : memref<!tpu.dma_semaphore, #tpu.memory_space<semaphore_mem>>)
      } else {
      }
    }
    %scan3A_66 = arith.constant 2 : i32
    %dma_wait3A = arith.constant 0 : i32
    %dma_wait3A_67 = arith.constant 5 : i32
    %dma_wait3A_68 = arith.constant 0 : i32
    %dma_wait3A_69 = arith.constant 0 : i32
    %dma_wait3A_70 = tpu.memref_slice %arg9[%dma_wait3A, %dma_wait3A_68, %dma_wait3A_69] : memref<5x1000x16xf32, #tpu.memory_space<vmem>> -> memref<1x1000x16xf32, #tpu.memory_space<vmem>>
    %dma_wait3A_71 = tpu.memref_squeeze %dma_wait3A_70 : memref<1x1000x16xf32, #tpu.memory_space<vmem>> -> memref<1000x16xf32, #tpu.memory_space<vmem>>
    %dma_wait3A_72 = arith.constant 0 : i32
    %dma_wait3A_73 = tpu.memref_slice %arg8[%dma_wait3A_67, %dma_wait3A_72] : memref<10x1000xi32, #tpu.memory_space<vmem>> -> memref<1x1000xi32, #tpu.memory_space<vmem>>
    %dma_wait3A_74 = tpu.memref_squeeze %dma_wait3A_73 : memref<1x1000xi32, #tpu.memory_space<vmem>> -> memref<1000xi32, #tpu.memory_space<vmem>>
    %dma_wait3A_75 = arith.constant 0 : i32
    %dma_wait3A_76 = arith.constant 0 : i32
    %dma_wait3A_77 = tpu.memref_slice %arg10[%dma_wait3A_75, %dma_wait3A_76] : memref<10240x16xf32, #tpu.memory_space<vmem_shared>> -> memref<10240x16xf32, #tpu.memory_space<vmem_shared>>
    tpu.wait_indirect_dma semaphore(%arg16 : memref<!tpu.dma_semaphore, #tpu.memory_space<semaphore_mem>>) src(%dma_wait3A_71 : memref<1000x16xf32, #tpu.memory_space<vmem>>) dst(%dma_wait3A_77 : memref<10240x16xf32, #tpu.memory_space<vmem_shared>>)
    %dma_wait3A_78 = arith.constant 1 : i32
    %dma_wait3A_79 = arith.constant 6 : i32
    %dma_wait3A_80 = arith.constant 0 : i32
    %dma_wait3A_81 = arith.constant 0 : i32
    %dma_wait3A_82 = tpu.memref_slice %arg9[%dma_wait3A_78, %dma_wait3A_80, %dma_wait3A_81] : memref<5x1000x16xf32, #tpu.memory_space<vmem>> -> memref<1x1000x16xf32, #tpu.memory_space<vmem>>
    %dma_wait3A_83 = tpu.memref_squeeze %dma_wait3A_82 : memref<1x1000x16xf32, #tpu.memory_space<vmem>> -> memref<1000x16xf32, #tpu.memory_space<vmem>>
    %dma_wait3A_84 = arith.constant 0 : i32
    %dma_wait3A_85 = tpu.memref_slice %arg8[%dma_wait3A_79, %dma_wait3A_84] : memref<10x1000xi32, #tpu.memory_space<vmem>> -> memref<1x1000xi32, #tpu.memory_space<vmem>>
    %dma_wait3A_86 = tpu.memref_squeeze %dma_wait3A_85 : memref<1x1000xi32, #tpu.memory_space<vmem>> -> memref<1000xi32, #tpu.memory_space<vmem>>
    %dma_wait3A_87 = arith.constant 0 : i32
    %dma_wait3A_88 = arith.constant 0 : i32
    %dma_wait3A_89 = tpu.memref_slice %arg10[%dma_wait3A_87, %dma_wait3A_88] : memref<10240x16xf32, #tpu.memory_space<vmem_shared>> -> memref<10240x16xf32, #tpu.memory_space<vmem_shared>>
    tpu.wait_indirect_dma semaphore(%arg17 : memref<!tpu.dma_semaphore, #tpu.memory_space<semaphore_mem>>) src(%dma_wait3A_83 : memref<1000x16xf32, #tpu.memory_space<vmem>>) dst(%dma_wait3A_89 : memref<10240x16xf32, #tpu.memory_space<vmem_shared>>)
    %dma_wait3A_90 = arith.constant 2 : i32
    %dma_wait3A_91 = arith.constant 7 : i32
    %dma_wait3A_92 = arith.constant 0 : i32
    %dma_wait3A_93 = arith.constant 0 : i32
    %dma_wait3A_94 = tpu.memref_slice %arg9[%dma_wait3A_90, %dma_wait3A_92, %dma_wait3A_93] : memref<5x1000x16xf32, #tpu.memory_space<vmem>> -> memref<1x1000x16xf32, #tpu.memory_space<vmem>>
    %dma_wait3A_95 = tpu.memref_squeeze %dma_wait3A_94 : memref<1x1000x16xf32, #tpu.memory_space<vmem>> -> memref<1000x16xf32, #tpu.memory_space<vmem>>
    %dma_wait3A_96 = arith.constant 0 : i32
    %dma_wait3A_97 = tpu.memref_slice %arg8[%dma_wait3A_91, %dma_wait3A_96] : memref<10x1000xi32, #tpu.memory_space<vmem>> -> memref<1x1000xi32, #tpu.memory_space<vmem>>
    %dma_wait3A_98 = tpu.memref_squeeze %dma_wait3A_97 : memref<1x1000xi32, #tpu.memory_space<vmem>> -> memref<1000xi32, #tpu.memory_space<vmem>>
    %dma_wait3A_99 = arith.constant 0 : i32
    %dma_wait3A_100 = arith.constant 0 : i32
    %dma_wait3A_101 = tpu.memref_slice %arg10[%dma_wait3A_99, %dma_wait3A_100] : memref<10240x16xf32, #tpu.memory_space<vmem_shared>> -> memref<10240x16xf32, #tpu.memory_space<vmem_shared>>
    tpu.wait_indirect_dma semaphore(%arg18 : memref<!tpu.dma_semaphore, #tpu.memory_space<semaphore_mem>>) src(%dma_wait3A_95 : memref<1000x16xf32, #tpu.memory_space<vmem>>) dst(%dma_wait3A_101 : memref<10240x16xf32, #tpu.memory_space<vmem_shared>>)
    %dma_wait3A_102 = arith.constant 3 : i32
    %dma_wait3A_103 = arith.constant 8 : i32
    %dma_wait3A_104 = arith.constant 0 : i32
    %dma_wait3A_105 = arith.constant 0 : i32
    %dma_wait3A_106 = tpu.memref_slice %arg9[%dma_wait3A_102, %dma_wait3A_104, %dma_wait3A_105] : memref<5x1000x16xf32, #tpu.memory_space<vmem>> -> memref<1x1000x16xf32, #tpu.memory_space<vmem>>
    %dma_wait3A_107 = tpu.memref_squeeze %dma_wait3A_106 : memref<1x1000x16xf32, #tpu.memory_space<vmem>> -> memref<1000x16xf32, #tpu.memory_space<vmem>>
    %dma_wait3A_108 = arith.constant 0 : i32
    %dma_wait3A_109 = tpu.memref_slice %arg8[%dma_wait3A_103, %dma_wait3A_108] : memref<10x1000xi32, #tpu.memory_space<vmem>> -> memref<1x1000xi32, #tpu.memory_space<vmem>>
    %dma_wait3A_110 = tpu.memref_squeeze %dma_wait3A_109 : memref<1x1000xi32, #tpu.memory_space<vmem>> -> memref<1000xi32, #tpu.memory_space<vmem>>
    %dma_wait3A_111 = arith.constant 0 : i32
    %dma_wait3A_112 = arith.constant 0 : i32
    %dma_wait3A_113 = tpu.memref_slice %arg10[%dma_wait3A_111, %dma_wait3A_112] : memref<10240x16xf32, #tpu.memory_space<vmem_shared>> -> memref<10240x16xf32, #tpu.memory_space<vmem_shared>>
    tpu.wait_indirect_dma semaphore(%arg19 : memref<!tpu.dma_semaphore, #tpu.memory_space<semaphore_mem>>) src(%dma_wait3A_107 : memref<1000x16xf32, #tpu.memory_space<vmem>>) dst(%dma_wait3A_113 : memref<10240x16xf32, #tpu.memory_space<vmem_shared>>)
    %dma_wait3A_114 = arith.constant 4 : i32
    %dma_wait3A_115 = arith.constant 9 : i32
    %dma_wait3A_116 = arith.constant 0 : i32
    %dma_wait3A_117 = arith.constant 0 : i32
    %dma_wait3A_118 = tpu.memref_slice %arg9[%dma_wait3A_114, %dma_wait3A_116, %dma_wait3A_117] : memref<5x1000x16xf32, #tpu.memory_space<vmem>> -> memref<1x1000x16xf32, #tpu.memory_space<vmem>>
    %dma_wait3A_119 = tpu.memref_squeeze %dma_wait3A_118 : memref<1x1000x16xf32, #tpu.memory_space<vmem>> -> memref<1000x16xf32, #tpu.memory_space<vmem>>
    %dma_wait3A_120 = arith.constant 0 : i32
    %dma_wait3A_121 = tpu.memref_slice %arg8[%dma_wait3A_115, %dma_wait3A_120] : memref<10x1000xi32, #tpu.memory_space<vmem>> -> memref<1x1000xi32, #tpu.memory_space<vmem>>
    %dma_wait3A_122 = tpu.memref_squeeze %dma_wait3A_121 : memref<1x1000xi32, #tpu.memory_space<vmem>> -> memref<1000xi32, #tpu.memory_space<vmem>>
    %dma_wait3A_123 = arith.constant 0 : i32
    %dma_wait3A_124 = arith.constant 0 : i32
    %dma_wait3A_125 = tpu.memref_slice %arg10[%dma_wait3A_123, %dma_wait3A_124] : memref<10240x16xf32, #tpu.memory_space<vmem_shared>> -> memref<10240x16xf32, #tpu.memory_space<vmem_shared>>
    tpu.wait_indirect_dma semaphore(%arg20 : memref<!tpu.dma_semaphore, #tpu.memory_space<semaphore_mem>>) src(%dma_wait3A_119 : memref<1000x16xf32, #tpu.memory_space<vmem>>) dst(%dma_wait3A_125 : memref<10240x16xf32, #tpu.memory_space<vmem_shared>>)
    %barrier3A_126 = arith.constant 0 : index
    tpu.barrier barrier_id(%barrier3A_126)
    "tpu.region"() ({
      %run_scoped3A = tpu.sem_alloc : memref<!tpu.dma_semaphore, #tpu.memory_space<semaphore_mem>>
      %dma_start3A_127 = arith.constant 0 : i32
      %dma_start3A_128 = tpu.memref_slice %arg6[%arg0, %mul3A_2, %dma_start3A_127] : memref<2x10240x16xf32, #tpu.memory_space<hbm>> -> memref<1x640x16xf32, #tpu.memory_space<hbm>>
      %dma_start3A_129 = tpu.memref_squeeze %dma_start3A_128 : memref<1x640x16xf32, #tpu.memory_space<hbm>> -> memref<640x16xf32, #tpu.memory_space<hbm>>
      %dma_start3A_130 = arith.constant 0 : i32
      %dma_start3A_131 = tpu.memref_slice %arg10[%mul3A_2, %dma_start3A_130] : memref<10240x16xf32, #tpu.memory_space<vmem_shared>> -> memref<640x16xf32, #tpu.memory_space<vmem_shared>>
      tpu.enqueue_dma source(%dma_start3A_131 : memref<640x16xf32, #tpu.memory_space<vmem_shared>>) target(%dma_start3A_129 : memref<640x16xf32, #tpu.memory_space<hbm>>) target_semaphore(%run_scoped3A : memref<!tpu.dma_semaphore, #tpu.memory_space<semaphore_mem>>)
      %dma_wait3A_132 = arith.constant 0 : i32
      %dma_wait3A_133 = tpu.memref_slice %arg6[%arg0, %mul3A_2, %dma_wait3A_132] : memref<2x10240x16xf32, #tpu.memory_space<hbm>> -> memref<1x640x16xf32, #tpu.memory_space<hbm>>
      %dma_wait3A_134 = tpu.memref_squeeze %dma_wait3A_133 : memref<1x640x16xf32, #tpu.memory_space<hbm>> -> memref<640x16xf32, #tpu.memory_space<hbm>>
      %dma_wait3A_135 = arith.constant 0 : i32
      %dma_wait3A_136 = tpu.memref_slice %arg10[%mul3A_2, %dma_wait3A_135] : memref<10240x16xf32, #tpu.memory_space<vmem_shared>> -> memref<640x16xf32, #tpu.memory_space<vmem_shared>>
      tpu.wait_dma2 semaphore(%run_scoped3A : memref<!tpu.dma_semaphore, #tpu.memory_space<semaphore_mem>>) src(%dma_wait3A_136 : memref<640x16xf32, #tpu.memory_space<vmem_shared>>) dst(%dma_wait3A_134 : memref<640x16xf32, #tpu.memory_space<hbm>>)
      tpu.yield
    }) : () -> ()
    return
  }
}

module attributes {stable_mosaic.version = 14 : i64} {
  func.func @_pre_body(%arg0: memref<10000x128xf32, #tpu.memory_space<vmem>>, %arg1: memref<128x64xf32, #tpu.memory_space<vmem>>, %arg2: memref<2x10240x16xf32, #tpu.memory_space<vmem>>, %arg3: memref<10000x64xf32, #tpu.memory_space<vmem>>, %arg4: memref<10000x1xf32, #tpu.memory_space<vmem>>) attributes {dimension_semantics = [], scalar_prefetch = 0 : i64, scratch_operands = 0 : i64, tpu.core_type = #tpu.core_type<tc>} {
    %get3A = arith.constant 0 : index
    %get3A_0 = arith.constant 0 : index
    %get3A_1 = arith.constant 0 : index
    %get3A_2 = vector.load %arg2[%get3A, %get3A_0, %get3A_1] : memref<2x10240x16xf32, #tpu.memory_space<vmem>>, vector<1x10240x16xf32>
    %get3A_3 = vector.shape_cast %get3A_2 : vector<1x10240x16xf32> to vector<10240x16xf32>
    %slice3A = vector.extract_strided_slice %get3A_3 {offsets = [0, 0], sizes = [10000, 1], strides = [1, 1]} : vector<10240x16xf32> to vector<10000x1xf32>
    %get3A_4 = arith.constant 1 : index
    %get3A_5 = arith.constant 0 : index
    %get3A_6 = arith.constant 0 : index
    %get3A_7 = vector.load %arg2[%get3A_4, %get3A_5, %get3A_6] : memref<2x10240x16xf32, #tpu.memory_space<vmem>>, vector<1x10240x16xf32>
    %get3A_8 = vector.shape_cast %get3A_7 : vector<1x10240x16xf32> to vector<10240x16xf32>
    %slice3A_9 = vector.extract_strided_slice %get3A_8 {offsets = [0, 0], sizes = [10000, 1], strides = [1, 1]} : vector<10240x16xf32> to vector<10000x1xf32>
    %add3A = arith.addf %slice3A, %slice3A_9 : vector<10000x1xf32>
    %add3A_10 = arith.constant 1.000000e+00 : f32
    %add3A_11 = vector.broadcast %add3A_10 : f32 to vector<10000x1xf32>
    %add3A_12 = arith.addf %add3A, %add3A_11 : vector<10000x1xf32>
    %rsqrt3A = math.rsqrt %add3A_12 : vector<10000x1xf32>
    %swap3A = arith.constant 0 : index
    %swap3A_13 = arith.constant 0 : index
    %swap3A_14 = vector.load %arg4[%swap3A, %swap3A_13] : memref<10000x1xf32, #tpu.memory_space<vmem>>, vector<10000x1xf32>
    tpu.vector_store %arg4[%swap3A, %swap3A_13], %rsqrt3A {strides = array<i32>} : memref<10000x1xf32, #tpu.memory_space<vmem>>, vector<10000x1xf32>,
    %get3A_15 = arith.constant 0 : index
    %get3A_16 = arith.constant 0 : index
    %get3A_17 = vector.load %arg0[%get3A_15, %get3A_16] : memref<10000x128xf32, #tpu.memory_space<vmem>>, vector<10000x128xf32>
    %get3A_18 = arith.constant 0 : index
    %get3A_19 = arith.constant 0 : index
    %get3A_20 = vector.load %arg1[%get3A_18, %get3A_19] : memref<128x64xf32, #tpu.memory_space<vmem>>, vector<128x64xf32>
    %dot_general3A = arith.constant dense<0.000000e+00> : vector<10000x64xf32>
    %dot_general3A_21 = tpu.matmul %get3A_17, %get3A_20, %dot_general3A {dimension_numbers = #tpu.dot_dimension_numbers<[1], [0], [0], [1], [0, 0, 1, 1], [], []>, transpose_lhs_hint = false} : vector<10000x128xf32>, vector<128x64xf32>, vector<10000x64xf32> -> vector<10000x64xf32>
    %mul3A = vector.broadcast %rsqrt3A : vector<10000x1xf32> to vector<10000x64xf32>
    %mul3A_22 = arith.mulf %dot_general3A_21, %mul3A : vector<10000x64xf32>
    %swap3A_23 = arith.constant 0 : index
    %swap3A_24 = arith.constant 0 : index
    %swap3A_25 = vector.load %arg3[%swap3A_23, %swap3A_24] : memref<10000x64xf32, #tpu.memory_space<vmem>>, vector<10000x64xf32>
    tpu.vector_store %arg3[%swap3A_23, %swap3A_24], %mul3A_22 {strides = array<i32>} : memref<10000x64xf32, #tpu.memory_space<vmem>>, vector<10000x64xf32>,
    return
  }
}

module attributes {stable_mosaic.version = 14 : i64} {
  func.func @_mid_body(%arg0: memref<2x10240x64xf32, #tpu.memory_space<vmem>>, %arg1: memref<10000x64xf32, #tpu.memory_space<vmem>>, %arg2: memref<10000x1xf32, #tpu.memory_space<vmem>>, %arg3: memref<1x64xf32, #tpu.memory_space<vmem>>, %arg4: memref<1x64xf32, #tpu.memory_space<vmem>>, %arg5: memref<1x64xf32, #tpu.memory_space<vmem>>, %arg6: memref<64x32xf32, #tpu.memory_space<vmem>>, %arg7: memref<10000x32xf32, #tpu.memory_space<vmem>>) attributes {dimension_semantics = [], scalar_prefetch = 0 : i64, scratch_operands = 0 : i64, tpu.core_type = #tpu.core_type<tc>} {
    %get3A = arith.constant 0 : index
    %get3A_0 = arith.constant 0 : index
    %get3A_1 = vector.load %arg2[%get3A, %get3A_0] : memref<10000x1xf32, #tpu.memory_space<vmem>>, vector<10000x1xf32>
    %get3A_2 = arith.constant 0 : index
    %get3A_3 = arith.constant 0 : index
    %get3A_4 = arith.constant 0 : index
    %get3A_5 = vector.load %arg0[%get3A_2, %get3A_3, %get3A_4] : memref<2x10240x64xf32, #tpu.memory_space<vmem>>, vector<1x10240x64xf32>
    %get3A_6 = vector.shape_cast %get3A_5 : vector<1x10240x64xf32> to vector<10240x64xf32>
    %slice3A = vector.extract_strided_slice %get3A_6 {offsets = [0, 0], sizes = [10000, 64], strides = [1, 1]} : vector<10240x64xf32> to vector<10000x64xf32>
    %get3A_7 = arith.constant 1 : index
    %get3A_8 = arith.constant 0 : index
    %get3A_9 = arith.constant 0 : index
    %get3A_10 = vector.load %arg0[%get3A_7, %get3A_8, %get3A_9] : memref<2x10240x64xf32, #tpu.memory_space<vmem>>, vector<1x10240x64xf32>
    %get3A_11 = vector.shape_cast %get3A_10 : vector<1x10240x64xf32> to vector<10240x64xf32>
    %slice3A_12 = vector.extract_strided_slice %get3A_11 {offsets = [0, 0], sizes = [10000, 64], strides = [1, 1]} : vector<10240x64xf32> to vector<10000x64xf32>
    %add3A = arith.addf %slice3A, %slice3A_12 : vector<10000x64xf32>
    %get3A_13 = arith.constant 0 : index
    %get3A_14 = arith.constant 0 : index
    %get3A_15 = vector.load %arg1[%get3A_13, %get3A_14] : memref<10000x64xf32, #tpu.memory_space<vmem>>, vector<10000x64xf32>
    %add3A_16 = arith.addf %add3A, %get3A_15 : vector<10000x64xf32>
    %mul3A = vector.broadcast %get3A_1 : vector<10000x1xf32> to vector<10000x64xf32>
    %mul3A_17 = arith.mulf %add3A_16, %mul3A : vector<10000x64xf32>
    %get3A_18 = arith.constant 0 : index
    %get3A_19 = arith.constant 0 : index
    %get3A_20 = vector.load %arg3[%get3A_18, %get3A_19] : memref<1x64xf32, #tpu.memory_space<vmem>>, vector<1x64xf32>
    %add3A_21 = vector.broadcast %get3A_20 : vector<1x64xf32> to vector<10000x64xf32>
    %add3A_22 = arith.addf %mul3A_17, %add3A_21 : vector<10000x64xf32>
    %reduce_sum3A = arith.constant dense<0.000000e+00> : vector<64xf32>
    %reduce_sum3A_23 = vector.multi_reduction <add>, %add3A_22, %reduce_sum3A [0] : vector<10000x64xf32> to vector<64xf32>
    %broadcast_in_dim3A = vector.shape_cast %reduce_sum3A_23 : vector<64xf32> to vector<1x64xf32>
    %div3A = arith.constant 1.000000e+04 : f32
    %div3A_24 = vector.broadcast %div3A : f32 to vector<1x64xf32>
    %div3A_25 = arith.divf %broadcast_in_dim3A, %div3A_24 : vector<1x64xf32>
    %sub3A = vector.broadcast %div3A_25 : vector<1x64xf32> to vector<10000x64xf32>
    %sub3A_26 = arith.subf %add3A_22, %sub3A : vector<10000x64xf32>
    %square3A = arith.mulf %sub3A_26, %sub3A_26 : vector<10000x64xf32>
    %reduce_sum3A_27 = arith.constant dense<0.000000e+00> : vector<64xf32>
    %reduce_sum3A_28 = vector.multi_reduction <add>, %square3A, %reduce_sum3A_27 [0] : vector<10000x64xf32> to vector<64xf32>
    %broadcast_in_dim3A_29 = vector.shape_cast %reduce_sum3A_28 : vector<64xf32> to vector<1x64xf32>
    %div3A_30 = arith.constant 1.000000e+04 : f32
    %div3A_31 = vector.broadcast %div3A_30 : f32 to vector<1x64xf32>
    %div3A_32 = arith.divf %broadcast_in_dim3A_29, %div3A_31 : vector<1x64xf32>
    %sub3A_33 = vector.broadcast %div3A_25 : vector<1x64xf32> to vector<10000x64xf32>
    %sub3A_34 = arith.subf %add3A_22, %sub3A_33 : vector<10000x64xf32>
    %add3A_35 = arith.constant 9.99999974E-6 : f32
    %add3A_36 = vector.broadcast %add3A_35 : f32 to vector<1x64xf32>
    %add3A_37 = arith.addf %div3A_32, %add3A_36 : vector<1x64xf32>
    %rsqrt3A = math.rsqrt %add3A_37 : vector<1x64xf32>
    %mul3A_38 = vector.broadcast %rsqrt3A : vector<1x64xf32> to vector<10000x64xf32>
    %mul3A_39 = arith.mulf %sub3A_34, %mul3A_38 : vector<10000x64xf32>
    %get3A_40 = arith.constant 0 : index
    %get3A_41 = arith.constant 0 : index
    %get3A_42 = vector.load %arg4[%get3A_40, %get3A_41] : memref<1x64xf32, #tpu.memory_space<vmem>>, vector<1x64xf32>
    %mul3A_43 = vector.broadcast %get3A_42 : vector<1x64xf32> to vector<10000x64xf32>
    %mul3A_44 = arith.mulf %mul3A_39, %mul3A_43 : vector<10000x64xf32>
    %get3A_45 = arith.constant 0 : index
    %get3A_46 = arith.constant 0 : index
    %get3A_47 = vector.load %arg5[%get3A_45, %get3A_46] : memref<1x64xf32, #tpu.memory_space<vmem>>, vector<1x64xf32>
    %add3A_48 = vector.broadcast %get3A_47 : vector<1x64xf32> to vector<10000x64xf32>
    %add3A_49 = arith.addf %mul3A_44, %add3A_48 : vector<10000x64xf32>
    %max3A = arith.constant 0.000000e+00 : f32
    %max3A_50 = vector.broadcast %max3A : f32 to vector<10000x64xf32>
    %max3A_51 = arith.maximumf %add3A_49, %max3A_50 : vector<10000x64xf32>
    %get3A_52 = arith.constant 0 : index
    %get3A_53 = arith.constant 0 : index
    %get3A_54 = vector.load %arg6[%get3A_52, %get3A_53] : memref<64x32xf32, #tpu.memory_space<vmem>>, vector<64x32xf32>
    %dot_general3A = arith.constant dense<0.000000e+00> : vector<10000x32xf32>
    %dot_general3A_55 = tpu.matmul %max3A_51, %get3A_54, %dot_general3A {dimension_numbers = #tpu.dot_dimension_numbers<[1], [0], [0], [1], [0, 0, 1, 1], [], []>, transpose_lhs_hint = false} : vector<10000x64xf32>, vector<64x32xf32>, vector<10000x32xf32> -> vector<10000x32xf32>
    %mul3A_56 = vector.broadcast %get3A_1 : vector<10000x1xf32> to vector<10000x32xf32>
    %mul3A_57 = arith.mulf %dot_general3A_55, %mul3A_56 : vector<10000x32xf32>
    %swap3A = arith.constant 0 : index
    %swap3A_58 = arith.constant 0 : index
    %swap3A_59 = vector.load %arg7[%swap3A, %swap3A_58] : memref<10000x32xf32, #tpu.memory_space<vmem>>, vector<10000x32xf32>
    tpu.vector_store %arg7[%swap3A, %swap3A_58], %mul3A_57 {strides = array<i32>} : memref<10000x32xf32, #tpu.memory_space<vmem>>, vector<10000x32xf32>,
    return
  }
}

module attributes {stable_mosaic.version = 14 : i64} {
  func.func @_mid_body(%arg0: memref<2x10240x32xf32, #tpu.memory_space<vmem>>, %arg1: memref<10000x32xf32, #tpu.memory_space<vmem>>, %arg2: memref<10000x1xf32, #tpu.memory_space<vmem>>, %arg3: memref<1x32xf32, #tpu.memory_space<vmem>>, %arg4: memref<1x32xf32, #tpu.memory_space<vmem>>, %arg5: memref<1x32xf32, #tpu.memory_space<vmem>>, %arg6: memref<32x16xf32, #tpu.memory_space<vmem>>, %arg7: memref<10000x16xf32, #tpu.memory_space<vmem>>) attributes {dimension_semantics = [], scalar_prefetch = 0 : i64, scratch_operands = 0 : i64, tpu.core_type = #tpu.core_type<tc>} {
    %get3A = arith.constant 0 : index
    %get3A_0 = arith.constant 0 : index
    %get3A_1 = vector.load %arg2[%get3A, %get3A_0] : memref<10000x1xf32, #tpu.memory_space<vmem>>, vector<10000x1xf32>
    %get3A_2 = arith.constant 0 : index
    %get3A_3 = arith.constant 0 : index
    %get3A_4 = arith.constant 0 : index
    %get3A_5 = vector.load %arg0[%get3A_2, %get3A_3, %get3A_4] : memref<2x10240x32xf32, #tpu.memory_space<vmem>>, vector<1x10240x32xf32>
    %get3A_6 = vector.shape_cast %get3A_5 : vector<1x10240x32xf32> to vector<10240x32xf32>
    %slice3A = vector.extract_strided_slice %get3A_6 {offsets = [0, 0], sizes = [10000, 32], strides = [1, 1]} : vector<10240x32xf32> to vector<10000x32xf32>
    %get3A_7 = arith.constant 1 : index
    %get3A_8 = arith.constant 0 : index
    %get3A_9 = arith.constant 0 : index
    %get3A_10 = vector.load %arg0[%get3A_7, %get3A_8, %get3A_9] : memref<2x10240x32xf32, #tpu.memory_space<vmem>>, vector<1x10240x32xf32>
    %get3A_11 = vector.shape_cast %get3A_10 : vector<1x10240x32xf32> to vector<10240x32xf32>
    %slice3A_12 = vector.extract_strided_slice %get3A_11 {offsets = [0, 0], sizes = [10000, 32], strides = [1, 1]} : vector<10240x32xf32> to vector<10000x32xf32>
    %add3A = arith.addf %slice3A, %slice3A_12 : vector<10000x32xf32>
    %get3A_13 = arith.constant 0 : index
    %get3A_14 = arith.constant 0 : index
    %get3A_15 = vector.load %arg1[%get3A_13, %get3A_14] : memref<10000x32xf32, #tpu.memory_space<vmem>>, vector<10000x32xf32>
    %add3A_16 = arith.addf %add3A, %get3A_15 : vector<10000x32xf32>
    %mul3A = vector.broadcast %get3A_1 : vector<10000x1xf32> to vector<10000x32xf32>
    %mul3A_17 = arith.mulf %add3A_16, %mul3A : vector<10000x32xf32>
    %get3A_18 = arith.constant 0 : index
    %get3A_19 = arith.constant 0 : index
    %get3A_20 = vector.load %arg3[%get3A_18, %get3A_19] : memref<1x32xf32, #tpu.memory_space<vmem>>, vector<1x32xf32>
    %add3A_21 = vector.broadcast %get3A_20 : vector<1x32xf32> to vector<10000x32xf32>
    %add3A_22 = arith.addf %mul3A_17, %add3A_21 : vector<10000x32xf32>
    %reduce_sum3A = arith.constant dense<0.000000e+00> : vector<32xf32>
    %reduce_sum3A_23 = vector.multi_reduction <add>, %add3A_22, %reduce_sum3A [0] : vector<10000x32xf32> to vector<32xf32>
    %broadcast_in_dim3A = vector.shape_cast %reduce_sum3A_23 : vector<32xf32> to vector<1x32xf32>
    %div3A = arith.constant 1.000000e+04 : f32
    %div3A_24 = vector.broadcast %div3A : f32 to vector<1x32xf32>
    %div3A_25 = arith.divf %broadcast_in_dim3A, %div3A_24 : vector<1x32xf32>
    %sub3A = vector.broadcast %div3A_25 : vector<1x32xf32> to vector<10000x32xf32>
    %sub3A_26 = arith.subf %add3A_22, %sub3A : vector<10000x32xf32>
    %square3A = arith.mulf %sub3A_26, %sub3A_26 : vector<10000x32xf32>
    %reduce_sum3A_27 = arith.constant dense<0.000000e+00> : vector<32xf32>
    %reduce_sum3A_28 = vector.multi_reduction <add>, %square3A, %reduce_sum3A_27 [0] : vector<10000x32xf32> to vector<32xf32>
    %broadcast_in_dim3A_29 = vector.shape_cast %reduce_sum3A_28 : vector<32xf32> to vector<1x32xf32>
    %div3A_30 = arith.constant 1.000000e+04 : f32
    %div3A_31 = vector.broadcast %div3A_30 : f32 to vector<1x32xf32>
    %div3A_32 = arith.divf %broadcast_in_dim3A_29, %div3A_31 : vector<1x32xf32>
    %sub3A_33 = vector.broadcast %div3A_25 : vector<1x32xf32> to vector<10000x32xf32>
    %sub3A_34 = arith.subf %add3A_22, %sub3A_33 : vector<10000x32xf32>
    %add3A_35 = arith.constant 9.99999974E-6 : f32
    %add3A_36 = vector.broadcast %add3A_35 : f32 to vector<1x32xf32>
    %add3A_37 = arith.addf %div3A_32, %add3A_36 : vector<1x32xf32>
    %rsqrt3A = math.rsqrt %add3A_37 : vector<1x32xf32>
    %mul3A_38 = vector.broadcast %rsqrt3A : vector<1x32xf32> to vector<10000x32xf32>
    %mul3A_39 = arith.mulf %sub3A_34, %mul3A_38 : vector<10000x32xf32>
    %get3A_40 = arith.constant 0 : index
    %get3A_41 = arith.constant 0 : index
    %get3A_42 = vector.load %arg4[%get3A_40, %get3A_41] : memref<1x32xf32, #tpu.memory_space<vmem>>, vector<1x32xf32>
    %mul3A_43 = vector.broadcast %get3A_42 : vector<1x32xf32> to vector<10000x32xf32>
    %mul3A_44 = arith.mulf %mul3A_39, %mul3A_43 : vector<10000x32xf32>
    %get3A_45 = arith.constant 0 : index
    %get3A_46 = arith.constant 0 : index
    %get3A_47 = vector.load %arg5[%get3A_45, %get3A_46] : memref<1x32xf32, #tpu.memory_space<vmem>>, vector<1x32xf32>
    %add3A_48 = vector.broadcast %get3A_47 : vector<1x32xf32> to vector<10000x32xf32>
    %add3A_49 = arith.addf %mul3A_44, %add3A_48 : vector<10000x32xf32>
    %max3A = arith.constant 0.000000e+00 : f32
    %max3A_50 = vector.broadcast %max3A : f32 to vector<10000x32xf32>
    %max3A_51 = arith.maximumf %add3A_49, %max3A_50 : vector<10000x32xf32>
    %get3A_52 = arith.constant 0 : index
    %get3A_53 = arith.constant 0 : index
    %get3A_54 = vector.load %arg6[%get3A_52, %get3A_53] : memref<32x16xf32, #tpu.memory_space<vmem>>, vector<32x16xf32>
    %dot_general3A = arith.constant dense<0.000000e+00> : vector<10000x16xf32>
    %dot_general3A_55 = tpu.matmul %max3A_51, %get3A_54, %dot_general3A {dimension_numbers = #tpu.dot_dimension_numbers<[1], [0], [0], [1], [0, 0, 1, 1], [], []>, transpose_lhs_hint = false} : vector<10000x32xf32>, vector<32x16xf32>, vector<10000x16xf32> -> vector<10000x16xf32>
    %mul3A_56 = vector.broadcast %get3A_1 : vector<10000x1xf32> to vector<10000x16xf32>
    %mul3A_57 = arith.mulf %dot_general3A_55, %mul3A_56 : vector<10000x16xf32>
    %swap3A = arith.constant 0 : index
    %swap3A_58 = arith.constant 0 : index
    %swap3A_59 = vector.load %arg7[%swap3A, %swap3A_58] : memref<10000x16xf32, #tpu.memory_space<vmem>>, vector<10000x16xf32>
    tpu.vector_store %arg7[%swap3A, %swap3A_58], %mul3A_57 {strides = array<i32>} : memref<10000x16xf32, #tpu.memory_space<vmem>>, vector<10000x16xf32>,
    return
  }
}

module attributes {stable_mosaic.version = 14 : i64} {
  func.func @_mid_nomat_body(%arg0: memref<2x10240x16xf32, #tpu.memory_space<vmem>>, %arg1: memref<10000x16xf32, #tpu.memory_space<vmem>>, %arg2: memref<10000x1xf32, #tpu.memory_space<vmem>>, %arg3: memref<1x16xf32, #tpu.memory_space<vmem>>, %arg4: memref<1x16xf32, #tpu.memory_space<vmem>>, %arg5: memref<1x16xf32, #tpu.memory_space<vmem>>, %arg6: memref<10000x16xf32, #tpu.memory_space<vmem>>) attributes {dimension_semantics = [], scalar_prefetch = 0 : i64, scratch_operands = 0 : i64, tpu.core_type = #tpu.core_type<tc>} {
    %get3A = arith.constant 0 : index
    %get3A_0 = arith.constant 0 : index
    %get3A_1 = vector.load %arg2[%get3A, %get3A_0] : memref<10000x1xf32, #tpu.memory_space<vmem>>, vector<10000x1xf32>
    %get3A_2 = arith.constant 0 : index
    %get3A_3 = arith.constant 0 : index
    %get3A_4 = arith.constant 0 : index
    %get3A_5 = vector.load %arg0[%get3A_2, %get3A_3, %get3A_4] : memref<2x10240x16xf32, #tpu.memory_space<vmem>>, vector<1x10240x16xf32>
    %get3A_6 = vector.shape_cast %get3A_5 : vector<1x10240x16xf32> to vector<10240x16xf32>
    %slice3A = vector.extract_strided_slice %get3A_6 {offsets = [0, 0], sizes = [10000, 16], strides = [1, 1]} : vector<10240x16xf32> to vector<10000x16xf32>
    %get3A_7 = arith.constant 1 : index
    %get3A_8 = arith.constant 0 : index
    %get3A_9 = arith.constant 0 : index
    %get3A_10 = vector.load %arg0[%get3A_7, %get3A_8, %get3A_9] : memref<2x10240x16xf32, #tpu.memory_space<vmem>>, vector<1x10240x16xf32>
    %get3A_11 = vector.shape_cast %get3A_10 : vector<1x10240x16xf32> to vector<10240x16xf32>
    %slice3A_12 = vector.extract_strided_slice %get3A_11 {offsets = [0, 0], sizes = [10000, 16], strides = [1, 1]} : vector<10240x16xf32> to vector<10000x16xf32>
    %add3A = arith.addf %slice3A, %slice3A_12 : vector<10000x16xf32>
    %get3A_13 = arith.constant 0 : index
    %get3A_14 = arith.constant 0 : index
    %get3A_15 = vector.load %arg1[%get3A_13, %get3A_14] : memref<10000x16xf32, #tpu.memory_space<vmem>>, vector<10000x16xf32>
    %add3A_16 = arith.addf %add3A, %get3A_15 : vector<10000x16xf32>
    %mul3A = vector.broadcast %get3A_1 : vector<10000x1xf32> to vector<10000x16xf32>
    %mul3A_17 = arith.mulf %add3A_16, %mul3A : vector<10000x16xf32>
    %get3A_18 = arith.constant 0 : index
    %get3A_19 = arith.constant 0 : index
    %get3A_20 = vector.load %arg3[%get3A_18, %get3A_19] : memref<1x16xf32, #tpu.memory_space<vmem>>, vector<1x16xf32>
    %add3A_21 = vector.broadcast %get3A_20 : vector<1x16xf32> to vector<10000x16xf32>
    %add3A_22 = arith.addf %mul3A_17, %add3A_21 : vector<10000x16xf32>
    %reduce_sum3A = arith.constant dense<0.000000e+00> : vector<16xf32>
    %reduce_sum3A_23 = vector.multi_reduction <add>, %add3A_22, %reduce_sum3A [0] : vector<10000x16xf32> to vector<16xf32>
    %broadcast_in_dim3A = vector.shape_cast %reduce_sum3A_23 : vector<16xf32> to vector<1x16xf32>
    %div3A = arith.constant 1.000000e+04 : f32
    %div3A_24 = vector.broadcast %div3A : f32 to vector<1x16xf32>
    %div3A_25 = arith.divf %broadcast_in_dim3A, %div3A_24 : vector<1x16xf32>
    %sub3A = vector.broadcast %div3A_25 : vector<1x16xf32> to vector<10000x16xf32>
    %sub3A_26 = arith.subf %add3A_22, %sub3A : vector<10000x16xf32>
    %square3A = arith.mulf %sub3A_26, %sub3A_26 : vector<10000x16xf32>
    %reduce_sum3A_27 = arith.constant dense<0.000000e+00> : vector<16xf32>
    %reduce_sum3A_28 = vector.multi_reduction <add>, %square3A, %reduce_sum3A_27 [0] : vector<10000x16xf32> to vector<16xf32>
    %broadcast_in_dim3A_29 = vector.shape_cast %reduce_sum3A_28 : vector<16xf32> to vector<1x16xf32>
    %div3A_30 = arith.constant 1.000000e+04 : f32
    %div3A_31 = vector.broadcast %div3A_30 : f32 to vector<1x16xf32>
    %div3A_32 = arith.divf %broadcast_in_dim3A_29, %div3A_31 : vector<1x16xf32>
    %sub3A_33 = vector.broadcast %div3A_25 : vector<1x16xf32> to vector<10000x16xf32>
    %sub3A_34 = arith.subf %add3A_22, %sub3A_33 : vector<10000x16xf32>
    %add3A_35 = arith.constant 9.99999974E-6 : f32
    %add3A_36 = vector.broadcast %add3A_35 : f32 to vector<1x16xf32>
    %add3A_37 = arith.addf %div3A_32, %add3A_36 : vector<1x16xf32>
    %rsqrt3A = math.rsqrt %add3A_37 : vector<1x16xf32>
    %mul3A_38 = vector.broadcast %rsqrt3A : vector<1x16xf32> to vector<10000x16xf32>
    %mul3A_39 = arith.mulf %sub3A_34, %mul3A_38 : vector<10000x16xf32>
    %get3A_40 = arith.constant 0 : index
    %get3A_41 = arith.constant 0 : index
    %get3A_42 = vector.load %arg4[%get3A_40, %get3A_41] : memref<1x16xf32, #tpu.memory_space<vmem>>, vector<1x16xf32>
    %mul3A_43 = vector.broadcast %get3A_42 : vector<1x16xf32> to vector<10000x16xf32>
    %mul3A_44 = arith.mulf %mul3A_39, %mul3A_43 : vector<10000x16xf32>
    %get3A_45 = arith.constant 0 : index
    %get3A_46 = arith.constant 0 : index
    %get3A_47 = vector.load %arg5[%get3A_45, %get3A_46] : memref<1x16xf32, #tpu.memory_space<vmem>>, vector<1x16xf32>
    %add3A_48 = vector.broadcast %get3A_47 : vector<1x16xf32> to vector<10000x16xf32>
    %add3A_49 = arith.addf %mul3A_44, %add3A_48 : vector<10000x16xf32>
    %max3A = arith.constant 0.000000e+00 : f32
    %max3A_50 = vector.broadcast %max3A : f32 to vector<10000x16xf32>
    %max3A_51 = arith.maximumf %add3A_49, %max3A_50 : vector<10000x16xf32>
    %mul3A_52 = vector.broadcast %get3A_1 : vector<10000x1xf32> to vector<10000x16xf32>
    %mul3A_53 = arith.mulf %max3A_51, %mul3A_52 : vector<10000x16xf32>
    %swap3A = arith.constant 0 : index
    %swap3A_54 = arith.constant 0 : index
    %swap3A_55 = vector.load %arg6[%swap3A, %swap3A_54] : memref<10000x16xf32, #tpu.memory_space<vmem>>, vector<10000x16xf32>
    tpu.vector_store %arg6[%swap3A, %swap3A_54], %mul3A_53 {strides = array<i32>} : memref<10000x16xf32, #tpu.memory_space<vmem>>, vector<10000x16xf32>,
    return
  }
}

module attributes {stable_mosaic.version = 14 : i64} {
  func.func @_fin_body(%arg0: memref<2x10240x16xf32, #tpu.memory_space<vmem>>, %arg1: memref<10000x16xf32, #tpu.memory_space<vmem>>, %arg2: memref<10000x1xf32, #tpu.memory_space<vmem>>, %arg3: memref<16x40xf32, #tpu.memory_space<vmem>>, %arg4: memref<1x40xf32, #tpu.memory_space<vmem>>, %arg5: memref<10000x40xf32, #tpu.memory_space<vmem>>) attributes {dimension_semantics = [], scalar_prefetch = 0 : i64, scratch_operands = 0 : i64, tpu.core_type = #tpu.core_type<tc>} {
    %get3A = arith.constant 0 : index
    %get3A_0 = arith.constant 0 : index
    %get3A_1 = arith.constant 0 : index
    %get3A_2 = vector.load %arg0[%get3A, %get3A_0, %get3A_1] : memref<2x10240x16xf32, #tpu.memory_space<vmem>>, vector<1x10240x16xf32>
    %get3A_3 = vector.shape_cast %get3A_2 : vector<1x10240x16xf32> to vector<10240x16xf32>
    %slice3A = vector.extract_strided_slice %get3A_3 {offsets = [0, 0], sizes = [10000, 16], strides = [1, 1]} : vector<10240x16xf32> to vector<10000x16xf32>
    %get3A_4 = arith.constant 1 : index
    %get3A_5 = arith.constant 0 : index
    %get3A_6 = arith.constant 0 : index
    %get3A_7 = vector.load %arg0[%get3A_4, %get3A_5, %get3A_6] : memref<2x10240x16xf32, #tpu.memory_space<vmem>>, vector<1x10240x16xf32>
    %get3A_8 = vector.shape_cast %get3A_7 : vector<1x10240x16xf32> to vector<10240x16xf32>
    %slice3A_9 = vector.extract_strided_slice %get3A_8 {offsets = [0, 0], sizes = [10000, 16], strides = [1, 1]} : vector<10240x16xf32> to vector<10000x16xf32>
    %add3A = arith.addf %slice3A, %slice3A_9 : vector<10000x16xf32>
    %get3A_10 = arith.constant 0 : index
    %get3A_11 = arith.constant 0 : index
    %get3A_12 = vector.load %arg1[%get3A_10, %get3A_11] : memref<10000x16xf32, #tpu.memory_space<vmem>>, vector<10000x16xf32>
    %add3A_13 = arith.addf %add3A, %get3A_12 : vector<10000x16xf32>
    %get3A_14 = arith.constant 0 : index
    %get3A_15 = arith.constant 0 : index
    %get3A_16 = vector.load %arg2[%get3A_14, %get3A_15] : memref<10000x1xf32, #tpu.memory_space<vmem>>, vector<10000x1xf32>
    %mul3A = vector.broadcast %get3A_16 : vector<10000x1xf32> to vector<10000x16xf32>
    %mul3A_17 = arith.mulf %add3A_13, %mul3A : vector<10000x16xf32>
    %get3A_18 = arith.constant 0 : index
    %get3A_19 = arith.constant 0 : index
    %get3A_20 = vector.load %arg3[%get3A_18, %get3A_19] : memref<16x40xf32, #tpu.memory_space<vmem>>, vector<16x40xf32>
    %dot_general3A = arith.constant dense<0.000000e+00> : vector<10000x40xf32>
    %dot_general3A_21 = tpu.matmul %mul3A_17, %get3A_20, %dot_general3A {dimension_numbers = #tpu.dot_dimension_numbers<[1], [0], [0], [1], [0, 0, 1, 1], [], []>, transpose_lhs_hint = false} : vector<10000x16xf32>, vector<16x40xf32>, vector<10000x40xf32> -> vector<10000x40xf32>
    %get3A_22 = arith.constant 0 : index
    %get3A_23 = arith.constant 0 : index
    %get3A_24 = vector.load %arg4[%get3A_22, %get3A_23] : memref<1x40xf32, #tpu.memory_space<vmem>>, vector<1x40xf32>
    %add3A_25 = vector.broadcast %get3A_24 : vector<1x40xf32> to vector<10000x40xf32>
    %add3A_26 = arith.addf %dot_general3A_21, %add3A_25 : vector<10000x40xf32>
    %reduce_max3A = arith.constant dense<0xFF800000> : vector<10000xf32>
    %reduce_max3A_27 = vector.multi_reduction <maximumf>, %add3A_26, %reduce_max3A [1] : vector<10000x40xf32> to vector<10000xf32>
    %broadcast_in_dim3A = vector.shape_cast %reduce_max3A_27 : vector<10000xf32> to vector<10000x1xf32>
    %sub3A = vector.broadcast %broadcast_in_dim3A : vector<10000x1xf32> to vector<10000x40xf32>
    %sub3A_28 = arith.subf %add3A_26, %sub3A : vector<10000x40xf32>
    %exp3A = math.exp %sub3A_28 : vector<10000x40xf32>
    %reduce_sum3A = arith.constant dense<0.000000e+00> : vector<10000xf32>
    %reduce_sum3A_29 = vector.multi_reduction <add>, %exp3A, %reduce_sum3A [1] : vector<10000x40xf32> to vector<10000xf32>
    %broadcast_in_dim3A_30 = vector.shape_cast %reduce_sum3A_29 : vector<10000xf32> to vector<10000x1xf32>
    %log3A = math.log %broadcast_in_dim3A_30 : vector<10000x1xf32>
    %add3A_31 = arith.addf %log3A, %broadcast_in_dim3A : vector<10000x1xf32>
    %sub3A_32 = vector.broadcast %add3A_31 : vector<10000x1xf32> to vector<10000x40xf32>
    %sub3A_33 = arith.subf %add3A_26, %sub3A_32 : vector<10000x40xf32>
    %swap3A = arith.constant 0 : index
    %swap3A_34 = arith.constant 0 : index
    %swap3A_35 = vector.load %arg5[%swap3A, %swap3A_34] : memref<10000x40xf32, #tpu.memory_space<vmem>>, vector<10000x40xf32>
    tpu.vector_store %arg5[%swap3A, %swap3A_34], %sub3A_33 {strides = array<i32>} : memref<10000x40xf32, #tpu.memory_space<vmem>>, vector<10000x40xf32>,
    return
  }
}

</mosaic_0001>

<sc_bundles>
// kernel: kernel.12.cloned.1.call-start
scs
__scs_entry_jumppad:
0x0: {  	(pc) =	sbr.rel $0x88, $3  }
0x1: {  	(tag) =	ssettag $0x0;
	lr =	simm.s32 $0x1  }
0x2: {  	[smem:$0x3F91] =	sst lr;
	_ =	strace $0xD0000000  }
0x3: {  	_ = 	snop  }
0x4: {  	_ = 	snop  }
0x5: {  	_ = 	snop  }
0x6: {  	_ = 	snop  }
0x7: {  	_ = 	snop  }
__scs_overlays_trampoline_lowered:
0x8: {  	[smem:$0x3FA0] =	sst s0  }
0x9: {  	[smem:$0x3FA1] =	sst s1  }
0xa: {  	[smem:$0x3FA2] =	sst s2  }
0xb: {  	[smem:$0x3FA3] =	sst s3  }
0xc: {  	[smem:$0x3FA4] =	sst s4  }
0xd: {  	[smem:$0x3FA5] =	sst s5  }
0xe: {  	[smem:$0x3FA6] =	sst s6  }
0xf: {  	[smem:$0x3FA7] =	sst s7  }
0x10: {  	[smem:$0x3FA8] =	sst s8  }
0x11: {  	[smem:$0x3FA9] =	sst s9;
	s0 =	simm.s32 @!p0 $0x0  }
0x12: {  	s1 =	sld [smem:$0x3F8F];
	s0 =	simm.s32 @p0 $0x1  }
0x13: {  	[smem:$0x3FAA] =	sst s0;
	s0 =	simm.s32 @!p1 $0x0  }
0x14: {  	s2 =	sld [smem:$0x3F8E];
	s0 =	simm.s32 @p1 $0x1  }
0x15: {  	[smem:$0x3FAB] =	sst s0;
	s0 =	simm.s32 @!p2 $0x0  }
0x16: {  	s3 =	sld [smem:$0x3FDB];
	s0 =	simm.s32 @p2 $0x1  }
0x17: {  	s4 =	simm.s32 $0x1BF5;
	[smem:$0x3FAD] =	sst s0  }
0x18: {  	s0 =	sld [smem:$0x3F90];
	_ =	swait.ge [sflag:s4], $0x0  }
0x19: {  	s7 =	sld [smem:$0x3F91]  }
0x1a: {  	s8 =	sadd.s32 $0xFFFFE003, lr  }
0x1b: {  	s9 =	sadd.s32 $0xFFFFFEF7, lr;
	s5 =	simm.s32 $0xFFFFFFFF;
	p2 =	slt.u32 s8, $0xFFFFF086  }
0x1c: {  	p1 =	slt.u32 s9, $0xF7A;
	s5 =	simm.s32 @!p2 $0x0  }
0x1d: {  	s5 =	simm.s32 @p1 $0x1;
	p0 =	seq.s32 s7, s2  }
0x1e: {  	s7 =	smul.u32 @!p0 $0xF7A, s2;
	p2 =	seq.s32 @!p0 s5, $0x0  }
0x1f: {  	s9 =	smul.u32 $0xF7A, s1;
	s8 =	simm.s32 @!p0 $0x1BF5;
	p2 =	por !p2, p0  }
0x20: {  	[sflag:s8] =	ssyncset.s32 @!p0 $0xFFFFF086;
	s6 =	sadd.s32 @!p0 s3, s7;
	s7 =	simm.s32 @!p0 $0x108  }
0x21: {  	s3 =	sadd.s32 s3, s9;
	s6 =	sadd.s32 @!p0 $0x88, s6;
	s7 =	simm.s32 @p2 $0x1082  }
0x22: {  	[simem:s7], [sflag:s8] =	dma.local @!p0 [hbm:s6], $0xF7A  }
0x23: {  	s9 =	sor.u32 $0xD0000000, s2;
	s6 =	simm.s32 $0x108;
	_ =	swait.ge @!p0 [sflag:s8], $0x0  }
0x24: {  	s3 =	sadd.s32 $0x88, s3;
	s6 =	simm.s32 @!p1 $0x1082;
	[sflag:s4] =	ssyncset.s32 $0xFFFFF086  }
0x25: {  	[simem:s6], [sflag:s4] =	dma.local [hbm:s3], $0xF7A  }
0x26: {  	[smem:$0x3F91] =	sst s1;
	(tag) =	ssettag s2;
	_ =	strace s9  }
0x27: {  	s1 =	sld [smem:$0x3FA1]  }
0x28: {  	s2 =	sld [smem:$0x3FA2]  }
0x29: {  	s4 =	sld [smem:$0x3FA4]  }
0x2a: {  	p0 =	seq.s32 s5, $0x0;
	s5 =	sld [smem:$0x3FA5]  }
0x2b: {  	s6 =	sld [smem:$0x3FA6]  }
0x2c: {  	s7 =	sld [smem:$0x3FA7]  }
0x2d: {  	s3 =	simm.s32 $0x108;
	s8 =	sld [smem:$0x3FA8]  }
0x2e: {  	s3 =	simm.s32 @!p0 $0x1082;
	s9 =	sld [smem:$0x3FA9]  }
0x2f: {  	lr =	sadd.s32 s0, s3;
	s0 =	sld [smem:$0x3FA0]  }
0x30: {  	s3 =	sld [smem:$0x3FA3]  }
0x31: {  	[smem:$0x3FAC] =	sst s10  }
0x32: {  	s10 =	sld [smem:$0x3FAA];
	_ =	sdelay $0x3  }
0x33: {  	p0 =	seq.s32 s10, $0x1;
	s10 =	sld [smem:$0x3FAC];
	_ =	sdelay $0x3  }
0x34: {  	[smem:$0x3FAC] =	sst s10  }
0x35: {  	s10 =	sld [smem:$0x3FAB];
	_ =	sdelay $0x3  }
0x36: {  	p1 =	seq.s32 s10, $0x1;
	s10 =	sld [smem:$0x3FAC];
	_ =	sdelay $0x3  }
0x37: {  	[smem:$0x3FAC] =	sst s10  }
0x38: {  	s10 =	sld [smem:$0x3FAD]  }
0x39: {  	_ = 	snop;
	(pc) =	sbr.ind lr, $3  }
0x3a: {  	_ = 	snop  }
0x3b: {  	_ = 	snop  }
0x3c: {  	p2 =	seq.s32 s10, $0x1;
	s10 =	sld [smem:$0x3FAC]  }
0x3d: {  	_ =	shalt  }
0x3e: {  	_ =	shalt  }
0x3f: {  	_ =	shalt  }
0x40: {  	_ =	shalt  }
0x41: {  	_ =	shalt  }
0x42: {  	_ =	shalt  }
0x43: {  	_ =	shalt  }
0x44: {  	_ =	shalt  }
0x45: {  	_ =	shalt  }
0x46: {  	_ =	shalt  }
0x47: {  	_ =	shalt  }
0x48: {  	_ =	shalt  }
0x49: {  	_ =	shalt  }
0x4a: {  	_ =	shalt  }
0x4b: {  	_ =	shalt  }
0x4c: {  	_ =	shalt  }
0x4d: {  	_ =	shalt  }
0x4e: {  	_ =	shalt  }
0x4f: {  	_ =	shalt  }
0x50: {  	_ =	shalt  }
0x51: {  	_ =	shalt  }
0x52: {  	_ =	shalt  }
0x53: {  	_ =	shalt  }
0x54: {  	_ =	shalt  }
0x55: {  	_ =	shalt  }
0x56: {  	_ =	shalt  }
0x57: {  	_ =	shalt  }
0x58: {  	_ =	shalt  }
0x59: {  	_ =	shalt  }
0x5a: {  	_ =	shalt  }
0x5b: {  	_ =	shalt  }
0x5c: {  	_ =	shalt  }
0x5d: {  	_ =	shalt  }
0x5e: {  	_ =	shalt  }
0x5f: {  	_ =	shalt  }
0x60: {  	_ =	shalt  }
0x61: {  	_ =	shalt  }
0x62: {  	_ =	shalt  }
0x63: {  	_ =	shalt  }
0x64: {  	_ =	shalt  }
0x65: {  	_ =	shalt  }
0x66: {  	_ =	shalt  }
0x67: {  	_ =	shalt  }
0x68: {  	_ =	shalt  }
0x69: {  	_ =	shalt  }
0x6a: {  	_ =	shalt  }
0x6b: {  	_ =	shalt  }
0x6c: {  	_ =	shalt  }
0x6d: {  	_ =	shalt  }
0x6e: {  	_ =	shalt  }
0x6f: {  	_ =	shalt  }
0x70: {  	_ =	shalt  }
0x71: {  	_ =	shalt  }
0x72: {  	_ =	shalt  }
0x73: {  	_ =	shalt  }
0x74: {  	_ =	shalt  }
0x75: {  	_ =	shalt  }
0x76: {  	_ =	shalt  }
0x77: {  	_ =	shalt  }
0x78: {  	_ =	shalt  }
0x79: {  	_ =	shalt  }
0x7a: {  	_ =	shalt  }
0x7b: {  	_ =	shalt  }
0x7c: {  	_ =	shalt  }
0x7d: {  	_ =	shalt  }
0x7e: {  	_ =	shalt  }
0x7f: {  	_ =	shalt  }
0x80: {  	_ =	shalt  }
0x81: {  	_ =	shalt  }
0x82: {  	_ =	shalt  }
0x83: {  	_ =	shalt  }
0x84: {  	_ =	shalt  }
0x85: {  	_ =	shalt  }
0x86: {  	_ =	shalt  }
0x87: {  	_ =	shalt  }
.Lfunc_end0:
.L_simem_size_0:
called_computation_lowered:
.L_overlay_start_0:
0x88: {  	s2 =	sld [smem:$0x3FD9]  }
0x89: {  	s3 =	sld [smem:$0x3FFE];
	_ =	sdelay $0x1  }
0x8a: {  	s1 =	srdreg.scid  }
0x8b: {  	s0 =	sand.u32 $0x1, s1  }
0x8c: {  	s17 =	sshll.u32 s0, $0xA;
	s2 =	sadd.s32 s3, s2  }
0x8d: {  	s2 =	sadd.s32 s2, s17  }
0x8e: {  	[smem:$0x3FB8] =	sst s2  }
0x8f: {  	_ = 	snop  }
0x90: {  	s2 =	sld [smem:$0x3FD0];
	(tm) =	ssettm $0x1  }
0x91: {  	s18 =	sld [smem:$0x3FFB];
	_ =	sdelay $0x3  }
0x92: {  	_ =	strace s18  }
0x93: {  	s3 =	sld [smem:$0x3FFC];
	_ =	sdelay $0x3  }
0x94: {  	_ =	strace s3  }
0x95: {  	s3 =	sld [smem:$0x3FFD];
	_ =	sdelay $0x3  }
0x96: {  	_ =	strace s3  }
0x97: {  	_ =	strace $0x8FFFFFFF  }
0x98: {  	s19 =	sld [smem:$0x3FDB];
	_ =	sdelay $0x1  }
0x99: {  	s4 =	simm.s32 $_scs_section_size  }
0x9a: {  	s5 =	simm.s32 $_size__tile_overlayer_lowered;
	s6 =	simm.s32 $_tile_overlayer_lowered  }
0x9b: {  	s22 =	simm.s32 $0x1BFF;
	s21 =	sshll.u32 s6, $0x1;
	s3 =	sadd.s32 s4, s19  }
0x9c: {  	s7 =	simm.s32 $0x0;
	s20 =	sshll.u32 s5, $0x1;
	s5 =	sadd.s32 s21, s3  }
0x9d: {  	[timem:s7], [sflag:s22] =	dma.local [hbm:s5], s20  }
0x9e: {  	_ =	swait.ge [sflag:s22], s20  }
0x9f: {  	s4 =	ssub.s32 $0x0, s20;
	[sflag:s22] =	ssyncset.done $0x0  }
0xa0: {  	[sflag:s22] =	ssyncadd.s32 s4;
	_ =	sdelay $0x1  }
0xa1: {  	s23 =	simm.s32 $0x1B8B  }
0xa2: {  	_ =	swait.ge [sflag:s23], $0x1  }
0xa3: {  	[sflag:s23] =	ssyncset.done $0x0  }
0xa4: {  	s25 =	simm.s32 $0x1B8E;
	s24 =	sld [smem:$0x3FFE];
	[sflag:s23] =	ssyncadd.s32 $0xFFFFFFFF  }
0xa5: {  	s26 =	simm.s32 $execute0_lowered;
	[smem:$0x3FD2] =	sst s25  }
0xa6: {  	s5 =	sshll.u32 s26, $0x1;
	_ =	strace $0x80000046;
	[dreg:$0x1] =	wrdreg $0xFFFFFFFF  }
0xa7: {  	s28 =	simm.s32 $_size_execute0_lowered;
	s3 =	sadd.s32 s3, s5;
	[dreg:$0x0] =	wrdreg $0x0  }
0xa8: {  	s5 =	sshll.u32 s28, $0x1;
	[dreg:$0x2] =	wrdreg s3  }
0xa9: {  	[dreg:$0x3] =	wrdreg s5  }
0xaa: {  	[dreg:$0x4] =	wrdreg $0xC0  }
0xab: {  	_ =	task [dreg:s7], $0x5FFFF  }
0xac: {  	[dreg:$0x1] =	wrdreg $0xFFFFFFFF  }
0xad: {  	[dreg:$0x0] =	wrdreg $0x60  }
0xae: {  	[dreg:$0x2] =	wrdreg s24  }
0xaf: {  	[dreg:$0x3] =	wrdreg s2  }
0xb0: {  	[dreg:$0x4] =	wrdreg $0x33900  }
0xb1: {  	[dreg:$0x5] =	wrdreg $0x9  }
0xb2: {  	_ =	task.clear_ibuf [dreg:s7], $0x6FFFF;
	_ =	strace $0x90000046  }
0xb3: {  	s29 =	simm.s32 $0x9;
	_ =	strace $0x80000048  }
0xb4: {  	_ =	swait.ge [sflag:s29], $0x1  }
0xb5: {  	[sflag:s29] =	ssyncadd.s32 $0xFFFFFFFF  }
0xb6: {  	_ =	strace $0x90000048  }
0xb7: {  	_ =	sfence  }
0xb8: {  	s30 =	sld [smem:$0x0];
	_ =	sdelay $0x2  }
0xb9: {  	s31 =	sshll.u32 s1, $0xD;
	s1 =	sshrl.u32 s1, $0x2  }
0xba: {  	s3 =	sand.u32 $0x4000, s31;
	s1 =	sadd.s32 s1, s30  }
0xbb: {  	s0 =	sor.u32 s3, s0;
	s1 =	sshll.u32 s1, $0x11  }
0xbc: {  	s0 =	sor.u32 s1, s0  }
0xbd: {  	s0 =	sadd.s32 $0x8F2B, s0  }
0xbe: {  	[sflag:s0] =	ssyncadd.remote.s32 $0x1  }
0xbf: {  	_ =	sfence.sel $0xFFFF  }
0xc0: {  	[dreg:$0x0] =	wrdreg $0xFFFFFFFF;
	(pc) =	sbr.abs _section_cstart, $3  }
0xc1: {  	[dreg:$0x1] =	wrdreg $0xFFFFFFFF  }
0xc2: {  	_ =	task.clear_ibuf [dreg:s7], $0x2FFFF;
	_ =	strace $0x9FFFFFFF  }
0xc3: {  	(tm) =	ssettm $0x7FFFFFFF  }
tec
execute0_lowered:
.L_overlay_start_1:
0x0: {  	(tag) =	ssettag $0x1  }
0x1: {  	s5 =	rddreg [dreg:$0x0];
	s1 =	srdreg.scid  }
0x2: {  	s0 =	stileid.u32;
	s8 =	rddreg [dreg:$0x1]  }
0x3: {  	s2 =	rddreg [dreg:$0x2];
	s3 =	simm.s32 $0x0;
	s13 =	simm.s32 $0xC8  }
0x4: {  	s14 =	simm.s32 $0x1;
	s4 =	sand.u32 $0x1, s1;
	s1 =	rddreg [dreg:$0x3]  }
0x5: {  	s15 =	simm.s32 $0x0;
	s26 =	sshll.u32 s0, $0x1;
	[smem:$0x7FF] =	sst s3  }
0x6: {  	s7 =	smul.u32 $0x2800, s0;
	s31 =	sshll.u32 s0, $0x6;
	s6 =	sor.u32 s4, s26  }
0x7: {  	_ =	strace $0x80000047;
	s28 =	ssub.s32 $0x2, s4;
	s12 =	smul.u32 $0x28000, s4  }
0x8: {  	s4 =	sadd.s32 $0x1BE00, s5;
	s6 =	smul.u32 $0x4E2, s6;
	s11 =	sshrl.u32 s28, $0x1  }
0x9: {  	s10 =	sshrl.u32 s7, $0x3;
	s30 =	sadd.s32 s7, s2;
	s29 =	ssub.s32 s28, s11  }
0xa: {  	s7 =	sadd.s32 s7, s12;
	s11 =	simm.s32 $0x2;
	s9 =	sadd.s32 s6, s5  }
0xb: {  	s5 =	sadd.s32 s10, s5;
	s6 =	sor.u32 $0x1C02, s31;
	s12 =	sshrl.u32 s7, $0x3  }
0xc: {  	s10 =	sshrl.u32 s30, $0x3;
	s5 =	sadd.s32 $0x16E00, s5;
	s7 =	sadd.s32 $0xD000, s9  }
0xd: {  	s8 =	sadd.s32 s8, s12;
	s9 =	smax.u32 s29, $0x1;
	s12 =	simm.s32 $0x2710  }
.LBB2_1:
0xe: {  	[spmem:s10], [sflag:s6] =	dma.local [hbm:s5], $0x500  }
0xf: {  	_ =	swait.ge [sflag:s11], $0x500  }
0x10: {  	[sflag:s11] =	ssyncset.done $0x0  }
0x11: {  	[sflag:s11] =	ssyncadd.s32 $0xFFFFFB00  }
0x12: {  	[tilespmem:s3], [sflag:$0x2] =	stream.linear.gather [hbm4b:s7+s3], $0x2710, $0x38;
	[tilespmem:$0x5B90] =	vst v63  }
0x13: {  	_ =	swait.ge [sflag:s11], $0x2710  }
0x14: {  	[sflag:s11] =	ssyncset.done $0x0  }
0x15: {  	[sflag:s11] =	ssyncadd.s32 $0xFFFFD8F0  }
0x16: {  	[tilespmem:s12], [sflag:$0x2] =	stream.linear.gather [hbm4b:s4+s3], $0xC80, $0x38;
	[tilespmem:$0x5B90] =	vst v63  }
0x17: {  	_ =	swait.ge [sflag:s11], $0xC80  }
0x18: {  	[sflag:s11] =	ssyncset.done $0x0  }
0x19: {  	[sflag:s11] =	ssyncadd.s32 $0xFFFFF380  }
0x1a: {  	s16 =	simm.s32 $0x0;
	[bflag:$0x0] =	sbarrier.arrive $0xFFFF  }
.LBB2_2:
0x1b: {  	p0 =	sne.s32 s16, $0x9920  }
.Ltmp0:
0x1c: {  	_ = 	snop;
	(pc) =	sbr.rel @p0 .LBB2_2-.Ltmp0, $3  }
0x1d: {  	_ =	sdelay $0x1  }
0x1e: {  	s17 =	sshra.s32 s16, $0x2;
	s16 =	sadd.s32 $0x320, s16  }
0x1f: {  	[spmem:s2] =	stream.indirect.scatter.add.f32 [tilespmem:s12], [sflag:$0x1], $0x10, s17, s13, $0xb8;
	[tilespmem:$0x5B90] =	vst v63  }
0x20: {  	_ =	swait.ge [sflag:s14], $0xC80  }
0x21: {  	s16 =	simm.s32 $0x31;
	[sflag:s14] =	ssyncset.done $0x0  }
.LBB2_4:
0x22: {  	p0 =	sne.s32 s16, $0x1;
	s16 =	sadd.s32 $0xFFFFFFFF, s16;
	[sflag:s14] =	ssyncadd.s32 $0xFFFFF380  }
.Ltmp1:
0x23: {  	(pc) =	sbr.rel @p0 .LBB2_4-.Ltmp1, $3  }
0x24: {  	_ =	sdelay $0x1  }
0x25: {  	_ =	swait.ge [sflag:s14], $0xC80  }
0x26: {  	[sflag:s14] =	ssyncset.done $0x0  }
0x27: {  	s15 =	sadd.s32 $0x1, s15  }
0x28: {  	[sflag:s14] =	ssyncadd.s32 $0xFFFFF380;
	p0 =	sne.s32 s15, s9  }
.Ltmp2:
0x29: {  	[bflag:$0x0] =	sbarrier.arrive $0xFFFF;
	(pc) =	sbr.rel @p0 .LBB2_1-.Ltmp2, $4  }
0x2a: {  	[hbm:s8], [sflag:s6] =	dma.local [spmem:s10], $0x500  }
0x2b: {  	_ =	swait.ge [sflag:s11], $0x500  }
0x2c: {  	[sflag:s11] =	ssyncset.done $0x0  }
0x2d: {  	[sflag:s11] =	ssyncadd.s32 $0xFFFFFB00  }
0x2e: {  	_ =	sfence.sel $0x180000  }
0x2f: {  	[bflag:$0x0] =	sbarrier.arrive $0xFFFF  }
0x30: {  	p0 =	sne.s32 s0, $0x0;
	_ =	strace $0x90000047  }
0x31: {  	s0 =	sadd.s32 @!p0 $0x100000, s1;
	[bflag:$0x2] =	sbarrier.arrive $0xFFFF  }
0x32: {  	[sflag:s0] =	ssyncadd.tile.s32 @!p0 $0x1;
	_ =	shalt  }
.Lfunc_end2:
_tile_overlayer_lowered:
.L_overlay_start_2:
0x33: {  	(tag) =	ssettag $0x2  }
0x34: {  	s0 =	rddreg [dreg:$0x0];
	s2 =	stileid.u32  }
0x35: {  	s1 =	rddreg [dreg:$0x1];
	p0 =	sne.s32 s2, $0x0  }
0x36: {  	s3 =	rddreg [dreg:$0x2];
	[bflag:$0x3] =	sbarrier.arrive $0xFFFF;
	s2 =	simm.s32 @!p0 $0x1C02  }
0x37: {  	[timem:s3], [sflag:s2] =	dma.local @!p0 [hbm:s0], s1  }
0x38: {  	s0 =	simm.s32 @!p0 $0x2  }
0x39: {  	_ =	swait.ge @!p0 [sflag:s0], s1  }
0x3a: {  	s1 =	ssub.s32 @!p0 $0x0, s1;
	[sflag:s0] =	ssyncset.done @!p0 $0x0  }
0x3b: {  	[sflag:s0] =	ssyncadd.s32 @!p0 s1  }
0x3c: {  	[bflag:$0x3] =	sbarrier.arrive $0xFFFF  }
0x3d: {  	_ =	shalt  }

// kernel: kernel.15.cloned.1.call-start
scs
__scs_entry_jumppad:
0x0: {  	(pc) =	sbr.rel $0x88, $3  }
0x1: {  	(tag) =	ssettag $0x0;
	lr =	simm.s32 $0x1  }
0x2: {  	[smem:$0x3F91] =	sst lr;
	_ =	strace $0xD0000000  }
0x3: {  	_ = 	snop  }
0x4: {  	_ = 	snop  }
0x5: {  	_ = 	snop  }
0x6: {  	_ = 	snop  }
0x7: {  	_ = 	snop  }
__scs_overlays_trampoline_lowered:
0x8: {  	[smem:$0x3FA0] =	sst s0  }
0x9: {  	[smem:$0x3FA1] =	sst s1  }
0xa: {  	[smem:$0x3FA2] =	sst s2  }
0xb: {  	[smem:$0x3FA3] =	sst s3  }
0xc: {  	[smem:$0x3FA4] =	sst s4  }
0xd: {  	[smem:$0x3FA5] =	sst s5  }
0xe: {  	[smem:$0x3FA6] =	sst s6  }
0xf: {  	[smem:$0x3FA7] =	sst s7  }
0x10: {  	[smem:$0x3FA8] =	sst s8  }
0x11: {  	[smem:$0x3FA9] =	sst s9;
	s0 =	simm.s32 @!p0 $0x0  }
0x12: {  	s1 =	sld [smem:$0x3F8F];
	s0 =	simm.s32 @p0 $0x1  }
0x13: {  	[smem:$0x3FAA] =	sst s0;
	s0 =	simm.s32 @!p1 $0x0  }
0x14: {  	s2 =	sld [smem:$0x3F8E];
	s0 =	simm.s32 @p1 $0x1  }
0x15: {  	[smem:$0x3FAB] =	sst s0;
	s0 =	simm.s32 @!p2 $0x0  }
0x16: {  	s3 =	sld [smem:$0x3FDB];
	s0 =	simm.s32 @p2 $0x1  }
0x17: {  	s4 =	simm.s32 $0x1BF5;
	[smem:$0x3FAD] =	sst s0  }
0x18: {  	s0 =	sld [smem:$0x3F90];
	_ =	swait.ge [sflag:s4], $0x0  }
0x19: {  	s7 =	sld [smem:$0x3F91]  }
0x1a: {  	s8 =	sadd.s32 $0xFFFFE003, lr  }
0x1b: {  	s9 =	sadd.s32 $0xFFFFFEF7, lr;
	s5 =	simm.s32 $0xFFFFFFFF;
	p2 =	slt.u32 s8, $0xFFFFF086  }
0x1c: {  	p1 =	slt.u32 s9, $0xF7A;
	s5 =	simm.s32 @!p2 $0x0  }
0x1d: {  	s5 =	simm.s32 @p1 $0x1;
	p0 =	seq.s32 s7, s2  }
0x1e: {  	s7 =	smul.u32 @!p0 $0xF7A, s2;
	p2 =	seq.s32 @!p0 s5, $0x0  }
0x1f: {  	s9 =	smul.u32 $0xF7A, s1;
	s8 =	simm.s32 @!p0 $0x1BF5;
	p2 =	por !p2, p0  }
0x20: {  	[sflag:s8] =	ssyncset.s32 @!p0 $0xFFFFF086;
	s6 =	sadd.s32 @!p0 s3, s7;
	s7 =	simm.s32 @!p0 $0x108  }
0x21: {  	s3 =	sadd.s32 s3, s9;
	s6 =	sadd.s32 @!p0 $0x88, s6;
	s7 =	simm.s32 @p2 $0x1082  }
0x22: {  	[simem:s7], [sflag:s8] =	dma.local @!p0 [hbm:s6], $0xF7A  }
0x23: {  	s9 =	sor.u32 $0xD0000000, s2;
	s6 =	simm.s32 $0x108;
	_ =	swait.ge @!p0 [sflag:s8], $0x0  }
0x24: {  	s3 =	sadd.s32 $0x88, s3;
	s6 =	simm.s32 @!p1 $0x1082;
	[sflag:s4] =	ssyncset.s32 $0xFFFFF086  }
0x25: {  	[simem:s6], [sflag:s4] =	dma.local [hbm:s3], $0xF7A  }
0x26: {  	[smem:$0x3F91] =	sst s1;
	(tag) =	ssettag s2;
	_ =	strace s9  }
0x27: {  	s1 =	sld [smem:$0x3FA1]  }
0x28: {  	s2 =	sld [smem:$0x3FA2]  }
0x29: {  	s4 =	sld [smem:$0x3FA4]  }
0x2a: {  	p0 =	seq.s32 s5, $0x0;
	s5 =	sld [smem:$0x3FA5]  }
0x2b: {  	s6 =	sld [smem:$0x3FA6]  }
0x2c: {  	s7 =	sld [smem:$0x3FA7]  }
0x2d: {  	s3 =	simm.s32 $0x108;
	s8 =	sld [smem:$0x3FA8]  }
0x2e: {  	s3 =	simm.s32 @!p0 $0x1082;
	s9 =	sld [smem:$0x3FA9]  }
0x2f: {  	lr =	sadd.s32 s0, s3;
	s0 =	sld [smem:$0x3FA0]  }
0x30: {  	s3 =	sld [smem:$0x3FA3]  }
0x31: {  	[smem:$0x3FAC] =	sst s10  }
0x32: {  	s10 =	sld [smem:$0x3FAA];
	_ =	sdelay $0x3  }
0x33: {  	p0 =	seq.s32 s10, $0x1;
	s10 =	sld [smem:$0x3FAC];
	_ =	sdelay $0x3  }
0x34: {  	[smem:$0x3FAC] =	sst s10  }
0x35: {  	s10 =	sld [smem:$0x3FAB];
	_ =	sdelay $0x3  }
0x36: {  	p1 =	seq.s32 s10, $0x1;
	s10 =	sld [smem:$0x3FAC];
	_ =	sdelay $0x3  }
0x37: {  	[smem:$0x3FAC] =	sst s10  }
0x38: {  	s10 =	sld [smem:$0x3FAD]  }
0x39: {  	_ = 	snop;
	(pc) =	sbr.ind lr, $3  }
0x3a: {  	_ = 	snop  }
0x3b: {  	_ = 	snop  }
0x3c: {  	p2 =	seq.s32 s10, $0x1;
	s10 =	sld [smem:$0x3FAC]  }
0x3d: {  	_ =	shalt  }
0x3e: {  	_ =	shalt  }
0x3f: {  	_ =	shalt  }
0x40: {  	_ =	shalt  }
0x41: {  	_ =	shalt  }
0x42: {  	_ =	shalt  }
0x43: {  	_ =	shalt  }
0x44: {  	_ =	shalt  }
0x45: {  	_ =	shalt  }
0x46: {  	_ =	shalt  }
0x47: {  	_ =	shalt  }
0x48: {  	_ =	shalt  }
0x49: {  	_ =	shalt  }
0x4a: {  	_ =	shalt  }
0x4b: {  	_ =	shalt  }
0x4c: {  	_ =	shalt  }
0x4d: {  	_ =	shalt  }
0x4e: {  	_ =	shalt  }
0x4f: {  	_ =	shalt  }
0x50: {  	_ =	shalt  }
0x51: {  	_ =	shalt  }
0x52: {  	_ =	shalt  }
0x53: {  	_ =	shalt  }
0x54: {  	_ =	shalt  }
0x55: {  	_ =	shalt  }
0x56: {  	_ =	shalt  }
0x57: {  	_ =	shalt  }
0x58: {  	_ =	shalt  }
0x59: {  	_ =	shalt  }
0x5a: {  	_ =	shalt  }
0x5b: {  	_ =	shalt  }
0x5c: {  	_ =	shalt  }
0x5d: {  	_ =	shalt  }
0x5e: {  	_ =	shalt  }
0x5f: {  	_ =	shalt  }
0x60: {  	_ =	shalt  }
0x61: {  	_ =	shalt  }
0x62: {  	_ =	shalt  }
0x63: {  	_ =	shalt  }
0x64: {  	_ =	shalt  }
0x65: {  	_ =	shalt  }
0x66: {  	_ =	shalt  }
0x67: {  	_ =	shalt  }
0x68: {  	_ =	shalt  }
0x69: {  	_ =	shalt  }
0x6a: {  	_ =	shalt  }
0x6b: {  	_ =	shalt  }
0x6c: {  	_ =	shalt  }
0x6d: {  	_ =	shalt  }
0x6e: {  	_ =	shalt  }
0x6f: {  	_ =	shalt  }
0x70: {  	_ =	shalt  }
0x71: {  	_ =	shalt  }
0x72: {  	_ =	shalt  }
0x73: {  	_ =	shalt  }
0x74: {  	_ =	shalt  }
0x75: {  	_ =	shalt  }
0x76: {  	_ =	shalt  }
0x77: {  	_ =	shalt  }
0x78: {  	_ =	shalt  }
0x79: {  	_ =	shalt  }
0x7a: {  	_ =	shalt  }
0x7b: {  	_ =	shalt  }
0x7c: {  	_ =	shalt  }
0x7d: {  	_ =	shalt  }
0x7e: {  	_ =	shalt  }
0x7f: {  	_ =	shalt  }
0x80: {  	_ =	shalt  }
0x81: {  	_ =	shalt  }
0x82: {  	_ =	shalt  }
0x83: {  	_ =	shalt  }
0x84: {  	_ =	shalt  }
0x85: {  	_ =	shalt  }
0x86: {  	_ =	shalt  }
0x87: {  	_ =	shalt  }
.Lfunc_end0:
.L_simem_size_0:
called_computation.1_lowered:
.L_overlay_start_0:
0x88: {  	s2 =	sld [smem:$0x3FD9]  }
0x89: {  	s3 =	sld [smem:$0x3FFE];
	_ =	sdelay $0x1  }
0x8a: {  	s1 =	srdreg.scid  }
0x8b: {  	s0 =	sand.u32 $0x1, s1  }
0x8c: {  	s16 =	sshll.u32 s0, $0xA;
	s2 =	sadd.s32 s3, s2  }
0x8d: {  	s2 =	sadd.s32 s2, s16  }
0x8e: {  	[smem:$0x3FB8] =	sst s2  }
0x8f: {  	_ = 	snop  }
0x90: {  	(tm) =	ssettm $0x1  }
0x91: {  	s17 =	sld [smem:$0x3FFB];
	_ =	sdelay $0x3  }
0x92: {  	_ =	strace s17  }
0x93: {  	s2 =	sld [smem:$0x3FFC];
	_ =	sdelay $0x3  }
0x94: {  	_ =	strace s2  }
0x95: {  	s2 =	sld [smem:$0x3FFD];
	_ =	sdelay $0x3  }
0x96: {  	_ =	strace s2  }
0x97: {  	_ =	strace $0x8FFFFFFF  }
0x98: {  	s18 =	sld [smem:$0x3FDB];
	_ =	sdelay $0x1  }
0x99: {  	s19 =	simm.s32 $_scs_section_size  }
0x9a: {  	s4 =	simm.s32 $_size__tile_overlayer_lowered;
	s5 =	simm.s32 $_tile_overlayer_lowered  }
0x9b: {  	s22 =	simm.s32 $0x1BFF;
	s21 =	sshll.u32 s5, $0x1;
	s2 =	sadd.s32 s19, s18  }
0x9c: {  	s6 =	simm.s32 $0x0;
	s20 =	sshll.u32 s4, $0x1;
	s4 =	sadd.s32 s21, s2  }
0x9d: {  	[timem:s6], [sflag:s22] =	dma.local [hbm:s4], s20  }
0x9e: {  	_ =	swait.ge [sflag:s22], s20  }
0x9f: {  	s3 =	ssub.s32 $0x0, s20;
	[sflag:s22] =	ssyncset.done $0x0  }
0xa0: {  	[sflag:s22] =	ssyncadd.s32 s3;
	_ =	sdelay $0x1  }
0xa1: {  	s23 =	simm.s32 $0x1B8B  }
0xa2: {  	_ =	swait.ge [sflag:s23], $0x1  }
0xa3: {  	[sflag:s23] =	ssyncset.done $0x0  }
0xa4: {  	s25 =	simm.s32 $0x1B8E;
	s24 =	sld [smem:$0x3FFE];
	[sflag:s23] =	ssyncadd.s32 $0xFFFFFFFF  }
0xa5: {  	s26 =	simm.s32 $execute0_lowered;
	[smem:$0x3FD2] =	sst s25  }
0xa6: {  	s4 =	sshll.u32 s26, $0x1;
	_ =	strace $0x80000049;
	[dreg:$0x1] =	wrdreg $0xFFFFFFFF  }
0xa7: {  	s28 =	simm.s32 $_size_execute0_lowered;
	s2 =	sadd.s32 s2, s4;
	[dreg:$0x0] =	wrdreg $0x0  }
0xa8: {  	s4 =	sshll.u32 s28, $0x1;
	[dreg:$0x2] =	wrdreg s2  }
0xa9: {  	[dreg:$0x3] =	wrdreg s4  }
0xaa: {  	[dreg:$0x4] =	wrdreg $0xC0  }
0xab: {  	_ =	task [dreg:s6], $0x5FFFF  }
0xac: {  	[dreg:$0x1] =	wrdreg $0xFFFFFFFF  }
0xad: {  	[dreg:$0x0] =	wrdreg $0x60  }
0xae: {  	[dreg:$0x2] =	wrdreg s24  }
0xaf: {  	[dreg:$0x3] =	wrdreg $0x148200  }
0xb0: {  	[dreg:$0x4] =	wrdreg $0x9  }
0xb1: {  	_ =	task.clear_ibuf [dreg:s6], $0x5FFFF;
	_ =	strace $0x90000049  }
0xb2: {  	s29 =	simm.s32 $0x9;
	_ =	strace $0x8000004B  }
0xb3: {  	_ =	swait.ge [sflag:s29], $0x1  }
0xb4: {  	[sflag:s29] =	ssyncadd.s32 $0xFFFFFFFF  }
0xb5: {  	_ =	strace $0x9000004B  }
0xb6: {  	_ =	sfence  }
0xb7: {  	s30 =	sld [smem:$0x0];
	_ =	sdelay $0x2  }
0xb8: {  	s31 =	sshll.u32 s1, $0xD;
	s1 =	sshrl.u32 s1, $0x2  }
0xb9: {  	s3 =	sand.u32 $0x4000, s31;
	s1 =	sadd.s32 s1, s30  }
0xba: {  	s0 =	sor.u32 s3, s0;
	s1 =	sshll.u32 s1, $0x11  }
0xbb: {  	s0 =	sor.u32 s1, s0  }
0xbc: {  	s0 =	sadd.s32 $0x8F2B, s0  }
0xbd: {  	[sflag:s0] =	ssyncadd.remote.s32 $0x1  }
0xbe: {  	_ =	sfence.sel $0xFFFF  }
0xbf: {  	[dreg:$0x0] =	wrdreg $0xFFFFFFFF;
	(pc) =	sbr.abs _section_cstart, $3  }
0xc0: {  	[dreg:$0x1] =	wrdreg $0xFFFFFFFF  }
0xc1: {  	_ =	task.clear_ibuf [dreg:s6], $0x2FFFF;
	_ =	strace $0x9FFFFFFF  }
0xc2: {  	(tm) =	ssettm $0x7FFFFFFF  }
0xc3: {  	_ =	shalt  }
tec
execute0_lowered:
.L_overlay_start_1:
0x0: {  	(tag) =	ssettag $0x1  }
0x1: {  	s0 =	srdreg.scid;
	s5 =	rddreg [dreg:$0x0]  }
0x2: {  	s12 =	stileid.u32;
	s2 =	rddreg [dreg:$0x1];
	s3 =	simm.s32 $0x0  }
0x3: {  	s14 =	simm.s32 $0xC8;
	s15 =	simm.s32 $0x4E20;
	s16 =	simm.s32 $0x8020  }
0x4: {  	s18 =	simm.s32 $0xB220;
	s20 =	simm.s32 $0xE420;
	s22 =	simm.s32 $0x11620  }
0x5: {  	s23 =	simm.s32 $0x1;
	s24 =	simm.s32 $0x2;
	s25 =	simm.s32 $0x3  }
0x6: {  	s28 =	simm.s32 $0x5;
	s29 =	simm.s32 $0x6;
	s30 =	simm.s32 $0x7  }
0x7: {  	s31 =	simm.s32 $0x8;
	s17 =	simm.s32 $0x0;
	s0 =	sand.u32 $0x1, s0  }
0x8: {  	s1 =	sshll.u32 s12, $0x1;
	s6 =	smul.u32 $0xA000, s12;
	[smem:$0x7FF] =	sst s3  }
0x9: {  	s4 =	sadd.s32 $0x1BE00, s5;
	s26 =	sshll.u32 s12, $0x6;
	s12 =	simm.s32 $0xB  }
0xa: {  	s1 =	sor.u32 s0, s1;
	s7 =	smul.u32 $0xA0000, s0;
	_ =	strace $0x8000004A  }
0xb: {  	s0 =	ssub.s32 $0x2, s0;
	s1 =	smul.u32 $0x4E2, s1;
	s8 =	sshrl.u32 s6, $0x3  }
0xc: {  	s9 =	sshrl.u32 s0, $0x1;
	s11 =	sadd.s32 s6, s2;
	s7 =	sadd.s32 s6, s7  }
0xd: {  	s8 =	sadd.s32 s8, s5;
	s0 =	ssub.s32 s0, s9;
	s6 =	sor.u32 $0x1C0B, s26  }
0xe: {  	s11 =	sshrl.u32 s11, $0x3;
	s26 =	simm.s32 $0x4;
	s7 =	sshrl.u32 s7, $0x3  }
0xf: {  	s1 =	sadd.s32 s1, s5;
	s10 =	sadd.s32 s7, s5;
	s5 =	sadd.s32 $0x2F800, s8  }
0x10: {  	s7 =	sadd.s32 $0x3200, s1;
	s8 =	sadd.s32 $0xD000, s1;
	s1 =	simm.s32 $0x9  }
0x11: {  	s9 =	sadd.s32 $0x43800, s10;
	s10 =	smax.u32 s0, $0x1;
	s0 =	simm.s32 $0xA  }
.LBB2_1:
0x12: {  	[spmem:s11], [sflag:s6] =	dma.local [hbm:s5], $0x1400  }
0x13: {  	_ =	swait.ge [sflag:s12], $0x1400  }
0x14: {  	[sflag:s12] =	ssyncset.done $0x0  }
0x15: {  	[sflag:s12] =	ssyncadd.s32 $0xFFFFEC00  }
0x16: {  	[tilespmem:s3], [sflag:$0xB] =	stream.linear.gather [hbm4b:s7+s3], $0x2710, $0x38;
	[tilespmem:$0x1E820] =	vst v63  }
0x17: {  	_ =	swait.ge [sflag:s12], $0x2710  }
0x18: {  	[sflag:s12] =	ssyncset.done $0x0  }
0x19: {  	s13 =	simm.s32 $0x2710;
	[sflag:s12] =	ssyncadd.s32 $0xFFFFD8F0  }
0x1a: {  	[tilespmem:s13], [sflag:$0xB] =	stream.linear.gather [hbm4b:s8+s3], $0x2710, $0x38;
	[tilespmem:$0x1E820] =	vst v63  }
0x1b: {  	_ =	swait.ge [sflag:s12], $0x2710  }
0x1c: {  	[sflag:s12] =	ssyncset.done $0x0  }
0x1d: {  	[sflag:s12] =	ssyncadd.s32 $0xFFFFD8F0  }
0x1e: {  	[bflag:$0x0] =	sbarrier.arrive $0xFFFF  }
0x1f: {  	[tilespmem:s15], [sflag:$0x1] =	stream.indirect.gather [hbm4b:s4+s14], $0x40, s3, s14, $0xb8;
	[tilespmem:$0x1E820] =	vst v63  }
0x20: {  	_ = 	snop  }
0x21: {  	[tilespmem:s16], [sflag:$0x2] =	stream.indirect.gather [hbm4b:s4+s14], $0x40, s14, s14, $0xb8;
	[tilespmem:$0x1E820] =	vst v63  }
0x22: {  	s21 =	simm.s32 $0x190  }
0x23: {  	[tilespmem:s18], [sflag:$0x3] =	stream.indirect.gather [hbm4b:s4+s14], $0x40, s21, s14, $0xb8;
	[tilespmem:$0x1E820] =	vst v63  }
0x24: {  	s19 =	simm.s32 $0x258  }
0x25: {  	[tilespmem:s20], [sflag:$0x4] =	stream.indirect.gather [hbm4b:s4+s14], $0x40, s19, s14, $0xb8;
	[tilespmem:$0x1E820] =	vst v63  }
0x26: {  	s21 =	simm.s32 $0x320  }
0x27: {  	[tilespmem:s22], [sflag:$0x5] =	stream.indirect.gather [hbm4b:s4+s14], $0x40, s21, s14, $0xb8;
	[tilespmem:$0x1E820] =	vst v63  }
0x28: {  	_ =	swait.ge [sflag:s23], $0x3200  }
0x29: {  	[sflag:s23] =	ssyncset.done $0x0  }
0x2a: {  	s19 =	simm.s32 $0x2710;
	[sflag:s23] =	ssyncadd.s32 $0xFFFFCE00  }
0x2b: {  	[spmem:s2] =	stream.indirect.scatter.add.f32 [tilespmem:s15], [sflag:$0x6], $0x40, s19, s14, $0xb8;
	[tilespmem:$0x1E820] =	vst v63  }
0x2c: {  	_ =	swait.ge [sflag:s24], $0x3200  }
0x2d: {  	[sflag:s24] =	ssyncset.done $0x0  }
0x2e: {  	s13 =	simm.s32 $0x27D8;
	[sflag:s24] =	ssyncadd.s32 $0xFFFFCE00  }
0x2f: {  	[spmem:s2] =	stream.indirect.scatter.add.f32 [tilespmem:s16], [sflag:$0x7], $0x40, s13, s14, $0xb8;
	[tilespmem:$0x1E820] =	vst v63  }
0x30: {  	_ =	swait.ge [sflag:s25], $0x3200  }
0x31: {  	[sflag:s25] =	ssyncset.done $0x0  }
0x32: {  	s21 =	simm.s32 $0x28A0;
	[sflag:s25] =	ssyncadd.s32 $0xFFFFCE00  }
0x33: {  	[spmem:s2] =	stream.indirect.scatter.add.f32 [tilespmem:s18], [sflag:$0x8], $0x40, s21, s14, $0xb8;
	[tilespmem:$0x1E820] =	vst v63  }
0x34: {  	_ =	swait.ge [sflag:s26], $0x3200  }
0x35: {  	[sflag:s26] =	ssyncset.done $0x0  }
0x36: {  	s13 =	simm.s32 $0x2968;
	[sflag:s26] =	ssyncadd.s32 $0xFFFFCE00  }
0x37: {  	[spmem:s2] =	stream.indirect.scatter.add.f32 [tilespmem:s20], [sflag:$0x9], $0x40, s13, s14, $0xb8;
	[tilespmem:$0x1E820] =	vst v63  }
0x38: {  	_ =	swait.ge [sflag:s28], $0x3200  }
0x39: {  	[sflag:s28] =	ssyncset.done $0x0  }
0x3a: {  	s21 =	simm.s32 $0x2A30;
	[sflag:s28] =	ssyncadd.s32 $0xFFFFCE00  }
0x3b: {  	[spmem:s2] =	stream.indirect.scatter.add.f32 [tilespmem:s22], [sflag:$0xA], $0x40, s21, s14, $0xb8;
	[tilespmem:$0x1E820] =	vst v63  }
0x3c: {  	_ =	swait.ge [sflag:s29], $0x3200  }
0x3d: {  	[sflag:s29] =	ssyncset.done $0x0  }
0x3e: {  	s13 =	simm.s32 $0x3E8;
	[sflag:s29] =	ssyncadd.s32 $0xFFFFCE00  }
0x3f: {  	[tilespmem:s15], [sflag:$0x1] =	stream.indirect.gather [hbm4b:s4+s14], $0x40, s13, s14, $0xb8;
	[tilespmem:$0x1E820] =	vst v63  }
0x40: {  	_ =	swait.ge [sflag:s30], $0x3200  }
0x41: {  	[sflag:s30] =	ssyncset.done $0x0  }
0x42: {  	s21 =	simm.s32 $0x4B0;
	[sflag:s30] =	ssyncadd.s32 $0xFFFFCE00  }
0x43: {  	[tilespmem:s16], [sflag:$0x2] =	stream.indirect.gather [hbm4b:s4+s14], $0x40, s21, s14, $0xb8;
	[tilespmem:$0x1E820] =	vst v63  }
0x44: {  	_ =	swait.ge [sflag:s31], $0x3200  }
0x45: {  	[sflag:s31] =	ssyncset.done $0x0  }
0x46: {  	s13 =	simm.s32 $0x578;
	[sflag:s31] =	ssyncadd.s32 $0xFFFFCE00  }
0x47: {  	[tilespmem:s18], [sflag:$0x3] =	stream.indirect.gather [hbm4b:s4+s14], $0x40, s13, s14, $0xb8;
	[tilespmem:$0x1E820] =	vst v63  }
0x48: {  	_ =	swait.ge [sflag:s1], $0x3200  }
0x49: {  	[sflag:s1] =	ssyncset.done $0x0  }
0x4a: {  	s21 =	simm.s32 $0x640;
	[sflag:s1] =	ssyncadd.s32 $0xFFFFCE00  }
0x4b: {  	[tilespmem:s20], [sflag:$0x4] =	stream.indirect.gather [hbm4b:s4+s14], $0x40, s21, s14, $0xb8;
	[tilespmem:$0x1E820] =	vst v63  }
0x4c: {  	_ =	swait.ge [sflag:s0], $0x3200  }
0x4d: {  	[sflag:s0] =	ssyncset.done $0x0  }
0x4e: {  	s19 =	simm.s32 $0xFA0;
	s21 =	simm.s32 $0x708;
	[sflag:s0] =	ssyncadd.s32 $0xFFFFCE00  }
.LBB2_2:
0x4f: {  	[tilespmem:s22], [sflag:$0x5] =	stream.indirect.gather [hbm4b:s4+s14], $0x40, s21, s14, $0xb8;
	[tilespmem:$0x1E820] =	vst v63  }
0x50: {  	s21 =	smov.u32 s19  }
0x51: {  	p0 =	sne.s32 s19, $0x7D00;
	s19 =	sadd.s32 $0xFA0, s19;
	_ =	swait.ge [sflag:s23], $0x3200  }
0x52: {  	s21 =	sshra.s32 s21, $0x2;
	[sflag:s23] =	ssyncset.done $0x0  }
0x53: {  	s13 =	sadd.s32 $0x2710, s21;
	[sflag:s23] =	ssyncadd.s32 $0xFFFFCE00  }
0x54: {  	[spmem:s2] =	stream.indirect.scatter.add.f32 [tilespmem:s15], [sflag:$0x6], $0x40, s13, s14, $0xb8;
	[tilespmem:$0x1E820] =	vst v63  }
0x55: {  	_ =	swait.ge [sflag:s24], $0x3200  }
0x56: {  	[sflag:s24] =	ssyncset.done $0x0  }
0x57: {  	s13 =	sadd.s32 $0x27D8, s21;
	[sflag:s24] =	ssyncadd.s32 $0xFFFFCE00  }
0x58: {  	[spmem:s2] =	stream.indirect.scatter.add.f32 [tilespmem:s16], [sflag:$0x7], $0x40, s13, s14, $0xb8;
	[tilespmem:$0x1E820] =	vst v63  }
0x59: {  	_ =	swait.ge [sflag:s25], $0x3200  }
0x5a: {  	[sflag:s25] =	ssyncset.done $0x0  }
0x5b: {  	s13 =	sadd.s32 $0x28A0, s21;
	[sflag:s25] =	ssyncadd.s32 $0xFFFFCE00  }
0x5c: {  	[spmem:s2] =	stream.indirect.scatter.add.f32 [tilespmem:s18], [sflag:$0x8], $0x40, s13, s14, $0xb8;
	[tilespmem:$0x1E820] =	vst v63  }
0x5d: {  	_ =	swait.ge [sflag:s26], $0x3200  }
0x5e: {  	[sflag:s26] =	ssyncset.done $0x0  }
0x5f: {  	s13 =	sadd.s32 $0x2968, s21;
	[sflag:s26] =	ssyncadd.s32 $0xFFFFCE00  }
0x60: {  	[spmem:s2] =	stream.indirect.scatter.add.f32 [tilespmem:s20], [sflag:$0x9], $0x40, s13, s14, $0xb8;
	[tilespmem:$0x1E820] =	vst v63  }
0x61: {  	_ =	swait.ge [sflag:s28], $0x3200  }
0x62: {  	[sflag:s28] =	ssyncset.done $0x0  }
0x63: {  	s13 =	sadd.s32 $0x2A30, s21;
	[sflag:s28] =	ssyncadd.s32 $0xFFFFCE00  }
0x64: {  	[spmem:s2] =	stream.indirect.scatter.add.f32 [tilespmem:s22], [sflag:$0xA], $0x40, s13, s14, $0xb8;
	[tilespmem:$0x1E820] =	vst v63  }
0x65: {  	_ =	swait.ge [sflag:s29], $0x3200  }
0x66: {  	[sflag:s29] =	ssyncset.done $0x0  }
0x67: {  	s13 =	sadd.s32 $0x3E8, s21;
	[sflag:s29] =	ssyncadd.s32 $0xFFFFCE00  }
0x68: {  	[tilespmem:s15], [sflag:$0x1] =	stream.indirect.gather [hbm4b:s4+s14], $0x40, s13, s14, $0xb8;
	[tilespmem:$0x1E820] =	vst v63  }
0x69: {  	_ =	swait.ge [sflag:s30], $0x3200  }
0x6a: {  	[sflag:s30] =	ssyncset.done $0x0  }
0x6b: {  	s13 =	sadd.s32 $0x4B0, s21;
	[sflag:s30] =	ssyncadd.s32 $0xFFFFCE00  }
0x6c: {  	[tilespmem:s16], [sflag:$0x2] =	stream.indirect.gather [hbm4b:s4+s14], $0x40, s13, s14, $0xb8;
	[tilespmem:$0x1E820] =	vst v63  }
0x6d: {  	_ =	swait.ge [sflag:s31], $0x3200  }
0x6e: {  	[sflag:s31] =	ssyncset.done $0x0  }
0x6f: {  	s13 =	sadd.s32 $0x578, s21;
	[sflag:s31] =	ssyncadd.s32 $0xFFFFCE00  }
0x70: {  	[tilespmem:s18], [sflag:$0x3] =	stream.indirect.gather [hbm4b:s4+s14], $0x40, s13, s14, $0xb8;
	[tilespmem:$0x1E820] =	vst v63  }
0x71: {  	_ =	swait.ge [sflag:s1], $0x3200  }
0x72: {  	[sflag:s1] =	ssyncset.done $0x0  }
.Ltmp0:
0x73: {  	s13 =	sadd.s32 $0x640, s21;
	[sflag:s1] =	ssyncadd.s32 $0xFFFFCE00;
	(pc) =	sbr.rel @p0 .LBB2_2-.Ltmp0, $4  }
0x74: {  	[tilespmem:s20], [sflag:$0x4] =	stream.indirect.gather [hbm4b:s4+s14], $0x40, s13, s14, $0xb8;
	[tilespmem:$0x1E820] =	vst v63  }
0x75: {  	_ =	swait.ge [sflag:s0], $0x3200  }
0x76: {  	[sflag:s0] =	ssyncset.done $0x0  }
0x77: {  	s21 =	sadd.s32 $0x708, s21;
	[sflag:s0] =	ssyncadd.s32 $0xFFFFCE00  }
0x78: {  	[tilespmem:s22], [sflag:$0x5] =	stream.indirect.gather [hbm4b:s4+s14], $0x40, s21, s14, $0xb8;
	[tilespmem:$0x1E820] =	vst v63  }
0x79: {  	_ =	swait.ge [sflag:s23], $0x3200  }
0x7a: {  	[sflag:s23] =	ssyncset.done $0x0  }
0x7b: {  	s13 =	simm.s32 $0x4A38;
	[sflag:s23] =	ssyncadd.s32 $0xFFFFCE00  }
0x7c: {  	[spmem:s2] =	stream.indirect.scatter.add.f32 [tilespmem:s15], [sflag:$0x6], $0x40, s13, s14, $0xb8;
	[tilespmem:$0x1E820] =	vst v63  }
0x7d: {  	_ =	swait.ge [sflag:s24], $0x3200  }
0x7e: {  	[sflag:s24] =	ssyncset.done $0x0  }
0x7f: {  	s19 =	simm.s32 $0x4B00;
	[sflag:s24] =	ssyncadd.s32 $0xFFFFCE00  }
0x80: {  	[spmem:s2] =	stream.indirect.scatter.add.f32 [tilespmem:s16], [sflag:$0x7], $0x40, s19, s14, $0xb8;
	[tilespmem:$0x1E820] =	vst v63  }
0x81: {  	_ =	swait.ge [sflag:s25], $0x3200  }
0x82: {  	[sflag:s25] =	ssyncset.done $0x0  }
0x83: {  	s21 =	simm.s32 $0x4BC8;
	[sflag:s25] =	ssyncadd.s32 $0xFFFFCE00  }
0x84: {  	[spmem:s2] =	stream.indirect.scatter.add.f32 [tilespmem:s18], [sflag:$0x8], $0x40, s21, s14, $0xb8;
	[tilespmem:$0x1E820] =	vst v63  }
0x85: {  	_ =	swait.ge [sflag:s26], $0x3200  }
0x86: {  	[sflag:s26] =	ssyncset.done $0x0  }
0x87: {  	s19 =	simm.s32 $0x4C90;
	[sflag:s26] =	ssyncadd.s32 $0xFFFFCE00  }
0x88: {  	[spmem:s2] =	stream.indirect.scatter.add.f32 [tilespmem:s20], [sflag:$0x9], $0x40, s19, s14, $0xb8;
	[tilespmem:$0x1E820] =	vst v63  }
0x89: {  	_ =	swait.ge [sflag:s28], $0x3200  }
0x8a: {  	[sflag:s28] =	ssyncset.done $0x0  }
0x8b: {  	s21 =	simm.s32 $0x4D58;
	[sflag:s28] =	ssyncadd.s32 $0xFFFFCE00  }
0x8c: {  	[spmem:s2] =	stream.indirect.scatter.add.f32 [tilespmem:s22], [sflag:$0xA], $0x40, s21, s14, $0xb8;
	[tilespmem:$0x1E820] =	vst v63  }
0x8d: {  	_ =	swait.ge [sflag:s29], $0x3200  }
0x8e: {  	[sflag:s29] =	ssyncset.done $0x0  }
0x8f: {  	[sflag:s29] =	ssyncadd.s32 $0xFFFFCE00  }
0x90: {  	_ =	swait.ge [sflag:s30], $0x3200  }
0x91: {  	[sflag:s30] =	ssyncset.done $0x0  }
0x92: {  	[sflag:s30] =	ssyncadd.s32 $0xFFFFCE00  }
0x93: {  	_ =	swait.ge [sflag:s31], $0x3200  }
0x94: {  	[sflag:s31] =	ssyncset.done $0x0  }
0x95: {  	[sflag:s31] =	ssyncadd.s32 $0xFFFFCE00  }
0x96: {  	_ =	swait.ge [sflag:s1], $0x3200  }
0x97: {  	[sflag:s1] =	ssyncset.done $0x0  }
0x98: {  	[sflag:s1] =	ssyncadd.s32 $0xFFFFCE00  }
0x99: {  	_ =	swait.ge [sflag:s0], $0x3200  }
0x9a: {  	s17 =	sadd.s32 $0x1, s17;
	[sflag:s0] =	ssyncset.done $0x0  }
0x9b: {  	p0 =	sne.s32 s17, s10;
	[sflag:s0] =	ssyncadd.s32 $0xFFFFCE00  }
.Ltmp1:
0x9c: {  	[bflag:$0x0] =	sbarrier.arrive $0xFFFF;
	(pc) =	sbr.rel @p0 .LBB2_1-.Ltmp1, $4  }
0x9d: {  	[hbm:s9], [sflag:s6] =	dma.local [spmem:s11], $0x1400  }
0x9e: {  	_ =	swait.ge [sflag:s12], $0x1400  }
0x9f: {  	[sflag:s12] =	ssyncset.done $0x0  }
0xa0: {  	[sflag:s12] =	ssyncadd.s32 $0xFFFFEC00  }
0xa1: {  	_ =	sfence.sel $0x180000  }
0xa2: {  	[bflag:$0x0] =	sbarrier.arrive $0xFFFF  }
0xa3: {  	_ =	strace $0x9000004A  }
0xa4: {  	s0 =	stileid.u32;
	[bflag:$0x2] =	sbarrier.arrive $0xFFFF  }
0xa5: {  	p0 =	sne.s32 s0, $0x0;
	s0 =	rddreg [dreg:$0x2]  }
0xa6: {  	s0 =	sadd.s32 @!p0 $0x100000, s0  }
0xa7: {  	[sflag:s0] =	ssyncadd.tile.s32 @!p0 $0x1;
	_ =	shalt  }
.Lfunc_end2:
_tile_overlayer_lowered:
.L_overlay_start_2:
0xa8: {  	(tag) =	ssettag $0x2  }
0xa9: {  	s0 =	rddreg [dreg:$0x0];
	s2 =	stileid.u32  }
0xaa: {  	s1 =	rddreg [dreg:$0x1];
	p0 =	sne.s32 s2, $0x0  }
0xab: {  	s3 =	rddreg [dreg:$0x2];
	[bflag:$0x3] =	sbarrier.arrive $0xFFFF;
	s2 =	simm.s32 @!p0 $0x1C0B  }
0xac: {  	[timem:s3], [sflag:s2] =	dma.local @!p0 [hbm:s0], s1  }
0xad: {  	s0 =	simm.s32 @!p0 $0xB  }
0xae: {  	_ =	swait.ge @!p0 [sflag:s0], s1  }
0xaf: {  	s1 =	ssub.s32 @!p0 $0x0, s1;
	[sflag:s0] =	ssyncset.done @!p0 $0x0  }
0xb0: {  	[sflag:s0] =	ssyncadd.s32 @!p0 s1  }
0xb1: {  	[bflag:$0x3] =	sbarrier.arrive $0xFFFF  }
0xb2: {  	_ =	shalt  }

// kernel: kernel.18.cloned.1.call-start
scs
__scs_entry_jumppad:
0x0: {  	(pc) =	sbr.rel $0x88, $3  }
0x1: {  	(tag) =	ssettag $0x0;
	lr =	simm.s32 $0x1  }
0x2: {  	[smem:$0x3F91] =	sst lr;
	_ =	strace $0xD0000000  }
0x3: {  	_ = 	snop  }
0x4: {  	_ = 	snop  }
0x5: {  	_ = 	snop  }
0x6: {  	_ = 	snop  }
0x7: {  	_ = 	snop  }
__scs_overlays_trampoline_lowered:
0x8: {  	[smem:$0x3FA0] =	sst s0  }
0x9: {  	[smem:$0x3FA1] =	sst s1  }
0xa: {  	[smem:$0x3FA2] =	sst s2  }
0xb: {  	[smem:$0x3FA3] =	sst s3  }
0xc: {  	[smem:$0x3FA4] =	sst s4  }
0xd: {  	[smem:$0x3FA5] =	sst s5  }
0xe: {  	[smem:$0x3FA6] =	sst s6  }
0xf: {  	[smem:$0x3FA7] =	sst s7  }
0x10: {  	[smem:$0x3FA8] =	sst s8  }
0x11: {  	[smem:$0x3FA9] =	sst s9;
	s0 =	simm.s32 @!p0 $0x0  }
0x12: {  	s1 =	sld [smem:$0x3F8F];
	s0 =	simm.s32 @p0 $0x1  }
0x13: {  	[smem:$0x3FAA] =	sst s0;
	s0 =	simm.s32 @!p1 $0x0  }
0x14: {  	s2 =	sld [smem:$0x3F8E];
	s0 =	simm.s32 @p1 $0x1  }
0x15: {  	[smem:$0x3FAB] =	sst s0;
	s0 =	simm.s32 @!p2 $0x0  }
0x16: {  	s3 =	sld [smem:$0x3FDB];
	s0 =	simm.s32 @p2 $0x1  }
0x17: {  	s4 =	simm.s32 $0x1BF5;
	[smem:$0x3FAD] =	sst s0  }
0x18: {  	s0 =	sld [smem:$0x3F90];
	_ =	swait.ge [sflag:s4], $0x0  }
0x19: {  	s7 =	sld [smem:$0x3F91]  }
0x1a: {  	s8 =	sadd.s32 $0xFFFFE003, lr  }
0x1b: {  	s9 =	sadd.s32 $0xFFFFFEF7, lr;
	s5 =	simm.s32 $0xFFFFFFFF;
	p2 =	slt.u32 s8, $0xFFFFF086  }
0x1c: {  	p1 =	slt.u32 s9, $0xF7A;
	s5 =	simm.s32 @!p2 $0x0  }
0x1d: {  	s5 =	simm.s32 @p1 $0x1;
	p0 =	seq.s32 s7, s2  }
0x1e: {  	s7 =	smul.u32 @!p0 $0xF7A, s2;
	p2 =	seq.s32 @!p0 s5, $0x0  }
0x1f: {  	s9 =	smul.u32 $0xF7A, s1;
	s8 =	simm.s32 @!p0 $0x1BF5;
	p2 =	por !p2, p0  }
0x20: {  	[sflag:s8] =	ssyncset.s32 @!p0 $0xFFFFF086;
	s6 =	sadd.s32 @!p0 s3, s7;
	s7 =	simm.s32 @!p0 $0x108  }
0x21: {  	s3 =	sadd.s32 s3, s9;
	s6 =	sadd.s32 @!p0 $0x88, s6;
	s7 =	simm.s32 @p2 $0x1082  }
0x22: {  	[simem:s7], [sflag:s8] =	dma.local @!p0 [hbm:s6], $0xF7A  }
0x23: {  	s9 =	sor.u32 $0xD0000000, s2;
	s6 =	simm.s32 $0x108;
	_ =	swait.ge @!p0 [sflag:s8], $0x0  }
0x24: {  	s3 =	sadd.s32 $0x88, s3;
	s6 =	simm.s32 @!p1 $0x1082;
	[sflag:s4] =	ssyncset.s32 $0xFFFFF086  }
0x25: {  	[simem:s6], [sflag:s4] =	dma.local [hbm:s3], $0xF7A  }
0x26: {  	[smem:$0x3F91] =	sst s1;
	(tag) =	ssettag s2;
	_ =	strace s9  }
0x27: {  	s1 =	sld [smem:$0x3FA1]  }
0x28: {  	s2 =	sld [smem:$0x3FA2]  }
0x29: {  	s4 =	sld [smem:$0x3FA4]  }
0x2a: {  	p0 =	seq.s32 s5, $0x0;
	s5 =	sld [smem:$0x3FA5]  }
0x2b: {  	s6 =	sld [smem:$0x3FA6]  }
0x2c: {  	s7 =	sld [smem:$0x3FA7]  }
0x2d: {  	s3 =	simm.s32 $0x108;
	s8 =	sld [smem:$0x3FA8]  }
0x2e: {  	s3 =	simm.s32 @!p0 $0x1082;
	s9 =	sld [smem:$0x3FA9]  }
0x2f: {  	lr =	sadd.s32 s0, s3;
	s0 =	sld [smem:$0x3FA0]  }
0x30: {  	s3 =	sld [smem:$0x3FA3]  }
0x31: {  	[smem:$0x3FAC] =	sst s10  }
0x32: {  	s10 =	sld [smem:$0x3FAA];
	_ =	sdelay $0x3  }
0x33: {  	p0 =	seq.s32 s10, $0x1;
	s10 =	sld [smem:$0x3FAC];
	_ =	sdelay $0x3  }
0x34: {  	[smem:$0x3FAC] =	sst s10  }
0x35: {  	s10 =	sld [smem:$0x3FAB];
	_ =	sdelay $0x3  }
0x36: {  	p1 =	seq.s32 s10, $0x1;
	s10 =	sld [smem:$0x3FAC];
	_ =	sdelay $0x3  }
0x37: {  	[smem:$0x3FAC] =	sst s10  }
0x38: {  	s10 =	sld [smem:$0x3FAD]  }
0x39: {  	_ = 	snop;
	(pc) =	sbr.ind lr, $3  }
0x3a: {  	_ = 	snop  }
0x3b: {  	_ = 	snop  }
0x3c: {  	p2 =	seq.s32 s10, $0x1;
	s10 =	sld [smem:$0x3FAC]  }
0x3d: {  	_ =	shalt  }
0x3e: {  	_ =	shalt  }
0x3f: {  	_ =	shalt  }
0x40: {  	_ =	shalt  }
0x41: {  	_ =	shalt  }
0x42: {  	_ =	shalt  }
0x43: {  	_ =	shalt  }
0x44: {  	_ =	shalt  }
0x45: {  	_ =	shalt  }
0x46: {  	_ =	shalt  }
0x47: {  	_ =	shalt  }
0x48: {  	_ =	shalt  }
0x49: {  	_ =	shalt  }
0x4a: {  	_ =	shalt  }
0x4b: {  	_ =	shalt  }
0x4c: {  	_ =	shalt  }
0x4d: {  	_ =	shalt  }
0x4e: {  	_ =	shalt  }
0x4f: {  	_ =	shalt  }
0x50: {  	_ =	shalt  }
0x51: {  	_ =	shalt  }
0x52: {  	_ =	shalt  }
0x53: {  	_ =	shalt  }
0x54: {  	_ =	shalt  }
0x55: {  	_ =	shalt  }
0x56: {  	_ =	shalt  }
0x57: {  	_ =	shalt  }
0x58: {  	_ =	shalt  }
0x59: {  	_ =	shalt  }
0x5a: {  	_ =	shalt  }
0x5b: {  	_ =	shalt  }
0x5c: {  	_ =	shalt  }
0x5d: {  	_ =	shalt  }
0x5e: {  	_ =	shalt  }
0x5f: {  	_ =	shalt  }
0x60: {  	_ =	shalt  }
0x61: {  	_ =	shalt  }
0x62: {  	_ =	shalt  }
0x63: {  	_ =	shalt  }
0x64: {  	_ =	shalt  }
0x65: {  	_ =	shalt  }
0x66: {  	_ =	shalt  }
0x67: {  	_ =	shalt  }
0x68: {  	_ =	shalt  }
0x69: {  	_ =	shalt  }
0x6a: {  	_ =	shalt  }
0x6b: {  	_ =	shalt  }
0x6c: {  	_ =	shalt  }
0x6d: {  	_ =	shalt  }
0x6e: {  	_ =	shalt  }
0x6f: {  	_ =	shalt  }
0x70: {  	_ =	shalt  }
0x71: {  	_ =	shalt  }
0x72: {  	_ =	shalt  }
0x73: {  	_ =	shalt  }
0x74: {  	_ =	shalt  }
0x75: {  	_ =	shalt  }
0x76: {  	_ =	shalt  }
0x77: {  	_ =	shalt  }
0x78: {  	_ =	shalt  }
0x79: {  	_ =	shalt  }
0x7a: {  	_ =	shalt  }
0x7b: {  	_ =	shalt  }
0x7c: {  	_ =	shalt  }
0x7d: {  	_ =	shalt  }
0x7e: {  	_ =	shalt  }
0x7f: {  	_ =	shalt  }
0x80: {  	_ =	shalt  }
0x81: {  	_ =	shalt  }
0x82: {  	_ =	shalt  }
0x83: {  	_ =	shalt  }
0x84: {  	_ =	shalt  }
0x85: {  	_ =	shalt  }
0x86: {  	_ =	shalt  }
0x87: {  	_ =	shalt  }
.Lfunc_end0:
.L_simem_size_0:
called_computation.2_lowered:
.L_overlay_start_0:
0x88: {  	s2 =	sld [smem:$0x3FD9]  }
0x89: {  	s3 =	sld [smem:$0x3FFE];
	_ =	sdelay $0x1  }
0x8a: {  	s1 =	srdreg.scid  }
0x8b: {  	s0 =	sand.u32 $0x1, s1  }
0x8c: {  	s17 =	sshll.u32 s0, $0xA;
	s2 =	sadd.s32 s3, s2  }
0x8d: {  	s2 =	sadd.s32 s2, s17  }
0x8e: {  	[smem:$0x3FB8] =	sst s2  }
0x8f: {  	_ = 	snop  }
0x90: {  	s2 =	sld [smem:$0x3FD0];
	(tm) =	ssettm $0x1  }
0x91: {  	s18 =	sld [smem:$0x3FFB];
	_ =	sdelay $0x3  }
0x92: {  	_ =	strace s18  }
0x93: {  	s3 =	sld [smem:$0x3FFC];
	_ =	sdelay $0x3  }
0x94: {  	_ =	strace s3  }
0x95: {  	s3 =	sld [smem:$0x3FFD];
	_ =	sdelay $0x3  }
0x96: {  	_ =	strace s3  }
0x97: {  	_ =	strace $0x8FFFFFFF  }
0x98: {  	s19 =	sld [smem:$0x3FDB];
	_ =	sdelay $0x1  }
0x99: {  	s4 =	simm.s32 $_scs_section_size  }
0x9a: {  	s5 =	simm.s32 $_size__tile_overlayer_lowered;
	s6 =	simm.s32 $_tile_overlayer_lowered  }
0x9b: {  	s22 =	simm.s32 $0x1BFF;
	s21 =	sshll.u32 s6, $0x1;
	s3 =	sadd.s32 s4, s19  }
0x9c: {  	s7 =	simm.s32 $0x0;
	s20 =	sshll.u32 s5, $0x1;
	s5 =	sadd.s32 s21, s3  }
0x9d: {  	[timem:s7], [sflag:s22] =	dma.local [hbm:s5], s20  }
0x9e: {  	_ =	swait.ge [sflag:s22], s20  }
0x9f: {  	s4 =	ssub.s32 $0x0, s20;
	[sflag:s22] =	ssyncset.done $0x0  }
0xa0: {  	[sflag:s22] =	ssyncadd.s32 s4;
	_ =	sdelay $0x1  }
0xa1: {  	s23 =	simm.s32 $0x1B8B  }
0xa2: {  	_ =	swait.ge [sflag:s23], $0x1  }
0xa3: {  	[sflag:s23] =	ssyncset.done $0x0  }
0xa4: {  	s25 =	simm.s32 $0x1B8E;
	s24 =	sld [smem:$0x3FFE];
	[sflag:s23] =	ssyncadd.s32 $0xFFFFFFFF  }
0xa5: {  	s26 =	simm.s32 $execute0_lowered;
	[smem:$0x3FD2] =	sst s25  }
0xa6: {  	s5 =	sshll.u32 s26, $0x1;
	_ =	strace $0x8000004C;
	[dreg:$0x1] =	wrdreg $0xFFFFFFFF  }
0xa7: {  	s28 =	simm.s32 $_size_execute0_lowered;
	s3 =	sadd.s32 s3, s5;
	[dreg:$0x0] =	wrdreg $0x0  }
0xa8: {  	s5 =	sshll.u32 s28, $0x1;
	[dreg:$0x2] =	wrdreg s3  }
0xa9: {  	[dreg:$0x3] =	wrdreg s5  }
0xaa: {  	[dreg:$0x4] =	wrdreg $0xC0  }
0xab: {  	_ =	task [dreg:s7], $0x5FFFF  }
0xac: {  	[dreg:$0x1] =	wrdreg $0xFFFFFFFF  }
0xad: {  	[dreg:$0x0] =	wrdreg $0x60  }
0xae: {  	[dreg:$0x2] =	wrdreg s24  }
0xaf: {  	[dreg:$0x3] =	wrdreg s2  }
0xb0: {  	[dreg:$0x4] =	wrdreg $0x148200  }
0xb1: {  	[dreg:$0x5] =	wrdreg $0x9  }
0xb2: {  	_ =	task.clear_ibuf [dreg:s7], $0x6FFFF;
	_ =	strace $0x9000004C  }
0xb3: {  	s29 =	simm.s32 $0x9;
	_ =	strace $0x8000004E  }
0xb4: {  	_ =	swait.ge [sflag:s29], $0x1  }
0xb5: {  	[sflag:s29] =	ssyncadd.s32 $0xFFFFFFFF  }
0xb6: {  	_ =	strace $0x9000004E  }
0xb7: {  	_ =	sfence  }
0xb8: {  	s30 =	sld [smem:$0x0];
	_ =	sdelay $0x2  }
0xb9: {  	s31 =	sshll.u32 s1, $0xD;
	s1 =	sshrl.u32 s1, $0x2  }
0xba: {  	s3 =	sand.u32 $0x4000, s31;
	s1 =	sadd.s32 s1, s30  }
0xbb: {  	s0 =	sor.u32 s3, s0;
	s1 =	sshll.u32 s1, $0x11  }
0xbc: {  	s0 =	sor.u32 s1, s0  }
0xbd: {  	s0 =	sadd.s32 $0x8F2B, s0  }
0xbe: {  	[sflag:s0] =	ssyncadd.remote.s32 $0x1  }
0xbf: {  	_ =	sfence.sel $0xFFFF  }
0xc0: {  	[dreg:$0x0] =	wrdreg $0xFFFFFFFF;
	(pc) =	sbr.abs _section_cstart, $3  }
0xc1: {  	[dreg:$0x1] =	wrdreg $0xFFFFFFFF  }
0xc2: {  	_ =	task.clear_ibuf [dreg:s7], $0x2FFFF;
	_ =	strace $0x9FFFFFFF  }
0xc3: {  	(tm) =	ssettm $0x7FFFFFFF  }
tec
execute0_lowered:
.L_overlay_start_1:
0x0: {  	(tag) =	ssettag $0x1  }
0x1: {  	s0 =	srdreg.scid;
	s1 =	rddreg [dreg:$0x0]  }
0x2: {  	s23 =	stileid.u32;
	s3 =	rddreg [dreg:$0x1];
	s30 =	simm.s32 $0x0  }
0x3: {  	s0 =	sand.u32 $0x1, s0;
	s2 =	sshll.u32 s23, $0x1;
	[smem:$0x7FF] =	sst s30  }
0x4: {  	s11 =	simm.s32 $0x320;
	s4 =	sor.u32 s0, s2;
	s2 =	rddreg [dreg:$0x2]  }
0x5: {  	s12 =	simm.s32 $0x4B0;
	_ =	strace $0x8000004D;
	[dreg:$0x8] =	wrdreg s11  }
0x6: {  	s13 =	simm.s32 $0x640;
	[dreg:$0x9] =	wrdreg s12  }
0x7: {  	s14 =	simm.s32 $0x28A0;
	[dreg:$0xa] =	wrdreg s13  }
0x8: {  	s15 =	simm.s32 $0x2A30;
	[dreg:$0xb] =	wrdreg s14  }
0x9: {  	s16 =	simm.s32 $0x2BC0;
	[dreg:$0xc] =	wrdreg s15  }
0xa: {  	s17 =	simm.s32 $0x2D50;
	[dreg:$0xd] =	wrdreg s16  }
0xb: {  	s18 =	simm.s32 $0x7D0;
	[dreg:$0xe] =	wrdreg s17  }
0xc: {  	s19 =	simm.s32 $0x960;
	[dreg:$0xf] =	wrdreg s18  }
0xd: {  	s20 =	simm.s32 $0xAF0;
	[dreg:$0x10] =	wrdreg s19  }
0xe: {  	s21 =	simm.s32 $0xC80;
	[dreg:$0x11] =	wrdreg s20  }
0xf: {  	s22 =	simm.s32 $0xE10;
	[dreg:$0x12] =	wrdreg s21  }
0x10: {  	s24 =	simm.s32 $0x2EE0;
	[dreg:$0x13] =	wrdreg s22  }
0x11: {  	s25 =	simm.s32 $0x3070;
	[dreg:$0x14] =	wrdreg s24  }
0x12: {  	s26 =	simm.s32 $0x3200;
	[dreg:$0x15] =	wrdreg s25  }
0x13: {  	[dreg:$0x16] =	wrdreg s26;
	s11 =	simm.s32 $0x12C0  }
0x14: {  	s13 =	simm.s32 $0x1450;
	[dreg:$0x1b] =	wrdreg s11  }
0x15: {  	s31 =	simm.s32 $0x2710;
	s14 =	simm.s32 $0x15E0;
	[dreg:$0x1c] =	wrdreg s13  }
0x16: {  	p0 =	por $0x0, $0x0;
	s15 =	simm.s32 $0x36B0;
	[dreg:$0x1d] =	wrdreg s14  }
0x17: {  	s29 =	simm.s32 $0x4650;
	s16 =	simm.s32 $0x3840;
	[dreg:$0x1e] =	wrdreg s15  }
0x18: {  	s28 =	simm.s32 $0x47E0;
	s17 =	simm.s32 $0x39D0;
	[dreg:$0x1f] =	wrdreg s16  }
0x19: {  	s5 =	smul.u32 $0x5000, s23;
	s18 =	simm.s32 $0x3B60;
	[smem:$0x7ED] =	sst s17  }
0x1a: {  	s6 =	smul.u32 $0x50000, s0;
	s19 =	simm.s32 $0x3CF0;
	[smem:$0x7EE] =	sst s18  }
0x1b: {  	s0 =	ssub.s32 $0x2, s0;
	s20 =	simm.s32 $0x1770;
	[smem:$0x7EF] =	sst s19  }
0x1c: {  	s12 =	sshll.u32 s23, $0x6;
	s21 =	simm.s32 $0x1900;
	[smem:$0x7F0] =	sst s20  }
0x1d: {  	s22 =	simm.s32 $0x1A90;
	s24 =	simm.s32 $0x1C20;
	[smem:$0x7F1] =	sst s21  }
0x1e: {  	s25 =	simm.s32 $0x1DB0;
	s26 =	simm.s32 $0x3E80;
	[smem:$0x7F2] =	sst s22  }
0x1f: {  	s4 =	smul.u32 $0x4E2, s4;
	s7 =	sshrl.u32 s5, $0x3;
	[smem:$0x7F3] =	sst s24  }
0x20: {  	s11 =	simm.s32 $0x8020;
	s22 =	simm.s32 $0x1;
	[smem:$0x7F4] =	sst s25  }
0x21: {  	s21 =	simm.s32 $0x2;
	[smem:$0x7F5] =	sst s26;
	s13 =	simm.s32 $0x4010  }
0x22: {  	s20 =	simm.s32 $0x3;
	s14 =	simm.s32 $0x41A0;
	s19 =	simm.s32 $0x4  }
0x23: {  	s15 =	simm.s32 $0x4330;
	s17 =	simm.s32 $0x5;
	[smem:$0x7F6] =	sst s13  }
0x24: {  	s16 =	simm.s32 $0x44C0;
	s18 =	simm.s32 $0x1F40;
	[smem:$0x7F7] =	sst s14  }
0x25: {  	s24 =	simm.s32 $0x20D0;
	s25 =	simm.s32 $0x2260;
	[smem:$0x7F8] =	sst s15  }
0x26: {  	s26 =	simm.s32 $0x23F0;
	s6 =	sadd.s32 s5, s6;
	[smem:$0x7F9] =	sst s16  }
0x27: {  	s3 =	sadd.s32 s3, s7;
	s7 =	sshrl.u32 s0, $0x1;
	[smem:$0x7FA] =	sst s18  }
0x28: {  	s13 =	simm.s32 $0x6;
	s14 =	simm.s32 $0x7;
	[smem:$0x7FB] =	sst s24  }
0x29: {  	s15 =	simm.s32 $0x8;
	s16 =	simm.s32 $0x9;
	[smem:$0x7FC] =	sst s25  }
0x2a: {  	[smem:$0x7FD] =	sst s26;
	s18 =	simm.s32 $0xA;
	s26 =	simm.s32 $0x4970  }
0x2b: {  	s25 =	simm.s32 $0x4B00;
	s24 =	simm.s32 $0x4C90;
	s4 =	sadd.s32 s4, s1  }
0x2c: {  	s6 =	sshrl.u32 s6, $0x3;
	[dreg:$0x4] =	wrdreg s3;
	s3 =	simm.s32 $0x3390  }
0x2d: {  	s0 =	ssub.s32 s0, s7;
	s7 =	simm.s32 $0x190;
	s8 =	sadd.s32 $0x3200, s4  }
0x2e: {  	s6 =	sadd.s32 s6, s1;
	s9 =	sadd.s32 $0xD000, s4;
	[dreg:$0x17] =	wrdreg s3  }
0x2f: {  	s4 =	simm.s32 $0x3520;
	s3 =	sor.u32 $0x1C0B, s12;
	[dreg:$0x5] =	wrdreg s8  }
0x30: {  	s0 =	smax.u32 s0, $0x1;
	[dreg:$0x6] =	wrdreg s9;
	s10 =	sadd.s32 $0x25C00, s6  }
0x31: {  	s6 =	sadd.s32 $0x1BE00, s1;
	[dreg:$0x18] =	wrdreg s4;
	p1 =	sne.s32 s0, $0x1  }
.Ltmp0:
0x32: {  	s1 =	sadd.s32 $0xFFFFFFFF, s0;
	s0 =	rddreg [dreg:$0x4];
	(pc) =	sbr.rel @!p1 .LBB2_1-.Ltmp0, $4  }
0x33: {  	s12 =	simm.s32 $0x4E20;
	s8 =	simm.s32 $0xFA0;
	[dreg:$0x7] =	wrdreg s10  }
0x34: {  	s9 =	simm.s32 $0x1130;
	[dreg:$0x19] =	wrdreg s8;
	s10 =	sadd.s32 s5, s2  }
0x35: {  	[dreg:$0x1a] =	wrdreg s9;
	s5 =	simm.s32 $0xB;
	s9 =	simm.s32 $0xE420  }
0x36: {  	s8 =	simm.s32 $0x11620;
	s4 =	sshrl.u32 s10, $0x3;
	s10 =	simm.s32 $0xB220  }
0x37: {  	[spmem:s4], [sflag:s3] =	dma.local [hbm:s0], $0xA00  }
0x38: {  	_ =	swait.ge [sflag:s5], $0xA00  }
0x39: {  	[sflag:s5] =	ssyncset.done $0x0  }
0x3a: {  	s23 =	rddreg [dreg:$0x5];
	[sflag:s5] =	ssyncadd.s32 $0xFFFFF600  }
0x3b: {  	[tilespmem:s30], [sflag:$0xB] =	stream.linear.gather [hbm4b:s23+s30], $0x2710, $0x38;
	[tilespmem:$0x19820] =	vst v63  }
0x3c: {  	_ =	swait.ge [sflag:s5], $0x2710  }
0x3d: {  	[sflag:s5] =	ssyncset.done $0x0  }
0x3e: {  	s23 =	rddreg [dreg:$0x6];
	[sflag:s5] =	ssyncadd.s32 $0xFFFFD8F0  }
0x3f: {  	[tilespmem:s31], [sflag:$0xB] =	stream.linear.gather [hbm4b:s23+s30], $0x2710, $0x38;
	[tilespmem:$0x19820] =	vst v63  }
0x40: {  	_ =	swait.ge [sflag:s5], $0x2710  }
0x41: {  	[sflag:s5] =	ssyncset.done $0x0  }
0x42: {  	[sflag:s5] =	ssyncadd.s32 $0xFFFFD8F0  }
0x43: {  	[bflag:$0x0] =	sbarrier.arrive $0xFFFF  }
0x44: {  	[tilespmem:s12], [sflag:$0x1] =	stream.indirect.gather [hbm4b:s6+s7], $0x20, s30, s7, $0xb8;
	[tilespmem:$0x19820] =	vst v63  }
0x45: {  	_ = 	snop  }
0x46: {  	[tilespmem:s11], [sflag:$0x2] =	stream.indirect.gather [hbm4b:s6+s7], $0x20, s7, s7, $0xb8;
	[tilespmem:$0x19820] =	vst v63  }
0x47: {  	s0 =	rddreg [dreg:$0x8]  }
0x48: {  	[tilespmem:s10], [sflag:$0x3] =	stream.indirect.gather [hbm4b:s6+s7], $0x20, s0, s7, $0xb8;
	[tilespmem:$0x19820] =	vst v63  }
0x49: {  	s23 =	smov.u32 s1;
	s1 =	rddreg [dreg:$0x9]  }
0x4a: {  	[tilespmem:s9], [sflag:$0x4] =	stream.indirect.gather [hbm4b:s6+s7], $0x20, s1, s7, $0xb8;
	[tilespmem:$0x19820] =	vst v63  }
0x4b: {  	s0 =	rddreg [dreg:$0xa]  }
0x4c: {  	[tilespmem:s8], [sflag:$0x5] =	stream.indirect.gather [hbm4b:s6+s7], $0x20, s0, s7, $0xb8;
	[tilespmem:$0x19820] =	vst v63  }
0x4d: {  	_ =	swait.ge [sflag:s22], $0x3200  }
0x4e: {  	[sflag:s22] =	ssyncset.done $0x0  }
0x4f: {  	[sflag:s22] =	ssyncadd.s32 $0xFFFFCE00  }
0x50: {  	[spmem:s2] =	stream.indirect.scatter.add.f32 [tilespmem:s12], [sflag:$0x6], $0x20, s31, s7, $0xb8;
	[tilespmem:$0x19820] =	vst v63  }
0x51: {  	_ =	swait.ge [sflag:s21], $0x3200  }
0x52: {  	[sflag:s21] =	ssyncset.done $0x0  }
0x53: {  	s1 =	rddreg [dreg:$0xb];
	[sflag:s21] =	ssyncadd.s32 $0xFFFFCE00  }
0x54: {  	[spmem:s2] =	stream.indirect.scatter.add.f32 [tilespmem:s11], [sflag:$0x7], $0x20, s1, s7, $0xb8;
	[tilespmem:$0x19820] =	vst v63  }
0x55: {  	_ =	swait.ge [sflag:s20], $0x3200  }
0x56: {  	[sflag:s20] =	ssyncset.done $0x0  }
0x57: {  	s1 =	rddreg [dreg:$0xc];
	[sflag:s20] =	ssyncadd.s32 $0xFFFFCE00  }
0x58: {  	[spmem:s2] =	stream.indirect.scatter.add.f32 [tilespmem:s10], [sflag:$0x8], $0x20, s1, s7, $0xb8;
	[tilespmem:$0x19820] =	vst v63  }
0x59: {  	_ =	swait.ge [sflag:s19], $0x3200  }
0x5a: {  	[sflag:s19] =	ssyncset.done $0x0  }
0x5b: {  	s1 =	rddreg [dreg:$0xd];
	[sflag:s19] =	ssyncadd.s32 $0xFFFFCE00  }
0x5c: {  	[spmem:s2] =	stream.indirect.scatter.add.f32 [tilespmem:s9], [sflag:$0x9], $0x20, s1, s7, $0xb8;
	[tilespmem:$0x19820] =	vst v63  }
0x5d: {  	_ =	swait.ge [sflag:s17], $0x3200  }
0x5e: {  	[sflag:s17] =	ssyncset.done $0x0  }
0x5f: {  	s1 =	rddreg [dreg:$0xe];
	[sflag:s17] =	ssyncadd.s32 $0xFFFFCE00  }
0x60: {  	[spmem:s2] =	stream.indirect.scatter.add.f32 [tilespmem:s8], [sflag:$0xA], $0x20, s1, s7, $0xb8;
	[tilespmem:$0x19820] =	vst v63  }
0x61: {  	_ =	swait.ge [sflag:s13], $0x3200  }
0x62: {  	[sflag:s13] =	ssyncset.done $0x0  }
0x63: {  	s1 =	rddreg [dreg:$0xf];
	[sflag:s13] =	ssyncadd.s32 $0xFFFFCE00  }
0x64: {  	[tilespmem:s12], [sflag:$0x1] =	stream.indirect.gather [hbm4b:s6+s7], $0x20, s1, s7, $0xb8;
	[tilespmem:$0x19820] =	vst v63  }
0x65: {  	_ =	swait.ge [sflag:s14], $0x3200  }
0x66: {  	[sflag:s14] =	ssyncset.done $0x0  }
0x67: {  	s1 =	rddreg [dreg:$0x10];
	[sflag:s14] =	ssyncadd.s32 $0xFFFFCE00  }
0x68: {  	[tilespmem:s11], [sflag:$0x2] =	stream.indirect.gather [hbm4b:s6+s7], $0x20, s1, s7, $0xb8;
	[tilespmem:$0x19820] =	vst v63  }
0x69: {  	_ =	swait.ge [sflag:s15], $0x3200  }
0x6a: {  	[sflag:s15] =	ssyncset.done $0x0  }
0x6b: {  	s1 =	rddreg [dreg:$0x11];
	[sflag:s15] =	ssyncadd.s32 $0xFFFFCE00  }
0x6c: {  	[tilespmem:s10], [sflag:$0x3] =	stream.indirect.gather [hbm4b:s6+s7], $0x20, s1, s7, $0xb8;
	[tilespmem:$0x19820] =	vst v63  }
0x6d: {  	_ =	swait.ge [sflag:s16], $0x3200  }
0x6e: {  	[sflag:s16] =	ssyncset.done $0x0  }
0x6f: {  	s1 =	rddreg [dreg:$0x12];
	[sflag:s16] =	ssyncadd.s32 $0xFFFFCE00  }
0x70: {  	[tilespmem:s9], [sflag:$0x4] =	stream.indirect.gather [hbm4b:s6+s7], $0x20, s1, s7, $0xb8;
	[tilespmem:$0x19820] =	vst v63  }
0x71: {  	_ =	swait.ge [sflag:s18], $0x3200  }
0x72: {  	[sflag:s18] =	ssyncset.done $0x0  }
0x73: {  	s1 =	rddreg [dreg:$0x13];
	[sflag:s18] =	ssyncadd.s32 $0xFFFFCE00  }
0x74: {  	[tilespmem:s8], [sflag:$0x5] =	stream.indirect.gather [hbm4b:s6+s7], $0x20, s1, s7, $0xb8;
	[tilespmem:$0x19820] =	vst v63  }
0x75: {  	_ =	swait.ge [sflag:s22], $0x3200  }
0x76: {  	[sflag:s22] =	ssyncset.done $0x0  }
0x77: {  	s1 =	rddreg [dreg:$0x14];
	[sflag:s22] =	ssyncadd.s32 $0xFFFFCE00  }
0x78: {  	[spmem:s2] =	stream.indirect.scatter.add.f32 [tilespmem:s12], [sflag:$0x6], $0x20, s1, s7, $0xb8;
	[tilespmem:$0x19820] =	vst v63  }
0x79: {  	_ =	swait.ge [sflag:s21], $0x3200  }
0x7a: {  	[sflag:s21] =	ssyncset.done $0x0  }
0x7b: {  	s1 =	rddreg [dreg:$0x15];
	[sflag:s21] =	ssyncadd.s32 $0xFFFFCE00  }
0x7c: {  	[spmem:s2] =	stream.indirect.scatter.add.f32 [tilespmem:s11], [sflag:$0x7], $0x20, s1, s7, $0xb8;
	[tilespmem:$0x19820] =	vst v63  }
0x7d: {  	_ =	swait.ge [sflag:s20], $0x3200  }
0x7e: {  	[sflag:s20] =	ssyncset.done $0x0  }
0x7f: {  	s1 =	rddreg [dreg:$0x16];
	[sflag:s20] =	ssyncadd.s32 $0xFFFFCE00  }
0x80: {  	[spmem:s2] =	stream.indirect.scatter.add.f32 [tilespmem:s10], [sflag:$0x8], $0x20, s1, s7, $0xb8;
	[tilespmem:$0x19820] =	vst v63  }
0x81: {  	_ =	swait.ge [sflag:s19], $0x3200  }
0x82: {  	[sflag:s19] =	ssyncset.done $0x0  }
0x83: {  	s1 =	rddreg [dreg:$0x17];
	[sflag:s19] =	ssyncadd.s32 $0xFFFFCE00  }
0x84: {  	[spmem:s2] =	stream.indirect.scatter.add.f32 [tilespmem:s9], [sflag:$0x9], $0x20, s1, s7, $0xb8;
	[tilespmem:$0x19820] =	vst v63  }
0x85: {  	_ =	swait.ge [sflag:s17], $0x3200  }
0x86: {  	[sflag:s17] =	ssyncset.done $0x0  }
0x87: {  	s1 =	rddreg [dreg:$0x18];
	[sflag:s17] =	ssyncadd.s32 $0xFFFFCE00  }
0x88: {  	[spmem:s2] =	stream.indirect.scatter.add.f32 [tilespmem:s8], [sflag:$0xA], $0x20, s1, s7, $0xb8;
	[tilespmem:$0x19820] =	vst v63  }
0x89: {  	_ =	swait.ge [sflag:s13], $0x3200  }
0x8a: {  	[sflag:s13] =	ssyncset.done $0x0  }
0x8b: {  	s1 =	rddreg [dreg:$0x19];
	[sflag:s13] =	ssyncadd.s32 $0xFFFFCE00  }
0x8c: {  	[tilespmem:s12], [sflag:$0x1] =	stream.indirect.gather [hbm4b:s6+s7], $0x20, s1, s7, $0xb8;
	[tilespmem:$0x19820] =	vst v63  }
0x8d: {  	_ =	swait.ge [sflag:s14], $0x3200  }
0x8e: {  	[sflag:s14] =	ssyncset.done $0x0  }
0x8f: {  	s1 =	rddreg [dreg:$0x1a];
	[sflag:s14] =	ssyncadd.s32 $0xFFFFCE00  }
0x90: {  	[tilespmem:s11], [sflag:$0x2] =	stream.indirect.gather [hbm4b:s6+s7], $0x20, s1, s7, $0xb8;
	[tilespmem:$0x19820] =	vst v63  }
0x91: {  	_ =	swait.ge [sflag:s15], $0x3200  }
0x92: {  	[sflag:s15] =	ssyncset.done $0x0  }
0x93: {  	s1 =	rddreg [dreg:$0x1b];
	[sflag:s15] =	ssyncadd.s32 $0xFFFFCE00  }
0x94: {  	[tilespmem:s10], [sflag:$0x3] =	stream.indirect.gather [hbm4b:s6+s7], $0x20, s1, s7, $0xb8;
	[tilespmem:$0x19820] =	vst v63  }
0x95: {  	_ =	swait.ge [sflag:s16], $0x3200  }
0x96: {  	[sflag:s16] =	ssyncset.done $0x0  }
0x97: {  	s1 =	rddreg [dreg:$0x1c];
	[sflag:s16] =	ssyncadd.s32 $0xFFFFCE00  }
0x98: {  	[tilespmem:s9], [sflag:$0x4] =	stream.indirect.gather [hbm4b:s6+s7], $0x20, s1, s7, $0xb8;
	[tilespmem:$0x19820] =	vst v63  }
0x99: {  	_ =	swait.ge [sflag:s18], $0x3200  }
0x9a: {  	[sflag:s18] =	ssyncset.done $0x0  }
0x9b: {  	s1 =	rddreg [dreg:$0x1d];
	[sflag:s18] =	ssyncadd.s32 $0xFFFFCE00  }
0x9c: {  	[tilespmem:s8], [sflag:$0x5] =	stream.indirect.gather [hbm4b:s6+s7], $0x20, s1, s7, $0xb8;
	[tilespmem:$0x19820] =	vst v63  }
0x9d: {  	_ =	swait.ge [sflag:s22], $0x3200  }
0x9e: {  	[sflag:s22] =	ssyncset.done $0x0  }
0x9f: {  	s1 =	rddreg [dreg:$0x1e];
	[sflag:s22] =	ssyncadd.s32 $0xFFFFCE00  }
0xa0: {  	[spmem:s2] =	stream.indirect.scatter.add.f32 [tilespmem:s12], [sflag:$0x6], $0x20, s1, s7, $0xb8;
	[tilespmem:$0x19820] =	vst v63  }
0xa1: {  	_ =	swait.ge [sflag:s21], $0x3200  }
0xa2: {  	[sflag:s21] =	ssyncset.done $0x0  }
0xa3: {  	s1 =	rddreg [dreg:$0x1f];
	[sflag:s21] =	ssyncadd.s32 $0xFFFFCE00  }
0xa4: {  	[spmem:s2] =	stream.indirect.scatter.add.f32 [tilespmem:s11], [sflag:$0x7], $0x20, s1, s7, $0xb8;
	[tilespmem:$0x19820] =	vst v63  }
0xa5: {  	_ =	swait.ge [sflag:s20], $0x3200  }
0xa6: {  	s1 =	sld [smem:$0x7ED]  }
0xa7: {  	[sflag:s20] =	ssyncset.done $0x0  }
0xa8: {  	[sflag:s20] =	ssyncadd.s32 $0xFFFFCE00  }
0xa9: {  	[spmem:s2] =	stream.indirect.scatter.add.f32 [tilespmem:s10], [sflag:$0x8], $0x20, s1, s7, $0xb8;
	[tilespmem:$0x19820] =	vst v63  }
0xaa: {  	_ =	swait.ge [sflag:s19], $0x3200  }
0xab: {  	s1 =	sld [smem:$0x7EE]  }
0xac: {  	[sflag:s19] =	ssyncset.done $0x0  }
0xad: {  	[sflag:s19] =	ssyncadd.s32 $0xFFFFCE00  }
0xae: {  	[spmem:s2] =	stream.indirect.scatter.add.f32 [tilespmem:s9], [sflag:$0x9], $0x20, s1, s7, $0xb8;
	[tilespmem:$0x19820] =	vst v63  }
0xaf: {  	_ =	swait.ge [sflag:s17], $0x3200  }
0xb0: {  	s1 =	sld [smem:$0x7EF]  }
0xb1: {  	[sflag:s17] =	ssyncset.done $0x0  }
0xb2: {  	[sflag:s17] =	ssyncadd.s32 $0xFFFFCE00  }
0xb3: {  	[spmem:s2] =	stream.indirect.scatter.add.f32 [tilespmem:s8], [sflag:$0xA], $0x20, s1, s7, $0xb8;
	[tilespmem:$0x19820] =	vst v63  }
0xb4: {  	_ =	swait.ge [sflag:s13], $0x3200  }
0xb5: {  	s1 =	sld [smem:$0x7F0]  }
0xb6: {  	[sflag:s13] =	ssyncset.done $0x0  }
0xb7: {  	[sflag:s13] =	ssyncadd.s32 $0xFFFFCE00  }
0xb8: {  	[tilespmem:s12], [sflag:$0x1] =	stream.indirect.gather [hbm4b:s6+s7], $0x20, s1, s7, $0xb8;
	[tilespmem:$0x19820] =	vst v63  }
0xb9: {  	_ =	swait.ge [sflag:s14], $0x3200  }
0xba: {  	s1 =	sld [smem:$0x7F1]  }
0xbb: {  	[sflag:s14] =	ssyncset.done $0x0  }
0xbc: {  	[sflag:s14] =	ssyncadd.s32 $0xFFFFCE00  }
0xbd: {  	[tilespmem:s11], [sflag:$0x2] =	stream.indirect.gather [hbm4b:s6+s7], $0x20, s1, s7, $0xb8;
	[tilespmem:$0x19820] =	vst v63  }
0xbe: {  	_ =	swait.ge [sflag:s15], $0x3200  }
0xbf: {  	s1 =	sld [smem:$0x7F2]  }
0xc0: {  	[sflag:s15] =	ssyncset.done $0x0  }
0xc1: {  	[sflag:s15] =	ssyncadd.s32 $0xFFFFCE00  }
0xc2: {  	[tilespmem:s10], [sflag:$0x3] =	stream.indirect.gather [hbm4b:s6+s7], $0x20, s1, s7, $0xb8;
	[tilespmem:$0x19820] =	vst v63  }
0xc3: {  	_ =	swait.ge [sflag:s16], $0x3200  }
0xc4: {  	s1 =	sld [smem:$0x7F3]  }
0xc5: {  	[sflag:s16] =	ssyncset.done $0x0  }
0xc6: {  	[sflag:s16] =	ssyncadd.s32 $0xFFFFCE00  }
0xc7: {  	[tilespmem:s9], [sflag:$0x4] =	stream.indirect.gather [hbm4b:s6+s7], $0x20, s1, s7, $0xb8;
	[tilespmem:$0x19820] =	vst v63  }
0xc8: {  	_ =	swait.ge [sflag:s18], $0x3200  }
0xc9: {  	s1 =	sld [smem:$0x7F4]  }
0xca: {  	[sflag:s18] =	ssyncset.done $0x0  }
0xcb: {  	[sflag:s18] =	ssyncadd.s32 $0xFFFFCE00  }
0xcc: {  	[tilespmem:s8], [sflag:$0x5] =	stream.indirect.gather [hbm4b:s6+s7], $0x20, s1, s7, $0xb8;
	[tilespmem:$0x19820] =	vst v63  }
0xcd: {  	_ =	swait.ge [sflag:s22], $0x3200  }
0xce: {  	s1 =	sld [smem:$0x7F5]  }
0xcf: {  	[sflag:s22] =	ssyncset.done $0x0  }
0xd0: {  	[sflag:s22] =	ssyncadd.s32 $0xFFFFCE00  }
0xd1: {  	[spmem:s2] =	stream.indirect.scatter.add.f32 [tilespmem:s12], [sflag:$0x6], $0x20, s1, s7, $0xb8;
	[tilespmem:$0x19820] =	vst v63  }
0xd2: {  	_ =	swait.ge [sflag:s21], $0x3200  }
0xd3: {  	s1 =	sld [smem:$0x7F6]  }
0xd4: {  	[sflag:s21] =	ssyncset.done $0x0  }
0xd5: {  	[sflag:s21] =	ssyncadd.s32 $0xFFFFCE00  }
0xd6: {  	[spmem:s2] =	stream.indirect.scatter.add.f32 [tilespmem:s11], [sflag:$0x7], $0x20, s1, s7, $0xb8;
	[tilespmem:$0x19820] =	vst v63  }
0xd7: {  	_ =	swait.ge [sflag:s20], $0x3200  }
0xd8: {  	s1 =	sld [smem:$0x7F7]  }
0xd9: {  	[sflag:s20] =	ssyncset.done $0x0  }
0xda: {  	[sflag:s20] =	ssyncadd.s32 $0xFFFFCE00  }
0xdb: {  	[spmem:s2] =	stream.indirect.scatter.add.f32 [tilespmem:s10], [sflag:$0x8], $0x20, s1, s7, $0xb8;
	[tilespmem:$0x19820] =	vst v63  }
0xdc: {  	_ =	swait.ge [sflag:s19], $0x3200  }
0xdd: {  	s1 =	sld [smem:$0x7F8]  }
0xde: {  	[sflag:s19] =	ssyncset.done $0x0  }
0xdf: {  	[sflag:s19] =	ssyncadd.s32 $0xFFFFCE00  }
0xe0: {  	[spmem:s2] =	stream.indirect.scatter.add.f32 [tilespmem:s9], [sflag:$0x9], $0x20, s1, s7, $0xb8;
	[tilespmem:$0x19820] =	vst v63  }
0xe1: {  	_ =	swait.ge [sflag:s17], $0x3200  }
0xe2: {  	s1 =	sld [smem:$0x7F9]  }
0xe3: {  	[sflag:s17] =	ssyncset.done $0x0  }
0xe4: {  	[sflag:s17] =	ssyncadd.s32 $0xFFFFCE00  }
0xe5: {  	[spmem:s2] =	stream.indirect.scatter.add.f32 [tilespmem:s8], [sflag:$0xA], $0x20, s1, s7, $0xb8;
	[tilespmem:$0x19820] =	vst v63  }
0xe6: {  	_ =	swait.ge [sflag:s13], $0x3200  }
0xe7: {  	s1 =	sld [smem:$0x7FA]  }
0xe8: {  	[sflag:s13] =	ssyncset.done $0x0  }
0xe9: {  	[sflag:s13] =	ssyncadd.s32 $0xFFFFCE00  }
0xea: {  	[tilespmem:s12], [sflag:$0x1] =	stream.indirect.gather [hbm4b:s6+s7], $0x20, s1, s7, $0xb8;
	[tilespmem:$0x19820] =	vst v63  }
0xeb: {  	_ =	swait.ge [sflag:s14], $0x3200  }
0xec: {  	s1 =	sld [smem:$0x7FB]  }
0xed: {  	[sflag:s14] =	ssyncset.done $0x0  }
0xee: {  	[sflag:s14] =	ssyncadd.s32 $0xFFFFCE00  }
0xef: {  	[tilespmem:s11], [sflag:$0x2] =	stream.indirect.gather [hbm4b:s6+s7], $0x20, s1, s7, $0xb8;
	[tilespmem:$0x19820] =	vst v63  }
0xf0: {  	_ =	swait.ge [sflag:s15], $0x3200  }
0xf1: {  	s1 =	sld [smem:$0x7FC]  }
0xf2: {  	[sflag:s15] =	ssyncset.done $0x0  }
0xf3: {  	[sflag:s15] =	ssyncadd.s32 $0xFFFFCE00  }
0xf4: {  	[tilespmem:s10], [sflag:$0x3] =	stream.indirect.gather [hbm4b:s6+s7], $0x20, s1, s7, $0xb8;
	[tilespmem:$0x19820] =	vst v63  }
0xf5: {  	_ =	swait.ge [sflag:s16], $0x3200  }
0xf6: {  	s1 =	sld [smem:$0x7FD]  }
0xf7: {  	[sflag:s16] =	ssyncset.done $0x0  }
0xf8: {  	[sflag:s16] =	ssyncadd.s32 $0xFFFFCE00  }
0xf9: {  	[tilespmem:s9], [sflag:$0x4] =	stream.indirect.gather [hbm4b:s6+s7], $0x20, s1, s7, $0xb8;
	[tilespmem:$0x19820] =	vst v63  }
0xfa: {  	_ =	swait.ge [sflag:s18], $0x3200  }
0xfb: {  	[sflag:s18] =	ssyncset.done $0x0  }
0xfc: {  	s1 =	simm.s32 $0x2580;
	[sflag:s18] =	ssyncadd.s32 $0xFFFFCE00  }
0xfd: {  	[tilespmem:s8], [sflag:$0x5] =	stream.indirect.gather [hbm4b:s6+s7], $0x20, s1, s7, $0xb8;
	[tilespmem:$0x19820] =	vst v63  }
0xfe: {  	_ =	swait.ge [sflag:s22], $0x3200  }
0xff: {  	[sflag:s22] =	ssyncset.done $0x0  }
0x100: {  	[sflag:s22] =	ssyncadd.s32 $0xFFFFCE00  }
0x101: {  	[spmem:s2] =	stream.indirect.scatter.add.f32 [tilespmem:s12], [sflag:$0x6], $0x20, s29, s7, $0xb8;
	[tilespmem:$0x19820] =	vst v63  }
0x102: {  	_ =	swait.ge [sflag:s21], $0x3200  }
0x103: {  	[sflag:s21] =	ssyncset.done $0x0  }
0x104: {  	[sflag:s21] =	ssyncadd.s32 $0xFFFFCE00  }
0x105: {  	[spmem:s2] =	stream.indirect.scatter.add.f32 [tilespmem:s11], [sflag:$0x7], $0x20, s28, s7, $0xb8;
	[tilespmem:$0x19820] =	vst v63  }
0x106: {  	_ =	swait.ge [sflag:s20], $0x3200  }
0x107: {  	[sflag:s20] =	ssyncset.done $0x0  }
0x108: {  	[sflag:s20] =	ssyncadd.s32 $0xFFFFCE00  }
0x109: {  	[spmem:s2] =	stream.indirect.scatter.add.f32 [tilespmem:s10], [sflag:$0x8], $0x20, s26, s7, $0xb8;
	[tilespmem:$0x19820] =	vst v63  }
0x10a: {  	_ =	swait.ge [sflag:s19], $0x3200  }
0x10b: {  	[sflag:s19] =	ssyncset.done $0x0  }
0x10c: {  	[sflag:s19] =	ssyncadd.s32 $0xFFFFCE00  }
0x10d: {  	[spmem:s2] =	stream.indirect.scatter.add.f32 [tilespmem:s9], [sflag:$0x9], $0x20, s25, s7, $0xb8;
	[tilespmem:$0x19820] =	vst v63  }
0x10e: {  	_ =	swait.ge [sflag:s17], $0x3200  }
0x10f: {  	[sflag:s17] =	ssyncset.done $0x0  }
0x110: {  	[sflag:s17] =	ssyncadd.s32 $0xFFFFCE00  }
0x111: {  	[spmem:s2] =	stream.indirect.scatter.add.f32 [tilespmem:s8], [sflag:$0xA], $0x20, s24, s7, $0xb8;
	[tilespmem:$0x19820] =	vst v63  }
0x112: {  	_ =	swait.ge [sflag:s13], $0x3200  }
0x113: {  	[sflag:s13] =	ssyncset.done $0x0  }
0x114: {  	[sflag:s13] =	ssyncadd.s32 $0xFFFFCE00  }
0x115: {  	_ =	swait.ge [sflag:s14], $0x3200  }
0x116: {  	[sflag:s14] =	ssyncset.done $0x0  }
0x117: {  	[sflag:s14] =	ssyncadd.s32 $0xFFFFCE00  }
0x118: {  	_ =	swait.ge [sflag:s15], $0x3200  }
0x119: {  	[sflag:s15] =	ssyncset.done $0x0  }
0x11a: {  	[sflag:s15] =	ssyncadd.s32 $0xFFFFCE00  }
0x11b: {  	_ =	swait.ge [sflag:s16], $0x3200  }
0x11c: {  	[sflag:s16] =	ssyncset.done $0x0  }
0x11d: {  	[sflag:s16] =	ssyncadd.s32 $0xFFFFCE00  }
0x11e: {  	_ =	swait.ge [sflag:s18], $0x3200  }
0x11f: {  	[sflag:s18] =	ssyncset.done $0x0  }
0x120: {  	p1 =	sne.s32 s23, $0x1;
	[sflag:s18] =	ssyncadd.s32 $0xFFFFCE00  }
.Ltmp1:
0x121: {  	[bflag:$0x0] =	sbarrier.arrive $0xFFFF;
	(pc) =	sbr.rel @!p1 .LBB2_3-.Ltmp1, $4  }
0x122: {  	s1 =	rddreg [dreg:$0x7]  }
0x123: {  	[hbm:s1], [sflag:s3] =	dma.local [spmem:s4], $0xA00  }
0x124: {  	p0 =	por $0x1, $0x1;
	_ =	swait.ge [sflag:s5], $0xA00  }
0x125: {  	s1 =	sadd.s32 $0xFFFFFFFF, s23;
	s0 =	rddreg [dreg:$0x4];
	[sflag:s5] =	ssyncset.done $0x0  }
.LBB2_4:
0x126: {  	[sflag:s5] =	ssyncadd.s32 $0xFFFFF600  }
0x127: {  	[spmem:s4], [sflag:s3] =	dma.local [hbm:s0], $0xA00  }
0x128: {  	_ =	swait.ge [sflag:s5], $0xA00  }
0x129: {  	[sflag:s5] =	ssyncset.done $0x0  }
0x12a: {  	s23 =	rddreg [dreg:$0x5];
	[sflag:s5] =	ssyncadd.s32 $0xFFFFF600  }
0x12b: {  	[tilespmem:s30], [sflag:$0xB] =	stream.linear.gather [hbm4b:s23+s30], $0x2710, $0x38;
	[tilespmem:$0x19820] =	vst v63  }
0x12c: {  	_ =	swait.ge [sflag:s5], $0x2710  }
0x12d: {  	[sflag:s5] =	ssyncset.done $0x0  }
0x12e: {  	s23 =	rddreg [dreg:$0x6];
	[sflag:s5] =	ssyncadd.s32 $0xFFFFD8F0  }
0x12f: {  	[tilespmem:s31], [sflag:$0xB] =	stream.linear.gather [hbm4b:s23+s30], $0x2710, $0x38;
	[tilespmem:$0x19820] =	vst v63  }
0x130: {  	_ =	swait.ge [sflag:s5], $0x2710  }
0x131: {  	[sflag:s5] =	ssyncset.done $0x0  }
0x132: {  	[sflag:s5] =	ssyncadd.s32 $0xFFFFD8F0  }
0x133: {  	[bflag:$0x0] =	sbarrier.arrive $0xFFFF  }
0x134: {  	[tilespmem:s12], [sflag:$0x1] =	stream.indirect.gather [hbm4b:s6+s7], $0x20, s30, s7, $0xb8;
	[tilespmem:$0x19820] =	vst v63  }
0x135: {  	_ = 	snop  }
0x136: {  	[tilespmem:s11], [sflag:$0x2] =	stream.indirect.gather [hbm4b:s6+s7], $0x20, s7, s7, $0xb8;
	[tilespmem:$0x19820] =	vst v63  }
0x137: {  	s0 =	rddreg [dreg:$0x8]  }
0x138: {  	[tilespmem:s10], [sflag:$0x3] =	stream.indirect.gather [hbm4b:s6+s7], $0x20, s0, s7, $0xb8;
	[tilespmem:$0x19820] =	vst v63  }
0x139: {  	s23 =	rddreg [dreg:$0x9]  }
0x13a: {  	[tilespmem:s9], [sflag:$0x4] =	stream.indirect.gather [hbm4b:s6+s7], $0x20, s23, s7, $0xb8;
	[tilespmem:$0x19820] =	vst v63  }
0x13b: {  	s0 =	rddreg [dreg:$0xa]  }
0x13c: {  	[tilespmem:s8], [sflag:$0x5] =	stream.indirect.gather [hbm4b:s6+s7], $0x20, s0, s7, $0xb8;
	[tilespmem:$0x19820] =	vst v63  }
0x13d: {  	_ =	swait.ge [sflag:s22], $0x3200  }
0x13e: {  	[sflag:s22] =	ssyncset.done $0x0  }
0x13f: {  	[sflag:s22] =	ssyncadd.s32 $0xFFFFCE00  }
0x140: {  	[spmem:s2] =	stream.indirect.scatter.add.f32 [tilespmem:s12], [sflag:$0x6], $0x20, s31, s7, $0xb8;
	[tilespmem:$0x19820] =	vst v63  }
0x141: {  	_ =	swait.ge [sflag:s21], $0x3200  }
0x142: {  	[sflag:s21] =	ssyncset.done $0x0  }
0x143: {  	s23 =	rddreg [dreg:$0xb];
	[sflag:s21] =	ssyncadd.s32 $0xFFFFCE00  }
0x144: {  	[spmem:s2] =	stream.indirect.scatter.add.f32 [tilespmem:s11], [sflag:$0x7], $0x20, s23, s7, $0xb8;
	[tilespmem:$0x19820] =	vst v63  }
0x145: {  	_ =	swait.ge [sflag:s20], $0x3200  }
0x146: {  	[sflag:s20] =	ssyncset.done $0x0  }
0x147: {  	s23 =	rddreg [dreg:$0xc];
	[sflag:s20] =	ssyncadd.s32 $0xFFFFCE00  }
0x148: {  	[spmem:s2] =	stream.indirect.scatter.add.f32 [tilespmem:s10], [sflag:$0x8], $0x20, s23, s7, $0xb8;
	[tilespmem:$0x19820] =	vst v63  }
0x149: {  	_ =	swait.ge [sflag:s19], $0x3200  }
0x14a: {  	[sflag:s19] =	ssyncset.done $0x0  }
0x14b: {  	s23 =	rddreg [dreg:$0xd];
	[sflag:s19] =	ssyncadd.s32 $0xFFFFCE00  }
0x14c: {  	[spmem:s2] =	stream.indirect.scatter.add.f32 [tilespmem:s9], [sflag:$0x9], $0x20, s23, s7, $0xb8;
	[tilespmem:$0x19820] =	vst v63  }
0x14d: {  	_ =	swait.ge [sflag:s17], $0x3200  }
0x14e: {  	[sflag:s17] =	ssyncset.done $0x0  }
0x14f: {  	s23 =	rddreg [dreg:$0xe];
	[sflag:s17] =	ssyncadd.s32 $0xFFFFCE00  }
0x150: {  	[spmem:s2] =	stream.indirect.scatter.add.f32 [tilespmem:s8], [sflag:$0xA], $0x20, s23, s7, $0xb8;
	[tilespmem:$0x19820] =	vst v63  }
0x151: {  	_ =	swait.ge [sflag:s13], $0x3200  }
0x152: {  	[sflag:s13] =	ssyncset.done $0x0  }
0x153: {  	s23 =	rddreg [dreg:$0xf];
	[sflag:s13] =	ssyncadd.s32 $0xFFFFCE00  }
0x154: {  	[tilespmem:s12], [sflag:$0x1] =	stream.indirect.gather [hbm4b:s6+s7], $0x20, s23, s7, $0xb8;
	[tilespmem:$0x19820] =	vst v63  }
0x155: {  	_ =	swait.ge [sflag:s14], $0x3200  }
0x156: {  	[sflag:s14] =	ssyncset.done $0x0  }
0x157: {  	s23 =	rddreg [dreg:$0x10];
	[sflag:s14] =	ssyncadd.s32 $0xFFFFCE00  }
0x158: {  	[tilespmem:s11], [sflag:$0x2] =	stream.indirect.gather [hbm4b:s6+s7], $0x20, s23, s7, $0xb8;
	[tilespmem:$0x19820] =	vst v63  }
0x159: {  	_ =	swait.ge [sflag:s15], $0x3200  }
0x15a: {  	[sflag:s15] =	ssyncset.done $0x0  }
0x15b: {  	s23 =	rddreg [dreg:$0x11];
	[sflag:s15] =	ssyncadd.s32 $0xFFFFCE00  }
0x15c: {  	[tilespmem:s10], [sflag:$0x3] =	stream.indirect.gather [hbm4b:s6+s7], $0x20, s23, s7, $0xb8;
	[tilespmem:$0x19820] =	vst v63  }
0x15d: {  	_ =	swait.ge [sflag:s16], $0x3200  }
0x15e: {  	[sflag:s16] =	ssyncset.done $0x0  }
0x15f: {  	s23 =	rddreg [dreg:$0x12];
	[sflag:s16] =	ssyncadd.s32 $0xFFFFCE00  }
0x160: {  	[tilespmem:s9], [sflag:$0x4] =	stream.indirect.gather [hbm4b:s6+s7], $0x20, s23, s7, $0xb8;
	[tilespmem:$0x19820] =	vst v63  }
0x161: {  	_ =	swait.ge [sflag:s18], $0x3200  }
0x162: {  	[sflag:s18] =	ssyncset.done $0x0  }
0x163: {  	s23 =	rddreg [dreg:$0x13];
	[sflag:s18] =	ssyncadd.s32 $0xFFFFCE00  }
0x164: {  	[tilespmem:s8], [sflag:$0x5] =	stream.indirect.gather [hbm4b:s6+s7], $0x20, s23, s7, $0xb8;
	[tilespmem:$0x19820] =	vst v63  }
0x165: {  	_ =	swait.ge [sflag:s22], $0x3200  }
0x166: {  	[sflag:s22] =	ssyncset.done $0x0  }
0x167: {  	s23 =	rddreg [dreg:$0x14];
	[sflag:s22] =	ssyncadd.s32 $0xFFFFCE00  }
0x168: {  	[spmem:s2] =	stream.indirect.scatter.add.f32 [tilespmem:s12], [sflag:$0x6], $0x20, s23, s7, $0xb8;
	[tilespmem:$0x19820] =	vst v63  }
0x169: {  	_ =	swait.ge [sflag:s21], $0x3200  }
0x16a: {  	[sflag:s21] =	ssyncset.done $0x0  }
0x16b: {  	s23 =	rddreg [dreg:$0x15];
	[sflag:s21] =	ssyncadd.s32 $0xFFFFCE00  }
0x16c: {  	[spmem:s2] =	stream.indirect.scatter.add.f32 [tilespmem:s11], [sflag:$0x7], $0x20, s23, s7, $0xb8;
	[tilespmem:$0x19820] =	vst v63  }
0x16d: {  	_ =	swait.ge [sflag:s20], $0x3200  }
0x16e: {  	[sflag:s20] =	ssyncset.done $0x0  }
0x16f: {  	s23 =	rddreg [dreg:$0x16];
	[sflag:s20] =	ssyncadd.s32 $0xFFFFCE00  }
0x170: {  	[spmem:s2] =	stream.indirect.scatter.add.f32 [tilespmem:s10], [sflag:$0x8], $0x20, s23, s7, $0xb8;
	[tilespmem:$0x19820] =	vst v63  }
0x171: {  	_ =	swait.ge [sflag:s19], $0x3200  }
0x172: {  	[sflag:s19] =	ssyncset.done $0x0  }
0x173: {  	s23 =	rddreg [dreg:$0x17];
	[sflag:s19] =	ssyncadd.s32 $0xFFFFCE00  }
0x174: {  	[spmem:s2] =	stream.indirect.scatter.add.f32 [tilespmem:s9], [sflag:$0x9], $0x20, s23, s7, $0xb8;
	[tilespmem:$0x19820] =	vst v63  }
0x175: {  	_ =	swait.ge [sflag:s17], $0x3200  }
0x176: {  	[sflag:s17] =	ssyncset.done $0x0  }
0x177: {  	s23 =	rddreg [dreg:$0x18];
	[sflag:s17] =	ssyncadd.s32 $0xFFFFCE00  }
0x178: {  	[spmem:s2] =	stream.indirect.scatter.add.f32 [tilespmem:s8], [sflag:$0xA], $0x20, s23, s7, $0xb8;
	[tilespmem:$0x19820] =	vst v63  }
0x179: {  	_ =	swait.ge [sflag:s13], $0x3200  }
0x17a: {  	[sflag:s13] =	ssyncset.done $0x0  }
0x17b: {  	s23 =	rddreg [dreg:$0x19];
	[sflag:s13] =	ssyncadd.s32 $0xFFFFCE00  }
0x17c: {  	[tilespmem:s12], [sflag:$0x1] =	stream.indirect.gather [hbm4b:s6+s7], $0x20, s23, s7, $0xb8;
	[tilespmem:$0x19820] =	vst v63  }
0x17d: {  	_ =	swait.ge [sflag:s14], $0x3200  }
0x17e: {  	[sflag:s14] =	ssyncset.done $0x0  }
0x17f: {  	s23 =	rddreg [dreg:$0x1a];
	[sflag:s14] =	ssyncadd.s32 $0xFFFFCE00  }
0x180: {  	[tilespmem:s11], [sflag:$0x2] =	stream.indirect.gather [hbm4b:s6+s7], $0x20, s23, s7, $0xb8;
	[tilespmem:$0x19820] =	vst v63  }
0x181: {  	_ =	swait.ge [sflag:s15], $0x3200  }
0x182: {  	[sflag:s15] =	ssyncset.done $0x0  }
0x183: {  	s23 =	rddreg [dreg:$0x1b];
	[sflag:s15] =	ssyncadd.s32 $0xFFFFCE00  }
0x184: {  	[tilespmem:s10], [sflag:$0x3] =	stream.indirect.gather [hbm4b:s6+s7], $0x20, s23, s7, $0xb8;
	[tilespmem:$0x19820] =	vst v63  }
0x185: {  	_ =	swait.ge [sflag:s16], $0x3200  }
0x186: {  	[sflag:s16] =	ssyncset.done $0x0  }
0x187: {  	s23 =	rddreg [dreg:$0x1c];
	[sflag:s16] =	ssyncadd.s32 $0xFFFFCE00  }
0x188: {  	[tilespmem:s9], [sflag:$0x4] =	stream.indirect.gather [hbm4b:s6+s7], $0x20, s23, s7, $0xb8;
	[tilespmem:$0x19820] =	vst v63  }
0x189: {  	_ =	swait.ge [sflag:s18], $0x3200  }
0x18a: {  	[sflag:s18] =	ssyncset.done $0x0  }
0x18b: {  	s23 =	rddreg [dreg:$0x1d];
	[sflag:s18] =	ssyncadd.s32 $0xFFFFCE00  }
0x18c: {  	[tilespmem:s8], [sflag:$0x5] =	stream.indirect.gather [hbm4b:s6+s7], $0x20, s23, s7, $0xb8;
	[tilespmem:$0x19820] =	vst v63  }
0x18d: {  	_ =	swait.ge [sflag:s22], $0x3200  }
0x18e: {  	[sflag:s22] =	ssyncset.done $0x0  }
0x18f: {  	s23 =	rddreg [dreg:$0x1e];
	[sflag:s22] =	ssyncadd.s32 $0xFFFFCE00  }
0x190: {  	[spmem:s2] =	stream.indirect.scatter.add.f32 [tilespmem:s12], [sflag:$0x6], $0x20, s23, s7, $0xb8;
	[tilespmem:$0x19820] =	vst v63  }
0x191: {  	_ =	swait.ge [sflag:s21], $0x3200  }
0x192: {  	[sflag:s21] =	ssyncset.done $0x0  }
0x193: {  	s23 =	rddreg [dreg:$0x1f];
	[sflag:s21] =	ssyncadd.s32 $0xFFFFCE00  }
0x194: {  	[spmem:s2] =	stream.indirect.scatter.add.f32 [tilespmem:s11], [sflag:$0x7], $0x20, s23, s7, $0xb8;
	[tilespmem:$0x19820] =	vst v63  }
0x195: {  	_ =	swait.ge [sflag:s20], $0x3200  }
0x196: {  	s23 =	sld [smem:$0x7ED]  }
0x197: {  	[sflag:s20] =	ssyncset.done $0x0  }
0x198: {  	[sflag:s20] =	ssyncadd.s32 $0xFFFFCE00  }
0x199: {  	[spmem:s2] =	stream.indirect.scatter.add.f32 [tilespmem:s10], [sflag:$0x8], $0x20, s23, s7, $0xb8;
	[tilespmem:$0x19820] =	vst v63  }
0x19a: {  	_ =	swait.ge [sflag:s19], $0x3200  }
0x19b: {  	s23 =	sld [smem:$0x7EE]  }
0x19c: {  	[sflag:s19] =	ssyncset.done $0x0  }
0x19d: {  	[sflag:s19] =	ssyncadd.s32 $0xFFFFCE00  }
0x19e: {  	[spmem:s2] =	stream.indirect.scatter.add.f32 [tilespmem:s9], [sflag:$0x9], $0x20, s23, s7, $0xb8;
	[tilespmem:$0x19820] =	vst v63  }
0x19f: {  	_ =	swait.ge [sflag:s17], $0x3200  }
0x1a0: {  	s23 =	sld [smem:$0x7EF]  }
0x1a1: {  	[sflag:s17] =	ssyncset.done $0x0  }
0x1a2: {  	[sflag:s17] =	ssyncadd.s32 $0xFFFFCE00  }
0x1a3: {  	[spmem:s2] =	stream.indirect.scatter.add.f32 [tilespmem:s8], [sflag:$0xA], $0x20, s23, s7, $0xb8;
	[tilespmem:$0x19820] =	vst v63  }
0x1a4: {  	_ =	swait.ge [sflag:s13], $0x3200  }
0x1a5: {  	s23 =	sld [smem:$0x7F0]  }
0x1a6: {  	[sflag:s13] =	ssyncset.done $0x0  }
0x1a7: {  	[sflag:s13] =	ssyncadd.s32 $0xFFFFCE00  }
0x1a8: {  	[tilespmem:s12], [sflag:$0x1] =	stream.indirect.gather [hbm4b:s6+s7], $0x20, s23, s7, $0xb8;
	[tilespmem:$0x19820] =	vst v63  }
0x1a9: {  	_ =	swait.ge [sflag:s14], $0x3200  }
0x1aa: {  	s23 =	sld [smem:$0x7F1]  }
0x1ab: {  	[sflag:s14] =	ssyncset.done $0x0  }
0x1ac: {  	[sflag:s14] =	ssyncadd.s32 $0xFFFFCE00  }
0x1ad: {  	[tilespmem:s11], [sflag:$0x2] =	stream.indirect.gather [hbm4b:s6+s7], $0x20, s23, s7, $0xb8;
	[tilespmem:$0x19820] =	vst v63  }
0x1ae: {  	_ =	swait.ge [sflag:s15], $0x3200  }
0x1af: {  	s23 =	sld [smem:$0x7F2]  }
0x1b0: {  	[sflag:s15] =	ssyncset.done $0x0  }
0x1b1: {  	[sflag:s15] =	ssyncadd.s32 $0xFFFFCE00  }
0x1b2: {  	[tilespmem:s10], [sflag:$0x3] =	stream.indirect.gather [hbm4b:s6+s7], $0x20, s23, s7, $0xb8;
	[tilespmem:$0x19820] =	vst v63  }
0x1b3: {  	_ =	swait.ge [sflag:s16], $0x3200  }
0x1b4: {  	s23 =	sld [smem:$0x7F3]  }
0x1b5: {  	[sflag:s16] =	ssyncset.done $0x0  }
0x1b6: {  	[sflag:s16] =	ssyncadd.s32 $0xFFFFCE00  }
0x1b7: {  	[tilespmem:s9], [sflag:$0x4] =	stream.indirect.gather [hbm4b:s6+s7], $0x20, s23, s7, $0xb8;
	[tilespmem:$0x19820] =	vst v63  }
0x1b8: {  	_ =	swait.ge [sflag:s18], $0x3200  }
0x1b9: {  	s23 =	sld [smem:$0x7F4]  }
0x1ba: {  	[sflag:s18] =	ssyncset.done $0x0  }
0x1bb: {  	[sflag:s18] =	ssyncadd.s32 $0xFFFFCE00  }
0x1bc: {  	[tilespmem:s8], [sflag:$0x5] =	stream.indirect.gather [hbm4b:s6+s7], $0x20, s23, s7, $0xb8;
	[tilespmem:$0x19820] =	vst v63  }
0x1bd: {  	_ =	swait.ge [sflag:s22], $0x3200  }
0x1be: {  	s23 =	sld [smem:$0x7F5]  }
0x1bf: {  	[sflag:s22] =	ssyncset.done $0x0  }
0x1c0: {  	[sflag:s22] =	ssyncadd.s32 $0xFFFFCE00  }
0x1c1: {  	[spmem:s2] =	stream.indirect.scatter.add.f32 [tilespmem:s12], [sflag:$0x6], $0x20, s23, s7, $0xb8;
	[tilespmem:$0x19820] =	vst v63  }
0x1c2: {  	_ =	swait.ge [sflag:s21], $0x3200  }
0x1c3: {  	s23 =	sld [smem:$0x7F6]  }
0x1c4: {  	[sflag:s21] =	ssyncset.done $0x0  }
0x1c5: {  	[sflag:s21] =	ssyncadd.s32 $0xFFFFCE00  }
0x1c6: {  	[spmem:s2] =	stream.indirect.scatter.add.f32 [tilespmem:s11], [sflag:$0x7], $0x20, s23, s7, $0xb8;
	[tilespmem:$0x19820] =	vst v63  }
0x1c7: {  	_ =	swait.ge [sflag:s20], $0x3200  }
0x1c8: {  	s23 =	sld [smem:$0x7F7]  }
0x1c9: {  	[sflag:s20] =	ssyncset.done $0x0  }
0x1ca: {  	[sflag:s20] =	ssyncadd.s32 $0xFFFFCE00  }
0x1cb: {  	[spmem:s2] =	stream.indirect.scatter.add.f32 [tilespmem:s10], [sflag:$0x8], $0x20, s23, s7, $0xb8;
	[tilespmem:$0x19820] =	vst v63  }
0x1cc: {  	_ =	swait.ge [sflag:s19], $0x3200  }
0x1cd: {  	s23 =	sld [smem:$0x7F8]  }
0x1ce: {  	[sflag:s19] =	ssyncset.done $0x0  }
0x1cf: {  	[sflag:s19] =	ssyncadd.s32 $0xFFFFCE00  }
0x1d0: {  	[spmem:s2] =	stream.indirect.scatter.add.f32 [tilespmem:s9], [sflag:$0x9], $0x20, s23, s7, $0xb8;
	[tilespmem:$0x19820] =	vst v63  }
0x1d1: {  	_ =	swait.ge [sflag:s17], $0x3200  }
0x1d2: {  	s23 =	sld [smem:$0x7F9]  }
0x1d3: {  	[sflag:s17] =	ssyncset.done $0x0  }
0x1d4: {  	[sflag:s17] =	ssyncadd.s32 $0xFFFFCE00  }
0x1d5: {  	[spmem:s2] =	stream.indirect.scatter.add.f32 [tilespmem:s8], [sflag:$0xA], $0x20, s23, s7, $0xb8;
	[tilespmem:$0x19820] =	vst v63  }
0x1d6: {  	_ =	swait.ge [sflag:s13], $0x3200  }
0x1d7: {  	s23 =	sld [smem:$0x7FA]  }
0x1d8: {  	[sflag:s13] =	ssyncset.done $0x0  }
0x1d9: {  	[sflag:s13] =	ssyncadd.s32 $0xFFFFCE00  }
0x1da: {  	[tilespmem:s12], [sflag:$0x1] =	stream.indirect.gather [hbm4b:s6+s7], $0x20, s23, s7, $0xb8;
	[tilespmem:$0x19820] =	vst v63  }
0x1db: {  	_ =	swait.ge [sflag:s14], $0x3200  }
0x1dc: {  	s23 =	sld [smem:$0x7FB]  }
0x1dd: {  	[sflag:s14] =	ssyncset.done $0x0  }
0x1de: {  	[sflag:s14] =	ssyncadd.s32 $0xFFFFCE00  }
0x1df: {  	[tilespmem:s11], [sflag:$0x2] =	stream.indirect.gather [hbm4b:s6+s7], $0x20, s23, s7, $0xb8;
	[tilespmem:$0x19820] =	vst v63  }
0x1e0: {  	_ =	swait.ge [sflag:s15], $0x3200  }
0x1e1: {  	s23 =	sld [smem:$0x7FC]  }
0x1e2: {  	[sflag:s15] =	ssyncset.done $0x0  }
0x1e3: {  	[sflag:s15] =	ssyncadd.s32 $0xFFFFCE00  }
0x1e4: {  	[tilespmem:s10], [sflag:$0x3] =	stream.indirect.gather [hbm4b:s6+s7], $0x20, s23, s7, $0xb8;
	[tilespmem:$0x19820] =	vst v63  }
0x1e5: {  	_ =	swait.ge [sflag:s16], $0x3200  }
0x1e6: {  	s23 =	sld [smem:$0x7FD]  }
0x1e7: {  	[sflag:s16] =	ssyncset.done $0x0  }
0x1e8: {  	[sflag:s16] =	ssyncadd.s32 $0xFFFFCE00  }
0x1e9: {  	[tilespmem:s9], [sflag:$0x4] =	stream.indirect.gather [hbm4b:s6+s7], $0x20, s23, s7, $0xb8;
	[tilespmem:$0x19820] =	vst v63  }
0x1ea: {  	_ =	swait.ge [sflag:s18], $0x3200  }
0x1eb: {  	[sflag:s18] =	ssyncset.done $0x0  }
0x1ec: {  	s23 =	simm.s32 $0x2580;
	[sflag:s18] =	ssyncadd.s32 $0xFFFFCE00  }
0x1ed: {  	[tilespmem:s8], [sflag:$0x5] =	stream.indirect.gather [hbm4b:s6+s7], $0x20, s23, s7, $0xb8;
	[tilespmem:$0x19820] =	vst v63  }
0x1ee: {  	_ =	swait.ge [sflag:s22], $0x3200  }
0x1ef: {  	[sflag:s22] =	ssyncset.done $0x0  }
0x1f0: {  	[sflag:s22] =	ssyncadd.s32 $0xFFFFCE00  }
0x1f1: {  	[spmem:s2] =	stream.indirect.scatter.add.f32 [tilespmem:s12], [sflag:$0x6], $0x20, s29, s7, $0xb8;
	[tilespmem:$0x19820] =	vst v63  }
0x1f2: {  	_ =	swait.ge [sflag:s21], $0x3200  }
0x1f3: {  	[sflag:s21] =	ssyncset.done $0x0  }
0x1f4: {  	[sflag:s21] =	ssyncadd.s32 $0xFFFFCE00  }
0x1f5: {  	[spmem:s2] =	stream.indirect.scatter.add.f32 [tilespmem:s11], [sflag:$0x7], $0x20, s28, s7, $0xb8;
	[tilespmem:$0x19820] =	vst v63  }
0x1f6: {  	_ =	swait.ge [sflag:s20], $0x3200  }
0x1f7: {  	[sflag:s20] =	ssyncset.done $0x0  }
0x1f8: {  	[sflag:s20] =	ssyncadd.s32 $0xFFFFCE00  }
0x1f9: {  	[spmem:s2] =	stream.indirect.scatter.add.f32 [tilespmem:s10], [sflag:$0x8], $0x20, s26, s7, $0xb8;
	[tilespmem:$0x19820] =	vst v63  }
0x1fa: {  	_ =	swait.ge [sflag:s19], $0x3200  }
0x1fb: {  	[sflag:s19] =	ssyncset.done $0x0  }
0x1fc: {  	[sflag:s19] =	ssyncadd.s32 $0xFFFFCE00  }
0x1fd: {  	[spmem:s2] =	stream.indirect.scatter.add.f32 [tilespmem:s9], [sflag:$0x9], $0x20, s25, s7, $0xb8;
	[tilespmem:$0x19820] =	vst v63  }
0x1fe: {  	_ =	swait.ge [sflag:s17], $0x3200  }
0x1ff: {  	[sflag:s17] =	ssyncset.done $0x0  }
0x200: {  	[sflag:s17] =	ssyncadd.s32 $0xFFFFCE00  }
0x201: {  	[spmem:s2] =	stream.indirect.scatter.add.f32 [tilespmem:s8], [sflag:$0xA], $0x20, s24, s7, $0xb8;
	[tilespmem:$0x19820] =	vst v63  }
0x202: {  	_ =	swait.ge [sflag:s13], $0x3200  }
0x203: {  	[sflag:s13] =	ssyncset.done $0x0  }
0x204: {  	[sflag:s13] =	ssyncadd.s32 $0xFFFFCE00  }
0x205: {  	_ =	swait.ge [sflag:s14], $0x3200  }
0x206: {  	[sflag:s14] =	ssyncset.done $0x0  }
0x207: {  	[sflag:s14] =	ssyncadd.s32 $0xFFFFCE00  }
0x208: {  	_ =	swait.ge [sflag:s15], $0x3200  }
0x209: {  	[sflag:s15] =	ssyncset.done $0x0  }
0x20a: {  	[sflag:s15] =	ssyncadd.s32 $0xFFFFCE00  }
0x20b: {  	_ =	swait.ge [sflag:s16], $0x3200  }
0x20c: {  	[sflag:s16] =	ssyncset.done $0x0  }
0x20d: {  	[sflag:s16] =	ssyncadd.s32 $0xFFFFCE00  }
0x20e: {  	_ =	swait.ge [sflag:s18], $0x3200  }
0x20f: {  	[sflag:s18] =	ssyncset.done $0x0  }
0x210: {  	p1 =	sne.s32 s1, $0x1;
	[sflag:s18] =	ssyncadd.s32 $0xFFFFCE00  }
.Ltmp2:
0x211: {  	[bflag:$0x0] =	sbarrier.arrive $0xFFFF;
	(pc) =	sbr.rel @p1 .LBB2_4-.Ltmp2, $4  }
0x212: {  	s23 =	rddreg [dreg:$0x7]  }
0x213: {  	[hbm:s23], [sflag:s3] =	dma.local [spmem:s4], $0xA00  }
0x214: {  	_ =	swait.ge [sflag:s5], $0xA00  }
0x215: {  	s1 =	sadd.s32 $0xFFFFFFFF, s1;
	s0 =	rddreg [dreg:$0x4];
	[sflag:s5] =	ssyncset.done $0x0  }
0x216: {  	s24 =	simm.s32 $0x2580;
	s29 =	simm.s32 $0x4650;
	s28 =	simm.s32 $0x47E0  }
0x217: {  	s26 =	simm.s32 $0x4970;
	s25 =	simm.s32 $0x4B00;
	s23 =	stileid.u32  }
.LBB2_6:
0x218: {  	[sflag:s5] =	ssyncadd.s32 @p0 $0xFFFFF600  }
0x219: {  	[spmem:s4], [sflag:s3] =	dma.local [hbm:s0], $0xA00  }
0x21a: {  	_ =	swait.ge [sflag:s5], $0xA00  }
0x21b: {  	[sflag:s5] =	ssyncset.done $0x0  }
0x21c: {  	s1 =	rddreg [dreg:$0x5];
	[sflag:s5] =	ssyncadd.s32 $0xFFFFF600  }
0x21d: {  	[tilespmem:s30], [sflag:$0xB] =	stream.linear.gather [hbm4b:s1+s30], $0x2710, $0x38;
	[tilespmem:$0x19820] =	vst v63  }
0x21e: {  	_ =	swait.ge [sflag:s5], $0x2710  }
0x21f: {  	[sflag:s5] =	ssyncset.done $0x0  }
0x220: {  	s1 =	rddreg [dreg:$0x6];
	[sflag:s5] =	ssyncadd.s32 $0xFFFFD8F0  }
0x221: {  	[tilespmem:s31], [sflag:$0xB] =	stream.linear.gather [hbm4b:s1+s30], $0x2710, $0x38;
	[tilespmem:$0x19820] =	vst v63  }
0x222: {  	_ =	swait.ge [sflag:s5], $0x2710  }
0x223: {  	[sflag:s5] =	ssyncset.done $0x0  }
0x224: {  	[sflag:s5] =	ssyncadd.s32 $0xFFFFD8F0  }
0x225: {  	[bflag:$0x0] =	sbarrier.arrive $0xFFFF  }
0x226: {  	[tilespmem:s12], [sflag:$0x1] =	stream.indirect.gather [hbm4b:s6+s7], $0x20, s30, s7, $0xb8;
	[tilespmem:$0x19820] =	vst v63  }
0x227: {  	_ = 	snop  }
0x228: {  	[tilespmem:s11], [sflag:$0x2] =	stream.indirect.gather [hbm4b:s6+s7], $0x20, s7, s7, $0xb8;
	[tilespmem:$0x19820] =	vst v63  }
0x229: {  	s30 =	rddreg [dreg:$0x8]  }
0x22a: {  	[tilespmem:s10], [sflag:$0x3] =	stream.indirect.gather [hbm4b:s6+s7], $0x20, s30, s7, $0xb8;
	[tilespmem:$0x19820] =	vst v63  }
0x22b: {  	s1 =	rddreg [dreg:$0x9]  }
0x22c: {  	[tilespmem:s9], [sflag:$0x4] =	stream.indirect.gather [hbm4b:s6+s7], $0x20, s1, s7, $0xb8;
	[tilespmem:$0x19820] =	vst v63  }
0x22d: {  	s30 =	rddreg [dreg:$0xa]  }
0x22e: {  	[tilespmem:s8], [sflag:$0x5] =	stream.indirect.gather [hbm4b:s6+s7], $0x20, s30, s7, $0xb8;
	[tilespmem:$0x19820] =	vst v63  }
0x22f: {  	_ =	swait.ge [sflag:s22], $0x3200  }
0x230: {  	[sflag:s22] =	ssyncset.done $0x0  }
0x231: {  	[sflag:s22] =	ssyncadd.s32 $0xFFFFCE00  }
0x232: {  	[spmem:s2] =	stream.indirect.scatter.add.f32 [tilespmem:s12], [sflag:$0x6], $0x20, s31, s7, $0xb8;
	[tilespmem:$0x19820] =	vst v63  }
0x233: {  	_ =	swait.ge [sflag:s21], $0x3200  }
0x234: {  	[sflag:s21] =	ssyncset.done $0x0  }
0x235: {  	s31 =	rddreg [dreg:$0xb];
	[sflag:s21] =	ssyncadd.s32 $0xFFFFCE00  }
0x236: {  	[spmem:s2] =	stream.indirect.scatter.add.f32 [tilespmem:s11], [sflag:$0x7], $0x20, s31, s7, $0xb8;
	[tilespmem:$0x19820] =	vst v63  }
0x237: {  	_ =	swait.ge [sflag:s20], $0x3200  }
0x238: {  	[sflag:s20] =	ssyncset.done $0x0  }
0x239: {  	s1 =	rddreg [dreg:$0xc];
	[sflag:s20] =	ssyncadd.s32 $0xFFFFCE00  }
0x23a: {  	[spmem:s2] =	stream.indirect.scatter.add.f32 [tilespmem:s10], [sflag:$0x8], $0x20, s1, s7, $0xb8;
	[tilespmem:$0x19820] =	vst v63  }
0x23b: {  	_ =	swait.ge [sflag:s19], $0x3200  }
0x23c: {  	[sflag:s19] =	ssyncset.done $0x0  }
0x23d: {  	s30 =	rddreg [dreg:$0xd];
	[sflag:s19] =	ssyncadd.s32 $0xFFFFCE00  }
0x23e: {  	[spmem:s2] =	stream.indirect.scatter.add.f32 [tilespmem:s9], [sflag:$0x9], $0x20, s30, s7, $0xb8;
	[tilespmem:$0x19820] =	vst v63  }
0x23f: {  	_ =	swait.ge [sflag:s17], $0x3200  }
0x240: {  	[sflag:s17] =	ssyncset.done $0x0  }
0x241: {  	s31 =	rddreg [dreg:$0xe];
	[sflag:s17] =	ssyncadd.s32 $0xFFFFCE00  }
0x242: {  	[spmem:s2] =	stream.indirect.scatter.add.f32 [tilespmem:s8], [sflag:$0xA], $0x20, s31, s7, $0xb8;
	[tilespmem:$0x19820] =	vst v63  }
0x243: {  	_ =	swait.ge [sflag:s13], $0x3200  }
0x244: {  	[sflag:s13] =	ssyncset.done $0x0  }
0x245: {  	s1 =	rddreg [dreg:$0xf];
	[sflag:s13] =	ssyncadd.s32 $0xFFFFCE00  }
0x246: {  	[tilespmem:s12], [sflag:$0x1] =	stream.indirect.gather [hbm4b:s6+s7], $0x20, s1, s7, $0xb8;
	[tilespmem:$0x19820] =	vst v63  }
0x247: {  	_ =	swait.ge [sflag:s14], $0x3200  }
0x248: {  	[sflag:s14] =	ssyncset.done $0x0  }
0x249: {  	s30 =	rddreg [dreg:$0x10];
	[sflag:s14] =	ssyncadd.s32 $0xFFFFCE00  }
0x24a: {  	[tilespmem:s11], [sflag:$0x2] =	stream.indirect.gather [hbm4b:s6+s7], $0x20, s30, s7, $0xb8;
	[tilespmem:$0x19820] =	vst v63  }
0x24b: {  	_ =	swait.ge [sflag:s15], $0x3200  }
0x24c: {  	[sflag:s15] =	ssyncset.done $0x0  }
0x24d: {  	s31 =	rddreg [dreg:$0x11];
	[sflag:s15] =	ssyncadd.s32 $0xFFFFCE00  }
0x24e: {  	[tilespmem:s10], [sflag:$0x3] =	stream.indirect.gather [hbm4b:s6+s7], $0x20, s31, s7, $0xb8;
	[tilespmem:$0x19820] =	vst v63  }
0x24f: {  	_ =	swait.ge [sflag:s16], $0x3200  }
0x250: {  	[sflag:s16] =	ssyncset.done $0x0  }
0x251: {  	s1 =	rddreg [dreg:$0x12];
	[sflag:s16] =	ssyncadd.s32 $0xFFFFCE00  }
0x252: {  	[tilespmem:s9], [sflag:$0x4] =	stream.indirect.gather [hbm4b:s6+s7], $0x20, s1, s7, $0xb8;
	[tilespmem:$0x19820] =	vst v63  }
0x253: {  	_ =	swait.ge [sflag:s18], $0x3200  }
0x254: {  	[sflag:s18] =	ssyncset.done $0x0  }
0x255: {  	s30 =	rddreg [dreg:$0x13];
	[sflag:s18] =	ssyncadd.s32 $0xFFFFCE00  }
0x256: {  	[tilespmem:s8], [sflag:$0x5] =	stream.indirect.gather [hbm4b:s6+s7], $0x20, s30, s7, $0xb8;
	[tilespmem:$0x19820] =	vst v63  }
0x257: {  	_ =	swait.ge [sflag:s22], $0x3200  }
0x258: {  	[sflag:s22] =	ssyncset.done $0x0  }
0x259: {  	s31 =	rddreg [dreg:$0x14];
	[sflag:s22] =	ssyncadd.s32 $0xFFFFCE00  }
0x25a: {  	[spmem:s2] =	stream.indirect.scatter.add.f32 [tilespmem:s12], [sflag:$0x6], $0x20, s31, s7, $0xb8;
	[tilespmem:$0x19820] =	vst v63  }
0x25b: {  	_ =	swait.ge [sflag:s21], $0x3200  }
0x25c: {  	[sflag:s21] =	ssyncset.done $0x0  }
0x25d: {  	s1 =	rddreg [dreg:$0x15];
	[sflag:s21] =	ssyncadd.s32 $0xFFFFCE00  }
0x25e: {  	[spmem:s2] =	stream.indirect.scatter.add.f32 [tilespmem:s11], [sflag:$0x7], $0x20, s1, s7, $0xb8;
	[tilespmem:$0x19820] =	vst v63  }
0x25f: {  	_ =	swait.ge [sflag:s20], $0x3200  }
0x260: {  	[sflag:s20] =	ssyncset.done $0x0  }
0x261: {  	s30 =	rddreg [dreg:$0x16];
	[sflag:s20] =	ssyncadd.s32 $0xFFFFCE00  }
0x262: {  	[spmem:s2] =	stream.indirect.scatter.add.f32 [tilespmem:s10], [sflag:$0x8], $0x20, s30, s7, $0xb8;
	[tilespmem:$0x19820] =	vst v63  }
0x263: {  	_ =	swait.ge [sflag:s19], $0x3200  }
0x264: {  	[sflag:s19] =	ssyncset.done $0x0  }
0x265: {  	s31 =	rddreg [dreg:$0x17];
	[sflag:s19] =	ssyncadd.s32 $0xFFFFCE00  }
0x266: {  	[spmem:s2] =	stream.indirect.scatter.add.f32 [tilespmem:s9], [sflag:$0x9], $0x20, s31, s7, $0xb8;
	[tilespmem:$0x19820] =	vst v63  }
0x267: {  	_ =	swait.ge [sflag:s17], $0x3200  }
0x268: {  	[sflag:s17] =	ssyncset.done $0x0  }
0x269: {  	s1 =	rddreg [dreg:$0x18];
	[sflag:s17] =	ssyncadd.s32 $0xFFFFCE00  }
0x26a: {  	[spmem:s2] =	stream.indirect.scatter.add.f32 [tilespmem:s8], [sflag:$0xA], $0x20, s1, s7, $0xb8;
	[tilespmem:$0x19820] =	vst v63  }
0x26b: {  	_ =	swait.ge [sflag:s13], $0x3200  }
0x26c: {  	[sflag:s13] =	ssyncset.done $0x0  }
0x26d: {  	s30 =	rddreg [dreg:$0x19];
	[sflag:s13] =	ssyncadd.s32 $0xFFFFCE00  }
0x26e: {  	[tilespmem:s12], [sflag:$0x1] =	stream.indirect.gather [hbm4b:s6+s7], $0x20, s30, s7, $0xb8;
	[tilespmem:$0x19820] =	vst v63  }
0x26f: {  	_ =	swait.ge [sflag:s14], $0x3200  }
0x270: {  	[sflag:s14] =	ssyncset.done $0x0  }
0x271: {  	s31 =	rddreg [dreg:$0x1a];
	[sflag:s14] =	ssyncadd.s32 $0xFFFFCE00  }
0x272: {  	[tilespmem:s11], [sflag:$0x2] =	stream.indirect.gather [hbm4b:s6+s7], $0x20, s31, s7, $0xb8;
	[tilespmem:$0x19820] =	vst v63  }
0x273: {  	_ =	swait.ge [sflag:s15], $0x3200  }
0x274: {  	[sflag:s15] =	ssyncset.done $0x0  }
0x275: {  	s1 =	rddreg [dreg:$0x1b];
	[sflag:s15] =	ssyncadd.s32 $0xFFFFCE00  }
0x276: {  	[tilespmem:s10], [sflag:$0x3] =	stream.indirect.gather [hbm4b:s6+s7], $0x20, s1, s7, $0xb8;
	[tilespmem:$0x19820] =	vst v63  }
0x277: {  	_ =	swait.ge [sflag:s16], $0x3200  }
0x278: {  	[sflag:s16] =	ssyncset.done $0x0  }
0x279: {  	s30 =	rddreg [dreg:$0x1c];
	[sflag:s16] =	ssyncadd.s32 $0xFFFFCE00  }
0x27a: {  	[tilespmem:s9], [sflag:$0x4] =	stream.indirect.gather [hbm4b:s6+s7], $0x20, s30, s7, $0xb8;
	[tilespmem:$0x19820] =	vst v63  }
0x27b: {  	_ =	swait.ge [sflag:s18], $0x3200  }
0x27c: {  	[sflag:s18] =	ssyncset.done $0x0  }
0x27d: {  	s31 =	rddreg [dreg:$0x1d];
	[sflag:s18] =	ssyncadd.s32 $0xFFFFCE00  }
0x27e: {  	[tilespmem:s8], [sflag:$0x5] =	stream.indirect.gather [hbm4b:s6+s7], $0x20, s31, s7, $0xb8;
	[tilespmem:$0x19820] =	vst v63  }
0x27f: {  	_ =	swait.ge [sflag:s22], $0x3200  }
0x280: {  	[sflag:s22] =	ssyncset.done $0x0  }
0x281: {  	s1 =	rddreg [dreg:$0x1e];
	[sflag:s22] =	ssyncadd.s32 $0xFFFFCE00  }
0x282: {  	[spmem:s2] =	stream.indirect.scatter.add.f32 [tilespmem:s12], [sflag:$0x6], $0x20, s1, s7, $0xb8;
	[tilespmem:$0x19820] =	vst v63  }
0x283: {  	_ =	swait.ge [sflag:s21], $0x3200  }
0x284: {  	[sflag:s21] =	ssyncset.done $0x0  }
0x285: {  	s30 =	rddreg [dreg:$0x1f];
	[sflag:s21] =	ssyncadd.s32 $0xFFFFCE00  }
0x286: {  	[spmem:s2] =	stream.indirect.scatter.add.f32 [tilespmem:s11], [sflag:$0x7], $0x20, s30, s7, $0xb8;
	[tilespmem:$0x19820] =	vst v63  }
0x287: {  	_ =	swait.ge [sflag:s20], $0x3200  }
0x288: {  	s31 =	sld [smem:$0x7ED]  }
0x289: {  	[sflag:s20] =	ssyncset.done $0x0  }
0x28a: {  	[sflag:s20] =	ssyncadd.s32 $0xFFFFCE00  }
0x28b: {  	[spmem:s2] =	stream.indirect.scatter.add.f32 [tilespmem:s10], [sflag:$0x8], $0x20, s31, s7, $0xb8;
	[tilespmem:$0x19820] =	vst v63  }
0x28c: {  	_ =	swait.ge [sflag:s19], $0x3200  }
0x28d: {  	s1 =	sld [smem:$0x7EE]  }
0x28e: {  	[sflag:s19] =	ssyncset.done $0x0  }
0x28f: {  	[sflag:s19] =	ssyncadd.s32 $0xFFFFCE00  }
0x290: {  	[spmem:s2] =	stream.indirect.scatter.add.f32 [tilespmem:s9], [sflag:$0x9], $0x20, s1, s7, $0xb8;
	[tilespmem:$0x19820] =	vst v63  }
0x291: {  	_ =	swait.ge [sflag:s17], $0x3200  }
0x292: {  	s30 =	sld [smem:$0x7EF]  }
0x293: {  	[sflag:s17] =	ssyncset.done $0x0  }
0x294: {  	[sflag:s17] =	ssyncadd.s32 $0xFFFFCE00  }
0x295: {  	[spmem:s2] =	stream.indirect.scatter.add.f32 [tilespmem:s8], [sflag:$0xA], $0x20, s30, s7, $0xb8;
	[tilespmem:$0x19820] =	vst v63  }
0x296: {  	_ =	swait.ge [sflag:s13], $0x3200  }
0x297: {  	s31 =	sld [smem:$0x7F0]  }
0x298: {  	[sflag:s13] =	ssyncset.done $0x0  }
0x299: {  	[sflag:s13] =	ssyncadd.s32 $0xFFFFCE00  }
0x29a: {  	[tilespmem:s12], [sflag:$0x1] =	stream.indirect.gather [hbm4b:s6+s7], $0x20, s31, s7, $0xb8;
	[tilespmem:$0x19820] =	vst v63  }
0x29b: {  	_ =	swait.ge [sflag:s14], $0x3200  }
0x29c: {  	s1 =	sld [smem:$0x7F1]  }
0x29d: {  	[sflag:s14] =	ssyncset.done $0x0  }
0x29e: {  	[sflag:s14] =	ssyncadd.s32 $0xFFFFCE00  }
0x29f: {  	[tilespmem:s11], [sflag:$0x2] =	stream.indirect.gather [hbm4b:s6+s7], $0x20, s1, s7, $0xb8;
	[tilespmem:$0x19820] =	vst v63  }
0x2a0: {  	_ =	swait.ge [sflag:s15], $0x3200  }
0x2a1: {  	s30 =	sld [smem:$0x7F2]  }
0x2a2: {  	[sflag:s15] =	ssyncset.done $0x0  }
0x2a3: {  	[sflag:s15] =	ssyncadd.s32 $0xFFFFCE00  }
0x2a4: {  	[tilespmem:s10], [sflag:$0x3] =	stream.indirect.gather [hbm4b:s6+s7], $0x20, s30, s7, $0xb8;
	[tilespmem:$0x19820] =	vst v63  }
0x2a5: {  	_ =	swait.ge [sflag:s16], $0x3200  }
0x2a6: {  	s31 =	sld [smem:$0x7F3]  }
0x2a7: {  	[sflag:s16] =	ssyncset.done $0x0  }
0x2a8: {  	[sflag:s16] =	ssyncadd.s32 $0xFFFFCE00  }
0x2a9: {  	[tilespmem:s9], [sflag:$0x4] =	stream.indirect.gather [hbm4b:s6+s7], $0x20, s31, s7, $0xb8;
	[tilespmem:$0x19820] =	vst v63  }
0x2aa: {  	_ =	swait.ge [sflag:s18], $0x3200  }
0x2ab: {  	s1 =	sld [smem:$0x7F4]  }
0x2ac: {  	[sflag:s18] =	ssyncset.done $0x0  }
0x2ad: {  	[sflag:s18] =	ssyncadd.s32 $0xFFFFCE00  }
0x2ae: {  	[tilespmem:s8], [sflag:$0x5] =	stream.indirect.gather [hbm4b:s6+s7], $0x20, s1, s7, $0xb8;
	[tilespmem:$0x19820] =	vst v63  }
0x2af: {  	_ =	swait.ge [sflag:s22], $0x3200  }
0x2b0: {  	s30 =	sld [smem:$0x7F5]  }
0x2b1: {  	[sflag:s22] =	ssyncset.done $0x0  }
0x2b2: {  	[sflag:s22] =	ssyncadd.s32 $0xFFFFCE00  }
0x2b3: {  	[spmem:s2] =	stream.indirect.scatter.add.f32 [tilespmem:s12], [sflag:$0x6], $0x20, s30, s7, $0xb8;
	[tilespmem:$0x19820] =	vst v63  }
0x2b4: {  	_ =	swait.ge [sflag:s21], $0x3200  }
0x2b5: {  	s31 =	sld [smem:$0x7F6]  }
0x2b6: {  	[sflag:s21] =	ssyncset.done $0x0  }
0x2b7: {  	[sflag:s21] =	ssyncadd.s32 $0xFFFFCE00  }
0x2b8: {  	[spmem:s2] =	stream.indirect.scatter.add.f32 [tilespmem:s11], [sflag:$0x7], $0x20, s31, s7, $0xb8;
	[tilespmem:$0x19820] =	vst v63  }
0x2b9: {  	_ =	swait.ge [sflag:s20], $0x3200  }
0x2ba: {  	s1 =	sld [smem:$0x7F7]  }
0x2bb: {  	[sflag:s20] =	ssyncset.done $0x0  }
0x2bc: {  	[sflag:s20] =	ssyncadd.s32 $0xFFFFCE00  }
0x2bd: {  	[spmem:s2] =	stream.indirect.scatter.add.f32 [tilespmem:s10], [sflag:$0x8], $0x20, s1, s7, $0xb8;
	[tilespmem:$0x19820] =	vst v63  }
0x2be: {  	_ =	swait.ge [sflag:s19], $0x3200  }
0x2bf: {  	s30 =	sld [smem:$0x7F8]  }
0x2c0: {  	[sflag:s19] =	ssyncset.done $0x0  }
0x2c1: {  	[sflag:s19] =	ssyncadd.s32 $0xFFFFCE00  }
0x2c2: {  	[spmem:s2] =	stream.indirect.scatter.add.f32 [tilespmem:s9], [sflag:$0x9], $0x20, s30, s7, $0xb8;
	[tilespmem:$0x19820] =	vst v63  }
0x2c3: {  	_ =	swait.ge [sflag:s17], $0x3200  }
0x2c4: {  	s31 =	sld [smem:$0x7F9]  }
0x2c5: {  	[sflag:s17] =	ssyncset.done $0x0  }
0x2c6: {  	[sflag:s17] =	ssyncadd.s32 $0xFFFFCE00  }
0x2c7: {  	[spmem:s2] =	stream.indirect.scatter.add.f32 [tilespmem:s8], [sflag:$0xA], $0x20, s31, s7, $0xb8;
	[tilespmem:$0x19820] =	vst v63  }
0x2c8: {  	_ =	swait.ge [sflag:s13], $0x3200  }
0x2c9: {  	s1 =	sld [smem:$0x7FA]  }
0x2ca: {  	[sflag:s13] =	ssyncset.done $0x0  }
0x2cb: {  	[sflag:s13] =	ssyncadd.s32 $0xFFFFCE00  }
0x2cc: {  	[tilespmem:s12], [sflag:$0x1] =	stream.indirect.gather [hbm4b:s6+s7], $0x20, s1, s7, $0xb8;
	[tilespmem:$0x19820] =	vst v63  }
0x2cd: {  	_ =	swait.ge [sflag:s14], $0x3200  }
0x2ce: {  	s30 =	sld [smem:$0x7FB]  }
0x2cf: {  	[sflag:s14] =	ssyncset.done $0x0  }
0x2d0: {  	[sflag:s14] =	ssyncadd.s32 $0xFFFFCE00  }
0x2d1: {  	[tilespmem:s11], [sflag:$0x2] =	stream.indirect.gather [hbm4b:s6+s7], $0x20, s30, s7, $0xb8;
	[tilespmem:$0x19820] =	vst v63  }
0x2d2: {  	_ =	swait.ge [sflag:s15], $0x3200  }
0x2d3: {  	s31 =	sld [smem:$0x7FC]  }
0x2d4: {  	[sflag:s15] =	ssyncset.done $0x0  }
0x2d5: {  	[sflag:s15] =	ssyncadd.s32 $0xFFFFCE00  }
0x2d6: {  	[tilespmem:s10], [sflag:$0x3] =	stream.indirect.gather [hbm4b:s6+s7], $0x20, s31, s7, $0xb8;
	[tilespmem:$0x19820] =	vst v63  }
0x2d7: {  	_ =	swait.ge [sflag:s16], $0x3200  }
0x2d8: {  	s1 =	sld [smem:$0x7FD]  }
0x2d9: {  	[sflag:s16] =	ssyncset.done $0x0  }
0x2da: {  	[sflag:s16] =	ssyncadd.s32 $0xFFFFCE00  }
0x2db: {  	[tilespmem:s9], [sflag:$0x4] =	stream.indirect.gather [hbm4b:s6+s7], $0x20, s1, s7, $0xb8;
	[tilespmem:$0x19820] =	vst v63  }
0x2dc: {  	_ =	swait.ge [sflag:s18], $0x3200  }
0x2dd: {  	[sflag:s18] =	ssyncset.done $0x0  }
0x2de: {  	[sflag:s18] =	ssyncadd.s32 $0xFFFFCE00  }
0x2df: {  	[tilespmem:s8], [sflag:$0x5] =	stream.indirect.gather [hbm4b:s6+s7], $0x20, s24, s7, $0xb8;
	[tilespmem:$0x19820] =	vst v63  }
0x2e0: {  	_ =	swait.ge [sflag:s22], $0x3200  }
0x2e1: {  	[sflag:s22] =	ssyncset.done $0x0  }
0x2e2: {  	[sflag:s22] =	ssyncadd.s32 $0xFFFFCE00  }
0x2e3: {  	[spmem:s2] =	stream.indirect.scatter.add.f32 [tilespmem:s12], [sflag:$0x6], $0x20, s29, s7, $0xb8;
	[tilespmem:$0x19820] =	vst v63  }
0x2e4: {  	_ =	swait.ge [sflag:s21], $0x3200  }
0x2e5: {  	[sflag:s21] =	ssyncset.done $0x0  }
0x2e6: {  	[sflag:s21] =	ssyncadd.s32 $0xFFFFCE00  }
0x2e7: {  	[spmem:s2] =	stream.indirect.scatter.add.f32 [tilespmem:s11], [sflag:$0x7], $0x20, s28, s7, $0xb8;
	[tilespmem:$0x19820] =	vst v63  }
0x2e8: {  	_ =	swait.ge [sflag:s20], $0x3200  }
0x2e9: {  	[sflag:s20] =	ssyncset.done $0x0  }
0x2ea: {  	[sflag:s20] =	ssyncadd.s32 $0xFFFFCE00  }
0x2eb: {  	[spmem:s2] =	stream.indirect.scatter.add.f32 [tilespmem:s10], [sflag:$0x8], $0x20, s26, s7, $0xb8;
	[tilespmem:$0x19820] =	vst v63  }
0x2ec: {  	_ =	swait.ge [sflag:s19], $0x3200  }
0x2ed: {  	[sflag:s19] =	ssyncset.done $0x0  }
0x2ee: {  	[sflag:s19] =	ssyncadd.s32 $0xFFFFCE00  }
0x2ef: {  	[spmem:s2] =	stream.indirect.scatter.add.f32 [tilespmem:s9], [sflag:$0x9], $0x20, s25, s7, $0xb8;
	[tilespmem:$0x19820] =	vst v63  }
0x2f0: {  	_ =	swait.ge [sflag:s17], $0x3200  }
0x2f1: {  	[sflag:s17] =	ssyncset.done $0x0  }
0x2f2: {  	s30 =	simm.s32 $0x4C90;
	[sflag:s17] =	ssyncadd.s32 $0xFFFFCE00  }
0x2f3: {  	[spmem:s2] =	stream.indirect.scatter.add.f32 [tilespmem:s8], [sflag:$0xA], $0x20, s30, s7, $0xb8;
	[tilespmem:$0x19820] =	vst v63  }
0x2f4: {  	_ =	swait.ge [sflag:s13], $0x3200  }
0x2f5: {  	[sflag:s13] =	ssyncset.done $0x0  }
0x2f6: {  	[sflag:s13] =	ssyncadd.s32 $0xFFFFCE00  }
0x2f7: {  	_ =	swait.ge [sflag:s14], $0x3200  }
0x2f8: {  	[sflag:s14] =	ssyncset.done $0x0  }
0x2f9: {  	[sflag:s14] =	ssyncadd.s32 $0xFFFFCE00  }
0x2fa: {  	_ =	swait.ge [sflag:s15], $0x3200  }
0x2fb: {  	[sflag:s15] =	ssyncset.done $0x0  }
0x2fc: {  	[sflag:s15] =	ssyncadd.s32 $0xFFFFCE00  }
0x2fd: {  	_ =	swait.ge [sflag:s16], $0x3200  }
0x2fe: {  	[sflag:s16] =	ssyncset.done $0x0  }
0x2ff: {  	[sflag:s16] =	ssyncadd.s32 $0xFFFFCE00  }
0x300: {  	_ =	swait.ge [sflag:s18], $0x3200  }
0x301: {  	[sflag:s18] =	ssyncset.done $0x0  }
0x302: {  	[sflag:s18] =	ssyncadd.s32 $0xFFFFCE00  }
0x303: {  	[bflag:$0x0] =	sbarrier.arrive $0xFFFF  }
0x304: {  	s31 =	rddreg [dreg:$0x7]  }
0x305: {  	[hbm:s31], [sflag:s3] =	dma.local [spmem:s4], $0xA00  }
0x306: {  	_ =	swait.ge [sflag:s5], $0xA00  }
0x307: {  	[sflag:s5] =	ssyncset.done $0x0  }
0x308: {  	[sflag:s5] =	ssyncadd.s32 $0xFFFFF600  }
0x309: {  	_ =	sfence.sel $0x180000  }
0x30a: {  	[bflag:$0x0] =	sbarrier.arrive $0xFFFF  }
0x30b: {  	_ =	strace $0x9000004D  }
0x30c: {  	[bflag:$0x2] =	sbarrier.arrive $0xFFFF  }
0x30d: {  	p0 =	sne.s32 s23, $0x0;
	s0 =	rddreg [dreg:$0x3]  }
0x30e: {  	s0 =	sadd.s32 @!p0 $0x100000, s0  }
0x30f: {  	[sflag:s0] =	ssyncadd.tile.s32 @!p0 $0x1;
	_ =	shalt  }
.LBB2_1:
.Ltmp3:
0x310: {  	(pc) =	sbr.rel .LBB2_6-.Ltmp3, $3  }
0x311: {  	_ =	sdelay $0x1  }
0x312: {  	s24 =	simm.s32 $0x2580;
	s29 =	simm.s32 $0x4650  }
0x313: {  	s28 =	simm.s32 $0x47E0;
	s26 =	simm.s32 $0x4970;
	s25 =	simm.s32 $0x4B00  }
.LBB2_3:
.Ltmp4:
0x314: {  	(pc) =	sbr.rel .LBB2_6-.Ltmp4, $3  }
0x315: {  	_ =	sdelay $0x1  }
0x316: {  	s24 =	simm.s32 $0x2580;
	s29 =	simm.s32 $0x4650;
	s28 =	simm.s32 $0x47E0  }
0x317: {  	s26 =	simm.s32 $0x4970;
	s25 =	simm.s32 $0x4B00;
	s23 =	stileid.u32  }
.Lfunc_end2:
_tile_overlayer_lowered:
.L_overlay_start_2:
0x318: {  	(tag) =	ssettag $0x2  }
0x319: {  	s0 =	rddreg [dreg:$0x0];
	s2 =	stileid.u32  }
0x31a: {  	s1 =	rddreg [dreg:$0x1];
	p0 =	sne.s32 s2, $0x0  }
0x31b: {  	s3 =	rddreg [dreg:$0x2];
	[bflag:$0x3] =	sbarrier.arrive $0xFFFF;
	s2 =	simm.s32 @!p0 $0x1C0B  }
0x31c: {  	[timem:s3], [sflag:s2] =	dma.local @!p0 [hbm:s0], s1  }
0x31d: {  	s0 =	simm.s32 @!p0 $0xB  }
0x31e: {  	_ =	swait.ge @!p0 [sflag:s0], s1  }
0x31f: {  	s1 =	ssub.s32 @!p0 $0x0, s1;
	[sflag:s0] =	ssyncset.done @!p0 $0x0  }
0x320: {  	[sflag:s0] =	ssyncadd.s32 @!p0 s1  }
0x321: {  	[bflag:$0x3] =	sbarrier.arrive $0xFFFF  }
0x322: {  	_ =	shalt  }

// kernel: kernel.21.cloned.1.call-start
scs
__scs_entry_jumppad:
0x0: {  	(pc) =	sbr.rel $0x88, $3  }
0x1: {  	(tag) =	ssettag $0x0;
	lr =	simm.s32 $0x1  }
0x2: {  	[smem:$0x3F91] =	sst lr;
	_ =	strace $0xD0000000  }
0x3: {  	_ = 	snop  }
0x4: {  	_ = 	snop  }
0x5: {  	_ = 	snop  }
0x6: {  	_ = 	snop  }
0x7: {  	_ = 	snop  }
__scs_overlays_trampoline_lowered:
0x8: {  	[smem:$0x3FA0] =	sst s0  }
0x9: {  	[smem:$0x3FA1] =	sst s1  }
0xa: {  	[smem:$0x3FA2] =	sst s2  }
0xb: {  	[smem:$0x3FA3] =	sst s3  }
0xc: {  	[smem:$0x3FA4] =	sst s4  }
0xd: {  	[smem:$0x3FA5] =	sst s5  }
0xe: {  	[smem:$0x3FA6] =	sst s6  }
0xf: {  	[smem:$0x3FA7] =	sst s7  }
0x10: {  	[smem:$0x3FA8] =	sst s8  }
0x11: {  	[smem:$0x3FA9] =	sst s9;
	s0 =	simm.s32 @!p0 $0x0  }
0x12: {  	s1 =	sld [smem:$0x3F8F];
	s0 =	simm.s32 @p0 $0x1  }
0x13: {  	[smem:$0x3FAA] =	sst s0;
	s0 =	simm.s32 @!p1 $0x0  }
0x14: {  	s2 =	sld [smem:$0x3F8E];
	s0 =	simm.s32 @p1 $0x1  }
0x15: {  	[smem:$0x3FAB] =	sst s0;
	s0 =	simm.s32 @!p2 $0x0  }
0x16: {  	s3 =	sld [smem:$0x3FDB];
	s0 =	simm.s32 @p2 $0x1  }
0x17: {  	s4 =	simm.s32 $0x1BF5;
	[smem:$0x3FAD] =	sst s0  }
0x18: {  	s0 =	sld [smem:$0x3F90];
	_ =	swait.ge [sflag:s4], $0x0  }
0x19: {  	s7 =	sld [smem:$0x3F91]  }
0x1a: {  	s8 =	sadd.s32 $0xFFFFE003, lr  }
0x1b: {  	s9 =	sadd.s32 $0xFFFFFEF7, lr;
	s5 =	simm.s32 $0xFFFFFFFF;
	p2 =	slt.u32 s8, $0xFFFFF086  }
0x1c: {  	p1 =	slt.u32 s9, $0xF7A;
	s5 =	simm.s32 @!p2 $0x0  }
0x1d: {  	s5 =	simm.s32 @p1 $0x1;
	p0 =	seq.s32 s7, s2  }
0x1e: {  	s7 =	smul.u32 @!p0 $0xF7A, s2;
	p2 =	seq.s32 @!p0 s5, $0x0  }
0x1f: {  	s9 =	smul.u32 $0xF7A, s1;
	s8 =	simm.s32 @!p0 $0x1BF5;
	p2 =	por !p2, p0  }
0x20: {  	[sflag:s8] =	ssyncset.s32 @!p0 $0xFFFFF086;
	s6 =	sadd.s32 @!p0 s3, s7;
	s7 =	simm.s32 @!p0 $0x108  }
0x21: {  	s3 =	sadd.s32 s3, s9;
	s6 =	sadd.s32 @!p0 $0x88, s6;
	s7 =	simm.s32 @p2 $0x1082  }
0x22: {  	[simem:s7], [sflag:s8] =	dma.local @!p0 [hbm:s6], $0xF7A  }
0x23: {  	s9 =	sor.u32 $0xD0000000, s2;
	s6 =	simm.s32 $0x108;
	_ =	swait.ge @!p0 [sflag:s8], $0x0  }
0x24: {  	s3 =	sadd.s32 $0x88, s3;
	s6 =	simm.s32 @!p1 $0x1082;
	[sflag:s4] =	ssyncset.s32 $0xFFFFF086  }
0x25: {  	[simem:s6], [sflag:s4] =	dma.local [hbm:s3], $0xF7A  }
0x26: {  	[smem:$0x3F91] =	sst s1;
	(tag) =	ssettag s2;
	_ =	strace s9  }
0x27: {  	s1 =	sld [smem:$0x3FA1]  }
0x28: {  	s2 =	sld [smem:$0x3FA2]  }
0x29: {  	s4 =	sld [smem:$0x3FA4]  }
0x2a: {  	p0 =	seq.s32 s5, $0x0;
	s5 =	sld [smem:$0x3FA5]  }
0x2b: {  	s6 =	sld [smem:$0x3FA6]  }
0x2c: {  	s7 =	sld [smem:$0x3FA7]  }
0x2d: {  	s3 =	simm.s32 $0x108;
	s8 =	sld [smem:$0x3FA8]  }
0x2e: {  	s3 =	simm.s32 @!p0 $0x1082;
	s9 =	sld [smem:$0x3FA9]  }
0x2f: {  	lr =	sadd.s32 s0, s3;
	s0 =	sld [smem:$0x3FA0]  }
0x30: {  	s3 =	sld [smem:$0x3FA3]  }
0x31: {  	[smem:$0x3FAC] =	sst s10  }
0x32: {  	s10 =	sld [smem:$0x3FAA];
	_ =	sdelay $0x3  }
0x33: {  	p0 =	seq.s32 s10, $0x1;
	s10 =	sld [smem:$0x3FAC];
	_ =	sdelay $0x3  }
0x34: {  	[smem:$0x3FAC] =	sst s10  }
0x35: {  	s10 =	sld [smem:$0x3FAB];
	_ =	sdelay $0x3  }
0x36: {  	p1 =	seq.s32 s10, $0x1;
	s10 =	sld [smem:$0x3FAC];
	_ =	sdelay $0x3  }
0x37: {  	[smem:$0x3FAC] =	sst s10  }
0x38: {  	s10 =	sld [smem:$0x3FAD]  }
0x39: {  	_ = 	snop;
	(pc) =	sbr.ind lr, $3  }
0x3a: {  	_ = 	snop  }
0x3b: {  	_ = 	snop  }
0x3c: {  	p2 =	seq.s32 s10, $0x1;
	s10 =	sld [smem:$0x3FAC]  }
0x3d: {  	_ =	shalt  }
0x3e: {  	_ =	shalt  }
0x3f: {  	_ =	shalt  }
0x40: {  	_ =	shalt  }
0x41: {  	_ =	shalt  }
0x42: {  	_ =	shalt  }
0x43: {  	_ =	shalt  }
0x44: {  	_ =	shalt  }
0x45: {  	_ =	shalt  }
0x46: {  	_ =	shalt  }
0x47: {  	_ =	shalt  }
0x48: {  	_ =	shalt  }
0x49: {  	_ =	shalt  }
0x4a: {  	_ =	shalt  }
0x4b: {  	_ =	shalt  }
0x4c: {  	_ =	shalt  }
0x4d: {  	_ =	shalt  }
0x4e: {  	_ =	shalt  }
0x4f: {  	_ =	shalt  }
0x50: {  	_ =	shalt  }
0x51: {  	_ =	shalt  }
0x52: {  	_ =	shalt  }
0x53: {  	_ =	shalt  }
0x54: {  	_ =	shalt  }
0x55: {  	_ =	shalt  }
0x56: {  	_ =	shalt  }
0x57: {  	_ =	shalt  }
0x58: {  	_ =	shalt  }
0x59: {  	_ =	shalt  }
0x5a: {  	_ =	shalt  }
0x5b: {  	_ =	shalt  }
0x5c: {  	_ =	shalt  }
0x5d: {  	_ =	shalt  }
0x5e: {  	_ =	shalt  }
0x5f: {  	_ =	shalt  }
0x60: {  	_ =	shalt  }
0x61: {  	_ =	shalt  }
0x62: {  	_ =	shalt  }
0x63: {  	_ =	shalt  }
0x64: {  	_ =	shalt  }
0x65: {  	_ =	shalt  }
0x66: {  	_ =	shalt  }
0x67: {  	_ =	shalt  }
0x68: {  	_ =	shalt  }
0x69: {  	_ =	shalt  }
0x6a: {  	_ =	shalt  }
0x6b: {  	_ =	shalt  }
0x6c: {  	_ =	shalt  }
0x6d: {  	_ =	shalt  }
0x6e: {  	_ =	shalt  }
0x6f: {  	_ =	shalt  }
0x70: {  	_ =	shalt  }
0x71: {  	_ =	shalt  }
0x72: {  	_ =	shalt  }
0x73: {  	_ =	shalt  }
0x74: {  	_ =	shalt  }
0x75: {  	_ =	shalt  }
0x76: {  	_ =	shalt  }
0x77: {  	_ =	shalt  }
0x78: {  	_ =	shalt  }
0x79: {  	_ =	shalt  }
0x7a: {  	_ =	shalt  }
0x7b: {  	_ =	shalt  }
0x7c: {  	_ =	shalt  }
0x7d: {  	_ =	shalt  }
0x7e: {  	_ =	shalt  }
0x7f: {  	_ =	shalt  }
0x80: {  	_ =	shalt  }
0x81: {  	_ =	shalt  }
0x82: {  	_ =	shalt  }
0x83: {  	_ =	shalt  }
0x84: {  	_ =	shalt  }
0x85: {  	_ =	shalt  }
0x86: {  	_ =	shalt  }
0x87: {  	_ =	shalt  }
.Lfunc_end0:
.L_simem_size_0:
called_computation.3_lowered:
.L_overlay_start_0:
0x88: {  	s2 =	sld [smem:$0x3FD9]  }
0x89: {  	s3 =	sld [smem:$0x3FFE];
	_ =	sdelay $0x1  }
0x8a: {  	s1 =	srdreg.scid  }
0x8b: {  	s0 =	sand.u32 $0x1, s1  }
0x8c: {  	s17 =	sshll.u32 s0, $0xA;
	s2 =	sadd.s32 s3, s2  }
0x8d: {  	s2 =	sadd.s32 s2, s17  }
0x8e: {  	[smem:$0x3FB8] =	sst s2  }
0x8f: {  	_ = 	snop  }
0x90: {  	s2 =	sld [smem:$0x3FD0];
	(tm) =	ssettm $0x1  }
0x91: {  	s18 =	sld [smem:$0x3FFB];
	_ =	sdelay $0x3  }
0x92: {  	_ =	strace s18  }
0x93: {  	s3 =	sld [smem:$0x3FFC];
	_ =	sdelay $0x3  }
0x94: {  	_ =	strace s3  }
0x95: {  	s3 =	sld [smem:$0x3FFD];
	_ =	sdelay $0x3  }
0x96: {  	_ =	strace s3  }
0x97: {  	_ =	strace $0x8FFFFFFF  }
0x98: {  	s19 =	sld [smem:$0x3FDB];
	_ =	sdelay $0x1  }
0x99: {  	s4 =	simm.s32 $_scs_section_size  }
0x9a: {  	s5 =	simm.s32 $_size__tile_overlayer_lowered;
	s6 =	simm.s32 $_tile_overlayer_lowered  }
0x9b: {  	s22 =	simm.s32 $0x1BFF;
	s21 =	sshll.u32 s6, $0x1;
	s3 =	sadd.s32 s4, s19  }
0x9c: {  	s7 =	simm.s32 $0x0;
	s20 =	sshll.u32 s5, $0x1;
	s5 =	sadd.s32 s21, s3  }
0x9d: {  	[timem:s7], [sflag:s22] =	dma.local [hbm:s5], s20  }
0x9e: {  	_ =	swait.ge [sflag:s22], s20  }
0x9f: {  	s4 =	ssub.s32 $0x0, s20;
	[sflag:s22] =	ssyncset.done $0x0  }
0xa0: {  	[sflag:s22] =	ssyncadd.s32 s4;
	_ =	sdelay $0x1  }
0xa1: {  	s23 =	simm.s32 $0x1B8B  }
0xa2: {  	_ =	swait.ge [sflag:s23], $0x1  }
0xa3: {  	[sflag:s23] =	ssyncset.done $0x0  }
0xa4: {  	s25 =	simm.s32 $0x1B8E;
	s24 =	sld [smem:$0x3FFE];
	[sflag:s23] =	ssyncadd.s32 $0xFFFFFFFF  }
0xa5: {  	s26 =	simm.s32 $execute0_lowered;
	[smem:$0x3FD2] =	sst s25  }
0xa6: {  	s5 =	sshll.u32 s26, $0x1;
	_ =	strace $0x8000004F;
	[dreg:$0x1] =	wrdreg $0xFFFFFFFF  }
0xa7: {  	s28 =	simm.s32 $_size_execute0_lowered;
	s3 =	sadd.s32 s3, s5;
	[dreg:$0x0] =	wrdreg $0x0  }
0xa8: {  	s5 =	sshll.u32 s28, $0x1;
	[dreg:$0x2] =	wrdreg s3  }
0xa9: {  	[dreg:$0x3] =	wrdreg s5  }
0xaa: {  	[dreg:$0x4] =	wrdreg $0xC0  }
0xab: {  	_ =	task [dreg:s7], $0x5FFFF  }
0xac: {  	[dreg:$0x1] =	wrdreg $0xFFFFFFFF  }
0xad: {  	[dreg:$0x0] =	wrdreg $0x60  }
0xae: {  	[dreg:$0x2] =	wrdreg s24  }
0xaf: {  	[dreg:$0x3] =	wrdreg s2  }
0xb0: {  	[dreg:$0x4] =	wrdreg $0x186A00  }
0xb1: {  	[dreg:$0x5] =	wrdreg $0x9  }
0xb2: {  	_ =	task.clear_ibuf [dreg:s7], $0x6FFFF;
	_ =	strace $0x9000004F  }
0xb3: {  	s29 =	simm.s32 $0x9;
	_ =	strace $0x80000051  }
0xb4: {  	_ =	swait.ge [sflag:s29], $0x1  }
0xb5: {  	[sflag:s29] =	ssyncadd.s32 $0xFFFFFFFF  }
0xb6: {  	_ =	strace $0x90000051  }
0xb7: {  	_ =	sfence  }
0xb8: {  	s30 =	sld [smem:$0x0];
	_ =	sdelay $0x2  }
0xb9: {  	s31 =	sshll.u32 s1, $0xD;
	s1 =	sshrl.u32 s1, $0x2  }
0xba: {  	s3 =	sand.u32 $0x4000, s31;
	s1 =	sadd.s32 s1, s30  }
0xbb: {  	s0 =	sor.u32 s3, s0;
	s1 =	sshll.u32 s1, $0x11  }
0xbc: {  	s0 =	sor.u32 s1, s0  }
0xbd: {  	s0 =	sadd.s32 $0x8F2B, s0  }
0xbe: {  	[sflag:s0] =	ssyncadd.remote.s32 $0x1  }
0xbf: {  	_ =	sfence.sel $0xFFFF  }
0xc0: {  	[dreg:$0x0] =	wrdreg $0xFFFFFFFF;
	(pc) =	sbr.abs _section_cstart, $3  }
0xc1: {  	[dreg:$0x1] =	wrdreg $0xFFFFFFFF  }
0xc2: {  	_ =	task.clear_ibuf [dreg:s7], $0x2FFFF;
	_ =	strace $0x9FFFFFFF  }
0xc3: {  	(tm) =	ssettm $0x7FFFFFFF  }
tec
execute0_lowered:
.L_overlay_start_1:
0x0: {  	(tag) =	ssettag $0x1  }
0x1: {  	s0 =	rddreg [dreg:$0x0]  }
0x2: {  	s1 =	srdreg.scid;
	s3 =	rddreg [dreg:$0x1]  }
0x3: {  	s24 =	stileid.u32;
	s2 =	rddreg [dreg:$0x2]  }
0x4: {  	s23 =	simm.s32 $0x0;
	s31 =	simm.s32 $0x2710;
	s12 =	simm.s32 $0x4E20  }
0x5: {  	s21 =	simm.s32 $0x7D0;
	s11 =	simm.s32 $0x8CA0;
	s22 =	simm.s32 $0xBB8  }
0x6: {  	s10 =	simm.s32 $0xCB20;
	s25 =	simm.s32 $0xFA0;
	s9 =	simm.s32 $0x109A0  }
0x7: {  	s26 =	simm.s32 $0x2AF8;
	s13 =	simm.s32 $0x2EE0;
	s14 =	simm.s32 $0x32C8  }
0x8: {  	p0 =	por $0x0, $0x0;
	s30 =	simm.s32 $0x3A98;
	s29 =	simm.s32 $0x3E80  }
0x9: {  	s28 =	simm.s32 $0x4268;
	s1 =	sand.u32 $0x1, s1;
	[smem:$0x7FF] =	sst s23  }
0xa: {  	s4 =	sshll.u32 s24, $0x1;
	_ =	strace $0x80000050;
	[dreg:$0x8] =	wrdreg s21  }
0xb: {  	s5 =	smul.u32 $0x2800, s24;
	s6 =	sadd.s32 $0x1BE00, s0;
	[dreg:$0x9] =	wrdreg s22  }
0xc: {  	s19 =	sshll.u32 s24, $0x6;
	s4 =	sor.u32 s1, s4;
	[dreg:$0xa] =	wrdreg s25  }
0xd: {  	s8 =	ssub.s32 $0x2, s1;
	s1 =	smul.u32 $0x28000, s1;
	[dreg:$0xb] =	wrdreg s26  }
0xe: {  	s22 =	simm.s32 $0x1;
	s21 =	simm.s32 $0x2;
	[dreg:$0xc] =	wrdreg s13  }
0xf: {  	[dreg:$0xd] =	wrdreg s14;
	s13 =	simm.s32 $0x6;
	s14 =	simm.s32 $0x7  }
0x10: {  	s25 =	simm.s32 $0x1B58;
	s26 =	simm.s32 $0x1F40;
	s4 =	smul.u32 $0x4E2, s4  }
0x11: {  	s7 =	sshrl.u32 s5, $0x3;
	s15 =	sshrl.u32 s8, $0x1;
	[dreg:$0x11] =	wrdreg s25  }
0x12: {  	s16 =	sadd.s32 s5, s2;
	[dreg:$0x12] =	wrdreg s26;
	s26 =	simm.s32 $0x4650  }
0x13: {  	s25 =	simm.s32 $0x4A38;
	s1 =	sadd.s32 s5, s1;
	s5 =	sshrl.u32 s16, $0x3  }
0x14: {  	s16 =	simm.s32 $0x1388;
	s4 =	sadd.s32 s4, s0;
	s0 =	sadd.s32 s7, s0  }
0x15: {  	s7 =	ssub.s32 s8, s15;
	s1 =	sshrl.u32 s1, $0x3;
	s8 =	simm.s32 $0x14820  }
0x16: {  	s15 =	simm.s32 $0x36B0;
	[dreg:$0xf] =	wrdreg s16;
	s16 =	simm.s32 $0x9  }
0x17: {  	s0 =	sadd.s32 $0x16E00, s0;
	s17 =	sadd.s32 $0x3200, s4;
	s18 =	sadd.s32 $0xD000, s4  }
0x18: {  	s20 =	sadd.s32 s3, s1;
	[dreg:$0x4] =	wrdreg s0;
	s0 =	smax.u32 s7, $0x1  }
0x19: {  	s3 =	sor.u32 $0x1C0B, s19;
	[dreg:$0xe] =	wrdreg s15;
	p1 =	sne.s32 s0, $0x1  }
.Ltmp0:
0x1a: {  	s4 =	simm.s32 $0xB;
	[dreg:$0x5] =	wrdreg s17;
	(pc) =	sbr.rel @!p1 .LBB2_1-.Ltmp0, $4  }
0x1b: {  	s19 =	simm.s32 $0x4;
	s15 =	simm.s32 $0x8;
	[dreg:$0x6] =	wrdreg s18  }
0x1c: {  	[dreg:$0x7] =	wrdreg s20;
	s7 =	simm.s32 $0x3E8;
	s17 =	simm.s32 $0x1770  }
0x1d: {  	s20 =	simm.s32 $0x3;
	s18 =	simm.s32 $0x5;
	[dreg:$0x10] =	wrdreg s17  }
0x1e: {  	s17 =	simm.s32 $0xA;
	s1 =	sadd.s32 $0xFFFFFFFF, s0;
	s0 =	rddreg [dreg:$0x4]  }
0x1f: {  	[spmem:s5], [sflag:s3] =	dma.local [hbm:s0], $0x500  }
0x20: {  	_ =	swait.ge [sflag:s4], $0x500  }
0x21: {  	[sflag:s4] =	ssyncset.done $0x0  }
0x22: {  	s24 =	rddreg [dreg:$0x5];
	[sflag:s4] =	ssyncadd.s32 $0xFFFFFB00  }
0x23: {  	[tilespmem:s23], [sflag:$0xB] =	stream.linear.gather [hbm4b:s24+s23], $0x2710, $0x38;
	[tilespmem:$0x1AEA0] =	vst v63  }
0x24: {  	_ =	swait.ge [sflag:s4], $0x2710  }
0x25: {  	[sflag:s4] =	ssyncset.done $0x0  }
0x26: {  	s24 =	rddreg [dreg:$0x6];
	[sflag:s4] =	ssyncadd.s32 $0xFFFFD8F0  }
0x27: {  	[tilespmem:s31], [sflag:$0xB] =	stream.linear.gather [hbm4b:s24+s23], $0x2710, $0x38;
	[tilespmem:$0x1AEA0] =	vst v63  }
0x28: {  	_ =	swait.ge [sflag:s4], $0x2710  }
0x29: {  	[sflag:s4] =	ssyncset.done $0x0  }
0x2a: {  	[sflag:s4] =	ssyncadd.s32 $0xFFFFD8F0  }
0x2b: {  	[bflag:$0x0] =	sbarrier.arrive $0xFFFF  }
0x2c: {  	[tilespmem:s12], [sflag:$0x1] =	stream.indirect.gather [hbm4b:s6+s7], $0x10, s23, s7, $0xb8;
	[tilespmem:$0x1AEA0] =	vst v63  }
0x2d: {  	_ = 	snop  }
0x2e: {  	[tilespmem:s11], [sflag:$0x2] =	stream.indirect.gather [hbm4b:s6+s7], $0x10, s7, s7, $0xb8;
	[tilespmem:$0x1AEA0] =	vst v63  }
0x2f: {  	s0 =	rddreg [dreg:$0x8]  }
0x30: {  	[tilespmem:s10], [sflag:$0x3] =	stream.indirect.gather [hbm4b:s6+s7], $0x10, s0, s7, $0xb8;
	[tilespmem:$0x1AEA0] =	vst v63  }
0x31: {  	s24 =	smov.u32 s1;
	s1 =	rddreg [dreg:$0x9]  }
0x32: {  	[tilespmem:s9], [sflag:$0x4] =	stream.indirect.gather [hbm4b:s6+s7], $0x10, s1, s7, $0xb8;
	[tilespmem:$0x1AEA0] =	vst v63  }
0x33: {  	s0 =	rddreg [dreg:$0xa]  }
0x34: {  	[tilespmem:s8], [sflag:$0x5] =	stream.indirect.gather [hbm4b:s6+s7], $0x10, s0, s7, $0xb8;
	[tilespmem:$0x1AEA0] =	vst v63  }
0x35: {  	_ =	swait.ge [sflag:s22], $0x3E80  }
0x36: {  	[sflag:s22] =	ssyncset.done $0x0  }
0x37: {  	[sflag:s22] =	ssyncadd.s32 $0xFFFFC180  }
0x38: {  	[spmem:s2] =	stream.indirect.scatter.add.f32 [tilespmem:s12], [sflag:$0x6], $0x10, s31, s7, $0xb8;
	[tilespmem:$0x1AEA0] =	vst v63  }
0x39: {  	_ =	swait.ge [sflag:s21], $0x3E80  }
0x3a: {  	[sflag:s21] =	ssyncset.done $0x0  }
0x3b: {  	s1 =	rddreg [dreg:$0xb];
	[sflag:s21] =	ssyncadd.s32 $0xFFFFC180  }
0x3c: {  	[spmem:s2] =	stream.indirect.scatter.add.f32 [tilespmem:s11], [sflag:$0x7], $0x10, s1, s7, $0xb8;
	[tilespmem:$0x1AEA0] =	vst v63  }
0x3d: {  	_ =	swait.ge [sflag:s20], $0x3E80  }
0x3e: {  	[sflag:s20] =	ssyncset.done $0x0  }
0x3f: {  	s1 =	rddreg [dreg:$0xc];
	[sflag:s20] =	ssyncadd.s32 $0xFFFFC180  }
0x40: {  	[spmem:s2] =	stream.indirect.scatter.add.f32 [tilespmem:s10], [sflag:$0x8], $0x10, s1, s7, $0xb8;
	[tilespmem:$0x1AEA0] =	vst v63  }
0x41: {  	_ =	swait.ge [sflag:s19], $0x3E80  }
0x42: {  	[sflag:s19] =	ssyncset.done $0x0  }
0x43: {  	s1 =	rddreg [dreg:$0xd];
	[sflag:s19] =	ssyncadd.s32 $0xFFFFC180  }
0x44: {  	[spmem:s2] =	stream.indirect.scatter.add.f32 [tilespmem:s9], [sflag:$0x9], $0x10, s1, s7, $0xb8;
	[tilespmem:$0x1AEA0] =	vst v63  }
0x45: {  	_ =	swait.ge [sflag:s18], $0x3E80  }
0x46: {  	[sflag:s18] =	ssyncset.done $0x0  }
0x47: {  	s1 =	rddreg [dreg:$0xe];
	[sflag:s18] =	ssyncadd.s32 $0xFFFFC180  }
0x48: {  	[spmem:s2] =	stream.indirect.scatter.add.f32 [tilespmem:s8], [sflag:$0xA], $0x10, s1, s7, $0xb8;
	[tilespmem:$0x1AEA0] =	vst v63  }
0x49: {  	_ =	swait.ge [sflag:s13], $0x3E80  }
0x4a: {  	[sflag:s13] =	ssyncset.done $0x0  }
0x4b: {  	s1 =	rddreg [dreg:$0xf];
	[sflag:s13] =	ssyncadd.s32 $0xFFFFC180  }
0x4c: {  	[tilespmem:s12], [sflag:$0x1] =	stream.indirect.gather [hbm4b:s6+s7], $0x10, s1, s7, $0xb8;
	[tilespmem:$0x1AEA0] =	vst v63  }
0x4d: {  	_ =	swait.ge [sflag:s14], $0x3E80  }
0x4e: {  	[sflag:s14] =	ssyncset.done $0x0  }
0x4f: {  	s1 =	rddreg [dreg:$0x10];
	[sflag:s14] =	ssyncadd.s32 $0xFFFFC180  }
0x50: {  	[tilespmem:s11], [sflag:$0x2] =	stream.indirect.gather [hbm4b:s6+s7], $0x10, s1, s7, $0xb8;
	[tilespmem:$0x1AEA0] =	vst v63  }
0x51: {  	_ =	swait.ge [sflag:s15], $0x3E80  }
0x52: {  	[sflag:s15] =	ssyncset.done $0x0  }
0x53: {  	s1 =	rddreg [dreg:$0x11];
	[sflag:s15] =	ssyncadd.s32 $0xFFFFC180  }
0x54: {  	[tilespmem:s10], [sflag:$0x3] =	stream.indirect.gather [hbm4b:s6+s7], $0x10, s1, s7, $0xb8;
	[tilespmem:$0x1AEA0] =	vst v63  }
0x55: {  	_ =	swait.ge [sflag:s16], $0x3E80  }
0x56: {  	[sflag:s16] =	ssyncset.done $0x0  }
0x57: {  	s1 =	rddreg [dreg:$0x12];
	[sflag:s16] =	ssyncadd.s32 $0xFFFFC180  }
0x58: {  	[tilespmem:s9], [sflag:$0x4] =	stream.indirect.gather [hbm4b:s6+s7], $0x10, s1, s7, $0xb8;
	[tilespmem:$0x1AEA0] =	vst v63  }
0x59: {  	_ =	swait.ge [sflag:s17], $0x3E80  }
0x5a: {  	[sflag:s17] =	ssyncset.done $0x0  }
0x5b: {  	s1 =	simm.s32 $0x2328;
	[sflag:s17] =	ssyncadd.s32 $0xFFFFC180  }
0x5c: {  	[tilespmem:s8], [sflag:$0x5] =	stream.indirect.gather [hbm4b:s6+s7], $0x10, s1, s7, $0xb8;
	[tilespmem:$0x1AEA0] =	vst v63  }
0x5d: {  	_ =	swait.ge [sflag:s22], $0x3E80  }
0x5e: {  	[sflag:s22] =	ssyncset.done $0x0  }
0x5f: {  	[sflag:s22] =	ssyncadd.s32 $0xFFFFC180  }
0x60: {  	[spmem:s2] =	stream.indirect.scatter.add.f32 [tilespmem:s12], [sflag:$0x6], $0x10, s30, s7, $0xb8;
	[tilespmem:$0x1AEA0] =	vst v63  }
0x61: {  	_ =	swait.ge [sflag:s21], $0x3E80  }
0x62: {  	[sflag:s21] =	ssyncset.done $0x0  }
0x63: {  	[sflag:s21] =	ssyncadd.s32 $0xFFFFC180  }
0x64: {  	[spmem:s2] =	stream.indirect.scatter.add.f32 [tilespmem:s11], [sflag:$0x7], $0x10, s29, s7, $0xb8;
	[tilespmem:$0x1AEA0] =	vst v63  }
0x65: {  	_ =	swait.ge [sflag:s20], $0x3E80  }
0x66: {  	[sflag:s20] =	ssyncset.done $0x0  }
0x67: {  	[sflag:s20] =	ssyncadd.s32 $0xFFFFC180  }
0x68: {  	[spmem:s2] =	stream.indirect.scatter.add.f32 [tilespmem:s10], [sflag:$0x8], $0x10, s28, s7, $0xb8;
	[tilespmem:$0x1AEA0] =	vst v63  }
0x69: {  	_ =	swait.ge [sflag:s19], $0x3E80  }
0x6a: {  	[sflag:s19] =	ssyncset.done $0x0  }
0x6b: {  	[sflag:s19] =	ssyncadd.s32 $0xFFFFC180  }
0x6c: {  	[spmem:s2] =	stream.indirect.scatter.add.f32 [tilespmem:s9], [sflag:$0x9], $0x10, s26, s7, $0xb8;
	[tilespmem:$0x1AEA0] =	vst v63  }
0x6d: {  	_ =	swait.ge [sflag:s18], $0x3E80  }
0x6e: {  	[sflag:s18] =	ssyncset.done $0x0  }
0x6f: {  	[sflag:s18] =	ssyncadd.s32 $0xFFFFC180  }
0x70: {  	[spmem:s2] =	stream.indirect.scatter.add.f32 [tilespmem:s8], [sflag:$0xA], $0x10, s25, s7, $0xb8;
	[tilespmem:$0x1AEA0] =	vst v63  }
0x71: {  	_ =	swait.ge [sflag:s13], $0x3E80  }
0x72: {  	[sflag:s13] =	ssyncset.done $0x0  }
0x73: {  	[sflag:s13] =	ssyncadd.s32 $0xFFFFC180  }
0x74: {  	_ =	swait.ge [sflag:s14], $0x3E80  }
0x75: {  	[sflag:s14] =	ssyncset.done $0x0  }
0x76: {  	[sflag:s14] =	ssyncadd.s32 $0xFFFFC180  }
0x77: {  	_ =	swait.ge [sflag:s15], $0x3E80  }
0x78: {  	[sflag:s15] =	ssyncset.done $0x0  }
0x79: {  	[sflag:s15] =	ssyncadd.s32 $0xFFFFC180  }
0x7a: {  	_ =	swait.ge [sflag:s16], $0x3E80  }
0x7b: {  	[sflag:s16] =	ssyncset.done $0x0  }
0x7c: {  	[sflag:s16] =	ssyncadd.s32 $0xFFFFC180  }
0x7d: {  	_ =	swait.ge [sflag:s17], $0x3E80  }
0x7e: {  	[sflag:s17] =	ssyncset.done $0x0  }
0x7f: {  	p1 =	sne.s32 s24, $0x1;
	[sflag:s17] =	ssyncadd.s32 $0xFFFFC180  }
.Ltmp1:
0x80: {  	[bflag:$0x0] =	sbarrier.arrive $0xFFFF;
	(pc) =	sbr.rel @!p1 .LBB2_3-.Ltmp1, $4  }
0x81: {  	s1 =	rddreg [dreg:$0x7]  }
0x82: {  	[hbm:s1], [sflag:s3] =	dma.local [spmem:s5], $0x500  }
0x83: {  	p0 =	por $0x1, $0x1;
	_ =	swait.ge [sflag:s4], $0x500  }
0x84: {  	s1 =	sadd.s32 $0xFFFFFFFF, s24;
	s0 =	rddreg [dreg:$0x4];
	[sflag:s4] =	ssyncset.done $0x0  }
.LBB2_4:
0x85: {  	[sflag:s4] =	ssyncadd.s32 $0xFFFFFB00  }
0x86: {  	[spmem:s5], [sflag:s3] =	dma.local [hbm:s0], $0x500  }
0x87: {  	_ =	swait.ge [sflag:s4], $0x500  }
0x88: {  	[sflag:s4] =	ssyncset.done $0x0  }
0x89: {  	s24 =	rddreg [dreg:$0x5];
	[sflag:s4] =	ssyncadd.s32 $0xFFFFFB00  }
0x8a: {  	[tilespmem:s23], [sflag:$0xB] =	stream.linear.gather [hbm4b:s24+s23], $0x2710, $0x38;
	[tilespmem:$0x1AEA0] =	vst v63  }
0x8b: {  	_ =	swait.ge [sflag:s4], $0x2710  }
0x8c: {  	[sflag:s4] =	ssyncset.done $0x0  }
0x8d: {  	s24 =	rddreg [dreg:$0x6];
	[sflag:s4] =	ssyncadd.s32 $0xFFFFD8F0  }
0x8e: {  	[tilespmem:s31], [sflag:$0xB] =	stream.linear.gather [hbm4b:s24+s23], $0x2710, $0x38;
	[tilespmem:$0x1AEA0] =	vst v63  }
0x8f: {  	_ =	swait.ge [sflag:s4], $0x2710  }
0x90: {  	[sflag:s4] =	ssyncset.done $0x0  }
0x91: {  	[sflag:s4] =	ssyncadd.s32 $0xFFFFD8F0  }
0x92: {  	[bflag:$0x0] =	sbarrier.arrive $0xFFFF  }
0x93: {  	[tilespmem:s12], [sflag:$0x1] =	stream.indirect.gather [hbm4b:s6+s7], $0x10, s23, s7, $0xb8;
	[tilespmem:$0x1AEA0] =	vst v63  }
0x94: {  	_ = 	snop  }
0x95: {  	[tilespmem:s11], [sflag:$0x2] =	stream.indirect.gather [hbm4b:s6+s7], $0x10, s7, s7, $0xb8;
	[tilespmem:$0x1AEA0] =	vst v63  }
0x96: {  	s0 =	rddreg [dreg:$0x8]  }
0x97: {  	[tilespmem:s10], [sflag:$0x3] =	stream.indirect.gather [hbm4b:s6+s7], $0x10, s0, s7, $0xb8;
	[tilespmem:$0x1AEA0] =	vst v63  }
0x98: {  	s24 =	rddreg [dreg:$0x9]  }
0x99: {  	[tilespmem:s9], [sflag:$0x4] =	stream.indirect.gather [hbm4b:s6+s7], $0x10, s24, s7, $0xb8;
	[tilespmem:$0x1AEA0] =	vst v63  }
0x9a: {  	s0 =	rddreg [dreg:$0xa]  }
0x9b: {  	[tilespmem:s8], [sflag:$0x5] =	stream.indirect.gather [hbm4b:s6+s7], $0x10, s0, s7, $0xb8;
	[tilespmem:$0x1AEA0] =	vst v63  }
0x9c: {  	_ =	swait.ge [sflag:s22], $0x3E80  }
0x9d: {  	[sflag:s22] =	ssyncset.done $0x0  }
0x9e: {  	[sflag:s22] =	ssyncadd.s32 $0xFFFFC180  }
0x9f: {  	[spmem:s2] =	stream.indirect.scatter.add.f32 [tilespmem:s12], [sflag:$0x6], $0x10, s31, s7, $0xb8;
	[tilespmem:$0x1AEA0] =	vst v63  }
0xa0: {  	_ =	swait.ge [sflag:s21], $0x3E80  }
0xa1: {  	[sflag:s21] =	ssyncset.done $0x0  }
0xa2: {  	s24 =	rddreg [dreg:$0xb];
	[sflag:s21] =	ssyncadd.s32 $0xFFFFC180  }
0xa3: {  	[spmem:s2] =	stream.indirect.scatter.add.f32 [tilespmem:s11], [sflag:$0x7], $0x10, s24, s7, $0xb8;
	[tilespmem:$0x1AEA0] =	vst v63  }
0xa4: {  	_ =	swait.ge [sflag:s20], $0x3E80  }
0xa5: {  	[sflag:s20] =	ssyncset.done $0x0  }
0xa6: {  	s24 =	rddreg [dreg:$0xc];
	[sflag:s20] =	ssyncadd.s32 $0xFFFFC180  }
0xa7: {  	[spmem:s2] =	stream.indirect.scatter.add.f32 [tilespmem:s10], [sflag:$0x8], $0x10, s24, s7, $0xb8;
	[tilespmem:$0x1AEA0] =	vst v63  }
0xa8: {  	_ =	swait.ge [sflag:s19], $0x3E80  }
0xa9: {  	[sflag:s19] =	ssyncset.done $0x0  }
0xaa: {  	s24 =	rddreg [dreg:$0xd];
	[sflag:s19] =	ssyncadd.s32 $0xFFFFC180  }
0xab: {  	[spmem:s2] =	stream.indirect.scatter.add.f32 [tilespmem:s9], [sflag:$0x9], $0x10, s24, s7, $0xb8;
	[tilespmem:$0x1AEA0] =	vst v63  }
0xac: {  	_ =	swait.ge [sflag:s18], $0x3E80  }
0xad: {  	[sflag:s18] =	ssyncset.done $0x0  }
0xae: {  	s24 =	rddreg [dreg:$0xe];
	[sflag:s18] =	ssyncadd.s32 $0xFFFFC180  }
0xaf: {  	[spmem:s2] =	stream.indirect.scatter.add.f32 [tilespmem:s8], [sflag:$0xA], $0x10, s24, s7, $0xb8;
	[tilespmem:$0x1AEA0] =	vst v63  }
0xb0: {  	_ =	swait.ge [sflag:s13], $0x3E80  }
0xb1: {  	[sflag:s13] =	ssyncset.done $0x0  }
0xb2: {  	s24 =	rddreg [dreg:$0xf];
	[sflag:s13] =	ssyncadd.s32 $0xFFFFC180  }
0xb3: {  	[tilespmem:s12], [sflag:$0x1] =	stream.indirect.gather [hbm4b:s6+s7], $0x10, s24, s7, $0xb8;
	[tilespmem:$0x1AEA0] =	vst v63  }
0xb4: {  	_ =	swait.ge [sflag:s14], $0x3E80  }
0xb5: {  	[sflag:s14] =	ssyncset.done $0x0  }
0xb6: {  	s24 =	rddreg [dreg:$0x10];
	[sflag:s14] =	ssyncadd.s32 $0xFFFFC180  }
0xb7: {  	[tilespmem:s11], [sflag:$0x2] =	stream.indirect.gather [hbm4b:s6+s7], $0x10, s24, s7, $0xb8;
	[tilespmem:$0x1AEA0] =	vst v63  }
0xb8: {  	_ =	swait.ge [sflag:s15], $0x3E80  }
0xb9: {  	[sflag:s15] =	ssyncset.done $0x0  }
0xba: {  	s24 =	rddreg [dreg:$0x11];
	[sflag:s15] =	ssyncadd.s32 $0xFFFFC180  }
0xbb: {  	[tilespmem:s10], [sflag:$0x3] =	stream.indirect.gather [hbm4b:s6+s7], $0x10, s24, s7, $0xb8;
	[tilespmem:$0x1AEA0] =	vst v63  }
0xbc: {  	_ =	swait.ge [sflag:s16], $0x3E80  }
0xbd: {  	[sflag:s16] =	ssyncset.done $0x0  }
0xbe: {  	s24 =	rddreg [dreg:$0x12];
	[sflag:s16] =	ssyncadd.s32 $0xFFFFC180  }
0xbf: {  	[tilespmem:s9], [sflag:$0x4] =	stream.indirect.gather [hbm4b:s6+s7], $0x10, s24, s7, $0xb8;
	[tilespmem:$0x1AEA0] =	vst v63  }
0xc0: {  	_ =	swait.ge [sflag:s17], $0x3E80  }
0xc1: {  	[sflag:s17] =	ssyncset.done $0x0  }
0xc2: {  	s24 =	simm.s32 $0x2328;
	[sflag:s17] =	ssyncadd.s32 $0xFFFFC180  }
0xc3: {  	[tilespmem:s8], [sflag:$0x5] =	stream.indirect.gather [hbm4b:s6+s7], $0x10, s24, s7, $0xb8;
	[tilespmem:$0x1AEA0] =	vst v63  }
0xc4: {  	_ =	swait.ge [sflag:s22], $0x3E80  }
0xc5: {  	[sflag:s22] =	ssyncset.done $0x0  }
0xc6: {  	[sflag:s22] =	ssyncadd.s32 $0xFFFFC180  }
0xc7: {  	[spmem:s2] =	stream.indirect.scatter.add.f32 [tilespmem:s12], [sflag:$0x6], $0x10, s30, s7, $0xb8;
	[tilespmem:$0x1AEA0] =	vst v63  }
0xc8: {  	_ =	swait.ge [sflag:s21], $0x3E80  }
0xc9: {  	[sflag:s21] =	ssyncset.done $0x0  }
0xca: {  	[sflag:s21] =	ssyncadd.s32 $0xFFFFC180  }
0xcb: {  	[spmem:s2] =	stream.indirect.scatter.add.f32 [tilespmem:s11], [sflag:$0x7], $0x10, s29, s7, $0xb8;
	[tilespmem:$0x1AEA0] =	vst v63  }
0xcc: {  	_ =	swait.ge [sflag:s20], $0x3E80  }
0xcd: {  	[sflag:s20] =	ssyncset.done $0x0  }
0xce: {  	[sflag:s20] =	ssyncadd.s32 $0xFFFFC180  }
0xcf: {  	[spmem:s2] =	stream.indirect.scatter.add.f32 [tilespmem:s10], [sflag:$0x8], $0x10, s28, s7, $0xb8;
	[tilespmem:$0x1AEA0] =	vst v63  }
0xd0: {  	_ =	swait.ge [sflag:s19], $0x3E80  }
0xd1: {  	[sflag:s19] =	ssyncset.done $0x0  }
0xd2: {  	[sflag:s19] =	ssyncadd.s32 $0xFFFFC180  }
0xd3: {  	[spmem:s2] =	stream.indirect.scatter.add.f32 [tilespmem:s9], [sflag:$0x9], $0x10, s26, s7, $0xb8;
	[tilespmem:$0x1AEA0] =	vst v63  }
0xd4: {  	_ =	swait.ge [sflag:s18], $0x3E80  }
0xd5: {  	[sflag:s18] =	ssyncset.done $0x0  }
0xd6: {  	[sflag:s18] =	ssyncadd.s32 $0xFFFFC180  }
0xd7: {  	[spmem:s2] =	stream.indirect.scatter.add.f32 [tilespmem:s8], [sflag:$0xA], $0x10, s25, s7, $0xb8;
	[tilespmem:$0x1AEA0] =	vst v63  }
0xd8: {  	_ =	swait.ge [sflag:s13], $0x3E80  }
0xd9: {  	[sflag:s13] =	ssyncset.done $0x0  }
0xda: {  	[sflag:s13] =	ssyncadd.s32 $0xFFFFC180  }
0xdb: {  	_ =	swait.ge [sflag:s14], $0x3E80  }
0xdc: {  	[sflag:s14] =	ssyncset.done $0x0  }
0xdd: {  	[sflag:s14] =	ssyncadd.s32 $0xFFFFC180  }
0xde: {  	_ =	swait.ge [sflag:s15], $0x3E80  }
0xdf: {  	[sflag:s15] =	ssyncset.done $0x0  }
0xe0: {  	[sflag:s15] =	ssyncadd.s32 $0xFFFFC180  }
0xe1: {  	_ =	swait.ge [sflag:s16], $0x3E80  }
0xe2: {  	[sflag:s16] =	ssyncset.done $0x0  }
0xe3: {  	[sflag:s16] =	ssyncadd.s32 $0xFFFFC180  }
0xe4: {  	_ =	swait.ge [sflag:s17], $0x3E80  }
0xe5: {  	[sflag:s17] =	ssyncset.done $0x0  }
0xe6: {  	p1 =	sne.s32 s1, $0x1;
	[sflag:s17] =	ssyncadd.s32 $0xFFFFC180  }
.Ltmp2:
0xe7: {  	[bflag:$0x0] =	sbarrier.arrive $0xFFFF;
	(pc) =	sbr.rel @p1 .LBB2_4-.Ltmp2, $4  }
0xe8: {  	s24 =	rddreg [dreg:$0x7]  }
0xe9: {  	[hbm:s24], [sflag:s3] =	dma.local [spmem:s5], $0x500  }
0xea: {  	_ =	swait.ge [sflag:s4], $0x500  }
0xeb: {  	s1 =	sadd.s32 $0xFFFFFFFF, s1;
	s0 =	rddreg [dreg:$0x4];
	[sflag:s4] =	ssyncset.done $0x0  }
0xec: {  	s25 =	simm.s32 $0x2328;
	s30 =	simm.s32 $0x3A98;
	s29 =	simm.s32 $0x3E80  }
0xed: {  	s28 =	simm.s32 $0x4268;
	s26 =	simm.s32 $0x4650;
	s24 =	stileid.u32  }
.LBB2_6:
0xee: {  	[sflag:s4] =	ssyncadd.s32 @p0 $0xFFFFFB00  }
0xef: {  	[spmem:s5], [sflag:s3] =	dma.local [hbm:s0], $0x500  }
0xf0: {  	_ =	swait.ge [sflag:s4], $0x500  }
0xf1: {  	[sflag:s4] =	ssyncset.done $0x0  }
0xf2: {  	s1 =	rddreg [dreg:$0x5];
	[sflag:s4] =	ssyncadd.s32 $0xFFFFFB00  }
0xf3: {  	[tilespmem:s23], [sflag:$0xB] =	stream.linear.gather [hbm4b:s1+s23], $0x2710, $0x38;
	[tilespmem:$0x1AEA0] =	vst v63  }
0xf4: {  	_ =	swait.ge [sflag:s4], $0x2710  }
0xf5: {  	[sflag:s4] =	ssyncset.done $0x0  }
0xf6: {  	s1 =	rddreg [dreg:$0x6];
	[sflag:s4] =	ssyncadd.s32 $0xFFFFD8F0  }
0xf7: {  	[tilespmem:s31], [sflag:$0xB] =	stream.linear.gather [hbm4b:s1+s23], $0x2710, $0x38;
	[tilespmem:$0x1AEA0] =	vst v63  }
0xf8: {  	_ =	swait.ge [sflag:s4], $0x2710  }
0xf9: {  	[sflag:s4] =	ssyncset.done $0x0  }
0xfa: {  	[sflag:s4] =	ssyncadd.s32 $0xFFFFD8F0  }
0xfb: {  	[bflag:$0x0] =	sbarrier.arrive $0xFFFF  }
0xfc: {  	[tilespmem:s12], [sflag:$0x1] =	stream.indirect.gather [hbm4b:s6+s7], $0x10, s23, s7, $0xb8;
	[tilespmem:$0x1AEA0] =	vst v63  }
0xfd: {  	_ = 	snop  }
0xfe: {  	[tilespmem:s11], [sflag:$0x2] =	stream.indirect.gather [hbm4b:s6+s7], $0x10, s7, s7, $0xb8;
	[tilespmem:$0x1AEA0] =	vst v63  }
0xff: {  	s23 =	rddreg [dreg:$0x8]  }
0x100: {  	[tilespmem:s10], [sflag:$0x3] =	stream.indirect.gather [hbm4b:s6+s7], $0x10, s23, s7, $0xb8;
	[tilespmem:$0x1AEA0] =	vst v63  }
0x101: {  	s1 =	rddreg [dreg:$0x9]  }
0x102: {  	[tilespmem:s9], [sflag:$0x4] =	stream.indirect.gather [hbm4b:s6+s7], $0x10, s1, s7, $0xb8;
	[tilespmem:$0x1AEA0] =	vst v63  }
0x103: {  	s23 =	rddreg [dreg:$0xa]  }
0x104: {  	[tilespmem:s8], [sflag:$0x5] =	stream.indirect.gather [hbm4b:s6+s7], $0x10, s23, s7, $0xb8;
	[tilespmem:$0x1AEA0] =	vst v63  }
0x105: {  	_ =	swait.ge [sflag:s22], $0x3E80  }
0x106: {  	[sflag:s22] =	ssyncset.done $0x0  }
0x107: {  	[sflag:s22] =	ssyncadd.s32 $0xFFFFC180  }
0x108: {  	[spmem:s2] =	stream.indirect.scatter.add.f32 [tilespmem:s12], [sflag:$0x6], $0x10, s31, s7, $0xb8;
	[tilespmem:$0x1AEA0] =	vst v63  }
0x109: {  	_ =	swait.ge [sflag:s21], $0x3E80  }
0x10a: {  	[sflag:s21] =	ssyncset.done $0x0  }
0x10b: {  	s1 =	rddreg [dreg:$0xb];
	[sflag:s21] =	ssyncadd.s32 $0xFFFFC180  }
0x10c: {  	[spmem:s2] =	stream.indirect.scatter.add.f32 [tilespmem:s11], [sflag:$0x7], $0x10, s1, s7, $0xb8;
	[tilespmem:$0x1AEA0] =	vst v63  }
0x10d: {  	_ =	swait.ge [sflag:s20], $0x3E80  }
0x10e: {  	[sflag:s20] =	ssyncset.done $0x0  }
0x10f: {  	s23 =	rddreg [dreg:$0xc];
	[sflag:s20] =	ssyncadd.s32 $0xFFFFC180  }
0x110: {  	[spmem:s2] =	stream.indirect.scatter.add.f32 [tilespmem:s10], [sflag:$0x8], $0x10, s23, s7, $0xb8;
	[tilespmem:$0x1AEA0] =	vst v63  }
0x111: {  	_ =	swait.ge [sflag:s19], $0x3E80  }
0x112: {  	[sflag:s19] =	ssyncset.done $0x0  }
0x113: {  	s31 =	rddreg [dreg:$0xd];
	[sflag:s19] =	ssyncadd.s32 $0xFFFFC180  }
0x114: {  	[spmem:s2] =	stream.indirect.scatter.add.f32 [tilespmem:s9], [sflag:$0x9], $0x10, s31, s7, $0xb8;
	[tilespmem:$0x1AEA0] =	vst v63  }
0x115: {  	_ =	swait.ge [sflag:s18], $0x3E80  }
0x116: {  	[sflag:s18] =	ssyncset.done $0x0  }
0x117: {  	s1 =	rddreg [dreg:$0xe];
	[sflag:s18] =	ssyncadd.s32 $0xFFFFC180  }
0x118: {  	[spmem:s2] =	stream.indirect.scatter.add.f32 [tilespmem:s8], [sflag:$0xA], $0x10, s1, s7, $0xb8;
	[tilespmem:$0x1AEA0] =	vst v63  }
0x119: {  	_ =	swait.ge [sflag:s13], $0x3E80  }
0x11a: {  	[sflag:s13] =	ssyncset.done $0x0  }
0x11b: {  	s23 =	rddreg [dreg:$0xf];
	[sflag:s13] =	ssyncadd.s32 $0xFFFFC180  }
0x11c: {  	[tilespmem:s12], [sflag:$0x1] =	stream.indirect.gather [hbm4b:s6+s7], $0x10, s23, s7, $0xb8;
	[tilespmem:$0x1AEA0] =	vst v63  }
0x11d: {  	_ =	swait.ge [sflag:s14], $0x3E80  }
0x11e: {  	[sflag:s14] =	ssyncset.done $0x0  }
0x11f: {  	s31 =	rddreg [dreg:$0x10];
	[sflag:s14] =	ssyncadd.s32 $0xFFFFC180  }
0x120: {  	[tilespmem:s11], [sflag:$0x2] =	stream.indirect.gather [hbm4b:s6+s7], $0x10, s31, s7, $0xb8;
	[tilespmem:$0x1AEA0] =	vst v63  }
0x121: {  	_ =	swait.ge [sflag:s15], $0x3E80  }
0x122: {  	[sflag:s15] =	ssyncset.done $0x0  }
0x123: {  	s1 =	rddreg [dreg:$0x11];
	[sflag:s15] =	ssyncadd.s32 $0xFFFFC180  }
0x124: {  	[tilespmem:s10], [sflag:$0x3] =	stream.indirect.gather [hbm4b:s6+s7], $0x10, s1, s7, $0xb8;
	[tilespmem:$0x1AEA0] =	vst v63  }
0x125: {  	_ =	swait.ge [sflag:s16], $0x3E80  }
0x126: {  	[sflag:s16] =	ssyncset.done $0x0  }
0x127: {  	s23 =	rddreg [dreg:$0x12];
	[sflag:s16] =	ssyncadd.s32 $0xFFFFC180  }
0x128: {  	[tilespmem:s9], [sflag:$0x4] =	stream.indirect.gather [hbm4b:s6+s7], $0x10, s23, s7, $0xb8;
	[tilespmem:$0x1AEA0] =	vst v63  }
0x129: {  	_ =	swait.ge [sflag:s17], $0x3E80  }
0x12a: {  	[sflag:s17] =	ssyncset.done $0x0  }
0x12b: {  	[sflag:s17] =	ssyncadd.s32 $0xFFFFC180  }
0x12c: {  	[tilespmem:s8], [sflag:$0x5] =	stream.indirect.gather [hbm4b:s6+s7], $0x10, s25, s7, $0xb8;
	[tilespmem:$0x1AEA0] =	vst v63  }
0x12d: {  	_ =	swait.ge [sflag:s22], $0x3E80  }
0x12e: {  	[sflag:s22] =	ssyncset.done $0x0  }
0x12f: {  	[sflag:s22] =	ssyncadd.s32 $0xFFFFC180  }
0x130: {  	[spmem:s2] =	stream.indirect.scatter.add.f32 [tilespmem:s12], [sflag:$0x6], $0x10, s30, s7, $0xb8;
	[tilespmem:$0x1AEA0] =	vst v63  }
0x131: {  	_ =	swait.ge [sflag:s21], $0x3E80  }
0x132: {  	[sflag:s21] =	ssyncset.done $0x0  }
0x133: {  	[sflag:s21] =	ssyncadd.s32 $0xFFFFC180  }
0x134: {  	[spmem:s2] =	stream.indirect.scatter.add.f32 [tilespmem:s11], [sflag:$0x7], $0x10, s29, s7, $0xb8;
	[tilespmem:$0x1AEA0] =	vst v63  }
0x135: {  	_ =	swait.ge [sflag:s20], $0x3E80  }
0x136: {  	[sflag:s20] =	ssyncset.done $0x0  }
0x137: {  	[sflag:s20] =	ssyncadd.s32 $0xFFFFC180  }
0x138: {  	[spmem:s2] =	stream.indirect.scatter.add.f32 [tilespmem:s10], [sflag:$0x8], $0x10, s28, s7, $0xb8;
	[tilespmem:$0x1AEA0] =	vst v63  }
0x139: {  	_ =	swait.ge [sflag:s19], $0x3E80  }
0x13a: {  	[sflag:s19] =	ssyncset.done $0x0  }
0x13b: {  	[sflag:s19] =	ssyncadd.s32 $0xFFFFC180  }
0x13c: {  	[spmem:s2] =	stream.indirect.scatter.add.f32 [tilespmem:s9], [sflag:$0x9], $0x10, s26, s7, $0xb8;
	[tilespmem:$0x1AEA0] =	vst v63  }
0x13d: {  	_ =	swait.ge [sflag:s18], $0x3E80  }
0x13e: {  	[sflag:s18] =	ssyncset.done $0x0  }
0x13f: {  	s30 =	simm.s32 $0x4A38;
	[sflag:s18] =	ssyncadd.s32 $0xFFFFC180  }
0x140: {  	[spmem:s2] =	stream.indirect.scatter.add.f32 [tilespmem:s8], [sflag:$0xA], $0x10, s30, s7, $0xb8;
	[tilespmem:$0x1AEA0] =	vst v63  }
0x141: {  	_ =	swait.ge [sflag:s13], $0x3E80  }
0x142: {  	[sflag:s13] =	ssyncset.done $0x0  }
0x143: {  	[sflag:s13] =	ssyncadd.s32 $0xFFFFC180  }
0x144: {  	_ =	swait.ge [sflag:s14], $0x3E80  }
0x145: {  	[sflag:s14] =	ssyncset.done $0x0  }
0x146: {  	[sflag:s14] =	ssyncadd.s32 $0xFFFFC180  }
0x147: {  	_ =	swait.ge [sflag:s15], $0x3E80  }
0x148: {  	[sflag:s15] =	ssyncset.done $0x0  }
0x149: {  	[sflag:s15] =	ssyncadd.s32 $0xFFFFC180  }
0x14a: {  	_ =	swait.ge [sflag:s16], $0x3E80  }
0x14b: {  	[sflag:s16] =	ssyncset.done $0x0  }
0x14c: {  	[sflag:s16] =	ssyncadd.s32 $0xFFFFC180  }
0x14d: {  	_ =	swait.ge [sflag:s17], $0x3E80  }
0x14e: {  	[sflag:s17] =	ssyncset.done $0x0  }
0x14f: {  	[sflag:s17] =	ssyncadd.s32 $0xFFFFC180  }
0x150: {  	[bflag:$0x0] =	sbarrier.arrive $0xFFFF  }
0x151: {  	s31 =	rddreg [dreg:$0x7]  }
0x152: {  	[hbm:s31], [sflag:s3] =	dma.local [spmem:s5], $0x500  }
0x153: {  	_ =	swait.ge [sflag:s4], $0x500  }
0x154: {  	[sflag:s4] =	ssyncset.done $0x0  }
0x155: {  	[sflag:s4] =	ssyncadd.s32 $0xFFFFFB00  }
0x156: {  	_ =	sfence.sel $0x180000  }
0x157: {  	[bflag:$0x0] =	sbarrier.arrive $0xFFFF  }
0x158: {  	_ =	strace $0x90000050  }
0x159: {  	[bflag:$0x2] =	sbarrier.arrive $0xFFFF  }
0x15a: {  	p0 =	sne.s32 s24, $0x0;
	s0 =	rddreg [dreg:$0x3]  }
0x15b: {  	s0 =	sadd.s32 @!p0 $0x100000, s0  }
0x15c: {  	[sflag:s0] =	ssyncadd.tile.s32 @!p0 $0x1;
	_ =	shalt  }
.LBB2_1:
.Ltmp3:
0x15d: {  	(pc) =	sbr.rel .LBB2_6-.Ltmp3, $3  }
0x15e: {  	_ =	sdelay $0x1  }
0x15f: {  	s25 =	simm.s32 $0x2328;
	s30 =	simm.s32 $0x3A98  }
0x160: {  	s29 =	simm.s32 $0x3E80;
	s28 =	simm.s32 $0x4268;
	s26 =	simm.s32 $0x4650  }
.LBB2_3:
.Ltmp4:
0x161: {  	(pc) =	sbr.rel .LBB2_6-.Ltmp4, $3  }
0x162: {  	_ =	sdelay $0x1  }
0x163: {  	s25 =	simm.s32 $0x2328;
	s30 =	simm.s32 $0x3A98;
	s29 =	simm.s32 $0x3E80  }
0x164: {  	s28 =	simm.s32 $0x4268;
	s26 =	simm.s32 $0x4650;
	s24 =	stileid.u32  }
.Lfunc_end2:
_tile_overlayer_lowered:
.L_overlay_start_2:
0x165: {  	(tag) =	ssettag $0x2  }
0x166: {  	s0 =	rddreg [dreg:$0x0];
	s2 =	stileid.u32  }
0x167: {  	s1 =	rddreg [dreg:$0x1];
	p0 =	sne.s32 s2, $0x0  }
0x168: {  	s3 =	rddreg [dreg:$0x2];
	[bflag:$0x3] =	sbarrier.arrive $0xFFFF;
	s2 =	simm.s32 @!p0 $0x1C0B  }
0x169: {  	[timem:s3], [sflag:s2] =	dma.local @!p0 [hbm:s0], s1  }
0x16a: {  	s0 =	simm.s32 @!p0 $0xB  }
0x16b: {  	_ =	swait.ge @!p0 [sflag:s0], s1  }
0x16c: {  	s1 =	ssub.s32 @!p0 $0x0, s1;
	[sflag:s0] =	ssyncset.done @!p0 $0x0  }
0x16d: {  	[sflag:s0] =	ssyncadd.s32 @!p0 s1  }
0x16e: {  	[bflag:$0x3] =	sbarrier.arrive $0xFFFF  }
0x16f: {  	_ =	shalt  }

// kernel: kernel.24.cloned.1.call-start
scs
__scs_entry_jumppad:
0x0: {  	(pc) =	sbr.rel $0x88, $3  }
0x1: {  	(tag) =	ssettag $0x0;
	lr =	simm.s32 $0x1  }
0x2: {  	[smem:$0x3F91] =	sst lr;
	_ =	strace $0xD0000000  }
0x3: {  	_ = 	snop  }
0x4: {  	_ = 	snop  }
0x5: {  	_ = 	snop  }
0x6: {  	_ = 	snop  }
0x7: {  	_ = 	snop  }
__scs_overlays_trampoline_lowered:
0x8: {  	[smem:$0x3FA0] =	sst s0  }
0x9: {  	[smem:$0x3FA1] =	sst s1  }
0xa: {  	[smem:$0x3FA2] =	sst s2  }
0xb: {  	[smem:$0x3FA3] =	sst s3  }
0xc: {  	[smem:$0x3FA4] =	sst s4  }
0xd: {  	[smem:$0x3FA5] =	sst s5  }
0xe: {  	[smem:$0x3FA6] =	sst s6  }
0xf: {  	[smem:$0x3FA7] =	sst s7  }
0x10: {  	[smem:$0x3FA8] =	sst s8  }
0x11: {  	[smem:$0x3FA9] =	sst s9;
	s0 =	simm.s32 @!p0 $0x0  }
0x12: {  	s1 =	sld [smem:$0x3F8F];
	s0 =	simm.s32 @p0 $0x1  }
0x13: {  	[smem:$0x3FAA] =	sst s0;
	s0 =	simm.s32 @!p1 $0x0  }
0x14: {  	s2 =	sld [smem:$0x3F8E];
	s0 =	simm.s32 @p1 $0x1  }
0x15: {  	[smem:$0x3FAB] =	sst s0;
	s0 =	simm.s32 @!p2 $0x0  }
0x16: {  	s3 =	sld [smem:$0x3FDB];
	s0 =	simm.s32 @p2 $0x1  }
0x17: {  	s4 =	simm.s32 $0x1BF5;
	[smem:$0x3FAD] =	sst s0  }
0x18: {  	s0 =	sld [smem:$0x3F90];
	_ =	swait.ge [sflag:s4], $0x0  }
0x19: {  	s7 =	sld [smem:$0x3F91]  }
0x1a: {  	s8 =	sadd.s32 $0xFFFFE003, lr  }
0x1b: {  	s9 =	sadd.s32 $0xFFFFFEF7, lr;
	s5 =	simm.s32 $0xFFFFFFFF;
	p2 =	slt.u32 s8, $0xFFFFF086  }
0x1c: {  	p1 =	slt.u32 s9, $0xF7A;
	s5 =	simm.s32 @!p2 $0x0  }
0x1d: {  	s5 =	simm.s32 @p1 $0x1;
	p0 =	seq.s32 s7, s2  }
0x1e: {  	s7 =	smul.u32 @!p0 $0xF7A, s2;
	p2 =	seq.s32 @!p0 s5, $0x0  }
0x1f: {  	s9 =	smul.u32 $0xF7A, s1;
	s8 =	simm.s32 @!p0 $0x1BF5;
	p2 =	por !p2, p0  }
0x20: {  	[sflag:s8] =	ssyncset.s32 @!p0 $0xFFFFF086;
	s6 =	sadd.s32 @!p0 s3, s7;
	s7 =	simm.s32 @!p0 $0x108  }
0x21: {  	s3 =	sadd.s32 s3, s9;
	s6 =	sadd.s32 @!p0 $0x88, s6;
	s7 =	simm.s32 @p2 $0x1082  }
0x22: {  	[simem:s7], [sflag:s8] =	dma.local @!p0 [hbm:s6], $0xF7A  }
0x23: {  	s9 =	sor.u32 $0xD0000000, s2;
	s6 =	simm.s32 $0x108;
	_ =	swait.ge @!p0 [sflag:s8], $0x0  }
0x24: {  	s3 =	sadd.s32 $0x88, s3;
	s6 =	simm.s32 @!p1 $0x1082;
	[sflag:s4] =	ssyncset.s32 $0xFFFFF086  }
0x25: {  	[simem:s6], [sflag:s4] =	dma.local [hbm:s3], $0xF7A  }
0x26: {  	[smem:$0x3F91] =	sst s1;
	(tag) =	ssettag s2;
	_ =	strace s9  }
0x27: {  	s1 =	sld [smem:$0x3FA1]  }
0x28: {  	s2 =	sld [smem:$0x3FA2]  }
0x29: {  	s4 =	sld [smem:$0x3FA4]  }
0x2a: {  	p0 =	seq.s32 s5, $0x0;
	s5 =	sld [smem:$0x3FA5]  }
0x2b: {  	s6 =	sld [smem:$0x3FA6]  }
0x2c: {  	s7 =	sld [smem:$0x3FA7]  }
0x2d: {  	s3 =	simm.s32 $0x108;
	s8 =	sld [smem:$0x3FA8]  }
0x2e: {  	s3 =	simm.s32 @!p0 $0x1082;
	s9 =	sld [smem:$0x3FA9]  }
0x2f: {  	lr =	sadd.s32 s0, s3;
	s0 =	sld [smem:$0x3FA0]  }
0x30: {  	s3 =	sld [smem:$0x3FA3]  }
0x31: {  	[smem:$0x3FAC] =	sst s10  }
0x32: {  	s10 =	sld [smem:$0x3FAA];
	_ =	sdelay $0x3  }
0x33: {  	p0 =	seq.s32 s10, $0x1;
	s10 =	sld [smem:$0x3FAC];
	_ =	sdelay $0x3  }
0x34: {  	[smem:$0x3FAC] =	sst s10  }
0x35: {  	s10 =	sld [smem:$0x3FAB];
	_ =	sdelay $0x3  }
0x36: {  	p1 =	seq.s32 s10, $0x1;
	s10 =	sld [smem:$0x3FAC];
	_ =	sdelay $0x3  }
0x37: {  	[smem:$0x3FAC] =	sst s10  }
0x38: {  	s10 =	sld [smem:$0x3FAD]  }
0x39: {  	_ = 	snop;
	(pc) =	sbr.ind lr, $3  }
0x3a: {  	_ = 	snop  }
0x3b: {  	_ = 	snop  }
0x3c: {  	p2 =	seq.s32 s10, $0x1;
	s10 =	sld [smem:$0x3FAC]  }
0x3d: {  	_ =	shalt  }
0x3e: {  	_ =	shalt  }
0x3f: {  	_ =	shalt  }
0x40: {  	_ =	shalt  }
0x41: {  	_ =	shalt  }
0x42: {  	_ =	shalt  }
0x43: {  	_ =	shalt  }
0x44: {  	_ =	shalt  }
0x45: {  	_ =	shalt  }
0x46: {  	_ =	shalt  }
0x47: {  	_ =	shalt  }
0x48: {  	_ =	shalt  }
0x49: {  	_ =	shalt  }
0x4a: {  	_ =	shalt  }
0x4b: {  	_ =	shalt  }
0x4c: {  	_ =	shalt  }
0x4d: {  	_ =	shalt  }
0x4e: {  	_ =	shalt  }
0x4f: {  	_ =	shalt  }
0x50: {  	_ =	shalt  }
0x51: {  	_ =	shalt  }
0x52: {  	_ =	shalt  }
0x53: {  	_ =	shalt  }
0x54: {  	_ =	shalt  }
0x55: {  	_ =	shalt  }
0x56: {  	_ =	shalt  }
0x57: {  	_ =	shalt  }
0x58: {  	_ =	shalt  }
0x59: {  	_ =	shalt  }
0x5a: {  	_ =	shalt  }
0x5b: {  	_ =	shalt  }
0x5c: {  	_ =	shalt  }
0x5d: {  	_ =	shalt  }
0x5e: {  	_ =	shalt  }
0x5f: {  	_ =	shalt  }
0x60: {  	_ =	shalt  }
0x61: {  	_ =	shalt  }
0x62: {  	_ =	shalt  }
0x63: {  	_ =	shalt  }
0x64: {  	_ =	shalt  }
0x65: {  	_ =	shalt  }
0x66: {  	_ =	shalt  }
0x67: {  	_ =	shalt  }
0x68: {  	_ =	shalt  }
0x69: {  	_ =	shalt  }
0x6a: {  	_ =	shalt  }
0x6b: {  	_ =	shalt  }
0x6c: {  	_ =	shalt  }
0x6d: {  	_ =	shalt  }
0x6e: {  	_ =	shalt  }
0x6f: {  	_ =	shalt  }
0x70: {  	_ =	shalt  }
0x71: {  	_ =	shalt  }
0x72: {  	_ =	shalt  }
0x73: {  	_ =	shalt  }
0x74: {  	_ =	shalt  }
0x75: {  	_ =	shalt  }
0x76: {  	_ =	shalt  }
0x77: {  	_ =	shalt  }
0x78: {  	_ =	shalt  }
0x79: {  	_ =	shalt  }
0x7a: {  	_ =	shalt  }
0x7b: {  	_ =	shalt  }
0x7c: {  	_ =	shalt  }
0x7d: {  	_ =	shalt  }
0x7e: {  	_ =	shalt  }
0x7f: {  	_ =	shalt  }
0x80: {  	_ =	shalt  }
0x81: {  	_ =	shalt  }
0x82: {  	_ =	shalt  }
0x83: {  	_ =	shalt  }
0x84: {  	_ =	shalt  }
0x85: {  	_ =	shalt  }
0x86: {  	_ =	shalt  }
0x87: {  	_ =	shalt  }
.Lfunc_end0:
.L_simem_size_0:
called_computation.4_lowered:
.L_overlay_start_0:
0x88: {  	s2 =	sld [smem:$0x3FD9]  }
0x89: {  	s3 =	sld [smem:$0x3FFE];
	_ =	sdelay $0x1  }
0x8a: {  	s1 =	srdreg.scid  }
0x8b: {  	s0 =	sand.u32 $0x1, s1  }
0x8c: {  	s17 =	sshll.u32 s0, $0xA;
	s2 =	sadd.s32 s3, s2  }
0x8d: {  	s2 =	sadd.s32 s2, s17  }
0x8e: {  	[smem:$0x3FB8] =	sst s2  }
0x8f: {  	_ = 	snop  }
0x90: {  	s2 =	sld [smem:$0x3FD0];
	(tm) =	ssettm $0x1  }
0x91: {  	s18 =	sld [smem:$0x3FFB];
	_ =	sdelay $0x3  }
0x92: {  	_ =	strace s18  }
0x93: {  	s3 =	sld [smem:$0x3FFC];
	_ =	sdelay $0x3  }
0x94: {  	_ =	strace s3  }
0x95: {  	s3 =	sld [smem:$0x3FFD];
	_ =	sdelay $0x3  }
0x96: {  	_ =	strace s3  }
0x97: {  	_ =	strace $0x8FFFFFFF  }
0x98: {  	s19 =	sld [smem:$0x3FDB];
	_ =	sdelay $0x1  }
0x99: {  	s4 =	simm.s32 $_scs_section_size  }
0x9a: {  	s5 =	simm.s32 $_size__tile_overlayer_lowered;
	s6 =	simm.s32 $_tile_overlayer_lowered  }
0x9b: {  	s22 =	simm.s32 $0x1BFF;
	s21 =	sshll.u32 s6, $0x1;
	s3 =	sadd.s32 s4, s19  }
0x9c: {  	s7 =	simm.s32 $0x0;
	s20 =	sshll.u32 s5, $0x1;
	s5 =	sadd.s32 s21, s3  }
0x9d: {  	[timem:s7], [sflag:s22] =	dma.local [hbm:s5], s20  }
0x9e: {  	_ =	swait.ge [sflag:s22], s20  }
0x9f: {  	s4 =	ssub.s32 $0x0, s20;
	[sflag:s22] =	ssyncset.done $0x0  }
0xa0: {  	[sflag:s22] =	ssyncadd.s32 s4;
	_ =	sdelay $0x1  }
0xa1: {  	s23 =	simm.s32 $0x1B8B  }
0xa2: {  	_ =	swait.ge [sflag:s23], $0x1  }
0xa3: {  	[sflag:s23] =	ssyncset.done $0x0  }
0xa4: {  	s25 =	simm.s32 $0x1B8E;
	s24 =	sld [smem:$0x3FFE];
	[sflag:s23] =	ssyncadd.s32 $0xFFFFFFFF  }
0xa5: {  	s26 =	simm.s32 $execute0_lowered;
	[smem:$0x3FD2] =	sst s25  }
0xa6: {  	s5 =	sshll.u32 s26, $0x1;
	_ =	strace $0x80000052;
	[dreg:$0x1] =	wrdreg $0xFFFFFFFF  }
0xa7: {  	s28 =	simm.s32 $_size_execute0_lowered;
	s3 =	sadd.s32 s3, s5;
	[dreg:$0x0] =	wrdreg $0x0  }
0xa8: {  	s5 =	sshll.u32 s28, $0x1;
	[dreg:$0x2] =	wrdreg s3  }
0xa9: {  	[dreg:$0x3] =	wrdreg s5  }
0xaa: {  	[dreg:$0x4] =	wrdreg $0xC0  }
0xab: {  	_ =	task [dreg:s7], $0x5FFFF  }
0xac: {  	[dreg:$0x1] =	wrdreg $0xFFFFFFFF  }
0xad: {  	[dreg:$0x0] =	wrdreg $0x60  }
0xae: {  	[dreg:$0x2] =	wrdreg s24  }
0xaf: {  	[dreg:$0x3] =	wrdreg s2  }
0xb0: {  	[dreg:$0x4] =	wrdreg $0x186A00  }
0xb1: {  	[dreg:$0x5] =	wrdreg $0x9  }
0xb2: {  	_ =	task.clear_ibuf [dreg:s7], $0x6FFFF;
	_ =	strace $0x90000052  }
0xb3: {  	s29 =	simm.s32 $0x9;
	_ =	strace $0x80000054  }
0xb4: {  	_ =	swait.ge [sflag:s29], $0x1  }
0xb5: {  	[sflag:s29] =	ssyncadd.s32 $0xFFFFFFFF  }
0xb6: {  	_ =	strace $0x90000054  }
0xb7: {  	_ =	sfence  }
0xb8: {  	s30 =	sld [smem:$0x0];
	_ =	sdelay $0x2  }
0xb9: {  	s31 =	sshll.u32 s1, $0xD;
	s1 =	sshrl.u32 s1, $0x2  }
0xba: {  	s3 =	sand.u32 $0x4000, s31;
	s1 =	sadd.s32 s1, s30  }
0xbb: {  	s0 =	sor.u32 s3, s0;
	s1 =	sshll.u32 s1, $0x11  }
0xbc: {  	s0 =	sor.u32 s1, s0  }
0xbd: {  	s0 =	sadd.s32 $0x8F2B, s0  }
0xbe: {  	[sflag:s0] =	ssyncadd.remote.s32 $0x1  }
0xbf: {  	_ =	sfence.sel $0xFFFF  }
0xc0: {  	[dreg:$0x0] =	wrdreg $0xFFFFFFFF;
	(pc) =	sbr.abs _section_cstart, $3  }
0xc1: {  	[dreg:$0x1] =	wrdreg $0xFFFFFFFF  }
0xc2: {  	_ =	task.clear_ibuf [dreg:s7], $0x2FFFF;
	_ =	strace $0x9FFFFFFF  }
0xc3: {  	(tm) =	ssettm $0x7FFFFFFF  }
tec
execute0_lowered:
.L_overlay_start_1:
0x0: {  	(tag) =	ssettag $0x1  }
0x1: {  	s0 =	rddreg [dreg:$0x0]  }
0x2: {  	s1 =	srdreg.scid;
	s3 =	rddreg [dreg:$0x1]  }
0x3: {  	s24 =	stileid.u32;
	s2 =	rddreg [dreg:$0x2]  }
0x4: {  	s23 =	simm.s32 $0x0;
	s31 =	simm.s32 $0x2710;
	s12 =	simm.s32 $0x4E20  }
0x5: {  	s21 =	simm.s32 $0x7D0;
	s11 =	simm.s32 $0x8CA0;
	s22 =	simm.s32 $0xBB8  }
0x6: {  	s10 =	simm.s32 $0xCB20;
	s25 =	simm.s32 $0xFA0;
	s9 =	simm.s32 $0x109A0  }
0x7: {  	s26 =	simm.s32 $0x2AF8;
	s13 =	simm.s32 $0x2EE0;
	s14 =	simm.s32 $0x32C8  }
0x8: {  	p0 =	por $0x0, $0x0;
	s30 =	simm.s32 $0x3A98;
	s29 =	simm.s32 $0x3E80  }
0x9: {  	s28 =	simm.s32 $0x4268;
	s1 =	sand.u32 $0x1, s1;
	[smem:$0x7FF] =	sst s23  }
0xa: {  	s4 =	sshll.u32 s24, $0x1;
	_ =	strace $0x80000053;
	[dreg:$0x8] =	wrdreg s21  }
0xb: {  	s5 =	smul.u32 $0x2800, s24;
	s6 =	sadd.s32 $0x1BE00, s0;
	[dreg:$0x9] =	wrdreg s22  }
0xc: {  	s19 =	sshll.u32 s24, $0x6;
	s4 =	sor.u32 s1, s4;
	[dreg:$0xa] =	wrdreg s25  }
0xd: {  	s8 =	ssub.s32 $0x2, s1;
	s1 =	smul.u32 $0x28000, s1;
	[dreg:$0xb] =	wrdreg s26  }
0xe: {  	s22 =	simm.s32 $0x1;
	s21 =	simm.s32 $0x2;
	[dreg:$0xc] =	wrdreg s13  }
0xf: {  	[dreg:$0xd] =	wrdreg s14;
	s13 =	simm.s32 $0x6;
	s14 =	simm.s32 $0x7  }
0x10: {  	s25 =	simm.s32 $0x1B58;
	s26 =	simm.s32 $0x1F40;
	s4 =	smul.u32 $0x4E2, s4  }
0x11: {  	s7 =	sshrl.u32 s5, $0x3;
	s15 =	sshrl.u32 s8, $0x1;
	[dreg:$0x11] =	wrdreg s25  }
0x12: {  	s16 =	sadd.s32 s5, s2;
	[dreg:$0x12] =	wrdreg s26;
	s26 =	simm.s32 $0x4650  }
0x13: {  	s25 =	simm.s32 $0x4A38;
	s1 =	sadd.s32 s5, s1;
	s5 =	sshrl.u32 s16, $0x3  }
0x14: {  	s16 =	simm.s32 $0x1388;
	s4 =	sadd.s32 s4, s0;
	s0 =	sadd.s32 s7, s0  }
0x15: {  	s7 =	ssub.s32 s8, s15;
	s1 =	sshrl.u32 s1, $0x3;
	s8 =	simm.s32 $0x14820  }
0x16: {  	s15 =	simm.s32 $0x36B0;
	[dreg:$0xf] =	wrdreg s16;
	s16 =	simm.s32 $0x9  }
0x17: {  	s0 =	sadd.s32 $0x16E00, s0;
	s17 =	sadd.s32 $0x3200, s4;
	s18 =	sadd.s32 $0xD000, s4  }
0x18: {  	s20 =	sadd.s32 s3, s1;
	[dreg:$0x4] =	wrdreg s0;
	s0 =	smax.u32 s7, $0x1  }
0x19: {  	s3 =	sor.u32 $0x1C0B, s19;
	[dreg:$0xe] =	wrdreg s15;
	p1 =	sne.s32 s0, $0x1  }
.Ltmp0:
0x1a: {  	s4 =	simm.s32 $0xB;
	[dreg:$0x5] =	wrdreg s17;
	(pc) =	sbr.rel @!p1 .LBB2_1-.Ltmp0, $4  }
0x1b: {  	s19 =	simm.s32 $0x4;
	s15 =	simm.s32 $0x8;
	[dreg:$0x6] =	wrdreg s18  }
0x1c: {  	[dreg:$0x7] =	wrdreg s20;
	s7 =	simm.s32 $0x3E8;
	s17 =	simm.s32 $0x1770  }
0x1d: {  	s20 =	simm.s32 $0x3;
	s18 =	simm.s32 $0x5;
	[dreg:$0x10] =	wrdreg s17  }
0x1e: {  	s17 =	simm.s32 $0xA;
	s1 =	sadd.s32 $0xFFFFFFFF, s0;
	s0 =	rddreg [dreg:$0x4]  }
0x1f: {  	[spmem:s5], [sflag:s3] =	dma.local [hbm:s0], $0x500  }
0x20: {  	_ =	swait.ge [sflag:s4], $0x500  }
0x21: {  	[sflag:s4] =	ssyncset.done $0x0  }
0x22: {  	s24 =	rddreg [dreg:$0x5];
	[sflag:s4] =	ssyncadd.s32 $0xFFFFFB00  }
0x23: {  	[tilespmem:s23], [sflag:$0xB] =	stream.linear.gather [hbm4b:s24+s23], $0x2710, $0x38;
	[tilespmem:$0x1AEA0] =	vst v63  }
0x24: {  	_ =	swait.ge [sflag:s4], $0x2710  }
0x25: {  	[sflag:s4] =	ssyncset.done $0x0  }
0x26: {  	s24 =	rddreg [dreg:$0x6];
	[sflag:s4] =	ssyncadd.s32 $0xFFFFD8F0  }
0x27: {  	[tilespmem:s31], [sflag:$0xB] =	stream.linear.gather [hbm4b:s24+s23], $0x2710, $0x38;
	[tilespmem:$0x1AEA0] =	vst v63  }
0x28: {  	_ =	swait.ge [sflag:s4], $0x2710  }
0x29: {  	[sflag:s4] =	ssyncset.done $0x0  }
0x2a: {  	[sflag:s4] =	ssyncadd.s32 $0xFFFFD8F0  }
0x2b: {  	[bflag:$0x0] =	sbarrier.arrive $0xFFFF  }
0x2c: {  	[tilespmem:s12], [sflag:$0x1] =	stream.indirect.gather [hbm4b:s6+s7], $0x10, s23, s7, $0xb8;
	[tilespmem:$0x1AEA0] =	vst v63  }
0x2d: {  	_ = 	snop  }
0x2e: {  	[tilespmem:s11], [sflag:$0x2] =	stream.indirect.gather [hbm4b:s6+s7], $0x10, s7, s7, $0xb8;
	[tilespmem:$0x1AEA0] =	vst v63  }
0x2f: {  	s0 =	rddreg [dreg:$0x8]  }
0x30: {  	[tilespmem:s10], [sflag:$0x3] =	stream.indirect.gather [hbm4b:s6+s7], $0x10, s0, s7, $0xb8;
	[tilespmem:$0x1AEA0] =	vst v63  }
0x31: {  	s24 =	smov.u32 s1;
	s1 =	rddreg [dreg:$0x9]  }
0x32: {  	[tilespmem:s9], [sflag:$0x4] =	stream.indirect.gather [hbm4b:s6+s7], $0x10, s1, s7, $0xb8;
	[tilespmem:$0x1AEA0] =	vst v63  }
0x33: {  	s0 =	rddreg [dreg:$0xa]  }
0x34: {  	[tilespmem:s8], [sflag:$0x5] =	stream.indirect.gather [hbm4b:s6+s7], $0x10, s0, s7, $0xb8;
	[tilespmem:$0x1AEA0] =	vst v63  }
0x35: {  	_ =	swait.ge [sflag:s22], $0x3E80  }
0x36: {  	[sflag:s22] =	ssyncset.done $0x0  }
0x37: {  	[sflag:s22] =	ssyncadd.s32 $0xFFFFC180  }
0x38: {  	[spmem:s2] =	stream.indirect.scatter.add.f32 [tilespmem:s12], [sflag:$0x6], $0x10, s31, s7, $0xb8;
	[tilespmem:$0x1AEA0] =	vst v63  }
0x39: {  	_ =	swait.ge [sflag:s21], $0x3E80  }
0x3a: {  	[sflag:s21] =	ssyncset.done $0x0  }
0x3b: {  	s1 =	rddreg [dreg:$0xb];
	[sflag:s21] =	ssyncadd.s32 $0xFFFFC180  }
0x3c: {  	[spmem:s2] =	stream.indirect.scatter.add.f32 [tilespmem:s11], [sflag:$0x7], $0x10, s1, s7, $0xb8;
	[tilespmem:$0x1AEA0] =	vst v63  }
0x3d: {  	_ =	swait.ge [sflag:s20], $0x3E80  }
0x3e: {  	[sflag:s20] =	ssyncset.done $0x0  }
0x3f: {  	s1 =	rddreg [dreg:$0xc];
	[sflag:s20] =	ssyncadd.s32 $0xFFFFC180  }
0x40: {  	[spmem:s2] =	stream.indirect.scatter.add.f32 [tilespmem:s10], [sflag:$0x8], $0x10, s1, s7, $0xb8;
	[tilespmem:$0x1AEA0] =	vst v63  }
0x41: {  	_ =	swait.ge [sflag:s19], $0x3E80  }
0x42: {  	[sflag:s19] =	ssyncset.done $0x0  }
0x43: {  	s1 =	rddreg [dreg:$0xd];
	[sflag:s19] =	ssyncadd.s32 $0xFFFFC180  }
0x44: {  	[spmem:s2] =	stream.indirect.scatter.add.f32 [tilespmem:s9], [sflag:$0x9], $0x10, s1, s7, $0xb8;
	[tilespmem:$0x1AEA0] =	vst v63  }
0x45: {  	_ =	swait.ge [sflag:s18], $0x3E80  }
0x46: {  	[sflag:s18] =	ssyncset.done $0x0  }
0x47: {  	s1 =	rddreg [dreg:$0xe];
	[sflag:s18] =	ssyncadd.s32 $0xFFFFC180  }
0x48: {  	[spmem:s2] =	stream.indirect.scatter.add.f32 [tilespmem:s8], [sflag:$0xA], $0x10, s1, s7, $0xb8;
	[tilespmem:$0x1AEA0] =	vst v63  }
0x49: {  	_ =	swait.ge [sflag:s13], $0x3E80  }
0x4a: {  	[sflag:s13] =	ssyncset.done $0x0  }
0x4b: {  	s1 =	rddreg [dreg:$0xf];
	[sflag:s13] =	ssyncadd.s32 $0xFFFFC180  }
0x4c: {  	[tilespmem:s12], [sflag:$0x1] =	stream.indirect.gather [hbm4b:s6+s7], $0x10, s1, s7, $0xb8;
	[tilespmem:$0x1AEA0] =	vst v63  }
0x4d: {  	_ =	swait.ge [sflag:s14], $0x3E80  }
0x4e: {  	[sflag:s14] =	ssyncset.done $0x0  }
0x4f: {  	s1 =	rddreg [dreg:$0x10];
	[sflag:s14] =	ssyncadd.s32 $0xFFFFC180  }
0x50: {  	[tilespmem:s11], [sflag:$0x2] =	stream.indirect.gather [hbm4b:s6+s7], $0x10, s1, s7, $0xb8;
	[tilespmem:$0x1AEA0] =	vst v63  }
0x51: {  	_ =	swait.ge [sflag:s15], $0x3E80  }
0x52: {  	[sflag:s15] =	ssyncset.done $0x0  }
0x53: {  	s1 =	rddreg [dreg:$0x11];
	[sflag:s15] =	ssyncadd.s32 $0xFFFFC180  }
0x54: {  	[tilespmem:s10], [sflag:$0x3] =	stream.indirect.gather [hbm4b:s6+s7], $0x10, s1, s7, $0xb8;
	[tilespmem:$0x1AEA0] =	vst v63  }
0x55: {  	_ =	swait.ge [sflag:s16], $0x3E80  }
0x56: {  	[sflag:s16] =	ssyncset.done $0x0  }
0x57: {  	s1 =	rddreg [dreg:$0x12];
	[sflag:s16] =	ssyncadd.s32 $0xFFFFC180  }
0x58: {  	[tilespmem:s9], [sflag:$0x4] =	stream.indirect.gather [hbm4b:s6+s7], $0x10, s1, s7, $0xb8;
	[tilespmem:$0x1AEA0] =	vst v63  }
0x59: {  	_ =	swait.ge [sflag:s17], $0x3E80  }
0x5a: {  	[sflag:s17] =	ssyncset.done $0x0  }
0x5b: {  	s1 =	simm.s32 $0x2328;
	[sflag:s17] =	ssyncadd.s32 $0xFFFFC180  }
0x5c: {  	[tilespmem:s8], [sflag:$0x5] =	stream.indirect.gather [hbm4b:s6+s7], $0x10, s1, s7, $0xb8;
	[tilespmem:$0x1AEA0] =	vst v63  }
0x5d: {  	_ =	swait.ge [sflag:s22], $0x3E80  }
0x5e: {  	[sflag:s22] =	ssyncset.done $0x0  }
0x5f: {  	[sflag:s22] =	ssyncadd.s32 $0xFFFFC180  }
0x60: {  	[spmem:s2] =	stream.indirect.scatter.add.f32 [tilespmem:s12], [sflag:$0x6], $0x10, s30, s7, $0xb8;
	[tilespmem:$0x1AEA0] =	vst v63  }
0x61: {  	_ =	swait.ge [sflag:s21], $0x3E80  }
0x62: {  	[sflag:s21] =	ssyncset.done $0x0  }
0x63: {  	[sflag:s21] =	ssyncadd.s32 $0xFFFFC180  }
0x64: {  	[spmem:s2] =	stream.indirect.scatter.add.f32 [tilespmem:s11], [sflag:$0x7], $0x10, s29, s7, $0xb8;
	[tilespmem:$0x1AEA0] =	vst v63  }
0x65: {  	_ =	swait.ge [sflag:s20], $0x3E80  }
0x66: {  	[sflag:s20] =	ssyncset.done $0x0  }
0x67: {  	[sflag:s20] =	ssyncadd.s32 $0xFFFFC180  }
0x68: {  	[spmem:s2] =	stream.indirect.scatter.add.f32 [tilespmem:s10], [sflag:$0x8], $0x10, s28, s7, $0xb8;
	[tilespmem:$0x1AEA0] =	vst v63  }
0x69: {  	_ =	swait.ge [sflag:s19], $0x3E80  }
0x6a: {  	[sflag:s19] =	ssyncset.done $0x0  }
0x6b: {  	[sflag:s19] =	ssyncadd.s32 $0xFFFFC180  }
0x6c: {  	[spmem:s2] =	stream.indirect.scatter.add.f32 [tilespmem:s9], [sflag:$0x9], $0x10, s26, s7, $0xb8;
	[tilespmem:$0x1AEA0] =	vst v63  }
0x6d: {  	_ =	swait.ge [sflag:s18], $0x3E80  }
0x6e: {  	[sflag:s18] =	ssyncset.done $0x0  }
0x6f: {  	[sflag:s18] =	ssyncadd.s32 $0xFFFFC180  }
0x70: {  	[spmem:s2] =	stream.indirect.scatter.add.f32 [tilespmem:s8], [sflag:$0xA], $0x10, s25, s7, $0xb8;
	[tilespmem:$0x1AEA0] =	vst v63  }
0x71: {  	_ =	swait.ge [sflag:s13], $0x3E80  }
0x72: {  	[sflag:s13] =	ssyncset.done $0x0  }
0x73: {  	[sflag:s13] =	ssyncadd.s32 $0xFFFFC180  }
0x74: {  	_ =	swait.ge [sflag:s14], $0x3E80  }
0x75: {  	[sflag:s14] =	ssyncset.done $0x0  }
0x76: {  	[sflag:s14] =	ssyncadd.s32 $0xFFFFC180  }
0x77: {  	_ =	swait.ge [sflag:s15], $0x3E80  }
0x78: {  	[sflag:s15] =	ssyncset.done $0x0  }
0x79: {  	[sflag:s15] =	ssyncadd.s32 $0xFFFFC180  }
0x7a: {  	_ =	swait.ge [sflag:s16], $0x3E80  }
0x7b: {  	[sflag:s16] =	ssyncset.done $0x0  }
0x7c: {  	[sflag:s16] =	ssyncadd.s32 $0xFFFFC180  }
0x7d: {  	_ =	swait.ge [sflag:s17], $0x3E80  }
0x7e: {  	[sflag:s17] =	ssyncset.done $0x0  }
0x7f: {  	p1 =	sne.s32 s24, $0x1;
	[sflag:s17] =	ssyncadd.s32 $0xFFFFC180  }
.Ltmp1:
0x80: {  	[bflag:$0x0] =	sbarrier.arrive $0xFFFF;
	(pc) =	sbr.rel @!p1 .LBB2_3-.Ltmp1, $4  }
0x81: {  	s1 =	rddreg [dreg:$0x7]  }
0x82: {  	[hbm:s1], [sflag:s3] =	dma.local [spmem:s5], $0x500  }
0x83: {  	p0 =	por $0x1, $0x1;
	_ =	swait.ge [sflag:s4], $0x500  }
0x84: {  	s1 =	sadd.s32 $0xFFFFFFFF, s24;
	s0 =	rddreg [dreg:$0x4];
	[sflag:s4] =	ssyncset.done $0x0  }
.LBB2_4:
0x85: {  	[sflag:s4] =	ssyncadd.s32 $0xFFFFFB00  }
0x86: {  	[spmem:s5], [sflag:s3] =	dma.local [hbm:s0], $0x500  }
0x87: {  	_ =	swait.ge [sflag:s4], $0x500  }
0x88: {  	[sflag:s4] =	ssyncset.done $0x0  }
0x89: {  	s24 =	rddreg [dreg:$0x5];
	[sflag:s4] =	ssyncadd.s32 $0xFFFFFB00  }
0x8a: {  	[tilespmem:s23], [sflag:$0xB] =	stream.linear.gather [hbm4b:s24+s23], $0x2710, $0x38;
	[tilespmem:$0x1AEA0] =	vst v63  }
0x8b: {  	_ =	swait.ge [sflag:s4], $0x2710  }
0x8c: {  	[sflag:s4] =	ssyncset.done $0x0  }
0x8d: {  	s24 =	rddreg [dreg:$0x6];
	[sflag:s4] =	ssyncadd.s32 $0xFFFFD8F0  }
0x8e: {  	[tilespmem:s31], [sflag:$0xB] =	stream.linear.gather [hbm4b:s24+s23], $0x2710, $0x38;
	[tilespmem:$0x1AEA0] =	vst v63  }
0x8f: {  	_ =	swait.ge [sflag:s4], $0x2710  }
0x90: {  	[sflag:s4] =	ssyncset.done $0x0  }
0x91: {  	[sflag:s4] =	ssyncadd.s32 $0xFFFFD8F0  }
0x92: {  	[bflag:$0x0] =	sbarrier.arrive $0xFFFF  }
0x93: {  	[tilespmem:s12], [sflag:$0x1] =	stream.indirect.gather [hbm4b:s6+s7], $0x10, s23, s7, $0xb8;
	[tilespmem:$0x1AEA0] =	vst v63  }
0x94: {  	_ = 	snop  }
0x95: {  	[tilespmem:s11], [sflag:$0x2] =	stream.indirect.gather [hbm4b:s6+s7], $0x10, s7, s7, $0xb8;
	[tilespmem:$0x1AEA0] =	vst v63  }
0x96: {  	s0 =	rddreg [dreg:$0x8]  }
0x97: {  	[tilespmem:s10], [sflag:$0x3] =	stream.indirect.gather [hbm4b:s6+s7], $0x10, s0, s7, $0xb8;
	[tilespmem:$0x1AEA0] =	vst v63  }
0x98: {  	s24 =	rddreg [dreg:$0x9]  }
0x99: {  	[tilespmem:s9], [sflag:$0x4] =	stream.indirect.gather [hbm4b:s6+s7], $0x10, s24, s7, $0xb8;
	[tilespmem:$0x1AEA0] =	vst v63  }
0x9a: {  	s0 =	rddreg [dreg:$0xa]  }
0x9b: {  	[tilespmem:s8], [sflag:$0x5] =	stream.indirect.gather [hbm4b:s6+s7], $0x10, s0, s7, $0xb8;
	[tilespmem:$0x1AEA0] =	vst v63  }
0x9c: {  	_ =	swait.ge [sflag:s22], $0x3E80  }
0x9d: {  	[sflag:s22] =	ssyncset.done $0x0  }
0x9e: {  	[sflag:s22] =	ssyncadd.s32 $0xFFFFC180  }
0x9f: {  	[spmem:s2] =	stream.indirect.scatter.add.f32 [tilespmem:s12], [sflag:$0x6], $0x10, s31, s7, $0xb8;
	[tilespmem:$0x1AEA0] =	vst v63  }
0xa0: {  	_ =	swait.ge [sflag:s21], $0x3E80  }
0xa1: {  	[sflag:s21] =	ssyncset.done $0x0  }
0xa2: {  	s24 =	rddreg [dreg:$0xb];
	[sflag:s21] =	ssyncadd.s32 $0xFFFFC180  }
0xa3: {  	[spmem:s2] =	stream.indirect.scatter.add.f32 [tilespmem:s11], [sflag:$0x7], $0x10, s24, s7, $0xb8;
	[tilespmem:$0x1AEA0] =	vst v63  }
0xa4: {  	_ =	swait.ge [sflag:s20], $0x3E80  }
0xa5: {  	[sflag:s20] =	ssyncset.done $0x0  }
0xa6: {  	s24 =	rddreg [dreg:$0xc];
	[sflag:s20] =	ssyncadd.s32 $0xFFFFC180  }
0xa7: {  	[spmem:s2] =	stream.indirect.scatter.add.f32 [tilespmem:s10], [sflag:$0x8], $0x10, s24, s7, $0xb8;
	[tilespmem:$0x1AEA0] =	vst v63  }
0xa8: {  	_ =	swait.ge [sflag:s19], $0x3E80  }
0xa9: {  	[sflag:s19] =	ssyncset.done $0x0  }
0xaa: {  	s24 =	rddreg [dreg:$0xd];
	[sflag:s19] =	ssyncadd.s32 $0xFFFFC180  }
0xab: {  	[spmem:s2] =	stream.indirect.scatter.add.f32 [tilespmem:s9], [sflag:$0x9], $0x10, s24, s7, $0xb8;
	[tilespmem:$0x1AEA0] =	vst v63  }
0xac: {  	_ =	swait.ge [sflag:s18], $0x3E80  }
0xad: {  	[sflag:s18] =	ssyncset.done $0x0  }
0xae: {  	s24 =	rddreg [dreg:$0xe];
	[sflag:s18] =	ssyncadd.s32 $0xFFFFC180  }
0xaf: {  	[spmem:s2] =	stream.indirect.scatter.add.f32 [tilespmem:s8], [sflag:$0xA], $0x10, s24, s7, $0xb8;
	[tilespmem:$0x1AEA0] =	vst v63  }
0xb0: {  	_ =	swait.ge [sflag:s13], $0x3E80  }
0xb1: {  	[sflag:s13] =	ssyncset.done $0x0  }
0xb2: {  	s24 =	rddreg [dreg:$0xf];
	[sflag:s13] =	ssyncadd.s32 $0xFFFFC180  }
0xb3: {  	[tilespmem:s12], [sflag:$0x1] =	stream.indirect.gather [hbm4b:s6+s7], $0x10, s24, s7, $0xb8;
	[tilespmem:$0x1AEA0] =	vst v63  }
0xb4: {  	_ =	swait.ge [sflag:s14], $0x3E80  }
0xb5: {  	[sflag:s14] =	ssyncset.done $0x0  }
0xb6: {  	s24 =	rddreg [dreg:$0x10];
	[sflag:s14] =	ssyncadd.s32 $0xFFFFC180  }
0xb7: {  	[tilespmem:s11], [sflag:$0x2] =	stream.indirect.gather [hbm4b:s6+s7], $0x10, s24, s7, $0xb8;
	[tilespmem:$0x1AEA0] =	vst v63  }
0xb8: {  	_ =	swait.ge [sflag:s15], $0x3E80  }
0xb9: {  	[sflag:s15] =	ssyncset.done $0x0  }
0xba: {  	s24 =	rddreg [dreg:$0x11];
	[sflag:s15] =	ssyncadd.s32 $0xFFFFC180  }
0xbb: {  	[tilespmem:s10], [sflag:$0x3] =	stream.indirect.gather [hbm4b:s6+s7], $0x10, s24, s7, $0xb8;
	[tilespmem:$0x1AEA0] =	vst v63  }
0xbc: {  	_ =	swait.ge [sflag:s16], $0x3E80  }
0xbd: {  	[sflag:s16] =	ssyncset.done $0x0  }
0xbe: {  	s24 =	rddreg [dreg:$0x12];
	[sflag:s16] =	ssyncadd.s32 $0xFFFFC180  }
0xbf: {  	[tilespmem:s9], [sflag:$0x4] =	stream.indirect.gather [hbm4b:s6+s7], $0x10, s24, s7, $0xb8;
	[tilespmem:$0x1AEA0] =	vst v63  }
0xc0: {  	_ =	swait.ge [sflag:s17], $0x3E80  }
0xc1: {  	[sflag:s17] =	ssyncset.done $0x0  }
0xc2: {  	s24 =	simm.s32 $0x2328;
	[sflag:s17] =	ssyncadd.s32 $0xFFFFC180  }
0xc3: {  	[tilespmem:s8], [sflag:$0x5] =	stream.indirect.gather [hbm4b:s6+s7], $0x10, s24, s7, $0xb8;
	[tilespmem:$0x1AEA0] =	vst v63  }
0xc4: {  	_ =	swait.ge [sflag:s22], $0x3E80  }
0xc5: {  	[sflag:s22] =	ssyncset.done $0x0  }
0xc6: {  	[sflag:s22] =	ssyncadd.s32 $0xFFFFC180  }
0xc7: {  	[spmem:s2] =	stream.indirect.scatter.add.f32 [tilespmem:s12], [sflag:$0x6], $0x10, s30, s7, $0xb8;
	[tilespmem:$0x1AEA0] =	vst v63  }
0xc8: {  	_ =	swait.ge [sflag:s21], $0x3E80  }
0xc9: {  	[sflag:s21] =	ssyncset.done $0x0  }
0xca: {  	[sflag:s21] =	ssyncadd.s32 $0xFFFFC180  }
0xcb: {  	[spmem:s2] =	stream.indirect.scatter.add.f32 [tilespmem:s11], [sflag:$0x7], $0x10, s29, s7, $0xb8;
	[tilespmem:$0x1AEA0] =	vst v63  }
0xcc: {  	_ =	swait.ge [sflag:s20], $0x3E80  }
0xcd: {  	[sflag:s20] =	ssyncset.done $0x0  }
0xce: {  	[sflag:s20] =	ssyncadd.s32 $0xFFFFC180  }
0xcf: {  	[spmem:s2] =	stream.indirect.scatter.add.f32 [tilespmem:s10], [sflag:$0x8], $0x10, s28, s7, $0xb8;
	[tilespmem:$0x1AEA0] =	vst v63  }
0xd0: {  	_ =	swait.ge [sflag:s19], $0x3E80  }
0xd1: {  	[sflag:s19] =	ssyncset.done $0x0  }
0xd2: {  	[sflag:s19] =	ssyncadd.s32 $0xFFFFC180  }
0xd3: {  	[spmem:s2] =	stream.indirect.scatter.add.f32 [tilespmem:s9], [sflag:$0x9], $0x10, s26, s7, $0xb8;
	[tilespmem:$0x1AEA0] =	vst v63  }
0xd4: {  	_ =	swait.ge [sflag:s18], $0x3E80  }
0xd5: {  	[sflag:s18] =	ssyncset.done $0x0  }
0xd6: {  	[sflag:s18] =	ssyncadd.s32 $0xFFFFC180  }
0xd7: {  	[spmem:s2] =	stream.indirect.scatter.add.f32 [tilespmem:s8], [sflag:$0xA], $0x10, s25, s7, $0xb8;
	[tilespmem:$0x1AEA0] =	vst v63  }
0xd8: {  	_ =	swait.ge [sflag:s13], $0x3E80  }
0xd9: {  	[sflag:s13] =	ssyncset.done $0x0  }
0xda: {  	[sflag:s13] =	ssyncadd.s32 $0xFFFFC180  }
0xdb: {  	_ =	swait.ge [sflag:s14], $0x3E80  }
0xdc: {  	[sflag:s14] =	ssyncset.done $0x0  }
0xdd: {  	[sflag:s14] =	ssyncadd.s32 $0xFFFFC180  }
0xde: {  	_ =	swait.ge [sflag:s15], $0x3E80  }
0xdf: {  	[sflag:s15] =	ssyncset.done $0x0  }
0xe0: {  	[sflag:s15] =	ssyncadd.s32 $0xFFFFC180  }
0xe1: {  	_ =	swait.ge [sflag:s16], $0x3E80  }
0xe2: {  	[sflag:s16] =	ssyncset.done $0x0  }
0xe3: {  	[sflag:s16] =	ssyncadd.s32 $0xFFFFC180  }
0xe4: {  	_ =	swait.ge [sflag:s17], $0x3E80  }
0xe5: {  	[sflag:s17] =	ssyncset.done $0x0  }
0xe6: {  	p1 =	sne.s32 s1, $0x1;
	[sflag:s17] =	ssyncadd.s32 $0xFFFFC180  }
.Ltmp2:
0xe7: {  	[bflag:$0x0] =	sbarrier.arrive $0xFFFF;
	(pc) =	sbr.rel @p1 .LBB2_4-.Ltmp2, $4  }
0xe8: {  	s24 =	rddreg [dreg:$0x7]  }
0xe9: {  	[hbm:s24], [sflag:s3] =	dma.local [spmem:s5], $0x500  }
0xea: {  	_ =	swait.ge [sflag:s4], $0x500  }
0xeb: {  	s1 =	sadd.s32 $0xFFFFFFFF, s1;
	s0 =	rddreg [dreg:$0x4];
	[sflag:s4] =	ssyncset.done $0x0  }
0xec: {  	s25 =	simm.s32 $0x2328;
	s30 =	simm.s32 $0x3A98;
	s29 =	simm.s32 $0x3E80  }
0xed: {  	s28 =	simm.s32 $0x4268;
	s26 =	simm.s32 $0x4650;
	s24 =	stileid.u32  }
.LBB2_6:
0xee: {  	[sflag:s4] =	ssyncadd.s32 @p0 $0xFFFFFB00  }
0xef: {  	[spmem:s5], [sflag:s3] =	dma.local [hbm:s0], $0x500  }
0xf0: {  	_ =	swait.ge [sflag:s4], $0x500  }
0xf1: {  	[sflag:s4] =	ssyncset.done $0x0  }
0xf2: {  	s1 =	rddreg [dreg:$0x5];
	[sflag:s4] =	ssyncadd.s32 $0xFFFFFB00  }
0xf3: {  	[tilespmem:s23], [sflag:$0xB] =	stream.linear.gather [hbm4b:s1+s23], $0x2710, $0x38;
	[tilespmem:$0x1AEA0] =	vst v63  }
0xf4: {  	_ =	swait.ge [sflag:s4], $0x2710  }
0xf5: {  	[sflag:s4] =	ssyncset.done $0x0  }
0xf6: {  	s1 =	rddreg [dreg:$0x6];
	[sflag:s4] =	ssyncadd.s32 $0xFFFFD8F0  }
0xf7: {  	[tilespmem:s31], [sflag:$0xB] =	stream.linear.gather [hbm4b:s1+s23], $0x2710, $0x38;
	[tilespmem:$0x1AEA0] =	vst v63  }
0xf8: {  	_ =	swait.ge [sflag:s4], $0x2710  }
0xf9: {  	[sflag:s4] =	ssyncset.done $0x0  }
0xfa: {  	[sflag:s4] =	ssyncadd.s32 $0xFFFFD8F0  }
0xfb: {  	[bflag:$0x0] =	sbarrier.arrive $0xFFFF  }
0xfc: {  	[tilespmem:s12], [sflag:$0x1] =	stream.indirect.gather [hbm4b:s6+s7], $0x10, s23, s7, $0xb8;
	[tilespmem:$0x1AEA0] =	vst v63  }
0xfd: {  	_ = 	snop  }
0xfe: {  	[tilespmem:s11], [sflag:$0x2] =	stream.indirect.gather [hbm4b:s6+s7], $0x10, s7, s7, $0xb8;
	[tilespmem:$0x1AEA0] =	vst v63  }
0xff: {  	s23 =	rddreg [dreg:$0x8]  }
0x100: {  	[tilespmem:s10], [sflag:$0x3] =	stream.indirect.gather [hbm4b:s6+s7], $0x10, s23, s7, $0xb8;
	[tilespmem:$0x1AEA0] =	vst v63  }
0x101: {  	s1 =	rddreg [dreg:$0x9]  }
0x102: {  	[tilespmem:s9], [sflag:$0x4] =	stream.indirect.gather [hbm4b:s6+s7], $0x10, s1, s7, $0xb8;
	[tilespmem:$0x1AEA0] =	vst v63  }
0x103: {  	s23 =	rddreg [dreg:$0xa]  }
0x104: {  	[tilespmem:s8], [sflag:$0x5] =	stream.indirect.gather [hbm4b:s6+s7], $0x10, s23, s7, $0xb8;
	[tilespmem:$0x1AEA0] =	vst v63  }
0x105: {  	_ =	swait.ge [sflag:s22], $0x3E80  }
0x106: {  	[sflag:s22] =	ssyncset.done $0x0  }
0x107: {  	[sflag:s22] =	ssyncadd.s32 $0xFFFFC180  }
0x108: {  	[spmem:s2] =	stream.indirect.scatter.add.f32 [tilespmem:s12], [sflag:$0x6], $0x10, s31, s7, $0xb8;
	[tilespmem:$0x1AEA0] =	vst v63  }
0x109: {  	_ =	swait.ge [sflag:s21], $0x3E80  }
0x10a: {  	[sflag:s21] =	ssyncset.done $0x0  }
0x10b: {  	s1 =	rddreg [dreg:$0xb];
	[sflag:s21] =	ssyncadd.s32 $0xFFFFC180  }
0x10c: {  	[spmem:s2] =	stream.indirect.scatter.add.f32 [tilespmem:s11], [sflag:$0x7], $0x10, s1, s7, $0xb8;
	[tilespmem:$0x1AEA0] =	vst v63  }
0x10d: {  	_ =	swait.ge [sflag:s20], $0x3E80  }
0x10e: {  	[sflag:s20] =	ssyncset.done $0x0  }
0x10f: {  	s23 =	rddreg [dreg:$0xc];
	[sflag:s20] =	ssyncadd.s32 $0xFFFFC180  }
0x110: {  	[spmem:s2] =	stream.indirect.scatter.add.f32 [tilespmem:s10], [sflag:$0x8], $0x10, s23, s7, $0xb8;
	[tilespmem:$0x1AEA0] =	vst v63  }
0x111: {  	_ =	swait.ge [sflag:s19], $0x3E80  }
0x112: {  	[sflag:s19] =	ssyncset.done $0x0  }
0x113: {  	s31 =	rddreg [dreg:$0xd];
	[sflag:s19] =	ssyncadd.s32 $0xFFFFC180  }
0x114: {  	[spmem:s2] =	stream.indirect.scatter.add.f32 [tilespmem:s9], [sflag:$0x9], $0x10, s31, s7, $0xb8;
	[tilespmem:$0x1AEA0] =	vst v63  }
0x115: {  	_ =	swait.ge [sflag:s18], $0x3E80  }
0x116: {  	[sflag:s18] =	ssyncset.done $0x0  }
0x117: {  	s1 =	rddreg [dreg:$0xe];
	[sflag:s18] =	ssyncadd.s32 $0xFFFFC180  }
0x118: {  	[spmem:s2] =	stream.indirect.scatter.add.f32 [tilespmem:s8], [sflag:$0xA], $0x10, s1, s7, $0xb8;
	[tilespmem:$0x1AEA0] =	vst v63  }
0x119: {  	_ =	swait.ge [sflag:s13], $0x3E80  }
0x11a: {  	[sflag:s13] =	ssyncset.done $0x0  }
0x11b: {  	s23 =	rddreg [dreg:$0xf];
	[sflag:s13] =	ssyncadd.s32 $0xFFFFC180  }
0x11c: {  	[tilespmem:s12], [sflag:$0x1] =	stream.indirect.gather [hbm4b:s6+s7], $0x10, s23, s7, $0xb8;
	[tilespmem:$0x1AEA0] =	vst v63  }
0x11d: {  	_ =	swait.ge [sflag:s14], $0x3E80  }
0x11e: {  	[sflag:s14] =	ssyncset.done $0x0  }
0x11f: {  	s31 =	rddreg [dreg:$0x10];
	[sflag:s14] =	ssyncadd.s32 $0xFFFFC180  }
0x120: {  	[tilespmem:s11], [sflag:$0x2] =	stream.indirect.gather [hbm4b:s6+s7], $0x10, s31, s7, $0xb8;
	[tilespmem:$0x1AEA0] =	vst v63  }
0x121: {  	_ =	swait.ge [sflag:s15], $0x3E80  }
0x122: {  	[sflag:s15] =	ssyncset.done $0x0  }
0x123: {  	s1 =	rddreg [dreg:$0x11];
	[sflag:s15] =	ssyncadd.s32 $0xFFFFC180  }
0x124: {  	[tilespmem:s10], [sflag:$0x3] =	stream.indirect.gather [hbm4b:s6+s7], $0x10, s1, s7, $0xb8;
	[tilespmem:$0x1AEA0] =	vst v63  }
0x125: {  	_ =	swait.ge [sflag:s16], $0x3E80  }
0x126: {  	[sflag:s16] =	ssyncset.done $0x0  }
0x127: {  	s23 =	rddreg [dreg:$0x12];
	[sflag:s16] =	ssyncadd.s32 $0xFFFFC180  }
0x128: {  	[tilespmem:s9], [sflag:$0x4] =	stream.indirect.gather [hbm4b:s6+s7], $0x10, s23, s7, $0xb8;
	[tilespmem:$0x1AEA0] =	vst v63  }
0x129: {  	_ =	swait.ge [sflag:s17], $0x3E80  }
0x12a: {  	[sflag:s17] =	ssyncset.done $0x0  }
0x12b: {  	[sflag:s17] =	ssyncadd.s32 $0xFFFFC180  }
0x12c: {  	[tilespmem:s8], [sflag:$0x5] =	stream.indirect.gather [hbm4b:s6+s7], $0x10, s25, s7, $0xb8;
	[tilespmem:$0x1AEA0] =	vst v63  }
0x12d: {  	_ =	swait.ge [sflag:s22], $0x3E80  }
0x12e: {  	[sflag:s22] =	ssyncset.done $0x0  }
0x12f: {  	[sflag:s22] =	ssyncadd.s32 $0xFFFFC180  }
0x130: {  	[spmem:s2] =	stream.indirect.scatter.add.f32 [tilespmem:s12], [sflag:$0x6], $0x10, s30, s7, $0xb8;
	[tilespmem:$0x1AEA0] =	vst v63  }
0x131: {  	_ =	swait.ge [sflag:s21], $0x3E80  }
0x132: {  	[sflag:s21] =	ssyncset.done $0x0  }
0x133: {  	[sflag:s21] =	ssyncadd.s32 $0xFFFFC180  }
0x134: {  	[spmem:s2] =	stream.indirect.scatter.add.f32 [tilespmem:s11], [sflag:$0x7], $0x10, s29, s7, $0xb8;
	[tilespmem:$0x1AEA0] =	vst v63  }
0x135: {  	_ =	swait.ge [sflag:s20], $0x3E80  }
0x136: {  	[sflag:s20] =	ssyncset.done $0x0  }
0x137: {  	[sflag:s20] =	ssyncadd.s32 $0xFFFFC180  }
0x138: {  	[spmem:s2] =	stream.indirect.scatter.add.f32 [tilespmem:s10], [sflag:$0x8], $0x10, s28, s7, $0xb8;
	[tilespmem:$0x1AEA0] =	vst v63  }
0x139: {  	_ =	swait.ge [sflag:s19], $0x3E80  }
0x13a: {  	[sflag:s19] =	ssyncset.done $0x0  }
0x13b: {  	[sflag:s19] =	ssyncadd.s32 $0xFFFFC180  }
0x13c: {  	[spmem:s2] =	stream.indirect.scatter.add.f32 [tilespmem:s9], [sflag:$0x9], $0x10, s26, s7, $0xb8;
	[tilespmem:$0x1AEA0] =	vst v63  }
0x13d: {  	_ =	swait.ge [sflag:s18], $0x3E80  }
0x13e: {  	[sflag:s18] =	ssyncset.done $0x0  }
0x13f: {  	s30 =	simm.s32 $0x4A38;
	[sflag:s18] =	ssyncadd.s32 $0xFFFFC180  }
0x140: {  	[spmem:s2] =	stream.indirect.scatter.add.f32 [tilespmem:s8], [sflag:$0xA], $0x10, s30, s7, $0xb8;
	[tilespmem:$0x1AEA0] =	vst v63  }
0x141: {  	_ =	swait.ge [sflag:s13], $0x3E80  }
0x142: {  	[sflag:s13] =	ssyncset.done $0x0  }
0x143: {  	[sflag:s13] =	ssyncadd.s32 $0xFFFFC180  }
0x144: {  	_ =	swait.ge [sflag:s14], $0x3E80  }
0x145: {  	[sflag:s14] =	ssyncset.done $0x0  }
0x146: {  	[sflag:s14] =	ssyncadd.s32 $0xFFFFC180  }
0x147: {  	_ =	swait.ge [sflag:s15], $0x3E80  }
0x148: {  	[sflag:s15] =	ssyncset.done $0x0  }
0x149: {  	[sflag:s15] =	ssyncadd.s32 $0xFFFFC180  }
0x14a: {  	_ =	swait.ge [sflag:s16], $0x3E80  }
0x14b: {  	[sflag:s16] =	ssyncset.done $0x0  }
0x14c: {  	[sflag:s16] =	ssyncadd.s32 $0xFFFFC180  }
0x14d: {  	_ =	swait.ge [sflag:s17], $0x3E80  }
0x14e: {  	[sflag:s17] =	ssyncset.done $0x0  }
0x14f: {  	[sflag:s17] =	ssyncadd.s32 $0xFFFFC180  }
0x150: {  	[bflag:$0x0] =	sbarrier.arrive $0xFFFF  }
0x151: {  	s31 =	rddreg [dreg:$0x7]  }
0x152: {  	[hbm:s31], [sflag:s3] =	dma.local [spmem:s5], $0x500  }
0x153: {  	_ =	swait.ge [sflag:s4], $0x500  }
0x154: {  	[sflag:s4] =	ssyncset.done $0x0  }
0x155: {  	[sflag:s4] =	ssyncadd.s32 $0xFFFFFB00  }
0x156: {  	_ =	sfence.sel $0x180000  }
0x157: {  	[bflag:$0x0] =	sbarrier.arrive $0xFFFF  }
0x158: {  	_ =	strace $0x90000053  }
0x159: {  	[bflag:$0x2] =	sbarrier.arrive $0xFFFF  }
0x15a: {  	p0 =	sne.s32 s24, $0x0;
	s0 =	rddreg [dreg:$0x3]  }
0x15b: {  	s0 =	sadd.s32 @!p0 $0x100000, s0  }
0x15c: {  	[sflag:s0] =	ssyncadd.tile.s32 @!p0 $0x1;
	_ =	shalt  }
.LBB2_1:
.Ltmp3:
0x15d: {  	(pc) =	sbr.rel .LBB2_6-.Ltmp3, $3  }
0x15e: {  	_ =	sdelay $0x1  }
0x15f: {  	s25 =	simm.s32 $0x2328;
	s30 =	simm.s32 $0x3A98  }
0x160: {  	s29 =	simm.s32 $0x3E80;
	s28 =	simm.s32 $0x4268;
	s26 =	simm.s32 $0x4650  }
.LBB2_3:
.Ltmp4:
0x161: {  	(pc) =	sbr.rel .LBB2_6-.Ltmp4, $3  }
0x162: {  	_ =	sdelay $0x1  }
0x163: {  	s25 =	simm.s32 $0x2328;
	s30 =	simm.s32 $0x3A98;
	s29 =	simm.s32 $0x3E80  }
0x164: {  	s28 =	simm.s32 $0x4268;
	s26 =	simm.s32 $0x4650;
	s24 =	stileid.u32  }
.Lfunc_end2:
_tile_overlayer_lowered:
.L_overlay_start_2:
0x165: {  	(tag) =	ssettag $0x2  }
0x166: {  	s0 =	rddreg [dreg:$0x0];
	s2 =	stileid.u32  }
0x167: {  	s1 =	rddreg [dreg:$0x1];
	p0 =	sne.s32 s2, $0x0  }
0x168: {  	s3 =	rddreg [dreg:$0x2];
	[bflag:$0x3] =	sbarrier.arrive $0xFFFF;
	s2 =	simm.s32 @!p0 $0x1C0B  }
0x169: {  	[timem:s3], [sflag:s2] =	dma.local @!p0 [hbm:s0], s1  }
0x16a: {  	s0 =	simm.s32 @!p0 $0xB  }
0x16b: {  	_ =	swait.ge @!p0 [sflag:s0], s1  }
0x16c: {  	s1 =	ssub.s32 @!p0 $0x0, s1;
	[sflag:s0] =	ssyncset.done @!p0 $0x0  }
0x16d: {  	[sflag:s0] =	ssyncadd.s32 @!p0 s1  }
0x16e: {  	[bflag:$0x3] =	sbarrier.arrive $0xFFFF  }
0x16f: {  	_ =	shalt  }

</sc_bundles>
